<compile_context>
chip_gen: v7x
topology: tpu7x:2x2x1
jax: 0.10.2.dev20260603
libtpu: 0.0.44.dev20260713+nightly
codegen_flags: <defaults>
</compile_context>

<pallas_src>
import functools

import jax
import jax.numpy as jnp
from jax import lax
from jax.experimental import pallas as pl
from jax.experimental.pallas import tpu as pltpu
from jax.experimental.pallas import tpu_sc as plsc

N_NODES = 10000
N_EDGES = 320000
D = 128

NC = 2
NS = 16
NW = NC * NS

BATCH = 128
NB = 79
CHB = 4
NCHB = NB // CHB
NTAIL = NB - NCHB * CHB
EPT = NB * BATCH
E_PAD = EPT * NW
TRASH = 128
N_PAD = N_NODES + TRASH
ROWS_PER_SUB = 624
CHUNK = 48
NCHUNK = ROWS_PER_SUB // CHUNK
REM_BASE = ROWS_PER_SUB * NS
REM_ROWS = N_NODES - REM_BASE


def _sc_aggregate(x, edge_t, tail_t):
  mesh = plsc.VectorSubcoreMesh(core_axis_name="c", subcore_axis_name="s")

  @functools.partial(
      pl.kernel,
      mesh=mesh,
      out_type=jax.ShapeDtypeStruct((NC, N_NODES, D), jnp.float32),
      scratch_types=[
          pltpu.VMEM((2 * CHB, BATCH), jnp.int32),
          pltpu.VMEM((BATCH, D), jnp.float32),
          pltpu.VMEM((CHUNK, D), jnp.float32),
          pltpu.VMEM_SHARED((N_PAD, D), jnp.float32),
          pltpu.SemaphoreType.DMA,
          pltpu.SemaphoreType.DMA,
          pltpu.VMEM((BATCH, D), jnp.float32),
          pltpu.SemaphoreType.DMA,
          pltpu.SemaphoreType.DMA,
      ],
  )
  def k(x_hbm, edge_hbm, tail_hbm, out_hbm, eidx, rows, zbuf, aggr, sga,
        ssa, rows2, sgb, ssb):
    c = lax.axis_index("c")
    s = lax.axis_index("s")
    wid = s * NC + c

    zero = jnp.zeros((16,), jnp.float32)

    def zrow(r, carry):
      for blk in range(D // 16):
        zbuf[r, pl.ds(blk * 16, 16)] = zero
      return carry

    lax.fori_loop(0, CHUNK, zrow, 0)
    r0 = s * ROWS_PER_SUB
    for kk in range(NCHUNK):
      pltpu.sync_copy(zbuf, aggr.at[pl.ds(r0 + kk * CHUNK, CHUNK)])

    @pl.when(s == NS - 1)
    def _zero_rem():
      pltpu.sync_copy(zbuf.at[pl.ds(0, REM_ROWS)],
                      aggr.at[pl.ds(REM_BASE, REM_ROWS)])

    plsc.subcore_barrier()

    def wait_ga():
      pltpu.make_async_copy(x_hbm.at[eidx.at[0]], rows, sga).wait()

    def wait_gb():
      pltpu.make_async_copy(x_hbm.at[eidx.at[0]], rows2, sgb).wait()

    def wait_sa():
      pltpu.make_async_copy(rows, aggr.at[eidx.at[1]], ssa).wait()

    def wait_sb():
      pltpu.make_async_copy(rows2, aggr.at[eidx.at[1]], ssb).wait()

    def body(ci, carry):
      @pl.when(ci > 0)
      def _wait_prev():
        wait_sa()
        wait_sb()

      pltpu.sync_copy(edge_hbm.at[wid].at[ci], eidx)
      pltpu.async_copy(x_hbm.at[eidx.at[0]], rows, sga)
      pltpu.async_copy(x_hbm.at[eidx.at[2]], rows2, sgb)
      wait_ga()
      pltpu.async_copy(rows, aggr.at[eidx.at[1]], ssa, add=True)
      wait_gb()
      pltpu.async_copy(rows2, aggr.at[eidx.at[3]], ssb, add=True)
      wait_sa()
      pltpu.async_copy(x_hbm.at[eidx.at[4]], rows, sga)
      wait_sb()
      pltpu.async_copy(x_hbm.at[eidx.at[6]], rows2, sgb)
      wait_ga()
      pltpu.async_copy(rows, aggr.at[eidx.at[5]], ssa, add=True)
      wait_gb()
      pltpu.async_copy(rows2, aggr.at[eidx.at[7]], ssb, add=True)
      return carry

    lax.fori_loop(0, NCHB, body, 0)

    wait_sa()
    wait_sb()
    pltpu.sync_copy(tail_hbm.at[wid], eidx.at[pl.ds(0, 2 * NTAIL)])
    pltpu.async_copy(x_hbm.at[eidx.at[0]], rows, sga)
    pltpu.async_copy(x_hbm.at[eidx.at[2]], rows2, sgb)
    wait_ga()
    pltpu.async_copy(rows, aggr.at[eidx.at[1]], ssa, add=True)
    wait_gb()
    pltpu.async_copy(rows2, aggr.at[eidx.at[3]], ssb, add=True)
    wait_sa()
    pltpu.async_copy(x_hbm.at[eidx.at[4]], rows, sga)
    wait_ga()
    pltpu.async_copy(rows, aggr.at[eidx.at[5]], ssa, add=True)
    wait_sa()
    wait_sb()
    plsc.subcore_barrier()

    for kk in range(NCHUNK):
      pltpu.sync_copy(aggr.at[pl.ds(r0 + kk * CHUNK, CHUNK)], zbuf)
      pltpu.sync_copy(zbuf, out_hbm.at[c].at[pl.ds(r0 + kk * CHUNK, CHUNK)])

    @pl.when(s == NS - 1)
    def _write_rem():
      pltpu.sync_copy(aggr.at[pl.ds(REM_BASE, REM_ROWS)],
                      rows.at[pl.ds(0, REM_ROWS)])
      pltpu.sync_copy(rows.at[pl.ds(0, REM_ROWS)],
                      out_hbm.at[c].at[pl.ds(REM_BASE, REM_ROWS)])

  return k(x, edge_t, tail_t)


def _mlp_body(relu_out, x_ref, p_ref, wa_ref, ba_ref, wb_ref, bb_ref, o_ref):
  h = x_ref[...] + p_ref[0] + p_ref[1]
  t = jnp.dot(h, wa_ref[...], preferred_element_type=jnp.float32)
  t = jnp.maximum(t + ba_ref[...], 0.0)
  y = jnp.dot(t, wb_ref[...], preferred_element_type=jnp.float32)
  y = y + bb_ref[...]
  if relu_out:
    y = jnp.maximum(y, 0.0)
  o_ref[...] = y


_ROWS = 1000


def _tc_mlp(x, parts, Wa, ba, Wb, bb, relu_out):
  return pl.pallas_call(
      functools.partial(_mlp_body, relu_out),
      grid=(N_NODES // _ROWS,),
      in_specs=[
          pl.BlockSpec((_ROWS, D), lambda i: (i, 0)),
          pl.BlockSpec((NC, _ROWS, D), lambda i: (0, i, 0)),
          pl.BlockSpec((D, D), lambda i: (0, 0)),
          pl.BlockSpec((1, D), lambda i: (0, 0)),
          pl.BlockSpec((D, D), lambda i: (0, 0)),
          pl.BlockSpec((1, D), lambda i: (0, 0)),
      ],
      out_specs=pl.BlockSpec((_ROWS, D), lambda i: (i, 0)),
      out_shape=jax.ShapeDtypeStruct((N_NODES, D), jnp.float32),
  )(x, parts, Wa, ba.reshape(1, D), Wb, bb.reshape(1, D))


def kernel(x, edge_index, W1, b1, W2, b2, W3, b3, W4, b4):
  src = edge_index[0].astype(jnp.int32)
  dst = edge_index[1].astype(jnp.int32)
  pad = E_PAD - N_EDGES
  src_t = jnp.concatenate([src, jnp.zeros((pad,), jnp.int32)]).reshape(
      NW, NB, BATCH)
  trash_dst = N_NODES + (jnp.arange(pad, dtype=jnp.int32) % TRASH)
  dst_t = jnp.concatenate([dst, trash_dst]).reshape(NW, NB, BATCH)
  ei = jnp.stack([src_t, dst_t], axis=2)
  edge_t = ei[:, :NCHB * CHB].reshape(NW, NCHB, 2 * CHB, BATCH)
  tail_t = ei[:, NCHB * CHB:].reshape(NW, 2 * NTAIL, BATCH)

  p1 = _sc_aggregate(x, edge_t, tail_t)
  h = _tc_mlp(x, p1, W1, b1, W2, b2, relu_out=True)
  p2 = _sc_aggregate(h, edge_t, tail_t)
  return _tc_mlp(h, p2, W3, b3, W4, b4, relu_out=False)

# --- scband reference (transcript-rebuilt; emitter-appended) ---
"""Pipeline reference for scband-gin-56865366999318 (READ-ONLY COPY).

The authoritative reference and input builder live on the scoring server;
editing this copy changes nothing except your own understanding.
"""

import jax, jax.numpy as jnp
import numpy as np

N = 10000
E = 320000
D_IN = 128
D_HID = 128
D_OUT = 128

def setup_inputs(seed: int = 0):
    key = jax.random.key(seed)
    ks = jax.random.split(key, 10)
    x = jax.random.normal(ks[0], (N, D_IN), dtype=jnp.float32)
    edge_index = jax.random.randint(ks[1], (2, E), 0, N)
    W1 = jax.random.normal(ks[2], (D_IN, D_HID), dtype=jnp.float32) / np.sqrt(D_IN)
    b1 = jnp.zeros((D_HID,), dtype=jnp.float32)
    W2 = jax.random.normal(ks[3], (D_HID, D_HID), dtype=jnp.float32) / np.sqrt(D_HID)
    b2 = jnp.zeros((D_HID,), dtype=jnp.float32)
    W3 = jax.random.normal(ks[4], (D_HID, D_HID), dtype=jnp.float32) / np.sqrt(D_HID)
    b3 = jnp.zeros((D_HID,), dtype=jnp.float32)
    W4 = jax.random.normal(ks[5], (D_HID, D_OUT), dtype=jnp.float32) / np.sqrt(D_HID)
    b4 = jnp.zeros((D_OUT,), dtype=jnp.float32)
    return {"x": x, "edge_index": edge_index, "W1": W1, "b1": b1, "W2": W2, "b2": b2, "W3": W3, "b3": b3, "W4": W4, "b4": b4}

def _gin_conv(x, src, dst, Wa, ba, Wb, bb):
    # GINConv with eps=0: mlp((1+eps)*x + sum-aggregated neighbor messages)
    msg = jnp.take(x, src, axis=0)
    aggr = jax.ops.segment_sum(msg, dst, num_segments=N)
    h = x + aggr
    h = jnp.maximum(jnp.dot(h, Wa) + ba, 0.0)
    return jnp.dot(h, Wb) + bb

def reference(x, edge_index, W1, b1, W2, b2, W3, b3, W4, b4):
    src = edge_index[0]
    dst = edge_index[1]
    h = jnp.maximum(_gin_conv(x, src, dst, W1, b1, W2, b2), 0.0)
    out = _gin_conv(h, src, dst, W3, b3, W4, b4)
    return out

if __name__ == "__main__":
    import jax
    _d = setup_inputs()
    print(jax.jit(kernel)(*tuple(_d.values())))

</pallas_src>

<mosaic_0001>
#map = affine_map<(d0, d1) -> (0, 0)>
#map1 = affine_map<(d0, d1) -> (0, 0, 0, 0)>
#map2 = affine_map<(d0, d1) -> (0, 0, 0)>
module attributes {stable_mosaic.version = 14 : i64} {
  func.func @k(%arg0: i32, %arg1: i32, %arg2: memref<10000x128xf32, #tpu.memory_space<hbm>>, %arg3: memref<32x19x8x128xi32, #tpu.memory_space<hbm>>, %arg4: memref<32x6x128xi32, #tpu.memory_space<hbm>>, %arg5: memref<2x10000x128xf32, #tpu.memory_space<hbm>>, %arg6: memref<8x128xi32, #tpu.memory_space<vmem>>, %arg7: memref<128x128xf32, #tpu.memory_space<vmem>>, %arg8: memref<48x128xf32, #tpu.memory_space<vmem>>, %arg9: memref<10128x128xf32, #tpu.memory_space<vmem_shared>>, %arg10: memref<!tpu.dma_semaphore, #tpu.memory_space<semaphore_mem>>, %arg11: memref<!tpu.dma_semaphore, #tpu.memory_space<semaphore_mem>>, %arg12: memref<128x128xf32, #tpu.memory_space<vmem>>, %arg13: memref<!tpu.dma_semaphore, #tpu.memory_space<semaphore_mem>>, %arg14: memref<!tpu.dma_semaphore, #tpu.memory_space<semaphore_mem>>) attributes {dimension_semantics = [#tpu.dimension_semantics<core_parallel>, #tpu.dimension_semantics<subcore_parallel>], iteration_bounds = array<i64: 2, 16>, scalar_prefetch = 0 : i64, scratch_operands = 9 : i64, tpu.core_type = #tpu.core_type<sc_vector_subcore>, window_params = [{transform_indices = #map}, {transform_indices = #map1}, {transform_indices = #map2}, {transform_indices = #map2}]} {
    %mul3A = arith.constant 2 : i32
    %mul3A_0 = arith.muli %arg1, %mul3A : i32
    %add3A = arith.addi %mul3A_0, %arg0 : i32
    %broadcast_in_dim3A = arith.constant 0.000000e+00 : f32
    %broadcast_in_dim3A_1 = vector.broadcast %broadcast_in_dim3A : f32 to vector<16xf32>
    %scan3A = arith.constant 0 : i32
    %scan3A_2 = arith.constant 0 : i32
    %scan3A_3 = arith.constant 48 : i32
    %scan3A_4 = arith.addi %scan3A_2, %scan3A_3 : i32
    %scan3A_5 = arith.constant 1 : i32
    scf.for %scan3A_197 = %scan3A_2 to %scan3A_4 step %scan3A_5  : i32 {
      %swap3A = arith.index_cast %scan3A_197 : i32 to index
      %swap3A_198 = arith.constant 0 : index
      %swap3A_199 = tpu.vector_load %arg8[%swap3A, %swap3A_198] {strides = array<i32>} : memref<48x128xf32, #tpu.memory_space<vmem>>, vector<1x16xf32>,
      %swap3A_200 = vector.shape_cast %swap3A_199 : vector<1x16xf32> to vector<16xf32>
      %swap3A_201 = vector.shape_cast %broadcast_in_dim3A_1 : vector<16xf32> to vector<1x16xf32>
      tpu.vector_store %arg8[%swap3A, %swap3A_198], %swap3A_201 {strides = array<i32>} : memref<48x128xf32, #tpu.memory_space<vmem>>, vector<1x16xf32>,
      %swap3A_202 = arith.index_cast %scan3A_197 : i32 to index
      %swap3A_203 = arith.constant 16 : index
      %swap3A_204 = tpu.vector_load %arg8[%swap3A_202, %swap3A_203] {strides = array<i32>} : memref<48x128xf32, #tpu.memory_space<vmem>>, vector<1x16xf32>,
      %swap3A_205 = vector.shape_cast %swap3A_204 : vector<1x16xf32> to vector<16xf32>
      %swap3A_206 = vector.shape_cast %broadcast_in_dim3A_1 : vector<16xf32> to vector<1x16xf32>
      tpu.vector_store %arg8[%swap3A_202, %swap3A_203], %swap3A_206 {strides = array<i32>} : memref<48x128xf32, #tpu.memory_space<vmem>>, vector<1x16xf32>,
      %swap3A_207 = arith.index_cast %scan3A_197 : i32 to index
      %swap3A_208 = arith.constant 32 : index
      %swap3A_209 = tpu.vector_load %arg8[%swap3A_207, %swap3A_208] {strides = array<i32>} : memref<48x128xf32, #tpu.memory_space<vmem>>, vector<1x16xf32>,
      %swap3A_210 = vector.shape_cast %swap3A_209 : vector<1x16xf32> to vector<16xf32>
      %swap3A_211 = vector.shape_cast %broadcast_in_dim3A_1 : vector<16xf32> to vector<1x16xf32>
      tpu.vector_store %arg8[%swap3A_207, %swap3A_208], %swap3A_211 {strides = array<i32>} : memref<48x128xf32, #tpu.memory_space<vmem>>, vector<1x16xf32>,
      %swap3A_212 = arith.index_cast %scan3A_197 : i32 to index
      %swap3A_213 = arith.constant 48 : index
      %swap3A_214 = tpu.vector_load %arg8[%swap3A_212, %swap3A_213] {strides = array<i32>} : memref<48x128xf32, #tpu.memory_space<vmem>>, vector<1x16xf32>,
      %swap3A_215 = vector.shape_cast %swap3A_214 : vector<1x16xf32> to vector<16xf32>
      %swap3A_216 = vector.shape_cast %broadcast_in_dim3A_1 : vector<16xf32> to vector<1x16xf32>
      tpu.vector_store %arg8[%swap3A_212, %swap3A_213], %swap3A_216 {strides = array<i32>} : memref<48x128xf32, #tpu.memory_space<vmem>>, vector<1x16xf32>,
      %swap3A_217 = arith.index_cast %scan3A_197 : i32 to index
      %swap3A_218 = arith.constant 64 : index
      %swap3A_219 = tpu.vector_load %arg8[%swap3A_217, %swap3A_218] {strides = array<i32>} : memref<48x128xf32, #tpu.memory_space<vmem>>, vector<1x16xf32>,
      %swap3A_220 = vector.shape_cast %swap3A_219 : vector<1x16xf32> to vector<16xf32>
      %swap3A_221 = vector.shape_cast %broadcast_in_dim3A_1 : vector<16xf32> to vector<1x16xf32>
      tpu.vector_store %arg8[%swap3A_217, %swap3A_218], %swap3A_221 {strides = array<i32>} : memref<48x128xf32, #tpu.memory_space<vmem>>, vector<1x16xf32>,
      %swap3A_222 = arith.index_cast %scan3A_197 : i32 to index
      %swap3A_223 = arith.constant 80 : index
      %swap3A_224 = tpu.vector_load %arg8[%swap3A_222, %swap3A_223] {strides = array<i32>} : memref<48x128xf32, #tpu.memory_space<vmem>>, vector<1x16xf32>,
      %swap3A_225 = vector.shape_cast %swap3A_224 : vector<1x16xf32> to vector<16xf32>
      %swap3A_226 = vector.shape_cast %broadcast_in_dim3A_1 : vector<16xf32> to vector<1x16xf32>
      tpu.vector_store %arg8[%swap3A_222, %swap3A_223], %swap3A_226 {strides = array<i32>} : memref<48x128xf32, #tpu.memory_space<vmem>>, vector<1x16xf32>,
      %swap3A_227 = arith.index_cast %scan3A_197 : i32 to index
      %swap3A_228 = arith.constant 96 : index
      %swap3A_229 = tpu.vector_load %arg8[%swap3A_227, %swap3A_228] {strides = array<i32>} : memref<48x128xf32, #tpu.memory_space<vmem>>, vector<1x16xf32>,
      %swap3A_230 = vector.shape_cast %swap3A_229 : vector<1x16xf32> to vector<16xf32>
      %swap3A_231 = vector.shape_cast %broadcast_in_dim3A_1 : vector<16xf32> to vector<1x16xf32>
      tpu.vector_store %arg8[%swap3A_227, %swap3A_228], %swap3A_231 {strides = array<i32>} : memref<48x128xf32, #tpu.memory_space<vmem>>, vector<1x16xf32>,
      %swap3A_232 = arith.index_cast %scan3A_197 : i32 to index
      %swap3A_233 = arith.constant 112 : index
      %swap3A_234 = tpu.vector_load %arg8[%swap3A_232, %swap3A_233] {strides = array<i32>} : memref<48x128xf32, #tpu.memory_space<vmem>>, vector<1x16xf32>,
      %swap3A_235 = vector.shape_cast %swap3A_234 : vector<1x16xf32> to vector<16xf32>
      %swap3A_236 = vector.shape_cast %broadcast_in_dim3A_1 : vector<16xf32> to vector<1x16xf32>
      tpu.vector_store %arg8[%swap3A_232, %swap3A_233], %swap3A_236 {strides = array<i32>} : memref<48x128xf32, #tpu.memory_space<vmem>>, vector<1x16xf32>,
    }
    %scan3A_6 = arith.constant 48 : i32
    %mul3A_7 = arith.constant 624 : i32
    %mul3A_8 = arith.muli %arg1, %mul3A_7 : i32
    %add3A_9 = arith.constant 0 : i32
    %add3A_10 = arith.addi %mul3A_8, %add3A_9 : i32
    "tpu.region"() ({
      %run_scoped3A = tpu.sem_alloc : memref<!tpu.dma_semaphore, #tpu.memory_space<semaphore_mem>>
      %dma_start3A_197 = arith.constant 0 : i32
      %dma_start3A_198 = tpu.memref_slice %arg9[%add3A_10, %dma_start3A_197] : memref<10128x128xf32, #tpu.memory_space<vmem_shared>> -> memref<48x128xf32, #tpu.memory_space<vmem_shared>>
      %dma_start3A_199 = arith.constant 0 : i32
      %dma_start3A_200 = tpu.memref_slice %arg9[%add3A_10, %dma_start3A_199] : memref<10128x128xf32, #tpu.memory_space<vmem_shared>> -> memref<48x128xf32, #tpu.memory_space<vmem_shared>>
      tpu.enqueue_dma source(%arg8 : memref<48x128xf32, #tpu.memory_space<vmem>>) target(%dma_start3A_200 : memref<48x128xf32, #tpu.memory_space<vmem_shared>>) target_semaphore(%run_scoped3A : memref<!tpu.dma_semaphore, #tpu.memory_space<semaphore_mem>>)
      %dma_wait3A_201 = arith.constant 0 : i32
      %dma_wait3A_202 = tpu.memref_slice %arg9[%add3A_10, %dma_wait3A_201] : memref<10128x128xf32, #tpu.memory_space<vmem_shared>> -> memref<48x128xf32, #tpu.memory_space<vmem_shared>>
      %dma_wait3A_203 = arith.constant 0 : i32
      %dma_wait3A_204 = tpu.memref_slice %arg9[%add3A_10, %dma_wait3A_203] : memref<10128x128xf32, #tpu.memory_space<vmem_shared>> -> memref<48x128xf32, #tpu.memory_space<vmem_shared>>
      tpu.wait_dma2 semaphore(%run_scoped3A : memref<!tpu.dma_semaphore, #tpu.memory_space<semaphore_mem>>) src(%arg8 : memref<48x128xf32, #tpu.memory_space<vmem>>) dst(%dma_wait3A_204 : memref<48x128xf32, #tpu.memory_space<vmem_shared>>)
      tpu.yield
    }) : () -> ()
    %add3A_11 = arith.constant 48 : i32
    %add3A_12 = arith.addi %mul3A_8, %add3A_11 : i32
    "tpu.region"() ({
      %run_scoped3A = tpu.sem_alloc : memref<!tpu.dma_semaphore, #tpu.memory_space<semaphore_mem>>
      %dma_start3A_197 = arith.constant 0 : i32
      %dma_start3A_198 = tpu.memref_slice %arg9[%add3A_12, %dma_start3A_197] : memref<10128x128xf32, #tpu.memory_space<vmem_shared>> -> memref<48x128xf32, #tpu.memory_space<vmem_shared>>
      %dma_start3A_199 = arith.constant 0 : i32
      %dma_start3A_200 = tpu.memref_slice %arg9[%add3A_12, %dma_start3A_199] : memref<10128x128xf32, #tpu.memory_space<vmem_shared>> -> memref<48x128xf32, #tpu.memory_space<vmem_shared>>
      tpu.enqueue_dma source(%arg8 : memref<48x128xf32, #tpu.memory_space<vmem>>) target(%dma_start3A_200 : memref<48x128xf32, #tpu.memory_space<vmem_shared>>) target_semaphore(%run_scoped3A : memref<!tpu.dma_semaphore, #tpu.memory_space<semaphore_mem>>)
      %dma_wait3A_201 = arith.constant 0 : i32
      %dma_wait3A_202 = tpu.memref_slice %arg9[%add3A_12, %dma_wait3A_201] : memref<10128x128xf32, #tpu.memory_space<vmem_shared>> -> memref<48x128xf32, #tpu.memory_space<vmem_shared>>
      %dma_wait3A_203 = arith.constant 0 : i32
      %dma_wait3A_204 = tpu.memref_slice %arg9[%add3A_12, %dma_wait3A_203] : memref<10128x128xf32, #tpu.memory_space<vmem_shared>> -> memref<48x128xf32, #tpu.memory_space<vmem_shared>>
      tpu.wait_dma2 semaphore(%run_scoped3A : memref<!tpu.dma_semaphore, #tpu.memory_space<semaphore_mem>>) src(%arg8 : memref<48x128xf32, #tpu.memory_space<vmem>>) dst(%dma_wait3A_204 : memref<48x128xf32, #tpu.memory_space<vmem_shared>>)
      tpu.yield
    }) : () -> ()
    %add3A_13 = arith.constant 96 : i32
    %add3A_14 = arith.addi %mul3A_8, %add3A_13 : i32
    "tpu.region"() ({
      %run_scoped3A = tpu.sem_alloc : memref<!tpu.dma_semaphore, #tpu.memory_space<semaphore_mem>>
      %dma_start3A_197 = arith.constant 0 : i32
      %dma_start3A_198 = tpu.memref_slice %arg9[%add3A_14, %dma_start3A_197] : memref<10128x128xf32, #tpu.memory_space<vmem_shared>> -> memref<48x128xf32, #tpu.memory_space<vmem_shared>>
      %dma_start3A_199 = arith.constant 0 : i32
      %dma_start3A_200 = tpu.memref_slice %arg9[%add3A_14, %dma_start3A_199] : memref<10128x128xf32, #tpu.memory_space<vmem_shared>> -> memref<48x128xf32, #tpu.memory_space<vmem_shared>>
      tpu.enqueue_dma source(%arg8 : memref<48x128xf32, #tpu.memory_space<vmem>>) target(%dma_start3A_200 : memref<48x128xf32, #tpu.memory_space<vmem_shared>>) target_semaphore(%run_scoped3A : memref<!tpu.dma_semaphore, #tpu.memory_space<semaphore_mem>>)
      %dma_wait3A_201 = arith.constant 0 : i32
      %dma_wait3A_202 = tpu.memref_slice %arg9[%add3A_14, %dma_wait3A_201] : memref<10128x128xf32, #tpu.memory_space<vmem_shared>> -> memref<48x128xf32, #tpu.memory_space<vmem_shared>>
      %dma_wait3A_203 = arith.constant 0 : i32
      %dma_wait3A_204 = tpu.memref_slice %arg9[%add3A_14, %dma_wait3A_203] : memref<10128x128xf32, #tpu.memory_space<vmem_shared>> -> memref<48x128xf32, #tpu.memory_space<vmem_shared>>
      tpu.wait_dma2 semaphore(%run_scoped3A : memref<!tpu.dma_semaphore, #tpu.memory_space<semaphore_mem>>) src(%arg8 : memref<48x128xf32, #tpu.memory_space<vmem>>) dst(%dma_wait3A_204 : memref<48x128xf32, #tpu.memory_space<vmem_shared>>)
      tpu.yield
    }) : () -> ()
    %add3A_15 = arith.constant 144 : i32
    %add3A_16 = arith.addi %mul3A_8, %add3A_15 : i32
    "tpu.region"() ({
      %run_scoped3A = tpu.sem_alloc : memref<!tpu.dma_semaphore, #tpu.memory_space<semaphore_mem>>
      %dma_start3A_197 = arith.constant 0 : i32
      %dma_start3A_198 = tpu.memref_slice %arg9[%add3A_16, %dma_start3A_197] : memref<10128x128xf32, #tpu.memory_space<vmem_shared>> -> memref<48x128xf32, #tpu.memory_space<vmem_shared>>
      %dma_start3A_199 = arith.constant 0 : i32
      %dma_start3A_200 = tpu.memref_slice %arg9[%add3A_16, %dma_start3A_199] : memref<10128x128xf32, #tpu.memory_space<vmem_shared>> -> memref<48x128xf32, #tpu.memory_space<vmem_shared>>
      tpu.enqueue_dma source(%arg8 : memref<48x128xf32, #tpu.memory_space<vmem>>) target(%dma_start3A_200 : memref<48x128xf32, #tpu.memory_space<vmem_shared>>) target_semaphore(%run_scoped3A : memref<!tpu.dma_semaphore, #tpu.memory_space<semaphore_mem>>)
      %dma_wait3A_201 = arith.constant 0 : i32
      %dma_wait3A_202 = tpu.memref_slice %arg9[%add3A_16, %dma_wait3A_201] : memref<10128x128xf32, #tpu.memory_space<vmem_shared>> -> memref<48x128xf32, #tpu.memory_space<vmem_shared>>
      %dma_wait3A_203 = arith.constant 0 : i32
      %dma_wait3A_204 = tpu.memref_slice %arg9[%add3A_16, %dma_wait3A_203] : memref<10128x128xf32, #tpu.memory_space<vmem_shared>> -> memref<48x128xf32, #tpu.memory_space<vmem_shared>>
      tpu.wait_dma2 semaphore(%run_scoped3A : memref<!tpu.dma_semaphore, #tpu.memory_space<semaphore_mem>>) src(%arg8 : memref<48x128xf32, #tpu.memory_space<vmem>>) dst(%dma_wait3A_204 : memref<48x128xf32, #tpu.memory_space<vmem_shared>>)
      tpu.yield
    }) : () -> ()
    %add3A_17 = arith.constant 192 : i32
    %add3A_18 = arith.addi %mul3A_8, %add3A_17 : i32
    "tpu.region"() ({
      %run_scoped3A = tpu.sem_alloc : memref<!tpu.dma_semaphore, #tpu.memory_space<semaphore_mem>>
      %dma_start3A_197 = arith.constant 0 : i32
      %dma_start3A_198 = tpu.memref_slice %arg9[%add3A_18, %dma_start3A_197] : memref<10128x128xf32, #tpu.memory_space<vmem_shared>> -> memref<48x128xf32, #tpu.memory_space<vmem_shared>>
      %dma_start3A_199 = arith.constant 0 : i32
      %dma_start3A_200 = tpu.memref_slice %arg9[%add3A_18, %dma_start3A_199] : memref<10128x128xf32, #tpu.memory_space<vmem_shared>> -> memref<48x128xf32, #tpu.memory_space<vmem_shared>>
      tpu.enqueue_dma source(%arg8 : memref<48x128xf32, #tpu.memory_space<vmem>>) target(%dma_start3A_200 : memref<48x128xf32, #tpu.memory_space<vmem_shared>>) target_semaphore(%run_scoped3A : memref<!tpu.dma_semaphore, #tpu.memory_space<semaphore_mem>>)
      %dma_wait3A_201 = arith.constant 0 : i32
      %dma_wait3A_202 = tpu.memref_slice %arg9[%add3A_18, %dma_wait3A_201] : memref<10128x128xf32, #tpu.memory_space<vmem_shared>> -> memref<48x128xf32, #tpu.memory_space<vmem_shared>>
      %dma_wait3A_203 = arith.constant 0 : i32
      %dma_wait3A_204 = tpu.memref_slice %arg9[%add3A_18, %dma_wait3A_203] : memref<10128x128xf32, #tpu.memory_space<vmem_shared>> -> memref<48x128xf32, #tpu.memory_space<vmem_shared>>
      tpu.wait_dma2 semaphore(%run_scoped3A : memref<!tpu.dma_semaphore, #tpu.memory_space<semaphore_mem>>) src(%arg8 : memref<48x128xf32, #tpu.memory_space<vmem>>) dst(%dma_wait3A_204 : memref<48x128xf32, #tpu.memory_space<vmem_shared>>)
      tpu.yield
    }) : () -> ()
    %add3A_19 = arith.constant 240 : i32
    %add3A_20 = arith.addi %mul3A_8, %add3A_19 : i32
    "tpu.region"() ({
      %run_scoped3A = tpu.sem_alloc : memref<!tpu.dma_semaphore, #tpu.memory_space<semaphore_mem>>
      %dma_start3A_197 = arith.constant 0 : i32
      %dma_start3A_198 = tpu.memref_slice %arg9[%add3A_20, %dma_start3A_197] : memref<10128x128xf32, #tpu.memory_space<vmem_shared>> -> memref<48x128xf32, #tpu.memory_space<vmem_shared>>
      %dma_start3A_199 = arith.constant 0 : i32
      %dma_start3A_200 = tpu.memref_slice %arg9[%add3A_20, %dma_start3A_199] : memref<10128x128xf32, #tpu.memory_space<vmem_shared>> -> memref<48x128xf32, #tpu.memory_space<vmem_shared>>
      tpu.enqueue_dma source(%arg8 : memref<48x128xf32, #tpu.memory_space<vmem>>) target(%dma_start3A_200 : memref<48x128xf32, #tpu.memory_space<vmem_shared>>) target_semaphore(%run_scoped3A : memref<!tpu.dma_semaphore, #tpu.memory_space<semaphore_mem>>)
      %dma_wait3A_201 = arith.constant 0 : i32
      %dma_wait3A_202 = tpu.memref_slice %arg9[%add3A_20, %dma_wait3A_201] : memref<10128x128xf32, #tpu.memory_space<vmem_shared>> -> memref<48x128xf32, #tpu.memory_space<vmem_shared>>
      %dma_wait3A_203 = arith.constant 0 : i32
      %dma_wait3A_204 = tpu.memref_slice %arg9[%add3A_20, %dma_wait3A_203] : memref<10128x128xf32, #tpu.memory_space<vmem_shared>> -> memref<48x128xf32, #tpu.memory_space<vmem_shared>>
      tpu.wait_dma2 semaphore(%run_scoped3A : memref<!tpu.dma_semaphore, #tpu.memory_space<semaphore_mem>>) src(%arg8 : memref<48x128xf32, #tpu.memory_space<vmem>>) dst(%dma_wait3A_204 : memref<48x128xf32, #tpu.memory_space<vmem_shared>>)
      tpu.yield
    }) : () -> ()
    %add3A_21 = arith.constant 288 : i32
    %add3A_22 = arith.addi %mul3A_8, %add3A_21 : i32
    "tpu.region"() ({
      %run_scoped3A = tpu.sem_alloc : memref<!tpu.dma_semaphore, #tpu.memory_space<semaphore_mem>>
      %dma_start3A_197 = arith.constant 0 : i32
      %dma_start3A_198 = tpu.memref_slice %arg9[%add3A_22, %dma_start3A_197] : memref<10128x128xf32, #tpu.memory_space<vmem_shared>> -> memref<48x128xf32, #tpu.memory_space<vmem_shared>>
      %dma_start3A_199 = arith.constant 0 : i32
      %dma_start3A_200 = tpu.memref_slice %arg9[%add3A_22, %dma_start3A_199] : memref<10128x128xf32, #tpu.memory_space<vmem_shared>> -> memref<48x128xf32, #tpu.memory_space<vmem_shared>>
      tpu.enqueue_dma source(%arg8 : memref<48x128xf32, #tpu.memory_space<vmem>>) target(%dma_start3A_200 : memref<48x128xf32, #tpu.memory_space<vmem_shared>>) target_semaphore(%run_scoped3A : memref<!tpu.dma_semaphore, #tpu.memory_space<semaphore_mem>>)
      %dma_wait3A_201 = arith.constant 0 : i32
      %dma_wait3A_202 = tpu.memref_slice %arg9[%add3A_22, %dma_wait3A_201] : memref<10128x128xf32, #tpu.memory_space<vmem_shared>> -> memref<48x128xf32, #tpu.memory_space<vmem_shared>>
      %dma_wait3A_203 = arith.constant 0 : i32
      %dma_wait3A_204 = tpu.memref_slice %arg9[%add3A_22, %dma_wait3A_203] : memref<10128x128xf32, #tpu.memory_space<vmem_shared>> -> memref<48x128xf32, #tpu.memory_space<vmem_shared>>
      tpu.wait_dma2 semaphore(%run_scoped3A : memref<!tpu.dma_semaphore, #tpu.memory_space<semaphore_mem>>) src(%arg8 : memref<48x128xf32, #tpu.memory_space<vmem>>) dst(%dma_wait3A_204 : memref<48x128xf32, #tpu.memory_space<vmem_shared>>)
      tpu.yield
    }) : () -> ()
    %add3A_23 = arith.constant 336 : i32
    %add3A_24 = arith.addi %mul3A_8, %add3A_23 : i32
    "tpu.region"() ({
      %run_scoped3A = tpu.sem_alloc : memref<!tpu.dma_semaphore, #tpu.memory_space<semaphore_mem>>
      %dma_start3A_197 = arith.constant 0 : i32
      %dma_start3A_198 = tpu.memref_slice %arg9[%add3A_24, %dma_start3A_197] : memref<10128x128xf32, #tpu.memory_space<vmem_shared>> -> memref<48x128xf32, #tpu.memory_space<vmem_shared>>
      %dma_start3A_199 = arith.constant 0 : i32
      %dma_start3A_200 = tpu.memref_slice %arg9[%add3A_24, %dma_start3A_199] : memref<10128x128xf32, #tpu.memory_space<vmem_shared>> -> memref<48x128xf32, #tpu.memory_space<vmem_shared>>
      tpu.enqueue_dma source(%arg8 : memref<48x128xf32, #tpu.memory_space<vmem>>) target(%dma_start3A_200 : memref<48x128xf32, #tpu.memory_space<vmem_shared>>) target_semaphore(%run_scoped3A : memref<!tpu.dma_semaphore, #tpu.memory_space<semaphore_mem>>)
      %dma_wait3A_201 = arith.constant 0 : i32
      %dma_wait3A_202 = tpu.memref_slice %arg9[%add3A_24, %dma_wait3A_201] : memref<10128x128xf32, #tpu.memory_space<vmem_shared>> -> memref<48x128xf32, #tpu.memory_space<vmem_shared>>
      %dma_wait3A_203 = arith.constant 0 : i32
      %dma_wait3A_204 = tpu.memref_slice %arg9[%add3A_24, %dma_wait3A_203] : memref<10128x128xf32, #tpu.memory_space<vmem_shared>> -> memref<48x128xf32, #tpu.memory_space<vmem_shared>>
      tpu.wait_dma2 semaphore(%run_scoped3A : memref<!tpu.dma_semaphore, #tpu.memory_space<semaphore_mem>>) src(%arg8 : memref<48x128xf32, #tpu.memory_space<vmem>>) dst(%dma_wait3A_204 : memref<48x128xf32, #tpu.memory_space<vmem_shared>>)
      tpu.yield
    }) : () -> ()
    %add3A_25 = arith.constant 384 : i32
    %add3A_26 = arith.addi %mul3A_8, %add3A_25 : i32
    "tpu.region"() ({
      %run_scoped3A = tpu.sem_alloc : memref<!tpu.dma_semaphore, #tpu.memory_space<semaphore_mem>>
      %dma_start3A_197 = arith.constant 0 : i32
      %dma_start3A_198 = tpu.memref_slice %arg9[%add3A_26, %dma_start3A_197] : memref<10128x128xf32, #tpu.memory_space<vmem_shared>> -> memref<48x128xf32, #tpu.memory_space<vmem_shared>>
      %dma_start3A_199 = arith.constant 0 : i32
      %dma_start3A_200 = tpu.memref_slice %arg9[%add3A_26, %dma_start3A_199] : memref<10128x128xf32, #tpu.memory_space<vmem_shared>> -> memref<48x128xf32, #tpu.memory_space<vmem_shared>>
      tpu.enqueue_dma source(%arg8 : memref<48x128xf32, #tpu.memory_space<vmem>>) target(%dma_start3A_200 : memref<48x128xf32, #tpu.memory_space<vmem_shared>>) target_semaphore(%run_scoped3A : memref<!tpu.dma_semaphore, #tpu.memory_space<semaphore_mem>>)
      %dma_wait3A_201 = arith.constant 0 : i32
      %dma_wait3A_202 = tpu.memref_slice %arg9[%add3A_26, %dma_wait3A_201] : memref<10128x128xf32, #tpu.memory_space<vmem_shared>> -> memref<48x128xf32, #tpu.memory_space<vmem_shared>>
      %dma_wait3A_203 = arith.constant 0 : i32
      %dma_wait3A_204 = tpu.memref_slice %arg9[%add3A_26, %dma_wait3A_203] : memref<10128x128xf32, #tpu.memory_space<vmem_shared>> -> memref<48x128xf32, #tpu.memory_space<vmem_shared>>
      tpu.wait_dma2 semaphore(%run_scoped3A : memref<!tpu.dma_semaphore, #tpu.memory_space<semaphore_mem>>) src(%arg8 : memref<48x128xf32, #tpu.memory_space<vmem>>) dst(%dma_wait3A_204 : memref<48x128xf32, #tpu.memory_space<vmem_shared>>)
      tpu.yield
    }) : () -> ()
    %add3A_27 = arith.constant 432 : i32
    %add3A_28 = arith.addi %mul3A_8, %add3A_27 : i32
    "tpu.region"() ({
      %run_scoped3A = tpu.sem_alloc : memref<!tpu.dma_semaphore, #tpu.memory_space<semaphore_mem>>
      %dma_start3A_197 = arith.constant 0 : i32
      %dma_start3A_198 = tpu.memref_slice %arg9[%add3A_28, %dma_start3A_197] : memref<10128x128xf32, #tpu.memory_space<vmem_shared>> -> memref<48x128xf32, #tpu.memory_space<vmem_shared>>
      %dma_start3A_199 = arith.constant 0 : i32
      %dma_start3A_200 = tpu.memref_slice %arg9[%add3A_28, %dma_start3A_199] : memref<10128x128xf32, #tpu.memory_space<vmem_shared>> -> memref<48x128xf32, #tpu.memory_space<vmem_shared>>
      tpu.enqueue_dma source(%arg8 : memref<48x128xf32, #tpu.memory_space<vmem>>) target(%dma_start3A_200 : memref<48x128xf32, #tpu.memory_space<vmem_shared>>) target_semaphore(%run_scoped3A : memref<!tpu.dma_semaphore, #tpu.memory_space<semaphore_mem>>)
      %dma_wait3A_201 = arith.constant 0 : i32
      %dma_wait3A_202 = tpu.memref_slice %arg9[%add3A_28, %dma_wait3A_201] : memref<10128x128xf32, #tpu.memory_space<vmem_shared>> -> memref<48x128xf32, #tpu.memory_space<vmem_shared>>
      %dma_wait3A_203 = arith.constant 0 : i32
      %dma_wait3A_204 = tpu.memref_slice %arg9[%add3A_28, %dma_wait3A_203] : memref<10128x128xf32, #tpu.memory_space<vmem_shared>> -> memref<48x128xf32, #tpu.memory_space<vmem_shared>>
      tpu.wait_dma2 semaphore(%run_scoped3A : memref<!tpu.dma_semaphore, #tpu.memory_space<semaphore_mem>>) src(%arg8 : memref<48x128xf32, #tpu.memory_space<vmem>>) dst(%dma_wait3A_204 : memref<48x128xf32, #tpu.memory_space<vmem_shared>>)
      tpu.yield
    }) : () -> ()
    %add3A_29 = arith.constant 480 : i32
    %add3A_30 = arith.addi %mul3A_8, %add3A_29 : i32
    "tpu.region"() ({
      %run_scoped3A = tpu.sem_alloc : memref<!tpu.dma_semaphore, #tpu.memory_space<semaphore_mem>>
      %dma_start3A_197 = arith.constant 0 : i32
      %dma_start3A_198 = tpu.memref_slice %arg9[%add3A_30, %dma_start3A_197] : memref<10128x128xf32, #tpu.memory_space<vmem_shared>> -> memref<48x128xf32, #tpu.memory_space<vmem_shared>>
      %dma_start3A_199 = arith.constant 0 : i32
      %dma_start3A_200 = tpu.memref_slice %arg9[%add3A_30, %dma_start3A_199] : memref<10128x128xf32, #tpu.memory_space<vmem_shared>> -> memref<48x128xf32, #tpu.memory_space<vmem_shared>>
      tpu.enqueue_dma source(%arg8 : memref<48x128xf32, #tpu.memory_space<vmem>>) target(%dma_start3A_200 : memref<48x128xf32, #tpu.memory_space<vmem_shared>>) target_semaphore(%run_scoped3A : memref<!tpu.dma_semaphore, #tpu.memory_space<semaphore_mem>>)
      %dma_wait3A_201 = arith.constant 0 : i32
      %dma_wait3A_202 = tpu.memref_slice %arg9[%add3A_30, %dma_wait3A_201] : memref<10128x128xf32, #tpu.memory_space<vmem_shared>> -> memref<48x128xf32, #tpu.memory_space<vmem_shared>>
      %dma_wait3A_203 = arith.constant 0 : i32
      %dma_wait3A_204 = tpu.memref_slice %arg9[%add3A_30, %dma_wait3A_203] : memref<10128x128xf32, #tpu.memory_space<vmem_shared>> -> memref<48x128xf32, #tpu.memory_space<vmem_shared>>
      tpu.wait_dma2 semaphore(%run_scoped3A : memref<!tpu.dma_semaphore, #tpu.memory_space<semaphore_mem>>) src(%arg8 : memref<48x128xf32, #tpu.memory_space<vmem>>) dst(%dma_wait3A_204 : memref<48x128xf32, #tpu.memory_space<vmem_shared>>)
      tpu.yield
    }) : () -> ()
    %add3A_31 = arith.constant 528 : i32
    %add3A_32 = arith.addi %mul3A_8, %add3A_31 : i32
    "tpu.region"() ({
      %run_scoped3A = tpu.sem_alloc : memref<!tpu.dma_semaphore, #tpu.memory_space<semaphore_mem>>
      %dma_start3A_197 = arith.constant 0 : i32
      %dma_start3A_198 = tpu.memref_slice %arg9[%add3A_32, %dma_start3A_197] : memref<10128x128xf32, #tpu.memory_space<vmem_shared>> -> memref<48x128xf32, #tpu.memory_space<vmem_shared>>
      %dma_start3A_199 = arith.constant 0 : i32
      %dma_start3A_200 = tpu.memref_slice %arg9[%add3A_32, %dma_start3A_199] : memref<10128x128xf32, #tpu.memory_space<vmem_shared>> -> memref<48x128xf32, #tpu.memory_space<vmem_shared>>
      tpu.enqueue_dma source(%arg8 : memref<48x128xf32, #tpu.memory_space<vmem>>) target(%dma_start3A_200 : memref<48x128xf32, #tpu.memory_space<vmem_shared>>) target_semaphore(%run_scoped3A : memref<!tpu.dma_semaphore, #tpu.memory_space<semaphore_mem>>)
      %dma_wait3A_201 = arith.constant 0 : i32
      %dma_wait3A_202 = tpu.memref_slice %arg9[%add3A_32, %dma_wait3A_201] : memref<10128x128xf32, #tpu.memory_space<vmem_shared>> -> memref<48x128xf32, #tpu.memory_space<vmem_shared>>
      %dma_wait3A_203 = arith.constant 0 : i32
      %dma_wait3A_204 = tpu.memref_slice %arg9[%add3A_32, %dma_wait3A_203] : memref<10128x128xf32, #tpu.memory_space<vmem_shared>> -> memref<48x128xf32, #tpu.memory_space<vmem_shared>>
      tpu.wait_dma2 semaphore(%run_scoped3A : memref<!tpu.dma_semaphore, #tpu.memory_space<semaphore_mem>>) src(%arg8 : memref<48x128xf32, #tpu.memory_space<vmem>>) dst(%dma_wait3A_204 : memref<48x128xf32, #tpu.memory_space<vmem_shared>>)
      tpu.yield
    }) : () -> ()
    %add3A_33 = arith.constant 576 : i32
    %add3A_34 = arith.addi %mul3A_8, %add3A_33 : i32
    "tpu.region"() ({
      %run_scoped3A = tpu.sem_alloc : memref<!tpu.dma_semaphore, #tpu.memory_space<semaphore_mem>>
      %dma_start3A_197 = arith.constant 0 : i32
      %dma_start3A_198 = tpu.memref_slice %arg9[%add3A_34, %dma_start3A_197] : memref<10128x128xf32, #tpu.memory_space<vmem_shared>> -> memref<48x128xf32, #tpu.memory_space<vmem_shared>>
      %dma_start3A_199 = arith.constant 0 : i32
      %dma_start3A_200 = tpu.memref_slice %arg9[%add3A_34, %dma_start3A_199] : memref<10128x128xf32, #tpu.memory_space<vmem_shared>> -> memref<48x128xf32, #tpu.memory_space<vmem_shared>>
      tpu.enqueue_dma source(%arg8 : memref<48x128xf32, #tpu.memory_space<vmem>>) target(%dma_start3A_200 : memref<48x128xf32, #tpu.memory_space<vmem_shared>>) target_semaphore(%run_scoped3A : memref<!tpu.dma_semaphore, #tpu.memory_space<semaphore_mem>>)
      %dma_wait3A_201 = arith.constant 0 : i32
      %dma_wait3A_202 = tpu.memref_slice %arg9[%add3A_34, %dma_wait3A_201] : memref<10128x128xf32, #tpu.memory_space<vmem_shared>> -> memref<48x128xf32, #tpu.memory_space<vmem_shared>>
      %dma_wait3A_203 = arith.constant 0 : i32
      %dma_wait3A_204 = tpu.memref_slice %arg9[%add3A_34, %dma_wait3A_203] : memref<10128x128xf32, #tpu.memory_space<vmem_shared>> -> memref<48x128xf32, #tpu.memory_space<vmem_shared>>
      tpu.wait_dma2 semaphore(%run_scoped3A : memref<!tpu.dma_semaphore, #tpu.memory_space<semaphore_mem>>) src(%arg8 : memref<48x128xf32, #tpu.memory_space<vmem>>) dst(%dma_wait3A_204 : memref<48x128xf32, #tpu.memory_space<vmem_shared>>)
      tpu.yield
    }) : () -> ()
    %eq3A = arith.constant 15 : i32
    %eq3A_35 = arith.cmpi eq, %arg1, %eq3A : i32
    %convert_element_type3A = arith.extui %eq3A_35 : i1 to i32
    %cond3A = arith.constant 0 : i32
    %cond3A_36 = arith.cmpi ne, %convert_element_type3A, %cond3A : i32
    scf.if %cond3A_36 {
      "tpu.region"() ({
        %run_scoped3A = tpu.sem_alloc : memref<!tpu.dma_semaphore, #tpu.memory_space<semaphore_mem>>
        %dma_start3A_197 = arith.constant 0 : i32
        %dma_start3A_198 = arith.constant 0 : i32
        %dma_start3A_199 = tpu.memref_slice %arg8[%dma_start3A_197, %dma_start3A_198] : memref<48x128xf32, #tpu.memory_space<vmem>> -> memref<16x128xf32, #tpu.memory_space<vmem>>
        %dma_start3A_200 = arith.constant 9984 : i32
        %dma_start3A_201 = arith.constant 0 : i32
        %dma_start3A_202 = tpu.memref_slice %arg9[%dma_start3A_200, %dma_start3A_201] : memref<10128x128xf32, #tpu.memory_space<vmem_shared>> -> memref<16x128xf32, #tpu.memory_space<vmem_shared>>
        %dma_start3A_203 = arith.constant 9984 : i32
        %dma_start3A_204 = arith.constant 0 : i32
        %dma_start3A_205 = tpu.memref_slice %arg9[%dma_start3A_203, %dma_start3A_204] : memref<10128x128xf32, #tpu.memory_space<vmem_shared>> -> memref<16x128xf32, #tpu.memory_space<vmem_shared>>
        %dma_start3A_206 = arith.constant 0 : i32
        %dma_start3A_207 = arith.constant 0 : i32
        %dma_start3A_208 = tpu.memref_slice %arg8[%dma_start3A_206, %dma_start3A_207] : memref<48x128xf32, #tpu.memory_space<vmem>> -> memref<16x128xf32, #tpu.memory_space<vmem>>
        tpu.enqueue_dma source(%dma_start3A_208 : memref<16x128xf32, #tpu.memory_space<vmem>>) target(%dma_start3A_205 : memref<16x128xf32, #tpu.memory_space<vmem_shared>>) target_semaphore(%run_scoped3A : memref<!tpu.dma_semaphore, #tpu.memory_space<semaphore_mem>>)
        %dma_wait3A_209 = arith.constant 0 : i32
        %dma_wait3A_210 = arith.constant 0 : i32
        %dma_wait3A_211 = tpu.memref_slice %arg8[%dma_wait3A_209, %dma_wait3A_210] : memref<48x128xf32, #tpu.memory_space<vmem>> -> memref<16x128xf32, #tpu.memory_space<vmem>>
        %dma_wait3A_212 = arith.constant 9984 : i32
        %dma_wait3A_213 = arith.constant 0 : i32
        %dma_wait3A_214 = tpu.memref_slice %arg9[%dma_wait3A_212, %dma_wait3A_213] : memref<10128x128xf32, #tpu.memory_space<vmem_shared>> -> memref<16x128xf32, #tpu.memory_space<vmem_shared>>
        %dma_wait3A_215 = arith.constant 9984 : i32
        %dma_wait3A_216 = arith.constant 0 : i32
        %dma_wait3A_217 = tpu.memref_slice %arg9[%dma_wait3A_215, %dma_wait3A_216] : memref<10128x128xf32, #tpu.memory_space<vmem_shared>> -> memref<16x128xf32, #tpu.memory_space<vmem_shared>>
        %dma_wait3A_218 = arith.constant 0 : i32
        %dma_wait3A_219 = arith.constant 0 : i32
        %dma_wait3A_220 = tpu.memref_slice %arg8[%dma_wait3A_218, %dma_wait3A_219] : memref<48x128xf32, #tpu.memory_space<vmem>> -> memref<16x128xf32, #tpu.memory_space<vmem>>
        tpu.wait_dma2 semaphore(%run_scoped3A : memref<!tpu.dma_semaphore, #tpu.memory_space<semaphore_mem>>) src(%dma_wait3A_220 : memref<16x128xf32, #tpu.memory_space<vmem>>) dst(%dma_wait3A_217 : memref<16x128xf32, #tpu.memory_space<vmem_shared>>)
        tpu.yield
      }) : () -> ()
    } else {
    }
    %barrier3A = arith.constant 0 : index
    tpu.barrier barrier_id(%barrier3A)
    %scan3A_37 = arith.constant 0 : i32
    %scan3A_38 = arith.constant 0 : i32
    %scan3A_39 = arith.constant 19 : i32
    %scan3A_40 = arith.addi %scan3A_38, %scan3A_39 : i32
    %scan3A_41 = arith.constant 1 : i32
    scf.for %scan3A_197 = %scan3A_38 to %scan3A_40 step %scan3A_41  : i32 {
      %gt3A = arith.constant 0 : i32
      %gt3A_198 = arith.cmpi sgt, %scan3A_197, %gt3A : i32
      %convert_element_type3A_199 = arith.extui %gt3A_198 : i1 to i32
      %cond3A_200 = arith.constant 0 : i32
      %cond3A_201 = arith.cmpi ne, %convert_element_type3A_199, %cond3A_200 : i32
      scf.if %cond3A_201 {
        %dma_wait3A_300 = arith.constant 1 : i32
        %dma_wait3A_301 = arith.constant 0 : i32
        %dma_wait3A_302 = tpu.memref_slice %arg6[%dma_wait3A_300, %dma_wait3A_301] : memref<8x128xi32, #tpu.memory_space<vmem>> -> memref<1x128xi32, #tpu.memory_space<vmem>>
        %dma_wait3A_303 = tpu.memref_squeeze %dma_wait3A_302 : memref<1x128xi32, #tpu.memory_space<vmem>> -> memref<128xi32, #tpu.memory_space<vmem>>
        %dma_wait3A_304 = arith.constant 0 : i32
        %dma_wait3A_305 = arith.constant 0 : i32
        %dma_wait3A_306 = tpu.memref_slice %arg9[%dma_wait3A_304, %dma_wait3A_305] : memref<10128x128xf32, #tpu.memory_space<vmem_shared>> -> memref<10128x128xf32, #tpu.memory_space<vmem_shared>>
        tpu.wait_indirect_dma semaphore(%arg11 : memref<!tpu.dma_semaphore, #tpu.memory_space<semaphore_mem>>) src(%arg7 : memref<128x128xf32, #tpu.memory_space<vmem>>) dst(%dma_wait3A_306 : memref<10128x128xf32, #tpu.memory_space<vmem_shared>>)
        %dma_wait3A_307 = arith.constant 1 : i32
        %dma_wait3A_308 = arith.constant 0 : i32
        %dma_wait3A_309 = tpu.memref_slice %arg6[%dma_wait3A_307, %dma_wait3A_308] : memref<8x128xi32, #tpu.memory_space<vmem>> -> memref<1x128xi32, #tpu.memory_space<vmem>>
        %dma_wait3A_310 = tpu.memref_squeeze %dma_wait3A_309 : memref<1x128xi32, #tpu.memory_space<vmem>> -> memref<128xi32, #tpu.memory_space<vmem>>
        %dma_wait3A_311 = arith.constant 0 : i32
        %dma_wait3A_312 = arith.constant 0 : i32
        %dma_wait3A_313 = tpu.memref_slice %arg9[%dma_wait3A_311, %dma_wait3A_312] : memref<10128x128xf32, #tpu.memory_space<vmem_shared>> -> memref<10128x128xf32, #tpu.memory_space<vmem_shared>>
        tpu.wait_indirect_dma semaphore(%arg14 : memref<!tpu.dma_semaphore, #tpu.memory_space<semaphore_mem>>) src(%arg12 : memref<128x128xf32, #tpu.memory_space<vmem>>) dst(%dma_wait3A_313 : memref<10128x128xf32, #tpu.memory_space<vmem_shared>>)
      } else {
      }
      "tpu.region"() ({
        %run_scoped3A = tpu.sem_alloc : memref<!tpu.dma_semaphore, #tpu.memory_space<semaphore_mem>>
        %dma_start3A_300 = arith.constant 0 : i32
        %dma_start3A_301 = arith.constant 0 : i32
        %dma_start3A_302 = arith.constant 0 : i32
        %dma_start3A_303 = tpu.memref_slice %arg3[%add3A, %dma_start3A_300, %dma_start3A_301, %dma_start3A_302] : memref<32x19x8x128xi32, #tpu.memory_space<hbm>> -> memref<1x19x8x128xi32, #tpu.memory_space<hbm>>
        %dma_start3A_304 = tpu.memref_squeeze %dma_start3A_303 : memref<1x19x8x128xi32, #tpu.memory_space<hbm>> -> memref<19x8x128xi32, #tpu.memory_space<hbm>>
        %dma_start3A_305 = arith.constant 0 : i32
        %dma_start3A_306 = arith.constant 0 : i32
        %dma_start3A_307 = tpu.memref_slice %dma_start3A_304[%scan3A_197, %dma_start3A_305, %dma_start3A_306] : memref<19x8x128xi32, #tpu.memory_space<hbm>> -> memref<1x8x128xi32, #tpu.memory_space<hbm>>
        %dma_start3A_308 = tpu.memref_squeeze %dma_start3A_307 : memref<1x8x128xi32, #tpu.memory_space<hbm>> -> memref<8x128xi32, #tpu.memory_space<hbm>>
        %dma_start3A_309 = arith.constant 0 : i32
        %dma_start3A_310 = arith.constant 0 : i32
        %dma_start3A_311 = arith.constant 0 : i32
        %dma_start3A_312 = tpu.memref_slice %arg3[%add3A, %dma_start3A_309, %dma_start3A_310, %dma_start3A_311] : memref<32x19x8x128xi32, #tpu.memory_space<hbm>> -> memref<1x19x8x128xi32, #tpu.memory_space<hbm>>
        %dma_start3A_313 = tpu.memref_squeeze %dma_start3A_312 : memref<1x19x8x128xi32, #tpu.memory_space<hbm>> -> memref<19x8x128xi32, #tpu.memory_space<hbm>>
        %dma_start3A_314 = arith.constant 0 : i32
        %dma_start3A_315 = arith.constant 0 : i32
        %dma_start3A_316 = tpu.memref_slice %dma_start3A_313[%scan3A_197, %dma_start3A_314, %dma_start3A_315] : memref<19x8x128xi32, #tpu.memory_space<hbm>> -> memref<1x8x128xi32, #tpu.memory_space<hbm>>
        %dma_start3A_317 = tpu.memref_squeeze %dma_start3A_316 : memref<1x8x128xi32, #tpu.memory_space<hbm>> -> memref<8x128xi32, #tpu.memory_space<hbm>>
        tpu.enqueue_dma source(%dma_start3A_317 : memref<8x128xi32, #tpu.memory_space<hbm>>) target(%arg6 : memref<8x128xi32, #tpu.memory_space<vmem>>) target_semaphore(%run_scoped3A : memref<!tpu.dma_semaphore, #tpu.memory_space<semaphore_mem>>)
        %dma_wait3A_318 = arith.constant 0 : i32
        %dma_wait3A_319 = arith.constant 0 : i32
        %dma_wait3A_320 = arith.constant 0 : i32
        %dma_wait3A_321 = tpu.memref_slice %arg3[%add3A, %dma_wait3A_318, %dma_wait3A_319, %dma_wait3A_320] : memref<32x19x8x128xi32, #tpu.memory_space<hbm>> -> memref<1x19x8x128xi32, #tpu.memory_space<hbm>>
        %dma_wait3A_322 = tpu.memref_squeeze %dma_wait3A_321 : memref<1x19x8x128xi32, #tpu.memory_space<hbm>> -> memref<19x8x128xi32, #tpu.memory_space<hbm>>
        %dma_wait3A_323 = arith.constant 0 : i32
        %dma_wait3A_324 = arith.constant 0 : i32
        %dma_wait3A_325 = tpu.memref_slice %dma_wait3A_322[%scan3A_197, %dma_wait3A_323, %dma_wait3A_324] : memref<19x8x128xi32, #tpu.memory_space<hbm>> -> memref<1x8x128xi32, #tpu.memory_space<hbm>>
        %dma_wait3A_326 = tpu.memref_squeeze %dma_wait3A_325 : memref<1x8x128xi32, #tpu.memory_space<hbm>> -> memref<8x128xi32, #tpu.memory_space<hbm>>
        %dma_wait3A_327 = arith.constant 0 : i32
        %dma_wait3A_328 = arith.constant 0 : i32
        %dma_wait3A_329 = arith.constant 0 : i32
        %dma_wait3A_330 = tpu.memref_slice %arg3[%add3A, %dma_wait3A_327, %dma_wait3A_328, %dma_wait3A_329] : memref<32x19x8x128xi32, #tpu.memory_space<hbm>> -> memref<1x19x8x128xi32, #tpu.memory_space<hbm>>
        %dma_wait3A_331 = tpu.memref_squeeze %dma_wait3A_330 : memref<1x19x8x128xi32, #tpu.memory_space<hbm>> -> memref<19x8x128xi32, #tpu.memory_space<hbm>>
        %dma_wait3A_332 = arith.constant 0 : i32
        %dma_wait3A_333 = arith.constant 0 : i32
        %dma_wait3A_334 = tpu.memref_slice %dma_wait3A_331[%scan3A_197, %dma_wait3A_332, %dma_wait3A_333] : memref<19x8x128xi32, #tpu.memory_space<hbm>> -> memref<1x8x128xi32, #tpu.memory_space<hbm>>
        %dma_wait3A_335 = tpu.memref_squeeze %dma_wait3A_334 : memref<1x8x128xi32, #tpu.memory_space<hbm>> -> memref<8x128xi32, #tpu.memory_space<hbm>>
        tpu.wait_dma2 semaphore(%run_scoped3A : memref<!tpu.dma_semaphore, #tpu.memory_space<semaphore_mem>>) src(%dma_wait3A_335 : memref<8x128xi32, #tpu.memory_space<hbm>>) dst(%arg6 : memref<8x128xi32, #tpu.memory_space<vmem>>)
        tpu.yield
      }) : () -> ()
      %dma_start3A_202 = arith.constant 0 : i32
      %dma_start3A_203 = arith.constant 0 : i32
      %dma_start3A_204 = tpu.memref_slice %arg6[%dma_start3A_202, %dma_start3A_203] : memref<8x128xi32, #tpu.memory_space<vmem>> -> memref<1x128xi32, #tpu.memory_space<vmem>>
      %dma_start3A_205 = tpu.memref_squeeze %dma_start3A_204 : memref<1x128xi32, #tpu.memory_space<vmem>> -> memref<128xi32, #tpu.memory_space<vmem>>
      %dma_start3A_206 = arith.constant 0 : i32
      %dma_start3A_207 = arith.constant 0 : i32
      %dma_start3A_208 = tpu.memref_slice %arg2[%dma_start3A_206, %dma_start3A_207] : memref<10000x128xf32, #tpu.memory_space<hbm>> -> memref<10000x128xf32, #tpu.memory_space<hbm>>
      tpu.enqueue_indirect_dma source(%dma_start3A_208 : memref<10000x128xf32, #tpu.memory_space<hbm>>) target(%arg7 : memref<128x128xf32, #tpu.memory_space<vmem>>) offsets(%dma_start3A_205 : memref<128xi32, #tpu.memory_space<vmem>>) semaphore(%arg10 : memref<!tpu.dma_semaphore, #tpu.memory_space<semaphore_mem>>)
      %dma_start3A_209 = arith.constant 2 : i32
      %dma_start3A_210 = arith.constant 0 : i32
      %dma_start3A_211 = tpu.memref_slice %arg6[%dma_start3A_209, %dma_start3A_210] : memref<8x128xi32, #tpu.memory_space<vmem>> -> memref<1x128xi32, #tpu.memory_space<vmem>>
      %dma_start3A_212 = tpu.memref_squeeze %dma_start3A_211 : memref<1x128xi32, #tpu.memory_space<vmem>> -> memref<128xi32, #tpu.memory_space<vmem>>
      %dma_start3A_213 = arith.constant 0 : i32
      %dma_start3A_214 = arith.constant 0 : i32
      %dma_start3A_215 = tpu.memref_slice %arg2[%dma_start3A_213, %dma_start3A_214] : memref<10000x128xf32, #tpu.memory_space<hbm>> -> memref<10000x128xf32, #tpu.memory_space<hbm>>
      tpu.enqueue_indirect_dma source(%dma_start3A_215 : memref<10000x128xf32, #tpu.memory_space<hbm>>) target(%arg12 : memref<128x128xf32, #tpu.memory_space<vmem>>) offsets(%dma_start3A_212 : memref<128xi32, #tpu.memory_space<vmem>>) semaphore(%arg13 : memref<!tpu.dma_semaphore, #tpu.memory_space<semaphore_mem>>)
      %dma_wait3A_216 = arith.constant 0 : i32
      %dma_wait3A_217 = arith.constant 0 : i32
      %dma_wait3A_218 = tpu.memref_slice %arg6[%dma_wait3A_216, %dma_wait3A_217] : memref<8x128xi32, #tpu.memory_space<vmem>> -> memref<1x128xi32, #tpu.memory_space<vmem>>
      %dma_wait3A_219 = tpu.memref_squeeze %dma_wait3A_218 : memref<1x128xi32, #tpu.memory_space<vmem>> -> memref<128xi32, #tpu.memory_space<vmem>>
      %dma_wait3A_220 = arith.constant 0 : i32
      %dma_wait3A_221 = arith.constant 0 : i32
      %dma_wait3A_222 = tpu.memref_slice %arg2[%dma_wait3A_220, %dma_wait3A_221] : memref<10000x128xf32, #tpu.memory_space<hbm>> -> memref<10000x128xf32, #tpu.memory_space<hbm>>
      tpu.wait_indirect_dma semaphore(%arg10 : memref<!tpu.dma_semaphore, #tpu.memory_space<semaphore_mem>>) src(%dma_wait3A_222 : memref<10000x128xf32, #tpu.memory_space<hbm>>) dst(%arg7 : memref<128x128xf32, #tpu.memory_space<vmem>>)
      %dma_start3A_223 = arith.constant 1 : i32
      %dma_start3A_224 = arith.constant 0 : i32
      %dma_start3A_225 = tpu.memref_slice %arg6[%dma_start3A_223, %dma_start3A_224] : memref<8x128xi32, #tpu.memory_space<vmem>> -> memref<1x128xi32, #tpu.memory_space<vmem>>
      %dma_start3A_226 = tpu.memref_squeeze %dma_start3A_225 : memref<1x128xi32, #tpu.memory_space<vmem>> -> memref<128xi32, #tpu.memory_space<vmem>>
      %dma_start3A_227 = arith.constant 0 : i32
      %dma_start3A_228 = arith.constant 0 : i32
      %dma_start3A_229 = tpu.memref_slice %arg9[%dma_start3A_227, %dma_start3A_228] : memref<10128x128xf32, #tpu.memory_space<vmem_shared>> -> memref<10128x128xf32, #tpu.memory_space<vmem_shared>>
      tpu.enqueue_indirect_dma source(%arg7 : memref<128x128xf32, #tpu.memory_space<vmem>>) target(%dma_start3A_229 : memref<10128x128xf32, #tpu.memory_space<vmem_shared>>) offsets(%dma_start3A_226 : memref<128xi32, #tpu.memory_space<vmem>>) semaphore(%arg11 : memref<!tpu.dma_semaphore, #tpu.memory_space<semaphore_mem>>) {add = true}
      %dma_wait3A_230 = arith.constant 0 : i32
      %dma_wait3A_231 = arith.constant 0 : i32
      %dma_wait3A_232 = tpu.memref_slice %arg6[%dma_wait3A_230, %dma_wait3A_231] : memref<8x128xi32, #tpu.memory_space<vmem>> -> memref<1x128xi32, #tpu.memory_space<vmem>>
      %dma_wait3A_233 = tpu.memref_squeeze %dma_wait3A_232 : memref<1x128xi32, #tpu.memory_space<vmem>> -> memref<128xi32, #tpu.memory_space<vmem>>
      %dma_wait3A_234 = arith.constant 0 : i32
      %dma_wait3A_235 = arith.constant 0 : i32
      %dma_wait3A_236 = tpu.memref_slice %arg2[%dma_wait3A_234, %dma_wait3A_235] : memref<10000x128xf32, #tpu.memory_space<hbm>> -> memref<10000x128xf32, #tpu.memory_space<hbm>>
      tpu.wait_indirect_dma semaphore(%arg13 : memref<!tpu.dma_semaphore, #tpu.memory_space<semaphore_mem>>) src(%dma_wait3A_236 : memref<10000x128xf32, #tpu.memory_space<hbm>>) dst(%arg12 : memref<128x128xf32, #tpu.memory_space<vmem>>)
      %dma_start3A_237 = arith.constant 3 : i32
      %dma_start3A_238 = arith.constant 0 : i32
      %dma_start3A_239 = tpu.memref_slice %arg6[%dma_start3A_237, %dma_start3A_238] : memref<8x128xi32, #tpu.memory_space<vmem>> -> memref<1x128xi32, #tpu.memory_space<vmem>>
      %dma_start3A_240 = tpu.memref_squeeze %dma_start3A_239 : memref<1x128xi32, #tpu.memory_space<vmem>> -> memref<128xi32, #tpu.memory_space<vmem>>
      %dma_start3A_241 = arith.constant 0 : i32
      %dma_start3A_242 = arith.constant 0 : i32
      %dma_start3A_243 = tpu.memref_slice %arg9[%dma_start3A_241, %dma_start3A_242] : memref<10128x128xf32, #tpu.memory_space<vmem_shared>> -> memref<10128x128xf32, #tpu.memory_space<vmem_shared>>
      tpu.enqueue_indirect_dma source(%arg12 : memref<128x128xf32, #tpu.memory_space<vmem>>) target(%dma_start3A_243 : memref<10128x128xf32, #tpu.memory_space<vmem_shared>>) offsets(%dma_start3A_240 : memref<128xi32, #tpu.memory_space<vmem>>) semaphore(%arg14 : memref<!tpu.dma_semaphore, #tpu.memory_space<semaphore_mem>>) {add = true}
      %dma_wait3A_244 = arith.constant 1 : i32
      %dma_wait3A_245 = arith.constant 0 : i32
      %dma_wait3A_246 = tpu.memref_slice %arg6[%dma_wait3A_244, %dma_wait3A_245] : memref<8x128xi32, #tpu.memory_space<vmem>> -> memref<1x128xi32, #tpu.memory_space<vmem>>
      %dma_wait3A_247 = tpu.memref_squeeze %dma_wait3A_246 : memref<1x128xi32, #tpu.memory_space<vmem>> -> memref<128xi32, #tpu.memory_space<vmem>>
      %dma_wait3A_248 = arith.constant 0 : i32
      %dma_wait3A_249 = arith.constant 0 : i32
      %dma_wait3A_250 = tpu.memref_slice %arg9[%dma_wait3A_248, %dma_wait3A_249] : memref<10128x128xf32, #tpu.memory_space<vmem_shared>> -> memref<10128x128xf32, #tpu.memory_space<vmem_shared>>
      tpu.wait_indirect_dma semaphore(%arg11 : memref<!tpu.dma_semaphore, #tpu.memory_space<semaphore_mem>>) src(%arg7 : memref<128x128xf32, #tpu.memory_space<vmem>>) dst(%dma_wait3A_250 : memref<10128x128xf32, #tpu.memory_space<vmem_shared>>)
      %dma_start3A_251 = arith.constant 4 : i32
      %dma_start3A_252 = arith.constant 0 : i32
      %dma_start3A_253 = tpu.memref_slice %arg6[%dma_start3A_251, %dma_start3A_252] : memref<8x128xi32, #tpu.memory_space<vmem>> -> memref<1x128xi32, #tpu.memory_space<vmem>>
      %dma_start3A_254 = tpu.memref_squeeze %dma_start3A_253 : memref<1x128xi32, #tpu.memory_space<vmem>> -> memref<128xi32, #tpu.memory_space<vmem>>
      %dma_start3A_255 = arith.constant 0 : i32
      %dma_start3A_256 = arith.constant 0 : i32
      %dma_start3A_257 = tpu.memref_slice %arg2[%dma_start3A_255, %dma_start3A_256] : memref<10000x128xf32, #tpu.memory_space<hbm>> -> memref<10000x128xf32, #tpu.memory_space<hbm>>
      tpu.enqueue_indirect_dma source(%dma_start3A_257 : memref<10000x128xf32, #tpu.memory_space<hbm>>) target(%arg7 : memref<128x128xf32, #tpu.memory_space<vmem>>) offsets(%dma_start3A_254 : memref<128xi32, #tpu.memory_space<vmem>>) semaphore(%arg10 : memref<!tpu.dma_semaphore, #tpu.memory_space<semaphore_mem>>)
      %dma_wait3A_258 = arith.constant 1 : i32
      %dma_wait3A_259 = arith.constant 0 : i32
      %dma_wait3A_260 = tpu.memref_slice %arg6[%dma_wait3A_258, %dma_wait3A_259] : memref<8x128xi32, #tpu.memory_space<vmem>> -> memref<1x128xi32, #tpu.memory_space<vmem>>
      %dma_wait3A_261 = tpu.memref_squeeze %dma_wait3A_260 : memref<1x128xi32, #tpu.memory_space<vmem>> -> memref<128xi32, #tpu.memory_space<vmem>>
      %dma_wait3A_262 = arith.constant 0 : i32
      %dma_wait3A_263 = arith.constant 0 : i32
      %dma_wait3A_264 = tpu.memref_slice %arg9[%dma_wait3A_262, %dma_wait3A_263] : memref<10128x128xf32, #tpu.memory_space<vmem_shared>> -> memref<10128x128xf32, #tpu.memory_space<vmem_shared>>
      tpu.wait_indirect_dma semaphore(%arg14 : memref<!tpu.dma_semaphore, #tpu.memory_space<semaphore_mem>>) src(%arg12 : memref<128x128xf32, #tpu.memory_space<vmem>>) dst(%dma_wait3A_264 : memref<10128x128xf32, #tpu.memory_space<vmem_shared>>)
      %dma_start3A_265 = arith.constant 6 : i32
      %dma_start3A_266 = arith.constant 0 : i32
      %dma_start3A_267 = tpu.memref_slice %arg6[%dma_start3A_265, %dma_start3A_266] : memref<8x128xi32, #tpu.memory_space<vmem>> -> memref<1x128xi32, #tpu.memory_space<vmem>>
      %dma_start3A_268 = tpu.memref_squeeze %dma_start3A_267 : memref<1x128xi32, #tpu.memory_space<vmem>> -> memref<128xi32, #tpu.memory_space<vmem>>
      %dma_start3A_269 = arith.constant 0 : i32
      %dma_start3A_270 = arith.constant 0 : i32
      %dma_start3A_271 = tpu.memref_slice %arg2[%dma_start3A_269, %dma_start3A_270] : memref<10000x128xf32, #tpu.memory_space<hbm>> -> memref<10000x128xf32, #tpu.memory_space<hbm>>
      tpu.enqueue_indirect_dma source(%dma_start3A_271 : memref<10000x128xf32, #tpu.memory_space<hbm>>) target(%arg12 : memref<128x128xf32, #tpu.memory_space<vmem>>) offsets(%dma_start3A_268 : memref<128xi32, #tpu.memory_space<vmem>>) semaphore(%arg13 : memref<!tpu.dma_semaphore, #tpu.memory_space<semaphore_mem>>)
      %dma_wait3A_272 = arith.constant 0 : i32
      %dma_wait3A_273 = arith.constant 0 : i32
      %dma_wait3A_274 = tpu.memref_slice %arg6[%dma_wait3A_272, %dma_wait3A_273] : memref<8x128xi32, #tpu.memory_space<vmem>> -> memref<1x128xi32, #tpu.memory_space<vmem>>
      %dma_wait3A_275 = tpu.memref_squeeze %dma_wait3A_274 : memref<1x128xi32, #tpu.memory_space<vmem>> -> memref<128xi32, #tpu.memory_space<vmem>>
      %dma_wait3A_276 = arith.constant 0 : i32
      %dma_wait3A_277 = arith.constant 0 : i32
      %dma_wait3A_278 = tpu.memref_slice %arg2[%dma_wait3A_276, %dma_wait3A_277] : memref<10000x128xf32, #tpu.memory_space<hbm>> -> memref<10000x128xf32, #tpu.memory_space<hbm>>
      tpu.wait_indirect_dma semaphore(%arg10 : memref<!tpu.dma_semaphore, #tpu.memory_space<semaphore_mem>>) src(%dma_wait3A_278 : memref<10000x128xf32, #tpu.memory_space<hbm>>) dst(%arg7 : memref<128x128xf32, #tpu.memory_space<vmem>>)
      %dma_start3A_279 = arith.constant 5 : i32
      %dma_start3A_280 = arith.constant 0 : i32
      %dma_start3A_281 = tpu.memref_slice %arg6[%dma_start3A_279, %dma_start3A_280] : memref<8x128xi32, #tpu.memory_space<vmem>> -> memref<1x128xi32, #tpu.memory_space<vmem>>
      %dma_start3A_282 = tpu.memref_squeeze %dma_start3A_281 : memref<1x128xi32, #tpu.memory_space<vmem>> -> memref<128xi32, #tpu.memory_space<vmem>>
      %dma_start3A_283 = arith.constant 0 : i32
      %dma_start3A_284 = arith.constant 0 : i32
      %dma_start3A_285 = tpu.memref_slice %arg9[%dma_start3A_283, %dma_start3A_284] : memref<10128x128xf32, #tpu.memory_space<vmem_shared>> -> memref<10128x128xf32, #tpu.memory_space<vmem_shared>>
      tpu.enqueue_indirect_dma source(%arg7 : memref<128x128xf32, #tpu.memory_space<vmem>>) target(%dma_start3A_285 : memref<10128x128xf32, #tpu.memory_space<vmem_shared>>) offsets(%dma_start3A_282 : memref<128xi32, #tpu.memory_space<vmem>>) semaphore(%arg11 : memref<!tpu.dma_semaphore, #tpu.memory_space<semaphore_mem>>) {add = true}
      %dma_wait3A_286 = arith.constant 0 : i32
      %dma_wait3A_287 = arith.constant 0 : i32
      %dma_wait3A_288 = tpu.memref_slice %arg6[%dma_wait3A_286, %dma_wait3A_287] : memref<8x128xi32, #tpu.memory_space<vmem>> -> memref<1x128xi32, #tpu.memory_space<vmem>>
      %dma_wait3A_289 = tpu.memref_squeeze %dma_wait3A_288 : memref<1x128xi32, #tpu.memory_space<vmem>> -> memref<128xi32, #tpu.memory_space<vmem>>
      %dma_wait3A_290 = arith.constant 0 : i32
      %dma_wait3A_291 = arith.constant 0 : i32
      %dma_wait3A_292 = tpu.memref_slice %arg2[%dma_wait3A_290, %dma_wait3A_291] : memref<10000x128xf32, #tpu.memory_space<hbm>> -> memref<10000x128xf32, #tpu.memory_space<hbm>>
      tpu.wait_indirect_dma semaphore(%arg13 : memref<!tpu.dma_semaphore, #tpu.memory_space<semaphore_mem>>) src(%dma_wait3A_292 : memref<10000x128xf32, #tpu.memory_space<hbm>>) dst(%arg12 : memref<128x128xf32, #tpu.memory_space<vmem>>)
      %dma_start3A_293 = arith.constant 7 : i32
      %dma_start3A_294 = arith.constant 0 : i32
      %dma_start3A_295 = tpu.memref_slice %arg6[%dma_start3A_293, %dma_start3A_294] : memref<8x128xi32, #tpu.memory_space<vmem>> -> memref<1x128xi32, #tpu.memory_space<vmem>>
      %dma_start3A_296 = tpu.memref_squeeze %dma_start3A_295 : memref<1x128xi32, #tpu.memory_space<vmem>> -> memref<128xi32, #tpu.memory_space<vmem>>
      %dma_start3A_297 = arith.constant 0 : i32
      %dma_start3A_298 = arith.constant 0 : i32
      %dma_start3A_299 = tpu.memref_slice %arg9[%dma_start3A_297, %dma_start3A_298] : memref<10128x128xf32, #tpu.memory_space<vmem_shared>> -> memref<10128x128xf32, #tpu.memory_space<vmem_shared>>
      tpu.enqueue_indirect_dma source(%arg12 : memref<128x128xf32, #tpu.memory_space<vmem>>) target(%dma_start3A_299 : memref<10128x128xf32, #tpu.memory_space<vmem_shared>>) offsets(%dma_start3A_296 : memref<128xi32, #tpu.memory_space<vmem>>) semaphore(%arg14 : memref<!tpu.dma_semaphore, #tpu.memory_space<semaphore_mem>>) {add = true}
    }
    %scan3A_42 = arith.constant 19 : i32
    %dma_wait3A = arith.constant 1 : i32
    %dma_wait3A_43 = arith.constant 0 : i32
    %dma_wait3A_44 = tpu.memref_slice %arg6[%dma_wait3A, %dma_wait3A_43] : memref<8x128xi32, #tpu.memory_space<vmem>> -> memref<1x128xi32, #tpu.memory_space<vmem>>
    %dma_wait3A_45 = tpu.memref_squeeze %dma_wait3A_44 : memref<1x128xi32, #tpu.memory_space<vmem>> -> memref<128xi32, #tpu.memory_space<vmem>>
    %dma_wait3A_46 = arith.constant 0 : i32
    %dma_wait3A_47 = arith.constant 0 : i32
    %dma_wait3A_48 = tpu.memref_slice %arg9[%dma_wait3A_46, %dma_wait3A_47] : memref<10128x128xf32, #tpu.memory_space<vmem_shared>> -> memref<10128x128xf32, #tpu.memory_space<vmem_shared>>
    tpu.wait_indirect_dma semaphore(%arg11 : memref<!tpu.dma_semaphore, #tpu.memory_space<semaphore_mem>>) src(%arg7 : memref<128x128xf32, #tpu.memory_space<vmem>>) dst(%dma_wait3A_48 : memref<10128x128xf32, #tpu.memory_space<vmem_shared>>)
    %dma_wait3A_49 = arith.constant 1 : i32
    %dma_wait3A_50 = arith.constant 0 : i32
    %dma_wait3A_51 = tpu.memref_slice %arg6[%dma_wait3A_49, %dma_wait3A_50] : memref<8x128xi32, #tpu.memory_space<vmem>> -> memref<1x128xi32, #tpu.memory_space<vmem>>
    %dma_wait3A_52 = tpu.memref_squeeze %dma_wait3A_51 : memref<1x128xi32, #tpu.memory_space<vmem>> -> memref<128xi32, #tpu.memory_space<vmem>>
    %dma_wait3A_53 = arith.constant 0 : i32
    %dma_wait3A_54 = arith.constant 0 : i32
    %dma_wait3A_55 = tpu.memref_slice %arg9[%dma_wait3A_53, %dma_wait3A_54] : memref<10128x128xf32, #tpu.memory_space<vmem_shared>> -> memref<10128x128xf32, #tpu.memory_space<vmem_shared>>
    tpu.wait_indirect_dma semaphore(%arg14 : memref<!tpu.dma_semaphore, #tpu.memory_space<semaphore_mem>>) src(%arg12 : memref<128x128xf32, #tpu.memory_space<vmem>>) dst(%dma_wait3A_55 : memref<10128x128xf32, #tpu.memory_space<vmem_shared>>)
    "tpu.region"() ({
      %run_scoped3A = tpu.sem_alloc : memref<!tpu.dma_semaphore, #tpu.memory_space<semaphore_mem>>
      %dma_start3A_197 = arith.constant 0 : i32
      %dma_start3A_198 = arith.constant 0 : i32
      %dma_start3A_199 = tpu.memref_slice %arg6[%dma_start3A_197, %dma_start3A_198] : memref<8x128xi32, #tpu.memory_space<vmem>> -> memref<6x128xi32, #tpu.memory_space<vmem>>
      %dma_start3A_200 = arith.constant 0 : i32
      %dma_start3A_201 = arith.constant 0 : i32
      %dma_start3A_202 = tpu.memref_slice %arg4[%add3A, %dma_start3A_200, %dma_start3A_201] : memref<32x6x128xi32, #tpu.memory_space<hbm>> -> memref<1x6x128xi32, #tpu.memory_space<hbm>>
      %dma_start3A_203 = tpu.memref_squeeze %dma_start3A_202 : memref<1x6x128xi32, #tpu.memory_space<hbm>> -> memref<6x128xi32, #tpu.memory_space<hbm>>
      %dma_start3A_204 = arith.constant 0 : i32
      %dma_start3A_205 = arith.constant 0 : i32
      %dma_start3A_206 = tpu.memref_slice %arg6[%dma_start3A_204, %dma_start3A_205] : memref<8x128xi32, #tpu.memory_space<vmem>> -> memref<6x128xi32, #tpu.memory_space<vmem>>
      %dma_start3A_207 = arith.constant 0 : i32
      %dma_start3A_208 = arith.constant 0 : i32
      %dma_start3A_209 = tpu.memref_slice %arg4[%add3A, %dma_start3A_207, %dma_start3A_208] : memref<32x6x128xi32, #tpu.memory_space<hbm>> -> memref<1x6x128xi32, #tpu.memory_space<hbm>>
      %dma_start3A_210 = tpu.memref_squeeze %dma_start3A_209 : memref<1x6x128xi32, #tpu.memory_space<hbm>> -> memref<6x128xi32, #tpu.memory_space<hbm>>
      tpu.enqueue_dma source(%dma_start3A_210 : memref<6x128xi32, #tpu.memory_space<hbm>>) target(%dma_start3A_206 : memref<6x128xi32, #tpu.memory_space<vmem>>) target_semaphore(%run_scoped3A : memref<!tpu.dma_semaphore, #tpu.memory_space<semaphore_mem>>)
      %dma_wait3A_211 = arith.constant 0 : i32
      %dma_wait3A_212 = arith.constant 0 : i32
      %dma_wait3A_213 = tpu.memref_slice %arg6[%dma_wait3A_211, %dma_wait3A_212] : memref<8x128xi32, #tpu.memory_space<vmem>> -> memref<6x128xi32, #tpu.memory_space<vmem>>
      %dma_wait3A_214 = arith.constant 0 : i32
      %dma_wait3A_215 = arith.constant 0 : i32
      %dma_wait3A_216 = tpu.memref_slice %arg4[%add3A, %dma_wait3A_214, %dma_wait3A_215] : memref<32x6x128xi32, #tpu.memory_space<hbm>> -> memref<1x6x128xi32, #tpu.memory_space<hbm>>
      %dma_wait3A_217 = tpu.memref_squeeze %dma_wait3A_216 : memref<1x6x128xi32, #tpu.memory_space<hbm>> -> memref<6x128xi32, #tpu.memory_space<hbm>>
      %dma_wait3A_218 = arith.constant 0 : i32
      %dma_wait3A_219 = arith.constant 0 : i32
      %dma_wait3A_220 = tpu.memref_slice %arg6[%dma_wait3A_218, %dma_wait3A_219] : memref<8x128xi32, #tpu.memory_space<vmem>> -> memref<6x128xi32, #tpu.memory_space<vmem>>
      %dma_wait3A_221 = arith.constant 0 : i32
      %dma_wait3A_222 = arith.constant 0 : i32
      %dma_wait3A_223 = tpu.memref_slice %arg4[%add3A, %dma_wait3A_221, %dma_wait3A_222] : memref<32x6x128xi32, #tpu.memory_space<hbm>> -> memref<1x6x128xi32, #tpu.memory_space<hbm>>
      %dma_wait3A_224 = tpu.memref_squeeze %dma_wait3A_223 : memref<1x6x128xi32, #tpu.memory_space<hbm>> -> memref<6x128xi32, #tpu.memory_space<hbm>>
      tpu.wait_dma2 semaphore(%run_scoped3A : memref<!tpu.dma_semaphore, #tpu.memory_space<semaphore_mem>>) src(%dma_wait3A_224 : memref<6x128xi32, #tpu.memory_space<hbm>>) dst(%dma_wait3A_220 : memref<6x128xi32, #tpu.memory_space<vmem>>)
      tpu.yield
    }) : () -> ()
    %dma_start3A = arith.constant 0 : i32
    %dma_start3A_56 = arith.constant 0 : i32
    %dma_start3A_57 = tpu.memref_slice %arg6[%dma_start3A, %dma_start3A_56] : memref<8x128xi32, #tpu.memory_space<vmem>> -> memref<1x128xi32, #tpu.memory_space<vmem>>
    %dma_start3A_58 = tpu.memref_squeeze %dma_start3A_57 : memref<1x128xi32, #tpu.memory_space<vmem>> -> memref<128xi32, #tpu.memory_space<vmem>>
    %dma_start3A_59 = arith.constant 0 : i32
    %dma_start3A_60 = arith.constant 0 : i32
    %dma_start3A_61 = tpu.memref_slice %arg2[%dma_start3A_59, %dma_start3A_60] : memref<10000x128xf32, #tpu.memory_space<hbm>> -> memref<10000x128xf32, #tpu.memory_space<hbm>>
    tpu.enqueue_indirect_dma source(%dma_start3A_61 : memref<10000x128xf32, #tpu.memory_space<hbm>>) target(%arg7 : memref<128x128xf32, #tpu.memory_space<vmem>>) offsets(%dma_start3A_58 : memref<128xi32, #tpu.memory_space<vmem>>) semaphore(%arg10 : memref<!tpu.dma_semaphore, #tpu.memory_space<semaphore_mem>>)
    %dma_start3A_62 = arith.constant 2 : i32
    %dma_start3A_63 = arith.constant 0 : i32
    %dma_start3A_64 = tpu.memref_slice %arg6[%dma_start3A_62, %dma_start3A_63] : memref<8x128xi32, #tpu.memory_space<vmem>> -> memref<1x128xi32, #tpu.memory_space<vmem>>
    %dma_start3A_65 = tpu.memref_squeeze %dma_start3A_64 : memref<1x128xi32, #tpu.memory_space<vmem>> -> memref<128xi32, #tpu.memory_space<vmem>>
    %dma_start3A_66 = arith.constant 0 : i32
    %dma_start3A_67 = arith.constant 0 : i32
    %dma_start3A_68 = tpu.memref_slice %arg2[%dma_start3A_66, %dma_start3A_67] : memref<10000x128xf32, #tpu.memory_space<hbm>> -> memref<10000x128xf32, #tpu.memory_space<hbm>>
    tpu.enqueue_indirect_dma source(%dma_start3A_68 : memref<10000x128xf32, #tpu.memory_space<hbm>>) target(%arg12 : memref<128x128xf32, #tpu.memory_space<vmem>>) offsets(%dma_start3A_65 : memref<128xi32, #tpu.memory_space<vmem>>) semaphore(%arg13 : memref<!tpu.dma_semaphore, #tpu.memory_space<semaphore_mem>>)
    %dma_wait3A_69 = arith.constant 0 : i32
    %dma_wait3A_70 = arith.constant 0 : i32
    %dma_wait3A_71 = tpu.memref_slice %arg6[%dma_wait3A_69, %dma_wait3A_70] : memref<8x128xi32, #tpu.memory_space<vmem>> -> memref<1x128xi32, #tpu.memory_space<vmem>>
    %dma_wait3A_72 = tpu.memref_squeeze %dma_wait3A_71 : memref<1x128xi32, #tpu.memory_space<vmem>> -> memref<128xi32, #tpu.memory_space<vmem>>
    %dma_wait3A_73 = arith.constant 0 : i32
    %dma_wait3A_74 = arith.constant 0 : i32
    %dma_wait3A_75 = tpu.memref_slice %arg2[%dma_wait3A_73, %dma_wait3A_74] : memref<10000x128xf32, #tpu.memory_space<hbm>> -> memref<10000x128xf32, #tpu.memory_space<hbm>>
    tpu.wait_indirect_dma semaphore(%arg10 : memref<!tpu.dma_semaphore, #tpu.memory_space<semaphore_mem>>) src(%dma_wait3A_75 : memref<10000x128xf32, #tpu.memory_space<hbm>>) dst(%arg7 : memref<128x128xf32, #tpu.memory_space<vmem>>)
    %dma_start3A_76 = arith.constant 1 : i32
    %dma_start3A_77 = arith.constant 0 : i32
    %dma_start3A_78 = tpu.memref_slice %arg6[%dma_start3A_76, %dma_start3A_77] : memref<8x128xi32, #tpu.memory_space<vmem>> -> memref<1x128xi32, #tpu.memory_space<vmem>>
    %dma_start3A_79 = tpu.memref_squeeze %dma_start3A_78 : memref<1x128xi32, #tpu.memory_space<vmem>> -> memref<128xi32, #tpu.memory_space<vmem>>
    %dma_start3A_80 = arith.constant 0 : i32
    %dma_start3A_81 = arith.constant 0 : i32
    %dma_start3A_82 = tpu.memref_slice %arg9[%dma_start3A_80, %dma_start3A_81] : memref<10128x128xf32, #tpu.memory_space<vmem_shared>> -> memref<10128x128xf32, #tpu.memory_space<vmem_shared>>
    tpu.enqueue_indirect_dma source(%arg7 : memref<128x128xf32, #tpu.memory_space<vmem>>) target(%dma_start3A_82 : memref<10128x128xf32, #tpu.memory_space<vmem_shared>>) offsets(%dma_start3A_79 : memref<128xi32, #tpu.memory_space<vmem>>) semaphore(%arg11 : memref<!tpu.dma_semaphore, #tpu.memory_space<semaphore_mem>>) {add = true}
    %dma_wait3A_83 = arith.constant 0 : i32
    %dma_wait3A_84 = arith.constant 0 : i32
    %dma_wait3A_85 = tpu.memref_slice %arg6[%dma_wait3A_83, %dma_wait3A_84] : memref<8x128xi32, #tpu.memory_space<vmem>> -> memref<1x128xi32, #tpu.memory_space<vmem>>
    %dma_wait3A_86 = tpu.memref_squeeze %dma_wait3A_85 : memref<1x128xi32, #tpu.memory_space<vmem>> -> memref<128xi32, #tpu.memory_space<vmem>>
    %dma_wait3A_87 = arith.constant 0 : i32
    %dma_wait3A_88 = arith.constant 0 : i32
    %dma_wait3A_89 = tpu.memref_slice %arg2[%dma_wait3A_87, %dma_wait3A_88] : memref<10000x128xf32, #tpu.memory_space<hbm>> -> memref<10000x128xf32, #tpu.memory_space<hbm>>
    tpu.wait_indirect_dma semaphore(%arg13 : memref<!tpu.dma_semaphore, #tpu.memory_space<semaphore_mem>>) src(%dma_wait3A_89 : memref<10000x128xf32, #tpu.memory_space<hbm>>) dst(%arg12 : memref<128x128xf32, #tpu.memory_space<vmem>>)
    %dma_start3A_90 = arith.constant 3 : i32
    %dma_start3A_91 = arith.constant 0 : i32
    %dma_start3A_92 = tpu.memref_slice %arg6[%dma_start3A_90, %dma_start3A_91] : memref<8x128xi32, #tpu.memory_space<vmem>> -> memref<1x128xi32, #tpu.memory_space<vmem>>
    %dma_start3A_93 = tpu.memref_squeeze %dma_start3A_92 : memref<1x128xi32, #tpu.memory_space<vmem>> -> memref<128xi32, #tpu.memory_space<vmem>>
    %dma_start3A_94 = arith.constant 0 : i32
    %dma_start3A_95 = arith.constant 0 : i32
    %dma_start3A_96 = tpu.memref_slice %arg9[%dma_start3A_94, %dma_start3A_95] : memref<10128x128xf32, #tpu.memory_space<vmem_shared>> -> memref<10128x128xf32, #tpu.memory_space<vmem_shared>>
    tpu.enqueue_indirect_dma source(%arg12 : memref<128x128xf32, #tpu.memory_space<vmem>>) target(%dma_start3A_96 : memref<10128x128xf32, #tpu.memory_space<vmem_shared>>) offsets(%dma_start3A_93 : memref<128xi32, #tpu.memory_space<vmem>>) semaphore(%arg14 : memref<!tpu.dma_semaphore, #tpu.memory_space<semaphore_mem>>) {add = true}
    %dma_wait3A_97 = arith.constant 1 : i32
    %dma_wait3A_98 = arith.constant 0 : i32
    %dma_wait3A_99 = tpu.memref_slice %arg6[%dma_wait3A_97, %dma_wait3A_98] : memref<8x128xi32, #tpu.memory_space<vmem>> -> memref<1x128xi32, #tpu.memory_space<vmem>>
    %dma_wait3A_100 = tpu.memref_squeeze %dma_wait3A_99 : memref<1x128xi32, #tpu.memory_space<vmem>> -> memref<128xi32, #tpu.memory_space<vmem>>
    %dma_wait3A_101 = arith.constant 0 : i32
    %dma_wait3A_102 = arith.constant 0 : i32
    %dma_wait3A_103 = tpu.memref_slice %arg9[%dma_wait3A_101, %dma_wait3A_102] : memref<10128x128xf32, #tpu.memory_space<vmem_shared>> -> memref<10128x128xf32, #tpu.memory_space<vmem_shared>>
    tpu.wait_indirect_dma semaphore(%arg11 : memref<!tpu.dma_semaphore, #tpu.memory_space<semaphore_mem>>) src(%arg7 : memref<128x128xf32, #tpu.memory_space<vmem>>) dst(%dma_wait3A_103 : memref<10128x128xf32, #tpu.memory_space<vmem_shared>>)
    %dma_start3A_104 = arith.constant 4 : i32
    %dma_start3A_105 = arith.constant 0 : i32
    %dma_start3A_106 = tpu.memref_slice %arg6[%dma_start3A_104, %dma_start3A_105] : memref<8x128xi32, #tpu.memory_space<vmem>> -> memref<1x128xi32, #tpu.memory_space<vmem>>
    %dma_start3A_107 = tpu.memref_squeeze %dma_start3A_106 : memref<1x128xi32, #tpu.memory_space<vmem>> -> memref<128xi32, #tpu.memory_space<vmem>>
    %dma_start3A_108 = arith.constant 0 : i32
    %dma_start3A_109 = arith.constant 0 : i32
    %dma_start3A_110 = tpu.memref_slice %arg2[%dma_start3A_108, %dma_start3A_109] : memref<10000x128xf32, #tpu.memory_space<hbm>> -> memref<10000x128xf32, #tpu.memory_space<hbm>>
    tpu.enqueue_indirect_dma source(%dma_start3A_110 : memref<10000x128xf32, #tpu.memory_space<hbm>>) target(%arg7 : memref<128x128xf32, #tpu.memory_space<vmem>>) offsets(%dma_start3A_107 : memref<128xi32, #tpu.memory_space<vmem>>) semaphore(%arg10 : memref<!tpu.dma_semaphore, #tpu.memory_space<semaphore_mem>>)
    %dma_wait3A_111 = arith.constant 0 : i32
    %dma_wait3A_112 = arith.constant 0 : i32
    %dma_wait3A_113 = tpu.memref_slice %arg6[%dma_wait3A_111, %dma_wait3A_112] : memref<8x128xi32, #tpu.memory_space<vmem>> -> memref<1x128xi32, #tpu.memory_space<vmem>>
    %dma_wait3A_114 = tpu.memref_squeeze %dma_wait3A_113 : memref<1x128xi32, #tpu.memory_space<vmem>> -> memref<128xi32, #tpu.memory_space<vmem>>
    %dma_wait3A_115 = arith.constant 0 : i32
    %dma_wait3A_116 = arith.constant 0 : i32
    %dma_wait3A_117 = tpu.memref_slice %arg2[%dma_wait3A_115, %dma_wait3A_116] : memref<10000x128xf32, #tpu.memory_space<hbm>> -> memref<10000x128xf32, #tpu.memory_space<hbm>>
    tpu.wait_indirect_dma semaphore(%arg10 : memref<!tpu.dma_semaphore, #tpu.memory_space<semaphore_mem>>) src(%dma_wait3A_117 : memref<10000x128xf32, #tpu.memory_space<hbm>>) dst(%arg7 : memref<128x128xf32, #tpu.memory_space<vmem>>)
    %dma_start3A_118 = arith.constant 5 : i32
    %dma_start3A_119 = arith.constant 0 : i32
    %dma_start3A_120 = tpu.memref_slice %arg6[%dma_start3A_118, %dma_start3A_119] : memref<8x128xi32, #tpu.memory_space<vmem>> -> memref<1x128xi32, #tpu.memory_space<vmem>>
    %dma_start3A_121 = tpu.memref_squeeze %dma_start3A_120 : memref<1x128xi32, #tpu.memory_space<vmem>> -> memref<128xi32, #tpu.memory_space<vmem>>
    %dma_start3A_122 = arith.constant 0 : i32
    %dma_start3A_123 = arith.constant 0 : i32
    %dma_start3A_124 = tpu.memref_slice %arg9[%dma_start3A_122, %dma_start3A_123] : memref<10128x128xf32, #tpu.memory_space<vmem_shared>> -> memref<10128x128xf32, #tpu.memory_space<vmem_shared>>
    tpu.enqueue_indirect_dma source(%arg7 : memref<128x128xf32, #tpu.memory_space<vmem>>) target(%dma_start3A_124 : memref<10128x128xf32, #tpu.memory_space<vmem_shared>>) offsets(%dma_start3A_121 : memref<128xi32, #tpu.memory_space<vmem>>) semaphore(%arg11 : memref<!tpu.dma_semaphore, #tpu.memory_space<semaphore_mem>>) {add = true}
    %dma_wait3A_125 = arith.constant 1 : i32
    %dma_wait3A_126 = arith.constant 0 : i32
    %dma_wait3A_127 = tpu.memref_slice %arg6[%dma_wait3A_125, %dma_wait3A_126] : memref<8x128xi32, #tpu.memory_space<vmem>> -> memref<1x128xi32, #tpu.memory_space<vmem>>
    %dma_wait3A_128 = tpu.memref_squeeze %dma_wait3A_127 : memref<1x128xi32, #tpu.memory_space<vmem>> -> memref<128xi32, #tpu.memory_space<vmem>>
    %dma_wait3A_129 = arith.constant 0 : i32
    %dma_wait3A_130 = arith.constant 0 : i32
    %dma_wait3A_131 = tpu.memref_slice %arg9[%dma_wait3A_129, %dma_wait3A_130] : memref<10128x128xf32, #tpu.memory_space<vmem_shared>> -> memref<10128x128xf32, #tpu.memory_space<vmem_shared>>
    tpu.wait_indirect_dma semaphore(%arg11 : memref<!tpu.dma_semaphore, #tpu.memory_space<semaphore_mem>>) src(%arg7 : memref<128x128xf32, #tpu.memory_space<vmem>>) dst(%dma_wait3A_131 : memref<10128x128xf32, #tpu.memory_space<vmem_shared>>)
    %dma_wait3A_132 = arith.constant 1 : i32
    %dma_wait3A_133 = arith.constant 0 : i32
    %dma_wait3A_134 = tpu.memref_slice %arg6[%dma_wait3A_132, %dma_wait3A_133] : memref<8x128xi32, #tpu.memory_space<vmem>> -> memref<1x128xi32, #tpu.memory_space<vmem>>
    %dma_wait3A_135 = tpu.memref_squeeze %dma_wait3A_134 : memref<1x128xi32, #tpu.memory_space<vmem>> -> memref<128xi32, #tpu.memory_space<vmem>>
    %dma_wait3A_136 = arith.constant 0 : i32
    %dma_wait3A_137 = arith.constant 0 : i32
    %dma_wait3A_138 = tpu.memref_slice %arg9[%dma_wait3A_136, %dma_wait3A_137] : memref<10128x128xf32, #tpu.memory_space<vmem_shared>> -> memref<10128x128xf32, #tpu.memory_space<vmem_shared>>
    tpu.wait_indirect_dma semaphore(%arg14 : memref<!tpu.dma_semaphore, #tpu.memory_space<semaphore_mem>>) src(%arg12 : memref<128x128xf32, #tpu.memory_space<vmem>>) dst(%dma_wait3A_138 : memref<10128x128xf32, #tpu.memory_space<vmem_shared>>)
    %barrier3A_139 = arith.constant 0 : index
    tpu.barrier barrier_id(%barrier3A_139)
    %add3A_140 = arith.constant 0 : i32
    %add3A_141 = arith.addi %mul3A_8, %add3A_140 : i32
    "tpu.region"() ({
      %run_scoped3A = tpu.sem_alloc : memref<!tpu.dma_semaphore, #tpu.memory_space<semaphore_mem>>
      %dma_start3A_197 = arith.constant 0 : i32
      %dma_start3A_198 = tpu.memref_slice %arg9[%add3A_141, %dma_start3A_197] : memref<10128x128xf32, #tpu.memory_space<vmem_shared>> -> memref<48x128xf32, #tpu.memory_space<vmem_shared>>
      %dma_start3A_199 = arith.constant 0 : i32
      %dma_start3A_200 = tpu.memref_slice %arg9[%add3A_141, %dma_start3A_199] : memref<10128x128xf32, #tpu.memory_space<vmem_shared>> -> memref<48x128xf32, #tpu.memory_space<vmem_shared>>
      tpu.enqueue_dma source(%dma_start3A_200 : memref<48x128xf32, #tpu.memory_space<vmem_shared>>) target(%arg8 : memref<48x128xf32, #tpu.memory_space<vmem>>) target_semaphore(%run_scoped3A : memref<!tpu.dma_semaphore, #tpu.memory_space<semaphore_mem>>)
      %dma_wait3A_201 = arith.constant 0 : i32
      %dma_wait3A_202 = tpu.memref_slice %arg9[%add3A_141, %dma_wait3A_201] : memref<10128x128xf32, #tpu.memory_space<vmem_shared>> -> memref<48x128xf32, #tpu.memory_space<vmem_shared>>
      %dma_wait3A_203 = arith.constant 0 : i32
      %dma_wait3A_204 = tpu.memref_slice %arg9[%add3A_141, %dma_wait3A_203] : memref<10128x128xf32, #tpu.memory_space<vmem_shared>> -> memref<48x128xf32, #tpu.memory_space<vmem_shared>>
      tpu.wait_dma2 semaphore(%run_scoped3A : memref<!tpu.dma_semaphore, #tpu.memory_space<semaphore_mem>>) src(%dma_wait3A_204 : memref<48x128xf32, #tpu.memory_space<vmem_shared>>) dst(%arg8 : memref<48x128xf32, #tpu.memory_space<vmem>>)
      tpu.yield
    }) : () -> ()
    %add3A_142 = arith.constant 0 : i32
    %add3A_143 = arith.addi %mul3A_8, %add3A_142 : i32
    "tpu.region"() ({
      %run_scoped3A = tpu.sem_alloc : memref<!tpu.dma_semaphore, #tpu.memory_space<semaphore_mem>>
      %dma_start3A_197 = arith.constant 0 : i32
      %dma_start3A_198 = arith.constant 0 : i32
      %dma_start3A_199 = tpu.memref_slice %arg5[%arg0, %dma_start3A_197, %dma_start3A_198] : memref<2x10000x128xf32, #tpu.memory_space<hbm>> -> memref<1x10000x128xf32, #tpu.memory_space<hbm>>
      %dma_start3A_200 = tpu.memref_squeeze %dma_start3A_199 : memref<1x10000x128xf32, #tpu.memory_space<hbm>> -> memref<10000x128xf32, #tpu.memory_space<hbm>>
      %dma_start3A_201 = arith.constant 0 : i32
      %dma_start3A_202 = tpu.memref_slice %dma_start3A_200[%add3A_143, %dma_start3A_201] : memref<10000x128xf32, #tpu.memory_space<hbm>> -> memref<48x128xf32, #tpu.memory_space<hbm>>
      %dma_start3A_203 = arith.constant 0 : i32
      %dma_start3A_204 = arith.constant 0 : i32
      %dma_start3A_205 = tpu.memref_slice %arg5[%arg0, %dma_start3A_203, %dma_start3A_204] : memref<2x10000x128xf32, #tpu.memory_space<hbm>> -> memref<1x10000x128xf32, #tpu.memory_space<hbm>>
      %dma_start3A_206 = tpu.memref_squeeze %dma_start3A_205 : memref<1x10000x128xf32, #tpu.memory_space<hbm>> -> memref<10000x128xf32, #tpu.memory_space<hbm>>
      %dma_start3A_207 = arith.constant 0 : i32
      %dma_start3A_208 = tpu.memref_slice %dma_start3A_206[%add3A_143, %dma_start3A_207] : memref<10000x128xf32, #tpu.memory_space<hbm>> -> memref<48x128xf32, #tpu.memory_space<hbm>>
      tpu.enqueue_dma source(%arg8 : memref<48x128xf32, #tpu.memory_space<vmem>>) target(%dma_start3A_208 : memref<48x128xf32, #tpu.memory_space<hbm>>) target_semaphore(%run_scoped3A : memref<!tpu.dma_semaphore, #tpu.memory_space<semaphore_mem>>)
      %dma_wait3A_209 = arith.constant 0 : i32
      %dma_wait3A_210 = arith.constant 0 : i32
      %dma_wait3A_211 = tpu.memref_slice %arg5[%arg0, %dma_wait3A_209, %dma_wait3A_210] : memref<2x10000x128xf32, #tpu.memory_space<hbm>> -> memref<1x10000x128xf32, #tpu.memory_space<hbm>>
      %dma_wait3A_212 = tpu.memref_squeeze %dma_wait3A_211 : memref<1x10000x128xf32, #tpu.memory_space<hbm>> -> memref<10000x128xf32, #tpu.memory_space<hbm>>
      %dma_wait3A_213 = arith.constant 0 : i32
      %dma_wait3A_214 = tpu.memref_slice %dma_wait3A_212[%add3A_143, %dma_wait3A_213] : memref<10000x128xf32, #tpu.memory_space<hbm>> -> memref<48x128xf32, #tpu.memory_space<hbm>>
      %dma_wait3A_215 = arith.constant 0 : i32
      %dma_wait3A_216 = arith.constant 0 : i32
      %dma_wait3A_217 = tpu.memref_slice %arg5[%arg0, %dma_wait3A_215, %dma_wait3A_216] : memref<2x10000x128xf32, #tpu.memory_space<hbm>> -> memref<1x10000x128xf32, #tpu.memory_space<hbm>>
      %dma_wait3A_218 = tpu.memref_squeeze %dma_wait3A_217 : memref<1x10000x128xf32, #tpu.memory_space<hbm>> -> memref<10000x128xf32, #tpu.memory_space<hbm>>
      %dma_wait3A_219 = arith.constant 0 : i32
      %dma_wait3A_220 = tpu.memref_slice %dma_wait3A_218[%add3A_143, %dma_wait3A_219] : memref<10000x128xf32, #tpu.memory_space<hbm>> -> memref<48x128xf32, #tpu.memory_space<hbm>>
      tpu.wait_dma2 semaphore(%run_scoped3A : memref<!tpu.dma_semaphore, #tpu.memory_space<semaphore_mem>>) src(%arg8 : memref<48x128xf32, #tpu.memory_space<vmem>>) dst(%dma_wait3A_220 : memref<48x128xf32, #tpu.memory_space<hbm>>)
      tpu.yield
    }) : () -> ()
    %add3A_144 = arith.constant 48 : i32
    %add3A_145 = arith.addi %mul3A_8, %add3A_144 : i32
    "tpu.region"() ({
      %run_scoped3A = tpu.sem_alloc : memref<!tpu.dma_semaphore, #tpu.memory_space<semaphore_mem>>
      %dma_start3A_197 = arith.constant 0 : i32
      %dma_start3A_198 = tpu.memref_slice %arg9[%add3A_145, %dma_start3A_197] : memref<10128x128xf32, #tpu.memory_space<vmem_shared>> -> memref<48x128xf32, #tpu.memory_space<vmem_shared>>
      %dma_start3A_199 = arith.constant 0 : i32
      %dma_start3A_200 = tpu.memref_slice %arg9[%add3A_145, %dma_start3A_199] : memref<10128x128xf32, #tpu.memory_space<vmem_shared>> -> memref<48x128xf32, #tpu.memory_space<vmem_shared>>
      tpu.enqueue_dma source(%dma_start3A_200 : memref<48x128xf32, #tpu.memory_space<vmem_shared>>) target(%arg8 : memref<48x128xf32, #tpu.memory_space<vmem>>) target_semaphore(%run_scoped3A : memref<!tpu.dma_semaphore, #tpu.memory_space<semaphore_mem>>)
      %dma_wait3A_201 = arith.constant 0 : i32
      %dma_wait3A_202 = tpu.memref_slice %arg9[%add3A_145, %dma_wait3A_201] : memref<10128x128xf32, #tpu.memory_space<vmem_shared>> -> memref<48x128xf32, #tpu.memory_space<vmem_shared>>
      %dma_wait3A_203 = arith.constant 0 : i32
      %dma_wait3A_204 = tpu.memref_slice %arg9[%add3A_145, %dma_wait3A_203] : memref<10128x128xf32, #tpu.memory_space<vmem_shared>> -> memref<48x128xf32, #tpu.memory_space<vmem_shared>>
      tpu.wait_dma2 semaphore(%run_scoped3A : memref<!tpu.dma_semaphore, #tpu.memory_space<semaphore_mem>>) src(%dma_wait3A_204 : memref<48x128xf32, #tpu.memory_space<vmem_shared>>) dst(%arg8 : memref<48x128xf32, #tpu.memory_space<vmem>>)
      tpu.yield
    }) : () -> ()
    %add3A_146 = arith.constant 48 : i32
    %add3A_147 = arith.addi %mul3A_8, %add3A_146 : i32
    "tpu.region"() ({
      %run_scoped3A = tpu.sem_alloc : memref<!tpu.dma_semaphore, #tpu.memory_space<semaphore_mem>>
      %dma_start3A_197 = arith.constant 0 : i32
      %dma_start3A_198 = arith.constant 0 : i32
      %dma_start3A_199 = tpu.memref_slice %arg5[%arg0, %dma_start3A_197, %dma_start3A_198] : memref<2x10000x128xf32, #tpu.memory_space<hbm>> -> memref<1x10000x128xf32, #tpu.memory_space<hbm>>
      %dma_start3A_200 = tpu.memref_squeeze %dma_start3A_199 : memref<1x10000x128xf32, #tpu.memory_space<hbm>> -> memref<10000x128xf32, #tpu.memory_space<hbm>>
      %dma_start3A_201 = arith.constant 0 : i32
      %dma_start3A_202 = tpu.memref_slice %dma_start3A_200[%add3A_147, %dma_start3A_201] : memref<10000x128xf32, #tpu.memory_space<hbm>> -> memref<48x128xf32, #tpu.memory_space<hbm>>
      %dma_start3A_203 = arith.constant 0 : i32
      %dma_start3A_204 = arith.constant 0 : i32
      %dma_start3A_205 = tpu.memref_slice %arg5[%arg0, %dma_start3A_203, %dma_start3A_204] : memref<2x10000x128xf32, #tpu.memory_space<hbm>> -> memref<1x10000x128xf32, #tpu.memory_space<hbm>>
      %dma_start3A_206 = tpu.memref_squeeze %dma_start3A_205 : memref<1x10000x128xf32, #tpu.memory_space<hbm>> -> memref<10000x128xf32, #tpu.memory_space<hbm>>
      %dma_start3A_207 = arith.constant 0 : i32
      %dma_start3A_208 = tpu.memref_slice %dma_start3A_206[%add3A_147, %dma_start3A_207] : memref<10000x128xf32, #tpu.memory_space<hbm>> -> memref<48x128xf32, #tpu.memory_space<hbm>>
      tpu.enqueue_dma source(%arg8 : memref<48x128xf32, #tpu.memory_space<vmem>>) target(%dma_start3A_208 : memref<48x128xf32, #tpu.memory_space<hbm>>) target_semaphore(%run_scoped3A : memref<!tpu.dma_semaphore, #tpu.memory_space<semaphore_mem>>)
      %dma_wait3A_209 = arith.constant 0 : i32
      %dma_wait3A_210 = arith.constant 0 : i32
      %dma_wait3A_211 = tpu.memref_slice %arg5[%arg0, %dma_wait3A_209, %dma_wait3A_210] : memref<2x10000x128xf32, #tpu.memory_space<hbm>> -> memref<1x10000x128xf32, #tpu.memory_space<hbm>>
      %dma_wait3A_212 = tpu.memref_squeeze %dma_wait3A_211 : memref<1x10000x128xf32, #tpu.memory_space<hbm>> -> memref<10000x128xf32, #tpu.memory_space<hbm>>
      %dma_wait3A_213 = arith.constant 0 : i32
      %dma_wait3A_214 = tpu.memref_slice %dma_wait3A_212[%add3A_147, %dma_wait3A_213] : memref<10000x128xf32, #tpu.memory_space<hbm>> -> memref<48x128xf32, #tpu.memory_space<hbm>>
      %dma_wait3A_215 = arith.constant 0 : i32
      %dma_wait3A_216 = arith.constant 0 : i32
      %dma_wait3A_217 = tpu.memref_slice %arg5[%arg0, %dma_wait3A_215, %dma_wait3A_216] : memref<2x10000x128xf32, #tpu.memory_space<hbm>> -> memref<1x10000x128xf32, #tpu.memory_space<hbm>>
      %dma_wait3A_218 = tpu.memref_squeeze %dma_wait3A_217 : memref<1x10000x128xf32, #tpu.memory_space<hbm>> -> memref<10000x128xf32, #tpu.memory_space<hbm>>
      %dma_wait3A_219 = arith.constant 0 : i32
      %dma_wait3A_220 = tpu.memref_slice %dma_wait3A_218[%add3A_147, %dma_wait3A_219] : memref<10000x128xf32, #tpu.memory_space<hbm>> -> memref<48x128xf32, #tpu.memory_space<hbm>>
      tpu.wait_dma2 semaphore(%run_scoped3A : memref<!tpu.dma_semaphore, #tpu.memory_space<semaphore_mem>>) src(%arg8 : memref<48x128xf32, #tpu.memory_space<vmem>>) dst(%dma_wait3A_220 : memref<48x128xf32, #tpu.memory_space<hbm>>)
      tpu.yield
    }) : () -> ()
    %add3A_148 = arith.constant 96 : i32
    %add3A_149 = arith.addi %mul3A_8, %add3A_148 : i32
    "tpu.region"() ({
      %run_scoped3A = tpu.sem_alloc : memref<!tpu.dma_semaphore, #tpu.memory_space<semaphore_mem>>
      %dma_start3A_197 = arith.constant 0 : i32
      %dma_start3A_198 = tpu.memref_slice %arg9[%add3A_149, %dma_start3A_197] : memref<10128x128xf32, #tpu.memory_space<vmem_shared>> -> memref<48x128xf32, #tpu.memory_space<vmem_shared>>
      %dma_start3A_199 = arith.constant 0 : i32
      %dma_start3A_200 = tpu.memref_slice %arg9[%add3A_149, %dma_start3A_199] : memref<10128x128xf32, #tpu.memory_space<vmem_shared>> -> memref<48x128xf32, #tpu.memory_space<vmem_shared>>
      tpu.enqueue_dma source(%dma_start3A_200 : memref<48x128xf32, #tpu.memory_space<vmem_shared>>) target(%arg8 : memref<48x128xf32, #tpu.memory_space<vmem>>) target_semaphore(%run_scoped3A : memref<!tpu.dma_semaphore, #tpu.memory_space<semaphore_mem>>)
      %dma_wait3A_201 = arith.constant 0 : i32
      %dma_wait3A_202 = tpu.memref_slice %arg9[%add3A_149, %dma_wait3A_201] : memref<10128x128xf32, #tpu.memory_space<vmem_shared>> -> memref<48x128xf32, #tpu.memory_space<vmem_shared>>
      %dma_wait3A_203 = arith.constant 0 : i32
      %dma_wait3A_204 = tpu.memref_slice %arg9[%add3A_149, %dma_wait3A_203] : memref<10128x128xf32, #tpu.memory_space<vmem_shared>> -> memref<48x128xf32, #tpu.memory_space<vmem_shared>>
      tpu.wait_dma2 semaphore(%run_scoped3A : memref<!tpu.dma_semaphore, #tpu.memory_space<semaphore_mem>>) src(%dma_wait3A_204 : memref<48x128xf32, #tpu.memory_space<vmem_shared>>) dst(%arg8 : memref<48x128xf32, #tpu.memory_space<vmem>>)
      tpu.yield
    }) : () -> ()
    %add3A_150 = arith.constant 96 : i32
    %add3A_151 = arith.addi %mul3A_8, %add3A_150 : i32
    "tpu.region"() ({
      %run_scoped3A = tpu.sem_alloc : memref<!tpu.dma_semaphore, #tpu.memory_space<semaphore_mem>>
      %dma_start3A_197 = arith.constant 0 : i32
      %dma_start3A_198 = arith.constant 0 : i32
      %dma_start3A_199 = tpu.memref_slice %arg5[%arg0, %dma_start3A_197, %dma_start3A_198] : memref<2x10000x128xf32, #tpu.memory_space<hbm>> -> memref<1x10000x128xf32, #tpu.memory_space<hbm>>
      %dma_start3A_200 = tpu.memref_squeeze %dma_start3A_199 : memref<1x10000x128xf32, #tpu.memory_space<hbm>> -> memref<10000x128xf32, #tpu.memory_space<hbm>>
      %dma_start3A_201 = arith.constant 0 : i32
      %dma_start3A_202 = tpu.memref_slice %dma_start3A_200[%add3A_151, %dma_start3A_201] : memref<10000x128xf32, #tpu.memory_space<hbm>> -> memref<48x128xf32, #tpu.memory_space<hbm>>
      %dma_start3A_203 = arith.constant 0 : i32
      %dma_start3A_204 = arith.constant 0 : i32
      %dma_start3A_205 = tpu.memref_slice %arg5[%arg0, %dma_start3A_203, %dma_start3A_204] : memref<2x10000x128xf32, #tpu.memory_space<hbm>> -> memref<1x10000x128xf32, #tpu.memory_space<hbm>>
      %dma_start3A_206 = tpu.memref_squeeze %dma_start3A_205 : memref<1x10000x128xf32, #tpu.memory_space<hbm>> -> memref<10000x128xf32, #tpu.memory_space<hbm>>
      %dma_start3A_207 = arith.constant 0 : i32
      %dma_start3A_208 = tpu.memref_slice %dma_start3A_206[%add3A_151, %dma_start3A_207] : memref<10000x128xf32, #tpu.memory_space<hbm>> -> memref<48x128xf32, #tpu.memory_space<hbm>>
      tpu.enqueue_dma source(%arg8 : memref<48x128xf32, #tpu.memory_space<vmem>>) target(%dma_start3A_208 : memref<48x128xf32, #tpu.memory_space<hbm>>) target_semaphore(%run_scoped3A : memref<!tpu.dma_semaphore, #tpu.memory_space<semaphore_mem>>)
      %dma_wait3A_209 = arith.constant 0 : i32
      %dma_wait3A_210 = arith.constant 0 : i32
      %dma_wait3A_211 = tpu.memref_slice %arg5[%arg0, %dma_wait3A_209, %dma_wait3A_210] : memref<2x10000x128xf32, #tpu.memory_space<hbm>> -> memref<1x10000x128xf32, #tpu.memory_space<hbm>>
      %dma_wait3A_212 = tpu.memref_squeeze %dma_wait3A_211 : memref<1x10000x128xf32, #tpu.memory_space<hbm>> -> memref<10000x128xf32, #tpu.memory_space<hbm>>
      %dma_wait3A_213 = arith.constant 0 : i32
      %dma_wait3A_214 = tpu.memref_slice %dma_wait3A_212[%add3A_151, %dma_wait3A_213] : memref<10000x128xf32, #tpu.memory_space<hbm>> -> memref<48x128xf32, #tpu.memory_space<hbm>>
      %dma_wait3A_215 = arith.constant 0 : i32
      %dma_wait3A_216 = arith.constant 0 : i32
      %dma_wait3A_217 = tpu.memref_slice %arg5[%arg0, %dma_wait3A_215, %dma_wait3A_216] : memref<2x10000x128xf32, #tpu.memory_space<hbm>> -> memref<1x10000x128xf32, #tpu.memory_space<hbm>>
      %dma_wait3A_218 = tpu.memref_squeeze %dma_wait3A_217 : memref<1x10000x128xf32, #tpu.memory_space<hbm>> -> memref<10000x128xf32, #tpu.memory_space<hbm>>
      %dma_wait3A_219 = arith.constant 0 : i32
      %dma_wait3A_220 = tpu.memref_slice %dma_wait3A_218[%add3A_151, %dma_wait3A_219] : memref<10000x128xf32, #tpu.memory_space<hbm>> -> memref<48x128xf32, #tpu.memory_space<hbm>>
      tpu.wait_dma2 semaphore(%run_scoped3A : memref<!tpu.dma_semaphore, #tpu.memory_space<semaphore_mem>>) src(%arg8 : memref<48x128xf32, #tpu.memory_space<vmem>>) dst(%dma_wait3A_220 : memref<48x128xf32, #tpu.memory_space<hbm>>)
      tpu.yield
    }) : () -> ()
    %add3A_152 = arith.constant 144 : i32
    %add3A_153 = arith.addi %mul3A_8, %add3A_152 : i32
    "tpu.region"() ({
      %run_scoped3A = tpu.sem_alloc : memref<!tpu.dma_semaphore, #tpu.memory_space<semaphore_mem>>
      %dma_start3A_197 = arith.constant 0 : i32
      %dma_start3A_198 = tpu.memref_slice %arg9[%add3A_153, %dma_start3A_197] : memref<10128x128xf32, #tpu.memory_space<vmem_shared>> -> memref<48x128xf32, #tpu.memory_space<vmem_shared>>
      %dma_start3A_199 = arith.constant 0 : i32
      %dma_start3A_200 = tpu.memref_slice %arg9[%add3A_153, %dma_start3A_199] : memref<10128x128xf32, #tpu.memory_space<vmem_shared>> -> memref<48x128xf32, #tpu.memory_space<vmem_shared>>
      tpu.enqueue_dma source(%dma_start3A_200 : memref<48x128xf32, #tpu.memory_space<vmem_shared>>) target(%arg8 : memref<48x128xf32, #tpu.memory_space<vmem>>) target_semaphore(%run_scoped3A : memref<!tpu.dma_semaphore, #tpu.memory_space<semaphore_mem>>)
      %dma_wait3A_201 = arith.constant 0 : i32
      %dma_wait3A_202 = tpu.memref_slice %arg9[%add3A_153, %dma_wait3A_201] : memref<10128x128xf32, #tpu.memory_space<vmem_shared>> -> memref<48x128xf32, #tpu.memory_space<vmem_shared>>
      %dma_wait3A_203 = arith.constant 0 : i32
      %dma_wait3A_204 = tpu.memref_slice %arg9[%add3A_153, %dma_wait3A_203] : memref<10128x128xf32, #tpu.memory_space<vmem_shared>> -> memref<48x128xf32, #tpu.memory_space<vmem_shared>>
      tpu.wait_dma2 semaphore(%run_scoped3A : memref<!tpu.dma_semaphore, #tpu.memory_space<semaphore_mem>>) src(%dma_wait3A_204 : memref<48x128xf32, #tpu.memory_space<vmem_shared>>) dst(%arg8 : memref<48x128xf32, #tpu.memory_space<vmem>>)
      tpu.yield
    }) : () -> ()
    %add3A_154 = arith.constant 144 : i32
    %add3A_155 = arith.addi %mul3A_8, %add3A_154 : i32
    "tpu.region"() ({
      %run_scoped3A = tpu.sem_alloc : memref<!tpu.dma_semaphore, #tpu.memory_space<semaphore_mem>>
      %dma_start3A_197 = arith.constant 0 : i32
      %dma_start3A_198 = arith.constant 0 : i32
      %dma_start3A_199 = tpu.memref_slice %arg5[%arg0, %dma_start3A_197, %dma_start3A_198] : memref<2x10000x128xf32, #tpu.memory_space<hbm>> -> memref<1x10000x128xf32, #tpu.memory_space<hbm>>
      %dma_start3A_200 = tpu.memref_squeeze %dma_start3A_199 : memref<1x10000x128xf32, #tpu.memory_space<hbm>> -> memref<10000x128xf32, #tpu.memory_space<hbm>>
      %dma_start3A_201 = arith.constant 0 : i32
      %dma_start3A_202 = tpu.memref_slice %dma_start3A_200[%add3A_155, %dma_start3A_201] : memref<10000x128xf32, #tpu.memory_space<hbm>> -> memref<48x128xf32, #tpu.memory_space<hbm>>
      %dma_start3A_203 = arith.constant 0 : i32
      %dma_start3A_204 = arith.constant 0 : i32
      %dma_start3A_205 = tpu.memref_slice %arg5[%arg0, %dma_start3A_203, %dma_start3A_204] : memref<2x10000x128xf32, #tpu.memory_space<hbm>> -> memref<1x10000x128xf32, #tpu.memory_space<hbm>>
      %dma_start3A_206 = tpu.memref_squeeze %dma_start3A_205 : memref<1x10000x128xf32, #tpu.memory_space<hbm>> -> memref<10000x128xf32, #tpu.memory_space<hbm>>
      %dma_start3A_207 = arith.constant 0 : i32
      %dma_start3A_208 = tpu.memref_slice %dma_start3A_206[%add3A_155, %dma_start3A_207] : memref<10000x128xf32, #tpu.memory_space<hbm>> -> memref<48x128xf32, #tpu.memory_space<hbm>>
      tpu.enqueue_dma source(%arg8 : memref<48x128xf32, #tpu.memory_space<vmem>>) target(%dma_start3A_208 : memref<48x128xf32, #tpu.memory_space<hbm>>) target_semaphore(%run_scoped3A : memref<!tpu.dma_semaphore, #tpu.memory_space<semaphore_mem>>)
      %dma_wait3A_209 = arith.constant 0 : i32
      %dma_wait3A_210 = arith.constant 0 : i32
      %dma_wait3A_211 = tpu.memref_slice %arg5[%arg0, %dma_wait3A_209, %dma_wait3A_210] : memref<2x10000x128xf32, #tpu.memory_space<hbm>> -> memref<1x10000x128xf32, #tpu.memory_space<hbm>>
      %dma_wait3A_212 = tpu.memref_squeeze %dma_wait3A_211 : memref<1x10000x128xf32, #tpu.memory_space<hbm>> -> memref<10000x128xf32, #tpu.memory_space<hbm>>
      %dma_wait3A_213 = arith.constant 0 : i32
      %dma_wait3A_214 = tpu.memref_slice %dma_wait3A_212[%add3A_155, %dma_wait3A_213] : memref<10000x128xf32, #tpu.memory_space<hbm>> -> memref<48x128xf32, #tpu.memory_space<hbm>>
      %dma_wait3A_215 = arith.constant 0 : i32
      %dma_wait3A_216 = arith.constant 0 : i32
      %dma_wait3A_217 = tpu.memref_slice %arg5[%arg0, %dma_wait3A_215, %dma_wait3A_216] : memref<2x10000x128xf32, #tpu.memory_space<hbm>> -> memref<1x10000x128xf32, #tpu.memory_space<hbm>>
      %dma_wait3A_218 = tpu.memref_squeeze %dma_wait3A_217 : memref<1x10000x128xf32, #tpu.memory_space<hbm>> -> memref<10000x128xf32, #tpu.memory_space<hbm>>
      %dma_wait3A_219 = arith.constant 0 : i32
      %dma_wait3A_220 = tpu.memref_slice %dma_wait3A_218[%add3A_155, %dma_wait3A_219] : memref<10000x128xf32, #tpu.memory_space<hbm>> -> memref<48x128xf32, #tpu.memory_space<hbm>>
      tpu.wait_dma2 semaphore(%run_scoped3A : memref<!tpu.dma_semaphore, #tpu.memory_space<semaphore_mem>>) src(%arg8 : memref<48x128xf32, #tpu.memory_space<vmem>>) dst(%dma_wait3A_220 : memref<48x128xf32, #tpu.memory_space<hbm>>)
      tpu.yield
    }) : () -> ()
    %add3A_156 = arith.constant 192 : i32
    %add3A_157 = arith.addi %mul3A_8, %add3A_156 : i32
    "tpu.region"() ({
      %run_scoped3A = tpu.sem_alloc : memref<!tpu.dma_semaphore, #tpu.memory_space<semaphore_mem>>
      %dma_start3A_197 = arith.constant 0 : i32
      %dma_start3A_198 = tpu.memref_slice %arg9[%add3A_157, %dma_start3A_197] : memref<10128x128xf32, #tpu.memory_space<vmem_shared>> -> memref<48x128xf32, #tpu.memory_space<vmem_shared>>
      %dma_start3A_199 = arith.constant 0 : i32
      %dma_start3A_200 = tpu.memref_slice %arg9[%add3A_157, %dma_start3A_199] : memref<10128x128xf32, #tpu.memory_space<vmem_shared>> -> memref<48x128xf32, #tpu.memory_space<vmem_shared>>
      tpu.enqueue_dma source(%dma_start3A_200 : memref<48x128xf32, #tpu.memory_space<vmem_shared>>) target(%arg8 : memref<48x128xf32, #tpu.memory_space<vmem>>) target_semaphore(%run_scoped3A : memref<!tpu.dma_semaphore, #tpu.memory_space<semaphore_mem>>)
      %dma_wait3A_201 = arith.constant 0 : i32
      %dma_wait3A_202 = tpu.memref_slice %arg9[%add3A_157, %dma_wait3A_201] : memref<10128x128xf32, #tpu.memory_space<vmem_shared>> -> memref<48x128xf32, #tpu.memory_space<vmem_shared>>
      %dma_wait3A_203 = arith.constant 0 : i32
      %dma_wait3A_204 = tpu.memref_slice %arg9[%add3A_157, %dma_wait3A_203] : memref<10128x128xf32, #tpu.memory_space<vmem_shared>> -> memref<48x128xf32, #tpu.memory_space<vmem_shared>>
      tpu.wait_dma2 semaphore(%run_scoped3A : memref<!tpu.dma_semaphore, #tpu.memory_space<semaphore_mem>>) src(%dma_wait3A_204 : memref<48x128xf32, #tpu.memory_space<vmem_shared>>) dst(%arg8 : memref<48x128xf32, #tpu.memory_space<vmem>>)
      tpu.yield
    }) : () -> ()
    %add3A_158 = arith.constant 192 : i32
    %add3A_159 = arith.addi %mul3A_8, %add3A_158 : i32
    "tpu.region"() ({
      %run_scoped3A = tpu.sem_alloc : memref<!tpu.dma_semaphore, #tpu.memory_space<semaphore_mem>>
      %dma_start3A_197 = arith.constant 0 : i32
      %dma_start3A_198 = arith.constant 0 : i32
      %dma_start3A_199 = tpu.memref_slice %arg5[%arg0, %dma_start3A_197, %dma_start3A_198] : memref<2x10000x128xf32, #tpu.memory_space<hbm>> -> memref<1x10000x128xf32, #tpu.memory_space<hbm>>
      %dma_start3A_200 = tpu.memref_squeeze %dma_start3A_199 : memref<1x10000x128xf32, #tpu.memory_space<hbm>> -> memref<10000x128xf32, #tpu.memory_space<hbm>>
      %dma_start3A_201 = arith.constant 0 : i32
      %dma_start3A_202 = tpu.memref_slice %dma_start3A_200[%add3A_159, %dma_start3A_201] : memref<10000x128xf32, #tpu.memory_space<hbm>> -> memref<48x128xf32, #tpu.memory_space<hbm>>
      %dma_start3A_203 = arith.constant 0 : i32
      %dma_start3A_204 = arith.constant 0 : i32
      %dma_start3A_205 = tpu.memref_slice %arg5[%arg0, %dma_start3A_203, %dma_start3A_204] : memref<2x10000x128xf32, #tpu.memory_space<hbm>> -> memref<1x10000x128xf32, #tpu.memory_space<hbm>>
      %dma_start3A_206 = tpu.memref_squeeze %dma_start3A_205 : memref<1x10000x128xf32, #tpu.memory_space<hbm>> -> memref<10000x128xf32, #tpu.memory_space<hbm>>
      %dma_start3A_207 = arith.constant 0 : i32
      %dma_start3A_208 = tpu.memref_slice %dma_start3A_206[%add3A_159, %dma_start3A_207] : memref<10000x128xf32, #tpu.memory_space<hbm>> -> memref<48x128xf32, #tpu.memory_space<hbm>>
      tpu.enqueue_dma source(%arg8 : memref<48x128xf32, #tpu.memory_space<vmem>>) target(%dma_start3A_208 : memref<48x128xf32, #tpu.memory_space<hbm>>) target_semaphore(%run_scoped3A : memref<!tpu.dma_semaphore, #tpu.memory_space<semaphore_mem>>)
      %dma_wait3A_209 = arith.constant 0 : i32
      %dma_wait3A_210 = arith.constant 0 : i32
      %dma_wait3A_211 = tpu.memref_slice %arg5[%arg0, %dma_wait3A_209, %dma_wait3A_210] : memref<2x10000x128xf32, #tpu.memory_space<hbm>> -> memref<1x10000x128xf32, #tpu.memory_space<hbm>>
      %dma_wait3A_212 = tpu.memref_squeeze %dma_wait3A_211 : memref<1x10000x128xf32, #tpu.memory_space<hbm>> -> memref<10000x128xf32, #tpu.memory_space<hbm>>
      %dma_wait3A_213 = arith.constant 0 : i32
      %dma_wait3A_214 = tpu.memref_slice %dma_wait3A_212[%add3A_159, %dma_wait3A_213] : memref<10000x128xf32, #tpu.memory_space<hbm>> -> memref<48x128xf32, #tpu.memory_space<hbm>>
      %dma_wait3A_215 = arith.constant 0 : i32
      %dma_wait3A_216 = arith.constant 0 : i32
      %dma_wait3A_217 = tpu.memref_slice %arg5[%arg0, %dma_wait3A_215, %dma_wait3A_216] : memref<2x10000x128xf32, #tpu.memory_space<hbm>> -> memref<1x10000x128xf32, #tpu.memory_space<hbm>>
      %dma_wait3A_218 = tpu.memref_squeeze %dma_wait3A_217 : memref<1x10000x128xf32, #tpu.memory_space<hbm>> -> memref<10000x128xf32, #tpu.memory_space<hbm>>
      %dma_wait3A_219 = arith.constant 0 : i32
      %dma_wait3A_220 = tpu.memref_slice %dma_wait3A_218[%add3A_159, %dma_wait3A_219] : memref<10000x128xf32, #tpu.memory_space<hbm>> -> memref<48x128xf32, #tpu.memory_space<hbm>>
      tpu.wait_dma2 semaphore(%run_scoped3A : memref<!tpu.dma_semaphore, #tpu.memory_space<semaphore_mem>>) src(%arg8 : memref<48x128xf32, #tpu.memory_space<vmem>>) dst(%dma_wait3A_220 : memref<48x128xf32, #tpu.memory_space<hbm>>)
      tpu.yield
    }) : () -> ()
    %add3A_160 = arith.constant 240 : i32
    %add3A_161 = arith.addi %mul3A_8, %add3A_160 : i32
    "tpu.region"() ({
      %run_scoped3A = tpu.sem_alloc : memref<!tpu.dma_semaphore, #tpu.memory_space<semaphore_mem>>
      %dma_start3A_197 = arith.constant 0 : i32
      %dma_start3A_198 = tpu.memref_slice %arg9[%add3A_161, %dma_start3A_197] : memref<10128x128xf32, #tpu.memory_space<vmem_shared>> -> memref<48x128xf32, #tpu.memory_space<vmem_shared>>
      %dma_start3A_199 = arith.constant 0 : i32
      %dma_start3A_200 = tpu.memref_slice %arg9[%add3A_161, %dma_start3A_199] : memref<10128x128xf32, #tpu.memory_space<vmem_shared>> -> memref<48x128xf32, #tpu.memory_space<vmem_shared>>
      tpu.enqueue_dma source(%dma_start3A_200 : memref<48x128xf32, #tpu.memory_space<vmem_shared>>) target(%arg8 : memref<48x128xf32, #tpu.memory_space<vmem>>) target_semaphore(%run_scoped3A : memref<!tpu.dma_semaphore, #tpu.memory_space<semaphore_mem>>)
      %dma_wait3A_201 = arith.constant 0 : i32
      %dma_wait3A_202 = tpu.memref_slice %arg9[%add3A_161, %dma_wait3A_201] : memref<10128x128xf32, #tpu.memory_space<vmem_shared>> -> memref<48x128xf32, #tpu.memory_space<vmem_shared>>
      %dma_wait3A_203 = arith.constant 0 : i32
      %dma_wait3A_204 = tpu.memref_slice %arg9[%add3A_161, %dma_wait3A_203] : memref<10128x128xf32, #tpu.memory_space<vmem_shared>> -> memref<48x128xf32, #tpu.memory_space<vmem_shared>>
      tpu.wait_dma2 semaphore(%run_scoped3A : memref<!tpu.dma_semaphore, #tpu.memory_space<semaphore_mem>>) src(%dma_wait3A_204 : memref<48x128xf32, #tpu.memory_space<vmem_shared>>) dst(%arg8 : memref<48x128xf32, #tpu.memory_space<vmem>>)
      tpu.yield
    }) : () -> ()
    %add3A_162 = arith.constant 240 : i32
    %add3A_163 = arith.addi %mul3A_8, %add3A_162 : i32
    "tpu.region"() ({
      %run_scoped3A = tpu.sem_alloc : memref<!tpu.dma_semaphore, #tpu.memory_space<semaphore_mem>>
      %dma_start3A_197 = arith.constant 0 : i32
      %dma_start3A_198 = arith.constant 0 : i32
      %dma_start3A_199 = tpu.memref_slice %arg5[%arg0, %dma_start3A_197, %dma_start3A_198] : memref<2x10000x128xf32, #tpu.memory_space<hbm>> -> memref<1x10000x128xf32, #tpu.memory_space<hbm>>
      %dma_start3A_200 = tpu.memref_squeeze %dma_start3A_199 : memref<1x10000x128xf32, #tpu.memory_space<hbm>> -> memref<10000x128xf32, #tpu.memory_space<hbm>>
      %dma_start3A_201 = arith.constant 0 : i32
      %dma_start3A_202 = tpu.memref_slice %dma_start3A_200[%add3A_163, %dma_start3A_201] : memref<10000x128xf32, #tpu.memory_space<hbm>> -> memref<48x128xf32, #tpu.memory_space<hbm>>
      %dma_start3A_203 = arith.constant 0 : i32
      %dma_start3A_204 = arith.constant 0 : i32
      %dma_start3A_205 = tpu.memref_slice %arg5[%arg0, %dma_start3A_203, %dma_start3A_204] : memref<2x10000x128xf32, #tpu.memory_space<hbm>> -> memref<1x10000x128xf32, #tpu.memory_space<hbm>>
      %dma_start3A_206 = tpu.memref_squeeze %dma_start3A_205 : memref<1x10000x128xf32, #tpu.memory_space<hbm>> -> memref<10000x128xf32, #tpu.memory_space<hbm>>
      %dma_start3A_207 = arith.constant 0 : i32
      %dma_start3A_208 = tpu.memref_slice %dma_start3A_206[%add3A_163, %dma_start3A_207] : memref<10000x128xf32, #tpu.memory_space<hbm>> -> memref<48x128xf32, #tpu.memory_space<hbm>>
      tpu.enqueue_dma source(%arg8 : memref<48x128xf32, #tpu.memory_space<vmem>>) target(%dma_start3A_208 : memref<48x128xf32, #tpu.memory_space<hbm>>) target_semaphore(%run_scoped3A : memref<!tpu.dma_semaphore, #tpu.memory_space<semaphore_mem>>)
      %dma_wait3A_209 = arith.constant 0 : i32
      %dma_wait3A_210 = arith.constant 0 : i32
      %dma_wait3A_211 = tpu.memref_slice %arg5[%arg0, %dma_wait3A_209, %dma_wait3A_210] : memref<2x10000x128xf32, #tpu.memory_space<hbm>> -> memref<1x10000x128xf32, #tpu.memory_space<hbm>>
      %dma_wait3A_212 = tpu.memref_squeeze %dma_wait3A_211 : memref<1x10000x128xf32, #tpu.memory_space<hbm>> -> memref<10000x128xf32, #tpu.memory_space<hbm>>
      %dma_wait3A_213 = arith.constant 0 : i32
      %dma_wait3A_214 = tpu.memref_slice %dma_wait3A_212[%add3A_163, %dma_wait3A_213] : memref<10000x128xf32, #tpu.memory_space<hbm>> -> memref<48x128xf32, #tpu.memory_space<hbm>>
      %dma_wait3A_215 = arith.constant 0 : i32
      %dma_wait3A_216 = arith.constant 0 : i32
      %dma_wait3A_217 = tpu.memref_slice %arg5[%arg0, %dma_wait3A_215, %dma_wait3A_216] : memref<2x10000x128xf32, #tpu.memory_space<hbm>> -> memref<1x10000x128xf32, #tpu.memory_space<hbm>>
      %dma_wait3A_218 = tpu.memref_squeeze %dma_wait3A_217 : memref<1x10000x128xf32, #tpu.memory_space<hbm>> -> memref<10000x128xf32, #tpu.memory_space<hbm>>
      %dma_wait3A_219 = arith.constant 0 : i32
      %dma_wait3A_220 = tpu.memref_slice %dma_wait3A_218[%add3A_163, %dma_wait3A_219] : memref<10000x128xf32, #tpu.memory_space<hbm>> -> memref<48x128xf32, #tpu.memory_space<hbm>>
      tpu.wait_dma2 semaphore(%run_scoped3A : memref<!tpu.dma_semaphore, #tpu.memory_space<semaphore_mem>>) src(%arg8 : memref<48x128xf32, #tpu.memory_space<vmem>>) dst(%dma_wait3A_220 : memref<48x128xf32, #tpu.memory_space<hbm>>)
      tpu.yield
    }) : () -> ()
    %add3A_164 = arith.constant 288 : i32
    %add3A_165 = arith.addi %mul3A_8, %add3A_164 : i32
    "tpu.region"() ({
      %run_scoped3A = tpu.sem_alloc : memref<!tpu.dma_semaphore, #tpu.memory_space<semaphore_mem>>
      %dma_start3A_197 = arith.constant 0 : i32
      %dma_start3A_198 = tpu.memref_slice %arg9[%add3A_165, %dma_start3A_197] : memref<10128x128xf32, #tpu.memory_space<vmem_shared>> -> memref<48x128xf32, #tpu.memory_space<vmem_shared>>
      %dma_start3A_199 = arith.constant 0 : i32
      %dma_start3A_200 = tpu.memref_slice %arg9[%add3A_165, %dma_start3A_199] : memref<10128x128xf32, #tpu.memory_space<vmem_shared>> -> memref<48x128xf32, #tpu.memory_space<vmem_shared>>
      tpu.enqueue_dma source(%dma_start3A_200 : memref<48x128xf32, #tpu.memory_space<vmem_shared>>) target(%arg8 : memref<48x128xf32, #tpu.memory_space<vmem>>) target_semaphore(%run_scoped3A : memref<!tpu.dma_semaphore, #tpu.memory_space<semaphore_mem>>)
      %dma_wait3A_201 = arith.constant 0 : i32
      %dma_wait3A_202 = tpu.memref_slice %arg9[%add3A_165, %dma_wait3A_201] : memref<10128x128xf32, #tpu.memory_space<vmem_shared>> -> memref<48x128xf32, #tpu.memory_space<vmem_shared>>
      %dma_wait3A_203 = arith.constant 0 : i32
      %dma_wait3A_204 = tpu.memref_slice %arg9[%add3A_165, %dma_wait3A_203] : memref<10128x128xf32, #tpu.memory_space<vmem_shared>> -> memref<48x128xf32, #tpu.memory_space<vmem_shared>>
      tpu.wait_dma2 semaphore(%run_scoped3A : memref<!tpu.dma_semaphore, #tpu.memory_space<semaphore_mem>>) src(%dma_wait3A_204 : memref<48x128xf32, #tpu.memory_space<vmem_shared>>) dst(%arg8 : memref<48x128xf32, #tpu.memory_space<vmem>>)
      tpu.yield
    }) : () -> ()
    %add3A_166 = arith.constant 288 : i32
    %add3A_167 = arith.addi %mul3A_8, %add3A_166 : i32
    "tpu.region"() ({
      %run_scoped3A = tpu.sem_alloc : memref<!tpu.dma_semaphore, #tpu.memory_space<semaphore_mem>>
      %dma_start3A_197 = arith.constant 0 : i32
      %dma_start3A_198 = arith.constant 0 : i32
      %dma_start3A_199 = tpu.memref_slice %arg5[%arg0, %dma_start3A_197, %dma_start3A_198] : memref<2x10000x128xf32, #tpu.memory_space<hbm>> -> memref<1x10000x128xf32, #tpu.memory_space<hbm>>
      %dma_start3A_200 = tpu.memref_squeeze %dma_start3A_199 : memref<1x10000x128xf32, #tpu.memory_space<hbm>> -> memref<10000x128xf32, #tpu.memory_space<hbm>>
      %dma_start3A_201 = arith.constant 0 : i32
      %dma_start3A_202 = tpu.memref_slice %dma_start3A_200[%add3A_167, %dma_start3A_201] : memref<10000x128xf32, #tpu.memory_space<hbm>> -> memref<48x128xf32, #tpu.memory_space<hbm>>
      %dma_start3A_203 = arith.constant 0 : i32
      %dma_start3A_204 = arith.constant 0 : i32
      %dma_start3A_205 = tpu.memref_slice %arg5[%arg0, %dma_start3A_203, %dma_start3A_204] : memref<2x10000x128xf32, #tpu.memory_space<hbm>> -> memref<1x10000x128xf32, #tpu.memory_space<hbm>>
      %dma_start3A_206 = tpu.memref_squeeze %dma_start3A_205 : memref<1x10000x128xf32, #tpu.memory_space<hbm>> -> memref<10000x128xf32, #tpu.memory_space<hbm>>
      %dma_start3A_207 = arith.constant 0 : i32
      %dma_start3A_208 = tpu.memref_slice %dma_start3A_206[%add3A_167, %dma_start3A_207] : memref<10000x128xf32, #tpu.memory_space<hbm>> -> memref<48x128xf32, #tpu.memory_space<hbm>>
      tpu.enqueue_dma source(%arg8 : memref<48x128xf32, #tpu.memory_space<vmem>>) target(%dma_start3A_208 : memref<48x128xf32, #tpu.memory_space<hbm>>) target_semaphore(%run_scoped3A : memref<!tpu.dma_semaphore, #tpu.memory_space<semaphore_mem>>)
      %dma_wait3A_209 = arith.constant 0 : i32
      %dma_wait3A_210 = arith.constant 0 : i32
      %dma_wait3A_211 = tpu.memref_slice %arg5[%arg0, %dma_wait3A_209, %dma_wait3A_210] : memref<2x10000x128xf32, #tpu.memory_space<hbm>> -> memref<1x10000x128xf32, #tpu.memory_space<hbm>>
      %dma_wait3A_212 = tpu.memref_squeeze %dma_wait3A_211 : memref<1x10000x128xf32, #tpu.memory_space<hbm>> -> memref<10000x128xf32, #tpu.memory_space<hbm>>
      %dma_wait3A_213 = arith.constant 0 : i32
      %dma_wait3A_214 = tpu.memref_slice %dma_wait3A_212[%add3A_167, %dma_wait3A_213] : memref<10000x128xf32, #tpu.memory_space<hbm>> -> memref<48x128xf32, #tpu.memory_space<hbm>>
      %dma_wait3A_215 = arith.constant 0 : i32
      %dma_wait3A_216 = arith.constant 0 : i32
      %dma_wait3A_217 = tpu.memref_slice %arg5[%arg0, %dma_wait3A_215, %dma_wait3A_216] : memref<2x10000x128xf32, #tpu.memory_space<hbm>> -> memref<1x10000x128xf32, #tpu.memory_space<hbm>>
      %dma_wait3A_218 = tpu.memref_squeeze %dma_wait3A_217 : memref<1x10000x128xf32, #tpu.memory_space<hbm>> -> memref<10000x128xf32, #tpu.memory_space<hbm>>
      %dma_wait3A_219 = arith.constant 0 : i32
      %dma_wait3A_220 = tpu.memref_slice %dma_wait3A_218[%add3A_167, %dma_wait3A_219] : memref<10000x128xf32, #tpu.memory_space<hbm>> -> memref<48x128xf32, #tpu.memory_space<hbm>>
      tpu.wait_dma2 semaphore(%run_scoped3A : memref<!tpu.dma_semaphore, #tpu.memory_space<semaphore_mem>>) src(%arg8 : memref<48x128xf32, #tpu.memory_space<vmem>>) dst(%dma_wait3A_220 : memref<48x128xf32, #tpu.memory_space<hbm>>)
      tpu.yield
    }) : () -> ()
    %add3A_168 = arith.constant 336 : i32
    %add3A_169 = arith.addi %mul3A_8, %add3A_168 : i32
    "tpu.region"() ({
      %run_scoped3A = tpu.sem_alloc : memref<!tpu.dma_semaphore, #tpu.memory_space<semaphore_mem>>
      %dma_start3A_197 = arith.constant 0 : i32
      %dma_start3A_198 = tpu.memref_slice %arg9[%add3A_169, %dma_start3A_197] : memref<10128x128xf32, #tpu.memory_space<vmem_shared>> -> memref<48x128xf32, #tpu.memory_space<vmem_shared>>
      %dma_start3A_199 = arith.constant 0 : i32
      %dma_start3A_200 = tpu.memref_slice %arg9[%add3A_169, %dma_start3A_199] : memref<10128x128xf32, #tpu.memory_space<vmem_shared>> -> memref<48x128xf32, #tpu.memory_space<vmem_shared>>
      tpu.enqueue_dma source(%dma_start3A_200 : memref<48x128xf32, #tpu.memory_space<vmem_shared>>) target(%arg8 : memref<48x128xf32, #tpu.memory_space<vmem>>) target_semaphore(%run_scoped3A : memref<!tpu.dma_semaphore, #tpu.memory_space<semaphore_mem>>)
      %dma_wait3A_201 = arith.constant 0 : i32
      %dma_wait3A_202 = tpu.memref_slice %arg9[%add3A_169, %dma_wait3A_201] : memref<10128x128xf32, #tpu.memory_space<vmem_shared>> -> memref<48x128xf32, #tpu.memory_space<vmem_shared>>
      %dma_wait3A_203 = arith.constant 0 : i32
      %dma_wait3A_204 = tpu.memref_slice %arg9[%add3A_169, %dma_wait3A_203] : memref<10128x128xf32, #tpu.memory_space<vmem_shared>> -> memref<48x128xf32, #tpu.memory_space<vmem_shared>>
      tpu.wait_dma2 semaphore(%run_scoped3A : memref<!tpu.dma_semaphore, #tpu.memory_space<semaphore_mem>>) src(%dma_wait3A_204 : memref<48x128xf32, #tpu.memory_space<vmem_shared>>) dst(%arg8 : memref<48x128xf32, #tpu.memory_space<vmem>>)
      tpu.yield
    }) : () -> ()
    %add3A_170 = arith.constant 336 : i32
    %add3A_171 = arith.addi %mul3A_8, %add3A_170 : i32
    "tpu.region"() ({
      %run_scoped3A = tpu.sem_alloc : memref<!tpu.dma_semaphore, #tpu.memory_space<semaphore_mem>>
      %dma_start3A_197 = arith.constant 0 : i32
      %dma_start3A_198 = arith.constant 0 : i32
      %dma_start3A_199 = tpu.memref_slice %arg5[%arg0, %dma_start3A_197, %dma_start3A_198] : memref<2x10000x128xf32, #tpu.memory_space<hbm>> -> memref<1x10000x128xf32, #tpu.memory_space<hbm>>
      %dma_start3A_200 = tpu.memref_squeeze %dma_start3A_199 : memref<1x10000x128xf32, #tpu.memory_space<hbm>> -> memref<10000x128xf32, #tpu.memory_space<hbm>>
      %dma_start3A_201 = arith.constant 0 : i32
      %dma_start3A_202 = tpu.memref_slice %dma_start3A_200[%add3A_171, %dma_start3A_201] : memref<10000x128xf32, #tpu.memory_space<hbm>> -> memref<48x128xf32, #tpu.memory_space<hbm>>
      %dma_start3A_203 = arith.constant 0 : i32
      %dma_start3A_204 = arith.constant 0 : i32
      %dma_start3A_205 = tpu.memref_slice %arg5[%arg0, %dma_start3A_203, %dma_start3A_204] : memref<2x10000x128xf32, #tpu.memory_space<hbm>> -> memref<1x10000x128xf32, #tpu.memory_space<hbm>>
      %dma_start3A_206 = tpu.memref_squeeze %dma_start3A_205 : memref<1x10000x128xf32, #tpu.memory_space<hbm>> -> memref<10000x128xf32, #tpu.memory_space<hbm>>
      %dma_start3A_207 = arith.constant 0 : i32
      %dma_start3A_208 = tpu.memref_slice %dma_start3A_206[%add3A_171, %dma_start3A_207] : memref<10000x128xf32, #tpu.memory_space<hbm>> -> memref<48x128xf32, #tpu.memory_space<hbm>>
      tpu.enqueue_dma source(%arg8 : memref<48x128xf32, #tpu.memory_space<vmem>>) target(%dma_start3A_208 : memref<48x128xf32, #tpu.memory_space<hbm>>) target_semaphore(%run_scoped3A : memref<!tpu.dma_semaphore, #tpu.memory_space<semaphore_mem>>)
      %dma_wait3A_209 = arith.constant 0 : i32
      %dma_wait3A_210 = arith.constant 0 : i32
      %dma_wait3A_211 = tpu.memref_slice %arg5[%arg0, %dma_wait3A_209, %dma_wait3A_210] : memref<2x10000x128xf32, #tpu.memory_space<hbm>> -> memref<1x10000x128xf32, #tpu.memory_space<hbm>>
      %dma_wait3A_212 = tpu.memref_squeeze %dma_wait3A_211 : memref<1x10000x128xf32, #tpu.memory_space<hbm>> -> memref<10000x128xf32, #tpu.memory_space<hbm>>
      %dma_wait3A_213 = arith.constant 0 : i32
      %dma_wait3A_214 = tpu.memref_slice %dma_wait3A_212[%add3A_171, %dma_wait3A_213] : memref<10000x128xf32, #tpu.memory_space<hbm>> -> memref<48x128xf32, #tpu.memory_space<hbm>>
      %dma_wait3A_215 = arith.constant 0 : i32
      %dma_wait3A_216 = arith.constant 0 : i32
      %dma_wait3A_217 = tpu.memref_slice %arg5[%arg0, %dma_wait3A_215, %dma_wait3A_216] : memref<2x10000x128xf32, #tpu.memory_space<hbm>> -> memref<1x10000x128xf32, #tpu.memory_space<hbm>>
      %dma_wait3A_218 = tpu.memref_squeeze %dma_wait3A_217 : memref<1x10000x128xf32, #tpu.memory_space<hbm>> -> memref<10000x128xf32, #tpu.memory_space<hbm>>
      %dma_wait3A_219 = arith.constant 0 : i32
      %dma_wait3A_220 = tpu.memref_slice %dma_wait3A_218[%add3A_171, %dma_wait3A_219] : memref<10000x128xf32, #tpu.memory_space<hbm>> -> memref<48x128xf32, #tpu.memory_space<hbm>>
      tpu.wait_dma2 semaphore(%run_scoped3A : memref<!tpu.dma_semaphore, #tpu.memory_space<semaphore_mem>>) src(%arg8 : memref<48x128xf32, #tpu.memory_space<vmem>>) dst(%dma_wait3A_220 : memref<48x128xf32, #tpu.memory_space<hbm>>)
      tpu.yield
    }) : () -> ()
    %add3A_172 = arith.constant 384 : i32
    %add3A_173 = arith.addi %mul3A_8, %add3A_172 : i32
    "tpu.region"() ({
      %run_scoped3A = tpu.sem_alloc : memref<!tpu.dma_semaphore, #tpu.memory_space<semaphore_mem>>
      %dma_start3A_197 = arith.constant 0 : i32
      %dma_start3A_198 = tpu.memref_slice %arg9[%add3A_173, %dma_start3A_197] : memref<10128x128xf32, #tpu.memory_space<vmem_shared>> -> memref<48x128xf32, #tpu.memory_space<vmem_shared>>
      %dma_start3A_199 = arith.constant 0 : i32
      %dma_start3A_200 = tpu.memref_slice %arg9[%add3A_173, %dma_start3A_199] : memref<10128x128xf32, #tpu.memory_space<vmem_shared>> -> memref<48x128xf32, #tpu.memory_space<vmem_shared>>
      tpu.enqueue_dma source(%dma_start3A_200 : memref<48x128xf32, #tpu.memory_space<vmem_shared>>) target(%arg8 : memref<48x128xf32, #tpu.memory_space<vmem>>) target_semaphore(%run_scoped3A : memref<!tpu.dma_semaphore, #tpu.memory_space<semaphore_mem>>)
      %dma_wait3A_201 = arith.constant 0 : i32
      %dma_wait3A_202 = tpu.memref_slice %arg9[%add3A_173, %dma_wait3A_201] : memref<10128x128xf32, #tpu.memory_space<vmem_shared>> -> memref<48x128xf32, #tpu.memory_space<vmem_shared>>
      %dma_wait3A_203 = arith.constant 0 : i32
      %dma_wait3A_204 = tpu.memref_slice %arg9[%add3A_173, %dma_wait3A_203] : memref<10128x128xf32, #tpu.memory_space<vmem_shared>> -> memref<48x128xf32, #tpu.memory_space<vmem_shared>>
      tpu.wait_dma2 semaphore(%run_scoped3A : memref<!tpu.dma_semaphore, #tpu.memory_space<semaphore_mem>>) src(%dma_wait3A_204 : memref<48x128xf32, #tpu.memory_space<vmem_shared>>) dst(%arg8 : memref<48x128xf32, #tpu.memory_space<vmem>>)
      tpu.yield
    }) : () -> ()
    %add3A_174 = arith.constant 384 : i32
    %add3A_175 = arith.addi %mul3A_8, %add3A_174 : i32
    "tpu.region"() ({
      %run_scoped3A = tpu.sem_alloc : memref<!tpu.dma_semaphore, #tpu.memory_space<semaphore_mem>>
      %dma_start3A_197 = arith.constant 0 : i32
      %dma_start3A_198 = arith.constant 0 : i32
      %dma_start3A_199 = tpu.memref_slice %arg5[%arg0, %dma_start3A_197, %dma_start3A_198] : memref<2x10000x128xf32, #tpu.memory_space<hbm>> -> memref<1x10000x128xf32, #tpu.memory_space<hbm>>
      %dma_start3A_200 = tpu.memref_squeeze %dma_start3A_199 : memref<1x10000x128xf32, #tpu.memory_space<hbm>> -> memref<10000x128xf32, #tpu.memory_space<hbm>>
      %dma_start3A_201 = arith.constant 0 : i32
      %dma_start3A_202 = tpu.memref_slice %dma_start3A_200[%add3A_175, %dma_start3A_201] : memref<10000x128xf32, #tpu.memory_space<hbm>> -> memref<48x128xf32, #tpu.memory_space<hbm>>
      %dma_start3A_203 = arith.constant 0 : i32
      %dma_start3A_204 = arith.constant 0 : i32
      %dma_start3A_205 = tpu.memref_slice %arg5[%arg0, %dma_start3A_203, %dma_start3A_204] : memref<2x10000x128xf32, #tpu.memory_space<hbm>> -> memref<1x10000x128xf32, #tpu.memory_space<hbm>>
      %dma_start3A_206 = tpu.memref_squeeze %dma_start3A_205 : memref<1x10000x128xf32, #tpu.memory_space<hbm>> -> memref<10000x128xf32, #tpu.memory_space<hbm>>
      %dma_start3A_207 = arith.constant 0 : i32
      %dma_start3A_208 = tpu.memref_slice %dma_start3A_206[%add3A_175, %dma_start3A_207] : memref<10000x128xf32, #tpu.memory_space<hbm>> -> memref<48x128xf32, #tpu.memory_space<hbm>>
      tpu.enqueue_dma source(%arg8 : memref<48x128xf32, #tpu.memory_space<vmem>>) target(%dma_start3A_208 : memref<48x128xf32, #tpu.memory_space<hbm>>) target_semaphore(%run_scoped3A : memref<!tpu.dma_semaphore, #tpu.memory_space<semaphore_mem>>)
      %dma_wait3A_209 = arith.constant 0 : i32
      %dma_wait3A_210 = arith.constant 0 : i32
      %dma_wait3A_211 = tpu.memref_slice %arg5[%arg0, %dma_wait3A_209, %dma_wait3A_210] : memref<2x10000x128xf32, #tpu.memory_space<hbm>> -> memref<1x10000x128xf32, #tpu.memory_space<hbm>>
      %dma_wait3A_212 = tpu.memref_squeeze %dma_wait3A_211 : memref<1x10000x128xf32, #tpu.memory_space<hbm>> -> memref<10000x128xf32, #tpu.memory_space<hbm>>
      %dma_wait3A_213 = arith.constant 0 : i32
      %dma_wait3A_214 = tpu.memref_slice %dma_wait3A_212[%add3A_175, %dma_wait3A_213] : memref<10000x128xf32, #tpu.memory_space<hbm>> -> memref<48x128xf32, #tpu.memory_space<hbm>>
      %dma_wait3A_215 = arith.constant 0 : i32
      %dma_wait3A_216 = arith.constant 0 : i32
      %dma_wait3A_217 = tpu.memref_slice %arg5[%arg0, %dma_wait3A_215, %dma_wait3A_216] : memref<2x10000x128xf32, #tpu.memory_space<hbm>> -> memref<1x10000x128xf32, #tpu.memory_space<hbm>>
      %dma_wait3A_218 = tpu.memref_squeeze %dma_wait3A_217 : memref<1x10000x128xf32, #tpu.memory_space<hbm>> -> memref<10000x128xf32, #tpu.memory_space<hbm>>
      %dma_wait3A_219 = arith.constant 0 : i32
      %dma_wait3A_220 = tpu.memref_slice %dma_wait3A_218[%add3A_175, %dma_wait3A_219] : memref<10000x128xf32, #tpu.memory_space<hbm>> -> memref<48x128xf32, #tpu.memory_space<hbm>>
      tpu.wait_dma2 semaphore(%run_scoped3A : memref<!tpu.dma_semaphore, #tpu.memory_space<semaphore_mem>>) src(%arg8 : memref<48x128xf32, #tpu.memory_space<vmem>>) dst(%dma_wait3A_220 : memref<48x128xf32, #tpu.memory_space<hbm>>)
      tpu.yield
    }) : () -> ()
    %add3A_176 = arith.constant 432 : i32
    %add3A_177 = arith.addi %mul3A_8, %add3A_176 : i32
    "tpu.region"() ({
      %run_scoped3A = tpu.sem_alloc : memref<!tpu.dma_semaphore, #tpu.memory_space<semaphore_mem>>
      %dma_start3A_197 = arith.constant 0 : i32
      %dma_start3A_198 = tpu.memref_slice %arg9[%add3A_177, %dma_start3A_197] : memref<10128x128xf32, #tpu.memory_space<vmem_shared>> -> memref<48x128xf32, #tpu.memory_space<vmem_shared>>
      %dma_start3A_199 = arith.constant 0 : i32
      %dma_start3A_200 = tpu.memref_slice %arg9[%add3A_177, %dma_start3A_199] : memref<10128x128xf32, #tpu.memory_space<vmem_shared>> -> memref<48x128xf32, #tpu.memory_space<vmem_shared>>
      tpu.enqueue_dma source(%dma_start3A_200 : memref<48x128xf32, #tpu.memory_space<vmem_shared>>) target(%arg8 : memref<48x128xf32, #tpu.memory_space<vmem>>) target_semaphore(%run_scoped3A : memref<!tpu.dma_semaphore, #tpu.memory_space<semaphore_mem>>)
      %dma_wait3A_201 = arith.constant 0 : i32
      %dma_wait3A_202 = tpu.memref_slice %arg9[%add3A_177, %dma_wait3A_201] : memref<10128x128xf32, #tpu.memory_space<vmem_shared>> -> memref<48x128xf32, #tpu.memory_space<vmem_shared>>
      %dma_wait3A_203 = arith.constant 0 : i32
      %dma_wait3A_204 = tpu.memref_slice %arg9[%add3A_177, %dma_wait3A_203] : memref<10128x128xf32, #tpu.memory_space<vmem_shared>> -> memref<48x128xf32, #tpu.memory_space<vmem_shared>>
      tpu.wait_dma2 semaphore(%run_scoped3A : memref<!tpu.dma_semaphore, #tpu.memory_space<semaphore_mem>>) src(%dma_wait3A_204 : memref<48x128xf32, #tpu.memory_space<vmem_shared>>) dst(%arg8 : memref<48x128xf32, #tpu.memory_space<vmem>>)
      tpu.yield
    }) : () -> ()
    %add3A_178 = arith.constant 432 : i32
    %add3A_179 = arith.addi %mul3A_8, %add3A_178 : i32
    "tpu.region"() ({
      %run_scoped3A = tpu.sem_alloc : memref<!tpu.dma_semaphore, #tpu.memory_space<semaphore_mem>>
      %dma_start3A_197 = arith.constant 0 : i32
      %dma_start3A_198 = arith.constant 0 : i32
      %dma_start3A_199 = tpu.memref_slice %arg5[%arg0, %dma_start3A_197, %dma_start3A_198] : memref<2x10000x128xf32, #tpu.memory_space<hbm>> -> memref<1x10000x128xf32, #tpu.memory_space<hbm>>
      %dma_start3A_200 = tpu.memref_squeeze %dma_start3A_199 : memref<1x10000x128xf32, #tpu.memory_space<hbm>> -> memref<10000x128xf32, #tpu.memory_space<hbm>>
      %dma_start3A_201 = arith.constant 0 : i32
      %dma_start3A_202 = tpu.memref_slice %dma_start3A_200[%add3A_179, %dma_start3A_201] : memref<10000x128xf32, #tpu.memory_space<hbm>> -> memref<48x128xf32, #tpu.memory_space<hbm>>
      %dma_start3A_203 = arith.constant 0 : i32
      %dma_start3A_204 = arith.constant 0 : i32
      %dma_start3A_205 = tpu.memref_slice %arg5[%arg0, %dma_start3A_203, %dma_start3A_204] : memref<2x10000x128xf32, #tpu.memory_space<hbm>> -> memref<1x10000x128xf32, #tpu.memory_space<hbm>>
      %dma_start3A_206 = tpu.memref_squeeze %dma_start3A_205 : memref<1x10000x128xf32, #tpu.memory_space<hbm>> -> memref<10000x128xf32, #tpu.memory_space<hbm>>
      %dma_start3A_207 = arith.constant 0 : i32
      %dma_start3A_208 = tpu.memref_slice %dma_start3A_206[%add3A_179, %dma_start3A_207] : memref<10000x128xf32, #tpu.memory_space<hbm>> -> memref<48x128xf32, #tpu.memory_space<hbm>>
      tpu.enqueue_dma source(%arg8 : memref<48x128xf32, #tpu.memory_space<vmem>>) target(%dma_start3A_208 : memref<48x128xf32, #tpu.memory_space<hbm>>) target_semaphore(%run_scoped3A : memref<!tpu.dma_semaphore, #tpu.memory_space<semaphore_mem>>)
      %dma_wait3A_209 = arith.constant 0 : i32
      %dma_wait3A_210 = arith.constant 0 : i32
      %dma_wait3A_211 = tpu.memref_slice %arg5[%arg0, %dma_wait3A_209, %dma_wait3A_210] : memref<2x10000x128xf32, #tpu.memory_space<hbm>> -> memref<1x10000x128xf32, #tpu.memory_space<hbm>>
      %dma_wait3A_212 = tpu.memref_squeeze %dma_wait3A_211 : memref<1x10000x128xf32, #tpu.memory_space<hbm>> -> memref<10000x128xf32, #tpu.memory_space<hbm>>
      %dma_wait3A_213 = arith.constant 0 : i32
      %dma_wait3A_214 = tpu.memref_slice %dma_wait3A_212[%add3A_179, %dma_wait3A_213] : memref<10000x128xf32, #tpu.memory_space<hbm>> -> memref<48x128xf32, #tpu.memory_space<hbm>>
      %dma_wait3A_215 = arith.constant 0 : i32
      %dma_wait3A_216 = arith.constant 0 : i32
      %dma_wait3A_217 = tpu.memref_slice %arg5[%arg0, %dma_wait3A_215, %dma_wait3A_216] : memref<2x10000x128xf32, #tpu.memory_space<hbm>> -> memref<1x10000x128xf32, #tpu.memory_space<hbm>>
      %dma_wait3A_218 = tpu.memref_squeeze %dma_wait3A_217 : memref<1x10000x128xf32, #tpu.memory_space<hbm>> -> memref<10000x128xf32, #tpu.memory_space<hbm>>
      %dma_wait3A_219 = arith.constant 0 : i32
      %dma_wait3A_220 = tpu.memref_slice %dma_wait3A_218[%add3A_179, %dma_wait3A_219] : memref<10000x128xf32, #tpu.memory_space<hbm>> -> memref<48x128xf32, #tpu.memory_space<hbm>>
      tpu.wait_dma2 semaphore(%run_scoped3A : memref<!tpu.dma_semaphore, #tpu.memory_space<semaphore_mem>>) src(%arg8 : memref<48x128xf32, #tpu.memory_space<vmem>>) dst(%dma_wait3A_220 : memref<48x128xf32, #tpu.memory_space<hbm>>)
      tpu.yield
    }) : () -> ()
    %add3A_180 = arith.constant 480 : i32
    %add3A_181 = arith.addi %mul3A_8, %add3A_180 : i32
    "tpu.region"() ({
      %run_scoped3A = tpu.sem_alloc : memref<!tpu.dma_semaphore, #tpu.memory_space<semaphore_mem>>
      %dma_start3A_197 = arith.constant 0 : i32
      %dma_start3A_198 = tpu.memref_slice %arg9[%add3A_181, %dma_start3A_197] : memref<10128x128xf32, #tpu.memory_space<vmem_shared>> -> memref<48x128xf32, #tpu.memory_space<vmem_shared>>
      %dma_start3A_199 = arith.constant 0 : i32
      %dma_start3A_200 = tpu.memref_slice %arg9[%add3A_181, %dma_start3A_199] : memref<10128x128xf32, #tpu.memory_space<vmem_shared>> -> memref<48x128xf32, #tpu.memory_space<vmem_shared>>
      tpu.enqueue_dma source(%dma_start3A_200 : memref<48x128xf32, #tpu.memory_space<vmem_shared>>) target(%arg8 : memref<48x128xf32, #tpu.memory_space<vmem>>) target_semaphore(%run_scoped3A : memref<!tpu.dma_semaphore, #tpu.memory_space<semaphore_mem>>)
      %dma_wait3A_201 = arith.constant 0 : i32
      %dma_wait3A_202 = tpu.memref_slice %arg9[%add3A_181, %dma_wait3A_201] : memref<10128x128xf32, #tpu.memory_space<vmem_shared>> -> memref<48x128xf32, #tpu.memory_space<vmem_shared>>
      %dma_wait3A_203 = arith.constant 0 : i32
      %dma_wait3A_204 = tpu.memref_slice %arg9[%add3A_181, %dma_wait3A_203] : memref<10128x128xf32, #tpu.memory_space<vmem_shared>> -> memref<48x128xf32, #tpu.memory_space<vmem_shared>>
      tpu.wait_dma2 semaphore(%run_scoped3A : memref<!tpu.dma_semaphore, #tpu.memory_space<semaphore_mem>>) src(%dma_wait3A_204 : memref<48x128xf32, #tpu.memory_space<vmem_shared>>) dst(%arg8 : memref<48x128xf32, #tpu.memory_space<vmem>>)
      tpu.yield
    }) : () -> ()
    %add3A_182 = arith.constant 480 : i32
    %add3A_183 = arith.addi %mul3A_8, %add3A_182 : i32
    "tpu.region"() ({
      %run_scoped3A = tpu.sem_alloc : memref<!tpu.dma_semaphore, #tpu.memory_space<semaphore_mem>>
      %dma_start3A_197 = arith.constant 0 : i32
      %dma_start3A_198 = arith.constant 0 : i32
      %dma_start3A_199 = tpu.memref_slice %arg5[%arg0, %dma_start3A_197, %dma_start3A_198] : memref<2x10000x128xf32, #tpu.memory_space<hbm>> -> memref<1x10000x128xf32, #tpu.memory_space<hbm>>
      %dma_start3A_200 = tpu.memref_squeeze %dma_start3A_199 : memref<1x10000x128xf32, #tpu.memory_space<hbm>> -> memref<10000x128xf32, #tpu.memory_space<hbm>>
      %dma_start3A_201 = arith.constant 0 : i32
      %dma_start3A_202 = tpu.memref_slice %dma_start3A_200[%add3A_183, %dma_start3A_201] : memref<10000x128xf32, #tpu.memory_space<hbm>> -> memref<48x128xf32, #tpu.memory_space<hbm>>
      %dma_start3A_203 = arith.constant 0 : i32
      %dma_start3A_204 = arith.constant 0 : i32
      %dma_start3A_205 = tpu.memref_slice %arg5[%arg0, %dma_start3A_203, %dma_start3A_204] : memref<2x10000x128xf32, #tpu.memory_space<hbm>> -> memref<1x10000x128xf32, #tpu.memory_space<hbm>>
      %dma_start3A_206 = tpu.memref_squeeze %dma_start3A_205 : memref<1x10000x128xf32, #tpu.memory_space<hbm>> -> memref<10000x128xf32, #tpu.memory_space<hbm>>
      %dma_start3A_207 = arith.constant 0 : i32
      %dma_start3A_208 = tpu.memref_slice %dma_start3A_206[%add3A_183, %dma_start3A_207] : memref<10000x128xf32, #tpu.memory_space<hbm>> -> memref<48x128xf32, #tpu.memory_space<hbm>>
      tpu.enqueue_dma source(%arg8 : memref<48x128xf32, #tpu.memory_space<vmem>>) target(%dma_start3A_208 : memref<48x128xf32, #tpu.memory_space<hbm>>) target_semaphore(%run_scoped3A : memref<!tpu.dma_semaphore, #tpu.memory_space<semaphore_mem>>)
      %dma_wait3A_209 = arith.constant 0 : i32
      %dma_wait3A_210 = arith.constant 0 : i32
      %dma_wait3A_211 = tpu.memref_slice %arg5[%arg0, %dma_wait3A_209, %dma_wait3A_210] : memref<2x10000x128xf32, #tpu.memory_space<hbm>> -> memref<1x10000x128xf32, #tpu.memory_space<hbm>>
      %dma_wait3A_212 = tpu.memref_squeeze %dma_wait3A_211 : memref<1x10000x128xf32, #tpu.memory_space<hbm>> -> memref<10000x128xf32, #tpu.memory_space<hbm>>
      %dma_wait3A_213 = arith.constant 0 : i32
      %dma_wait3A_214 = tpu.memref_slice %dma_wait3A_212[%add3A_183, %dma_wait3A_213] : memref<10000x128xf32, #tpu.memory_space<hbm>> -> memref<48x128xf32, #tpu.memory_space<hbm>>
      %dma_wait3A_215 = arith.constant 0 : i32
      %dma_wait3A_216 = arith.constant 0 : i32
      %dma_wait3A_217 = tpu.memref_slice %arg5[%arg0, %dma_wait3A_215, %dma_wait3A_216] : memref<2x10000x128xf32, #tpu.memory_space<hbm>> -> memref<1x10000x128xf32, #tpu.memory_space<hbm>>
      %dma_wait3A_218 = tpu.memref_squeeze %dma_wait3A_217 : memref<1x10000x128xf32, #tpu.memory_space<hbm>> -> memref<10000x128xf32, #tpu.memory_space<hbm>>
      %dma_wait3A_219 = arith.constant 0 : i32
      %dma_wait3A_220 = tpu.memref_slice %dma_wait3A_218[%add3A_183, %dma_wait3A_219] : memref<10000x128xf32, #tpu.memory_space<hbm>> -> memref<48x128xf32, #tpu.memory_space<hbm>>
      tpu.wait_dma2 semaphore(%run_scoped3A : memref<!tpu.dma_semaphore, #tpu.memory_space<semaphore_mem>>) src(%arg8 : memref<48x128xf32, #tpu.memory_space<vmem>>) dst(%dma_wait3A_220 : memref<48x128xf32, #tpu.memory_space<hbm>>)
      tpu.yield
    }) : () -> ()
    %add3A_184 = arith.constant 528 : i32
    %add3A_185 = arith.addi %mul3A_8, %add3A_184 : i32
    "tpu.region"() ({
      %run_scoped3A = tpu.sem_alloc : memref<!tpu.dma_semaphore, #tpu.memory_space<semaphore_mem>>
      %dma_start3A_197 = arith.constant 0 : i32
      %dma_start3A_198 = tpu.memref_slice %arg9[%add3A_185, %dma_start3A_197] : memref<10128x128xf32, #tpu.memory_space<vmem_shared>> -> memref<48x128xf32, #tpu.memory_space<vmem_shared>>
      %dma_start3A_199 = arith.constant 0 : i32
      %dma_start3A_200 = tpu.memref_slice %arg9[%add3A_185, %dma_start3A_199] : memref<10128x128xf32, #tpu.memory_space<vmem_shared>> -> memref<48x128xf32, #tpu.memory_space<vmem_shared>>
      tpu.enqueue_dma source(%dma_start3A_200 : memref<48x128xf32, #tpu.memory_space<vmem_shared>>) target(%arg8 : memref<48x128xf32, #tpu.memory_space<vmem>>) target_semaphore(%run_scoped3A : memref<!tpu.dma_semaphore, #tpu.memory_space<semaphore_mem>>)
      %dma_wait3A_201 = arith.constant 0 : i32
      %dma_wait3A_202 = tpu.memref_slice %arg9[%add3A_185, %dma_wait3A_201] : memref<10128x128xf32, #tpu.memory_space<vmem_shared>> -> memref<48x128xf32, #tpu.memory_space<vmem_shared>>
      %dma_wait3A_203 = arith.constant 0 : i32
      %dma_wait3A_204 = tpu.memref_slice %arg9[%add3A_185, %dma_wait3A_203] : memref<10128x128xf32, #tpu.memory_space<vmem_shared>> -> memref<48x128xf32, #tpu.memory_space<vmem_shared>>
      tpu.wait_dma2 semaphore(%run_scoped3A : memref<!tpu.dma_semaphore, #tpu.memory_space<semaphore_mem>>) src(%dma_wait3A_204 : memref<48x128xf32, #tpu.memory_space<vmem_shared>>) dst(%arg8 : memref<48x128xf32, #tpu.memory_space<vmem>>)
      tpu.yield
    }) : () -> ()
    %add3A_186 = arith.constant 528 : i32
    %add3A_187 = arith.addi %mul3A_8, %add3A_186 : i32
    "tpu.region"() ({
      %run_scoped3A = tpu.sem_alloc : memref<!tpu.dma_semaphore, #tpu.memory_space<semaphore_mem>>
      %dma_start3A_197 = arith.constant 0 : i32
      %dma_start3A_198 = arith.constant 0 : i32
      %dma_start3A_199 = tpu.memref_slice %arg5[%arg0, %dma_start3A_197, %dma_start3A_198] : memref<2x10000x128xf32, #tpu.memory_space<hbm>> -> memref<1x10000x128xf32, #tpu.memory_space<hbm>>
      %dma_start3A_200 = tpu.memref_squeeze %dma_start3A_199 : memref<1x10000x128xf32, #tpu.memory_space<hbm>> -> memref<10000x128xf32, #tpu.memory_space<hbm>>
      %dma_start3A_201 = arith.constant 0 : i32
      %dma_start3A_202 = tpu.memref_slice %dma_start3A_200[%add3A_187, %dma_start3A_201] : memref<10000x128xf32, #tpu.memory_space<hbm>> -> memref<48x128xf32, #tpu.memory_space<hbm>>
      %dma_start3A_203 = arith.constant 0 : i32
      %dma_start3A_204 = arith.constant 0 : i32
      %dma_start3A_205 = tpu.memref_slice %arg5[%arg0, %dma_start3A_203, %dma_start3A_204] : memref<2x10000x128xf32, #tpu.memory_space<hbm>> -> memref<1x10000x128xf32, #tpu.memory_space<hbm>>
      %dma_start3A_206 = tpu.memref_squeeze %dma_start3A_205 : memref<1x10000x128xf32, #tpu.memory_space<hbm>> -> memref<10000x128xf32, #tpu.memory_space<hbm>>
      %dma_start3A_207 = arith.constant 0 : i32
      %dma_start3A_208 = tpu.memref_slice %dma_start3A_206[%add3A_187, %dma_start3A_207] : memref<10000x128xf32, #tpu.memory_space<hbm>> -> memref<48x128xf32, #tpu.memory_space<hbm>>
      tpu.enqueue_dma source(%arg8 : memref<48x128xf32, #tpu.memory_space<vmem>>) target(%dma_start3A_208 : memref<48x128xf32, #tpu.memory_space<hbm>>) target_semaphore(%run_scoped3A : memref<!tpu.dma_semaphore, #tpu.memory_space<semaphore_mem>>)
      %dma_wait3A_209 = arith.constant 0 : i32
      %dma_wait3A_210 = arith.constant 0 : i32
      %dma_wait3A_211 = tpu.memref_slice %arg5[%arg0, %dma_wait3A_209, %dma_wait3A_210] : memref<2x10000x128xf32, #tpu.memory_space<hbm>> -> memref<1x10000x128xf32, #tpu.memory_space<hbm>>
      %dma_wait3A_212 = tpu.memref_squeeze %dma_wait3A_211 : memref<1x10000x128xf32, #tpu.memory_space<hbm>> -> memref<10000x128xf32, #tpu.memory_space<hbm>>
      %dma_wait3A_213 = arith.constant 0 : i32
      %dma_wait3A_214 = tpu.memref_slice %dma_wait3A_212[%add3A_187, %dma_wait3A_213] : memref<10000x128xf32, #tpu.memory_space<hbm>> -> memref<48x128xf32, #tpu.memory_space<hbm>>
      %dma_wait3A_215 = arith.constant 0 : i32
      %dma_wait3A_216 = arith.constant 0 : i32
      %dma_wait3A_217 = tpu.memref_slice %arg5[%arg0, %dma_wait3A_215, %dma_wait3A_216] : memref<2x10000x128xf32, #tpu.memory_space<hbm>> -> memref<1x10000x128xf32, #tpu.memory_space<hbm>>
      %dma_wait3A_218 = tpu.memref_squeeze %dma_wait3A_217 : memref<1x10000x128xf32, #tpu.memory_space<hbm>> -> memref<10000x128xf32, #tpu.memory_space<hbm>>
      %dma_wait3A_219 = arith.constant 0 : i32
      %dma_wait3A_220 = tpu.memref_slice %dma_wait3A_218[%add3A_187, %dma_wait3A_219] : memref<10000x128xf32, #tpu.memory_space<hbm>> -> memref<48x128xf32, #tpu.memory_space<hbm>>
      tpu.wait_dma2 semaphore(%run_scoped3A : memref<!tpu.dma_semaphore, #tpu.memory_space<semaphore_mem>>) src(%arg8 : memref<48x128xf32, #tpu.memory_space<vmem>>) dst(%dma_wait3A_220 : memref<48x128xf32, #tpu.memory_space<hbm>>)
      tpu.yield
    }) : () -> ()
    %add3A_188 = arith.constant 576 : i32
    %add3A_189 = arith.addi %mul3A_8, %add3A_188 : i32
    "tpu.region"() ({
      %run_scoped3A = tpu.sem_alloc : memref<!tpu.dma_semaphore, #tpu.memory_space<semaphore_mem>>
      %dma_start3A_197 = arith.constant 0 : i32
      %dma_start3A_198 = tpu.memref_slice %arg9[%add3A_189, %dma_start3A_197] : memref<10128x128xf32, #tpu.memory_space<vmem_shared>> -> memref<48x128xf32, #tpu.memory_space<vmem_shared>>
      %dma_start3A_199 = arith.constant 0 : i32
      %dma_start3A_200 = tpu.memref_slice %arg9[%add3A_189, %dma_start3A_199] : memref<10128x128xf32, #tpu.memory_space<vmem_shared>> -> memref<48x128xf32, #tpu.memory_space<vmem_shared>>
      tpu.enqueue_dma source(%dma_start3A_200 : memref<48x128xf32, #tpu.memory_space<vmem_shared>>) target(%arg8 : memref<48x128xf32, #tpu.memory_space<vmem>>) target_semaphore(%run_scoped3A : memref<!tpu.dma_semaphore, #tpu.memory_space<semaphore_mem>>)
      %dma_wait3A_201 = arith.constant 0 : i32
      %dma_wait3A_202 = tpu.memref_slice %arg9[%add3A_189, %dma_wait3A_201] : memref<10128x128xf32, #tpu.memory_space<vmem_shared>> -> memref<48x128xf32, #tpu.memory_space<vmem_shared>>
      %dma_wait3A_203 = arith.constant 0 : i32
      %dma_wait3A_204 = tpu.memref_slice %arg9[%add3A_189, %dma_wait3A_203] : memref<10128x128xf32, #tpu.memory_space<vmem_shared>> -> memref<48x128xf32, #tpu.memory_space<vmem_shared>>
      tpu.wait_dma2 semaphore(%run_scoped3A : memref<!tpu.dma_semaphore, #tpu.memory_space<semaphore_mem>>) src(%dma_wait3A_204 : memref<48x128xf32, #tpu.memory_space<vmem_shared>>) dst(%arg8 : memref<48x128xf32, #tpu.memory_space<vmem>>)
      tpu.yield
    }) : () -> ()
    %add3A_190 = arith.constant 576 : i32
    %add3A_191 = arith.addi %mul3A_8, %add3A_190 : i32
    "tpu.region"() ({
      %run_scoped3A = tpu.sem_alloc : memref<!tpu.dma_semaphore, #tpu.memory_space<semaphore_mem>>
      %dma_start3A_197 = arith.constant 0 : i32
      %dma_start3A_198 = arith.constant 0 : i32
      %dma_start3A_199 = tpu.memref_slice %arg5[%arg0, %dma_start3A_197, %dma_start3A_198] : memref<2x10000x128xf32, #tpu.memory_space<hbm>> -> memref<1x10000x128xf32, #tpu.memory_space<hbm>>
      %dma_start3A_200 = tpu.memref_squeeze %dma_start3A_199 : memref<1x10000x128xf32, #tpu.memory_space<hbm>> -> memref<10000x128xf32, #tpu.memory_space<hbm>>
      %dma_start3A_201 = arith.constant 0 : i32
      %dma_start3A_202 = tpu.memref_slice %dma_start3A_200[%add3A_191, %dma_start3A_201] : memref<10000x128xf32, #tpu.memory_space<hbm>> -> memref<48x128xf32, #tpu.memory_space<hbm>>
      %dma_start3A_203 = arith.constant 0 : i32
      %dma_start3A_204 = arith.constant 0 : i32
      %dma_start3A_205 = tpu.memref_slice %arg5[%arg0, %dma_start3A_203, %dma_start3A_204] : memref<2x10000x128xf32, #tpu.memory_space<hbm>> -> memref<1x10000x128xf32, #tpu.memory_space<hbm>>
      %dma_start3A_206 = tpu.memref_squeeze %dma_start3A_205 : memref<1x10000x128xf32, #tpu.memory_space<hbm>> -> memref<10000x128xf32, #tpu.memory_space<hbm>>
      %dma_start3A_207 = arith.constant 0 : i32
      %dma_start3A_208 = tpu.memref_slice %dma_start3A_206[%add3A_191, %dma_start3A_207] : memref<10000x128xf32, #tpu.memory_space<hbm>> -> memref<48x128xf32, #tpu.memory_space<hbm>>
      tpu.enqueue_dma source(%arg8 : memref<48x128xf32, #tpu.memory_space<vmem>>) target(%dma_start3A_208 : memref<48x128xf32, #tpu.memory_space<hbm>>) target_semaphore(%run_scoped3A : memref<!tpu.dma_semaphore, #tpu.memory_space<semaphore_mem>>)
      %dma_wait3A_209 = arith.constant 0 : i32
      %dma_wait3A_210 = arith.constant 0 : i32
      %dma_wait3A_211 = tpu.memref_slice %arg5[%arg0, %dma_wait3A_209, %dma_wait3A_210] : memref<2x10000x128xf32, #tpu.memory_space<hbm>> -> memref<1x10000x128xf32, #tpu.memory_space<hbm>>
      %dma_wait3A_212 = tpu.memref_squeeze %dma_wait3A_211 : memref<1x10000x128xf32, #tpu.memory_space<hbm>> -> memref<10000x128xf32, #tpu.memory_space<hbm>>
      %dma_wait3A_213 = arith.constant 0 : i32
      %dma_wait3A_214 = tpu.memref_slice %dma_wait3A_212[%add3A_191, %dma_wait3A_213] : memref<10000x128xf32, #tpu.memory_space<hbm>> -> memref<48x128xf32, #tpu.memory_space<hbm>>
      %dma_wait3A_215 = arith.constant 0 : i32
      %dma_wait3A_216 = arith.constant 0 : i32
      %dma_wait3A_217 = tpu.memref_slice %arg5[%arg0, %dma_wait3A_215, %dma_wait3A_216] : memref<2x10000x128xf32, #tpu.memory_space<hbm>> -> memref<1x10000x128xf32, #tpu.memory_space<hbm>>
      %dma_wait3A_218 = tpu.memref_squeeze %dma_wait3A_217 : memref<1x10000x128xf32, #tpu.memory_space<hbm>> -> memref<10000x128xf32, #tpu.memory_space<hbm>>
      %dma_wait3A_219 = arith.constant 0 : i32
      %dma_wait3A_220 = tpu.memref_slice %dma_wait3A_218[%add3A_191, %dma_wait3A_219] : memref<10000x128xf32, #tpu.memory_space<hbm>> -> memref<48x128xf32, #tpu.memory_space<hbm>>
      tpu.wait_dma2 semaphore(%run_scoped3A : memref<!tpu.dma_semaphore, #tpu.memory_space<semaphore_mem>>) src(%arg8 : memref<48x128xf32, #tpu.memory_space<vmem>>) dst(%dma_wait3A_220 : memref<48x128xf32, #tpu.memory_space<hbm>>)
      tpu.yield
    }) : () -> ()
    %eq3A_192 = arith.constant 15 : i32
    %eq3A_193 = arith.cmpi eq, %arg1, %eq3A_192 : i32
    %convert_element_type3A_194 = arith.extui %eq3A_193 : i1 to i32
    %cond3A_195 = arith.constant 0 : i32
    %cond3A_196 = arith.cmpi ne, %convert_element_type3A_194, %cond3A_195 : i32
    scf.if %cond3A_196 {
      "tpu.region"() ({
        %run_scoped3A = tpu.sem_alloc : memref<!tpu.dma_semaphore, #tpu.memory_space<semaphore_mem>>
        %dma_start3A_197 = arith.constant 0 : i32
        %dma_start3A_198 = arith.constant 0 : i32
        %dma_start3A_199 = tpu.memref_slice %arg7[%dma_start3A_197, %dma_start3A_198] : memref<128x128xf32, #tpu.memory_space<vmem>> -> memref<16x128xf32, #tpu.memory_space<vmem>>
        %dma_start3A_200 = arith.constant 9984 : i32
        %dma_start3A_201 = arith.constant 0 : i32
        %dma_start3A_202 = tpu.memref_slice %arg9[%dma_start3A_200, %dma_start3A_201] : memref<10128x128xf32, #tpu.memory_space<vmem_shared>> -> memref<16x128xf32, #tpu.memory_space<vmem_shared>>
        %dma_start3A_203 = arith.constant 0 : i32
        %dma_start3A_204 = arith.constant 0 : i32
        %dma_start3A_205 = tpu.memref_slice %arg7[%dma_start3A_203, %dma_start3A_204] : memref<128x128xf32, #tpu.memory_space<vmem>> -> memref<16x128xf32, #tpu.memory_space<vmem>>
        %dma_start3A_206 = arith.constant 9984 : i32
        %dma_start3A_207 = arith.constant 0 : i32
        %dma_start3A_208 = tpu.memref_slice %arg9[%dma_start3A_206, %dma_start3A_207] : memref<10128x128xf32, #tpu.memory_space<vmem_shared>> -> memref<16x128xf32, #tpu.memory_space<vmem_shared>>
        tpu.enqueue_dma source(%dma_start3A_208 : memref<16x128xf32, #tpu.memory_space<vmem_shared>>) target(%dma_start3A_205 : memref<16x128xf32, #tpu.memory_space<vmem>>) target_semaphore(%run_scoped3A : memref<!tpu.dma_semaphore, #tpu.memory_space<semaphore_mem>>)
        %dma_wait3A_209 = arith.constant 0 : i32
        %dma_wait3A_210 = arith.constant 0 : i32
        %dma_wait3A_211 = tpu.memref_slice %arg7[%dma_wait3A_209, %dma_wait3A_210] : memref<128x128xf32, #tpu.memory_space<vmem>> -> memref<16x128xf32, #tpu.memory_space<vmem>>
        %dma_wait3A_212 = arith.constant 9984 : i32
        %dma_wait3A_213 = arith.constant 0 : i32
        %dma_wait3A_214 = tpu.memref_slice %arg9[%dma_wait3A_212, %dma_wait3A_213] : memref<10128x128xf32, #tpu.memory_space<vmem_shared>> -> memref<16x128xf32, #tpu.memory_space<vmem_shared>>
        %dma_wait3A_215 = arith.constant 0 : i32
        %dma_wait3A_216 = arith.constant 0 : i32
        %dma_wait3A_217 = tpu.memref_slice %arg7[%dma_wait3A_215, %dma_wait3A_216] : memref<128x128xf32, #tpu.memory_space<vmem>> -> memref<16x128xf32, #tpu.memory_space<vmem>>
        %dma_wait3A_218 = arith.constant 9984 : i32
        %dma_wait3A_219 = arith.constant 0 : i32
        %dma_wait3A_220 = tpu.memref_slice %arg9[%dma_wait3A_218, %dma_wait3A_219] : memref<10128x128xf32, #tpu.memory_space<vmem_shared>> -> memref<16x128xf32, #tpu.memory_space<vmem_shared>>
        tpu.wait_dma2 semaphore(%run_scoped3A : memref<!tpu.dma_semaphore, #tpu.memory_space<semaphore_mem>>) src(%dma_wait3A_220 : memref<16x128xf32, #tpu.memory_space<vmem_shared>>) dst(%dma_wait3A_217 : memref<16x128xf32, #tpu.memory_space<vmem>>)
        tpu.yield
      }) : () -> ()
      "tpu.region"() ({
        %run_scoped3A = tpu.sem_alloc : memref<!tpu.dma_semaphore, #tpu.memory_space<semaphore_mem>>
        %dma_start3A_197 = arith.constant 0 : i32
        %dma_start3A_198 = arith.constant 0 : i32
        %dma_start3A_199 = tpu.memref_slice %arg7[%dma_start3A_197, %dma_start3A_198] : memref<128x128xf32, #tpu.memory_space<vmem>> -> memref<16x128xf32, #tpu.memory_space<vmem>>
        %dma_start3A_200 = arith.constant 0 : i32
        %dma_start3A_201 = arith.constant 0 : i32
        %dma_start3A_202 = tpu.memref_slice %arg5[%arg0, %dma_start3A_200, %dma_start3A_201] : memref<2x10000x128xf32, #tpu.memory_space<hbm>> -> memref<1x10000x128xf32, #tpu.memory_space<hbm>>
        %dma_start3A_203 = tpu.memref_squeeze %dma_start3A_202 : memref<1x10000x128xf32, #tpu.memory_space<hbm>> -> memref<10000x128xf32, #tpu.memory_space<hbm>>
        %dma_start3A_204 = arith.constant 9984 : i32
        %dma_start3A_205 = arith.constant 0 : i32
        %dma_start3A_206 = tpu.memref_slice %dma_start3A_203[%dma_start3A_204, %dma_start3A_205] : memref<10000x128xf32, #tpu.memory_space<hbm>> -> memref<16x128xf32, #tpu.memory_space<hbm>>
        %dma_start3A_207 = arith.constant 0 : i32
        %dma_start3A_208 = arith.constant 0 : i32
        %dma_start3A_209 = tpu.memref_slice %arg5[%arg0, %dma_start3A_207, %dma_start3A_208] : memref<2x10000x128xf32, #tpu.memory_space<hbm>> -> memref<1x10000x128xf32, #tpu.memory_space<hbm>>
        %dma_start3A_210 = tpu.memref_squeeze %dma_start3A_209 : memref<1x10000x128xf32, #tpu.memory_space<hbm>> -> memref<10000x128xf32, #tpu.memory_space<hbm>>
        %dma_start3A_211 = arith.constant 9984 : i32
        %dma_start3A_212 = arith.constant 0 : i32
        %dma_start3A_213 = tpu.memref_slice %dma_start3A_210[%dma_start3A_211, %dma_start3A_212] : memref<10000x128xf32, #tpu.memory_space<hbm>> -> memref<16x128xf32, #tpu.memory_space<hbm>>
        %dma_start3A_214 = arith.constant 0 : i32
        %dma_start3A_215 = arith.constant 0 : i32
        %dma_start3A_216 = tpu.memref_slice %arg7[%dma_start3A_214, %dma_start3A_215] : memref<128x128xf32, #tpu.memory_space<vmem>> -> memref<16x128xf32, #tpu.memory_space<vmem>>
        tpu.enqueue_dma source(%dma_start3A_216 : memref<16x128xf32, #tpu.memory_space<vmem>>) target(%dma_start3A_213 : memref<16x128xf32, #tpu.memory_space<hbm>>) target_semaphore(%run_scoped3A : memref<!tpu.dma_semaphore, #tpu.memory_space<semaphore_mem>>)
        %dma_wait3A_217 = arith.constant 0 : i32
        %dma_wait3A_218 = arith.constant 0 : i32
        %dma_wait3A_219 = tpu.memref_slice %arg7[%dma_wait3A_217, %dma_wait3A_218] : memref<128x128xf32, #tpu.memory_space<vmem>> -> memref<16x128xf32, #tpu.memory_space<vmem>>
        %dma_wait3A_220 = arith.constant 0 : i32
        %dma_wait3A_221 = arith.constant 0 : i32
        %dma_wait3A_222 = tpu.memref_slice %arg5[%arg0, %dma_wait3A_220, %dma_wait3A_221] : memref<2x10000x128xf32, #tpu.memory_space<hbm>> -> memref<1x10000x128xf32, #tpu.memory_space<hbm>>
        %dma_wait3A_223 = tpu.memref_squeeze %dma_wait3A_222 : memref<1x10000x128xf32, #tpu.memory_space<hbm>> -> memref<10000x128xf32, #tpu.memory_space<hbm>>
        %dma_wait3A_224 = arith.constant 9984 : i32
        %dma_wait3A_225 = arith.constant 0 : i32
        %dma_wait3A_226 = tpu.memref_slice %dma_wait3A_223[%dma_wait3A_224, %dma_wait3A_225] : memref<10000x128xf32, #tpu.memory_space<hbm>> -> memref<16x128xf32, #tpu.memory_space<hbm>>
        %dma_wait3A_227 = arith.constant 0 : i32
        %dma_wait3A_228 = arith.constant 0 : i32
        %dma_wait3A_229 = tpu.memref_slice %arg5[%arg0, %dma_wait3A_227, %dma_wait3A_228] : memref<2x10000x128xf32, #tpu.memory_space<hbm>> -> memref<1x10000x128xf32, #tpu.memory_space<hbm>>
        %dma_wait3A_230 = tpu.memref_squeeze %dma_wait3A_229 : memref<1x10000x128xf32, #tpu.memory_space<hbm>> -> memref<10000x128xf32, #tpu.memory_space<hbm>>
        %dma_wait3A_231 = arith.constant 9984 : i32
        %dma_wait3A_232 = arith.constant 0 : i32
        %dma_wait3A_233 = tpu.memref_slice %dma_wait3A_230[%dma_wait3A_231, %dma_wait3A_232] : memref<10000x128xf32, #tpu.memory_space<hbm>> -> memref<16x128xf32, #tpu.memory_space<hbm>>
        %dma_wait3A_234 = arith.constant 0 : i32
        %dma_wait3A_235 = arith.constant 0 : i32
        %dma_wait3A_236 = tpu.memref_slice %arg7[%dma_wait3A_234, %dma_wait3A_235] : memref<128x128xf32, #tpu.memory_space<vmem>> -> memref<16x128xf32, #tpu.memory_space<vmem>>
        tpu.wait_dma2 semaphore(%run_scoped3A : memref<!tpu.dma_semaphore, #tpu.memory_space<semaphore_mem>>) src(%dma_wait3A_236 : memref<16x128xf32, #tpu.memory_space<vmem>>) dst(%dma_wait3A_233 : memref<16x128xf32, #tpu.memory_space<hbm>>)
        tpu.yield
      }) : () -> ()
    } else {
    }
    return
  }
}

#map = affine_map<(d0, d1) -> (0, 0)>
#map1 = affine_map<(d0, d1) -> (0, 0, 0, 0)>
#map2 = affine_map<(d0, d1) -> (0, 0, 0)>
module attributes {stable_mosaic.version = 14 : i64} {
  func.func @k(%arg0: i32, %arg1: i32, %arg2: memref<10000x128xf32, #tpu.memory_space<hbm>>, %arg3: memref<32x19x8x128xi32, #tpu.memory_space<hbm>>, %arg4: memref<32x6x128xi32, #tpu.memory_space<hbm>>, %arg5: memref<2x10000x128xf32, #tpu.memory_space<hbm>>, %arg6: memref<8x128xi32, #tpu.memory_space<vmem>>, %arg7: memref<128x128xf32, #tpu.memory_space<vmem>>, %arg8: memref<48x128xf32, #tpu.memory_space<vmem>>, %arg9: memref<10128x128xf32, #tpu.memory_space<vmem_shared>>, %arg10: memref<!tpu.dma_semaphore, #tpu.memory_space<semaphore_mem>>, %arg11: memref<!tpu.dma_semaphore, #tpu.memory_space<semaphore_mem>>, %arg12: memref<128x128xf32, #tpu.memory_space<vmem>>, %arg13: memref<!tpu.dma_semaphore, #tpu.memory_space<semaphore_mem>>, %arg14: memref<!tpu.dma_semaphore, #tpu.memory_space<semaphore_mem>>) attributes {dimension_semantics = [#tpu.dimension_semantics<core_parallel>, #tpu.dimension_semantics<subcore_parallel>], iteration_bounds = array<i64: 2, 16>, scalar_prefetch = 0 : i64, scratch_operands = 9 : i64, tpu.core_type = #tpu.core_type<sc_vector_subcore>, window_params = [{transform_indices = #map}, {transform_indices = #map1}, {transform_indices = #map2}, {transform_indices = #map2}]} {
    %mul3A = arith.constant 2 : i32
    %mul3A_0 = arith.muli %arg1, %mul3A : i32
    %add3A = arith.addi %mul3A_0, %arg0 : i32
    %broadcast_in_dim3A = arith.constant 0.000000e+00 : f32
    %broadcast_in_dim3A_1 = vector.broadcast %broadcast_in_dim3A : f32 to vector<16xf32>
    %scan3A = arith.constant 0 : i32
    %scan3A_2 = arith.constant 0 : i32
    %scan3A_3 = arith.constant 48 : i32
    %scan3A_4 = arith.addi %scan3A_2, %scan3A_3 : i32
    %scan3A_5 = arith.constant 1 : i32
    scf.for %scan3A_197 = %scan3A_2 to %scan3A_4 step %scan3A_5  : i32 {
      %swap3A = arith.index_cast %scan3A_197 : i32 to index
      %swap3A_198 = arith.constant 0 : index
      %swap3A_199 = tpu.vector_load %arg8[%swap3A, %swap3A_198] {strides = array<i32>} : memref<48x128xf32, #tpu.memory_space<vmem>>, vector<1x16xf32>,
      %swap3A_200 = vector.shape_cast %swap3A_199 : vector<1x16xf32> to vector<16xf32>
      %swap3A_201 = vector.shape_cast %broadcast_in_dim3A_1 : vector<16xf32> to vector<1x16xf32>
      tpu.vector_store %arg8[%swap3A, %swap3A_198], %swap3A_201 {strides = array<i32>} : memref<48x128xf32, #tpu.memory_space<vmem>>, vector<1x16xf32>,
      %swap3A_202 = arith.index_cast %scan3A_197 : i32 to index
      %swap3A_203 = arith.constant 16 : index
      %swap3A_204 = tpu.vector_load %arg8[%swap3A_202, %swap3A_203] {strides = array<i32>} : memref<48x128xf32, #tpu.memory_space<vmem>>, vector<1x16xf32>,
      %swap3A_205 = vector.shape_cast %swap3A_204 : vector<1x16xf32> to vector<16xf32>
      %swap3A_206 = vector.shape_cast %broadcast_in_dim3A_1 : vector<16xf32> to vector<1x16xf32>
      tpu.vector_store %arg8[%swap3A_202, %swap3A_203], %swap3A_206 {strides = array<i32>} : memref<48x128xf32, #tpu.memory_space<vmem>>, vector<1x16xf32>,
      %swap3A_207 = arith.index_cast %scan3A_197 : i32 to index
      %swap3A_208 = arith.constant 32 : index
      %swap3A_209 = tpu.vector_load %arg8[%swap3A_207, %swap3A_208] {strides = array<i32>} : memref<48x128xf32, #tpu.memory_space<vmem>>, vector<1x16xf32>,
      %swap3A_210 = vector.shape_cast %swap3A_209 : vector<1x16xf32> to vector<16xf32>
      %swap3A_211 = vector.shape_cast %broadcast_in_dim3A_1 : vector<16xf32> to vector<1x16xf32>
      tpu.vector_store %arg8[%swap3A_207, %swap3A_208], %swap3A_211 {strides = array<i32>} : memref<48x128xf32, #tpu.memory_space<vmem>>, vector<1x16xf32>,
      %swap3A_212 = arith.index_cast %scan3A_197 : i32 to index
      %swap3A_213 = arith.constant 48 : index
      %swap3A_214 = tpu.vector_load %arg8[%swap3A_212, %swap3A_213] {strides = array<i32>} : memref<48x128xf32, #tpu.memory_space<vmem>>, vector<1x16xf32>,
      %swap3A_215 = vector.shape_cast %swap3A_214 : vector<1x16xf32> to vector<16xf32>
      %swap3A_216 = vector.shape_cast %broadcast_in_dim3A_1 : vector<16xf32> to vector<1x16xf32>
      tpu.vector_store %arg8[%swap3A_212, %swap3A_213], %swap3A_216 {strides = array<i32>} : memref<48x128xf32, #tpu.memory_space<vmem>>, vector<1x16xf32>,
      %swap3A_217 = arith.index_cast %scan3A_197 : i32 to index
      %swap3A_218 = arith.constant 64 : index
      %swap3A_219 = tpu.vector_load %arg8[%swap3A_217, %swap3A_218] {strides = array<i32>} : memref<48x128xf32, #tpu.memory_space<vmem>>, vector<1x16xf32>,
      %swap3A_220 = vector.shape_cast %swap3A_219 : vector<1x16xf32> to vector<16xf32>
      %swap3A_221 = vector.shape_cast %broadcast_in_dim3A_1 : vector<16xf32> to vector<1x16xf32>
      tpu.vector_store %arg8[%swap3A_217, %swap3A_218], %swap3A_221 {strides = array<i32>} : memref<48x128xf32, #tpu.memory_space<vmem>>, vector<1x16xf32>,
      %swap3A_222 = arith.index_cast %scan3A_197 : i32 to index
      %swap3A_223 = arith.constant 80 : index
      %swap3A_224 = tpu.vector_load %arg8[%swap3A_222, %swap3A_223] {strides = array<i32>} : memref<48x128xf32, #tpu.memory_space<vmem>>, vector<1x16xf32>,
      %swap3A_225 = vector.shape_cast %swap3A_224 : vector<1x16xf32> to vector<16xf32>
      %swap3A_226 = vector.shape_cast %broadcast_in_dim3A_1 : vector<16xf32> to vector<1x16xf32>
      tpu.vector_store %arg8[%swap3A_222, %swap3A_223], %swap3A_226 {strides = array<i32>} : memref<48x128xf32, #tpu.memory_space<vmem>>, vector<1x16xf32>,
      %swap3A_227 = arith.index_cast %scan3A_197 : i32 to index
      %swap3A_228 = arith.constant 96 : index
      %swap3A_229 = tpu.vector_load %arg8[%swap3A_227, %swap3A_228] {strides = array<i32>} : memref<48x128xf32, #tpu.memory_space<vmem>>, vector<1x16xf32>,
      %swap3A_230 = vector.shape_cast %swap3A_229 : vector<1x16xf32> to vector<16xf32>
      %swap3A_231 = vector.shape_cast %broadcast_in_dim3A_1 : vector<16xf32> to vector<1x16xf32>
      tpu.vector_store %arg8[%swap3A_227, %swap3A_228], %swap3A_231 {strides = array<i32>} : memref<48x128xf32, #tpu.memory_space<vmem>>, vector<1x16xf32>,
      %swap3A_232 = arith.index_cast %scan3A_197 : i32 to index
      %swap3A_233 = arith.constant 112 : index
      %swap3A_234 = tpu.vector_load %arg8[%swap3A_232, %swap3A_233] {strides = array<i32>} : memref<48x128xf32, #tpu.memory_space<vmem>>, vector<1x16xf32>,
      %swap3A_235 = vector.shape_cast %swap3A_234 : vector<1x16xf32> to vector<16xf32>
      %swap3A_236 = vector.shape_cast %broadcast_in_dim3A_1 : vector<16xf32> to vector<1x16xf32>
      tpu.vector_store %arg8[%swap3A_232, %swap3A_233], %swap3A_236 {strides = array<i32>} : memref<48x128xf32, #tpu.memory_space<vmem>>, vector<1x16xf32>,
    }
    %scan3A_6 = arith.constant 48 : i32
    %mul3A_7 = arith.constant 624 : i32
    %mul3A_8 = arith.muli %arg1, %mul3A_7 : i32
    %add3A_9 = arith.constant 0 : i32
    %add3A_10 = arith.addi %mul3A_8, %add3A_9 : i32
    "tpu.region"() ({
      %run_scoped3A = tpu.sem_alloc : memref<!tpu.dma_semaphore, #tpu.memory_space<semaphore_mem>>
      %dma_start3A_197 = arith.constant 0 : i32
      %dma_start3A_198 = tpu.memref_slice %arg9[%add3A_10, %dma_start3A_197] : memref<10128x128xf32, #tpu.memory_space<vmem_shared>> -> memref<48x128xf32, #tpu.memory_space<vmem_shared>>
      %dma_start3A_199 = arith.constant 0 : i32
      %dma_start3A_200 = tpu.memref_slice %arg9[%add3A_10, %dma_start3A_199] : memref<10128x128xf32, #tpu.memory_space<vmem_shared>> -> memref<48x128xf32, #tpu.memory_space<vmem_shared>>
      tpu.enqueue_dma source(%arg8 : memref<48x128xf32, #tpu.memory_space<vmem>>) target(%dma_start3A_200 : memref<48x128xf32, #tpu.memory_space<vmem_shared>>) target_semaphore(%run_scoped3A : memref<!tpu.dma_semaphore, #tpu.memory_space<semaphore_mem>>)
      %dma_wait3A_201 = arith.constant 0 : i32
      %dma_wait3A_202 = tpu.memref_slice %arg9[%add3A_10, %dma_wait3A_201] : memref<10128x128xf32, #tpu.memory_space<vmem_shared>> -> memref<48x128xf32, #tpu.memory_space<vmem_shared>>
      %dma_wait3A_203 = arith.constant 0 : i32
      %dma_wait3A_204 = tpu.memref_slice %arg9[%add3A_10, %dma_wait3A_203] : memref<10128x128xf32, #tpu.memory_space<vmem_shared>> -> memref<48x128xf32, #tpu.memory_space<vmem_shared>>
      tpu.wait_dma2 semaphore(%run_scoped3A : memref<!tpu.dma_semaphore, #tpu.memory_space<semaphore_mem>>) src(%arg8 : memref<48x128xf32, #tpu.memory_space<vmem>>) dst(%dma_wait3A_204 : memref<48x128xf32, #tpu.memory_space<vmem_shared>>)
      tpu.yield
    }) : () -> ()
    %add3A_11 = arith.constant 48 : i32
    %add3A_12 = arith.addi %mul3A_8, %add3A_11 : i32
    "tpu.region"() ({
      %run_scoped3A = tpu.sem_alloc : memref<!tpu.dma_semaphore, #tpu.memory_space<semaphore_mem>>
      %dma_start3A_197 = arith.constant 0 : i32
      %dma_start3A_198 = tpu.memref_slice %arg9[%add3A_12, %dma_start3A_197] : memref<10128x128xf32, #tpu.memory_space<vmem_shared>> -> memref<48x128xf32, #tpu.memory_space<vmem_shared>>
      %dma_start3A_199 = arith.constant 0 : i32
      %dma_start3A_200 = tpu.memref_slice %arg9[%add3A_12, %dma_start3A_199] : memref<10128x128xf32, #tpu.memory_space<vmem_shared>> -> memref<48x128xf32, #tpu.memory_space<vmem_shared>>
      tpu.enqueue_dma source(%arg8 : memref<48x128xf32, #tpu.memory_space<vmem>>) target(%dma_start3A_200 : memref<48x128xf32, #tpu.memory_space<vmem_shared>>) target_semaphore(%run_scoped3A : memref<!tpu.dma_semaphore, #tpu.memory_space<semaphore_mem>>)
      %dma_wait3A_201 = arith.constant 0 : i32
      %dma_wait3A_202 = tpu.memref_slice %arg9[%add3A_12, %dma_wait3A_201] : memref<10128x128xf32, #tpu.memory_space<vmem_shared>> -> memref<48x128xf32, #tpu.memory_space<vmem_shared>>
      %dma_wait3A_203 = arith.constant 0 : i32
      %dma_wait3A_204 = tpu.memref_slice %arg9[%add3A_12, %dma_wait3A_203] : memref<10128x128xf32, #tpu.memory_space<vmem_shared>> -> memref<48x128xf32, #tpu.memory_space<vmem_shared>>
      tpu.wait_dma2 semaphore(%run_scoped3A : memref<!tpu.dma_semaphore, #tpu.memory_space<semaphore_mem>>) src(%arg8 : memref<48x128xf32, #tpu.memory_space<vmem>>) dst(%dma_wait3A_204 : memref<48x128xf32, #tpu.memory_space<vmem_shared>>)
      tpu.yield
    }) : () -> ()
    %add3A_13 = arith.constant 96 : i32
    %add3A_14 = arith.addi %mul3A_8, %add3A_13 : i32
    "tpu.region"() ({
      %run_scoped3A = tpu.sem_alloc : memref<!tpu.dma_semaphore, #tpu.memory_space<semaphore_mem>>
      %dma_start3A_197 = arith.constant 0 : i32
      %dma_start3A_198 = tpu.memref_slice %arg9[%add3A_14, %dma_start3A_197] : memref<10128x128xf32, #tpu.memory_space<vmem_shared>> -> memref<48x128xf32, #tpu.memory_space<vmem_shared>>
      %dma_start3A_199 = arith.constant 0 : i32
      %dma_start3A_200 = tpu.memref_slice %arg9[%add3A_14, %dma_start3A_199] : memref<10128x128xf32, #tpu.memory_space<vmem_shared>> -> memref<48x128xf32, #tpu.memory_space<vmem_shared>>
      tpu.enqueue_dma source(%arg8 : memref<48x128xf32, #tpu.memory_space<vmem>>) target(%dma_start3A_200 : memref<48x128xf32, #tpu.memory_space<vmem_shared>>) target_semaphore(%run_scoped3A : memref<!tpu.dma_semaphore, #tpu.memory_space<semaphore_mem>>)
      %dma_wait3A_201 = arith.constant 0 : i32
      %dma_wait3A_202 = tpu.memref_slice %arg9[%add3A_14, %dma_wait3A_201] : memref<10128x128xf32, #tpu.memory_space<vmem_shared>> -> memref<48x128xf32, #tpu.memory_space<vmem_shared>>
      %dma_wait3A_203 = arith.constant 0 : i32
      %dma_wait3A_204 = tpu.memref_slice %arg9[%add3A_14, %dma_wait3A_203] : memref<10128x128xf32, #tpu.memory_space<vmem_shared>> -> memref<48x128xf32, #tpu.memory_space<vmem_shared>>
      tpu.wait_dma2 semaphore(%run_scoped3A : memref<!tpu.dma_semaphore, #tpu.memory_space<semaphore_mem>>) src(%arg8 : memref<48x128xf32, #tpu.memory_space<vmem>>) dst(%dma_wait3A_204 : memref<48x128xf32, #tpu.memory_space<vmem_shared>>)
      tpu.yield
    }) : () -> ()
    %add3A_15 = arith.constant 144 : i32
    %add3A_16 = arith.addi %mul3A_8, %add3A_15 : i32
    "tpu.region"() ({
      %run_scoped3A = tpu.sem_alloc : memref<!tpu.dma_semaphore, #tpu.memory_space<semaphore_mem>>
      %dma_start3A_197 = arith.constant 0 : i32
      %dma_start3A_198 = tpu.memref_slice %arg9[%add3A_16, %dma_start3A_197] : memref<10128x128xf32, #tpu.memory_space<vmem_shared>> -> memref<48x128xf32, #tpu.memory_space<vmem_shared>>
      %dma_start3A_199 = arith.constant 0 : i32
      %dma_start3A_200 = tpu.memref_slice %arg9[%add3A_16, %dma_start3A_199] : memref<10128x128xf32, #tpu.memory_space<vmem_shared>> -> memref<48x128xf32, #tpu.memory_space<vmem_shared>>
      tpu.enqueue_dma source(%arg8 : memref<48x128xf32, #tpu.memory_space<vmem>>) target(%dma_start3A_200 : memref<48x128xf32, #tpu.memory_space<vmem_shared>>) target_semaphore(%run_scoped3A : memref<!tpu.dma_semaphore, #tpu.memory_space<semaphore_mem>>)
      %dma_wait3A_201 = arith.constant 0 : i32
      %dma_wait3A_202 = tpu.memref_slice %arg9[%add3A_16, %dma_wait3A_201] : memref<10128x128xf32, #tpu.memory_space<vmem_shared>> -> memref<48x128xf32, #tpu.memory_space<vmem_shared>>
      %dma_wait3A_203 = arith.constant 0 : i32
      %dma_wait3A_204 = tpu.memref_slice %arg9[%add3A_16, %dma_wait3A_203] : memref<10128x128xf32, #tpu.memory_space<vmem_shared>> -> memref<48x128xf32, #tpu.memory_space<vmem_shared>>
      tpu.wait_dma2 semaphore(%run_scoped3A : memref<!tpu.dma_semaphore, #tpu.memory_space<semaphore_mem>>) src(%arg8 : memref<48x128xf32, #tpu.memory_space<vmem>>) dst(%dma_wait3A_204 : memref<48x128xf32, #tpu.memory_space<vmem_shared>>)
      tpu.yield
    }) : () -> ()
    %add3A_17 = arith.constant 192 : i32
    %add3A_18 = arith.addi %mul3A_8, %add3A_17 : i32
    "tpu.region"() ({
      %run_scoped3A = tpu.sem_alloc : memref<!tpu.dma_semaphore, #tpu.memory_space<semaphore_mem>>
      %dma_start3A_197 = arith.constant 0 : i32
      %dma_start3A_198 = tpu.memref_slice %arg9[%add3A_18, %dma_start3A_197] : memref<10128x128xf32, #tpu.memory_space<vmem_shared>> -> memref<48x128xf32, #tpu.memory_space<vmem_shared>>
      %dma_start3A_199 = arith.constant 0 : i32
      %dma_start3A_200 = tpu.memref_slice %arg9[%add3A_18, %dma_start3A_199] : memref<10128x128xf32, #tpu.memory_space<vmem_shared>> -> memref<48x128xf32, #tpu.memory_space<vmem_shared>>
      tpu.enqueue_dma source(%arg8 : memref<48x128xf32, #tpu.memory_space<vmem>>) target(%dma_start3A_200 : memref<48x128xf32, #tpu.memory_space<vmem_shared>>) target_semaphore(%run_scoped3A : memref<!tpu.dma_semaphore, #tpu.memory_space<semaphore_mem>>)
      %dma_wait3A_201 = arith.constant 0 : i32
      %dma_wait3A_202 = tpu.memref_slice %arg9[%add3A_18, %dma_wait3A_201] : memref<10128x128xf32, #tpu.memory_space<vmem_shared>> -> memref<48x128xf32, #tpu.memory_space<vmem_shared>>
      %dma_wait3A_203 = arith.constant 0 : i32
      %dma_wait3A_204 = tpu.memref_slice %arg9[%add3A_18, %dma_wait3A_203] : memref<10128x128xf32, #tpu.memory_space<vmem_shared>> -> memref<48x128xf32, #tpu.memory_space<vmem_shared>>
      tpu.wait_dma2 semaphore(%run_scoped3A : memref<!tpu.dma_semaphore, #tpu.memory_space<semaphore_mem>>) src(%arg8 : memref<48x128xf32, #tpu.memory_space<vmem>>) dst(%dma_wait3A_204 : memref<48x128xf32, #tpu.memory_space<vmem_shared>>)
      tpu.yield
    }) : () -> ()
    %add3A_19 = arith.constant 240 : i32
    %add3A_20 = arith.addi %mul3A_8, %add3A_19 : i32
    "tpu.region"() ({
      %run_scoped3A = tpu.sem_alloc : memref<!tpu.dma_semaphore, #tpu.memory_space<semaphore_mem>>
      %dma_start3A_197 = arith.constant 0 : i32
      %dma_start3A_198 = tpu.memref_slice %arg9[%add3A_20, %dma_start3A_197] : memref<10128x128xf32, #tpu.memory_space<vmem_shared>> -> memref<48x128xf32, #tpu.memory_space<vmem_shared>>
      %dma_start3A_199 = arith.constant 0 : i32
      %dma_start3A_200 = tpu.memref_slice %arg9[%add3A_20, %dma_start3A_199] : memref<10128x128xf32, #tpu.memory_space<vmem_shared>> -> memref<48x128xf32, #tpu.memory_space<vmem_shared>>
      tpu.enqueue_dma source(%arg8 : memref<48x128xf32, #tpu.memory_space<vmem>>) target(%dma_start3A_200 : memref<48x128xf32, #tpu.memory_space<vmem_shared>>) target_semaphore(%run_scoped3A : memref<!tpu.dma_semaphore, #tpu.memory_space<semaphore_mem>>)
      %dma_wait3A_201 = arith.constant 0 : i32
      %dma_wait3A_202 = tpu.memref_slice %arg9[%add3A_20, %dma_wait3A_201] : memref<10128x128xf32, #tpu.memory_space<vmem_shared>> -> memref<48x128xf32, #tpu.memory_space<vmem_shared>>
      %dma_wait3A_203 = arith.constant 0 : i32
      %dma_wait3A_204 = tpu.memref_slice %arg9[%add3A_20, %dma_wait3A_203] : memref<10128x128xf32, #tpu.memory_space<vmem_shared>> -> memref<48x128xf32, #tpu.memory_space<vmem_shared>>
      tpu.wait_dma2 semaphore(%run_scoped3A : memref<!tpu.dma_semaphore, #tpu.memory_space<semaphore_mem>>) src(%arg8 : memref<48x128xf32, #tpu.memory_space<vmem>>) dst(%dma_wait3A_204 : memref<48x128xf32, #tpu.memory_space<vmem_shared>>)
      tpu.yield
    }) : () -> ()
    %add3A_21 = arith.constant 288 : i32
    %add3A_22 = arith.addi %mul3A_8, %add3A_21 : i32
    "tpu.region"() ({
      %run_scoped3A = tpu.sem_alloc : memref<!tpu.dma_semaphore, #tpu.memory_space<semaphore_mem>>
      %dma_start3A_197 = arith.constant 0 : i32
      %dma_start3A_198 = tpu.memref_slice %arg9[%add3A_22, %dma_start3A_197] : memref<10128x128xf32, #tpu.memory_space<vmem_shared>> -> memref<48x128xf32, #tpu.memory_space<vmem_shared>>
      %dma_start3A_199 = arith.constant 0 : i32
      %dma_start3A_200 = tpu.memref_slice %arg9[%add3A_22, %dma_start3A_199] : memref<10128x128xf32, #tpu.memory_space<vmem_shared>> -> memref<48x128xf32, #tpu.memory_space<vmem_shared>>
      tpu.enqueue_dma source(%arg8 : memref<48x128xf32, #tpu.memory_space<vmem>>) target(%dma_start3A_200 : memref<48x128xf32, #tpu.memory_space<vmem_shared>>) target_semaphore(%run_scoped3A : memref<!tpu.dma_semaphore, #tpu.memory_space<semaphore_mem>>)
      %dma_wait3A_201 = arith.constant 0 : i32
      %dma_wait3A_202 = tpu.memref_slice %arg9[%add3A_22, %dma_wait3A_201] : memref<10128x128xf32, #tpu.memory_space<vmem_shared>> -> memref<48x128xf32, #tpu.memory_space<vmem_shared>>
      %dma_wait3A_203 = arith.constant 0 : i32
      %dma_wait3A_204 = tpu.memref_slice %arg9[%add3A_22, %dma_wait3A_203] : memref<10128x128xf32, #tpu.memory_space<vmem_shared>> -> memref<48x128xf32, #tpu.memory_space<vmem_shared>>
      tpu.wait_dma2 semaphore(%run_scoped3A : memref<!tpu.dma_semaphore, #tpu.memory_space<semaphore_mem>>) src(%arg8 : memref<48x128xf32, #tpu.memory_space<vmem>>) dst(%dma_wait3A_204 : memref<48x128xf32, #tpu.memory_space<vmem_shared>>)
      tpu.yield
    }) : () -> ()
    %add3A_23 = arith.constant 336 : i32
    %add3A_24 = arith.addi %mul3A_8, %add3A_23 : i32
    "tpu.region"() ({
      %run_scoped3A = tpu.sem_alloc : memref<!tpu.dma_semaphore, #tpu.memory_space<semaphore_mem>>
      %dma_start3A_197 = arith.constant 0 : i32
      %dma_start3A_198 = tpu.memref_slice %arg9[%add3A_24, %dma_start3A_197] : memref<10128x128xf32, #tpu.memory_space<vmem_shared>> -> memref<48x128xf32, #tpu.memory_space<vmem_shared>>
      %dma_start3A_199 = arith.constant 0 : i32
      %dma_start3A_200 = tpu.memref_slice %arg9[%add3A_24, %dma_start3A_199] : memref<10128x128xf32, #tpu.memory_space<vmem_shared>> -> memref<48x128xf32, #tpu.memory_space<vmem_shared>>
      tpu.enqueue_dma source(%arg8 : memref<48x128xf32, #tpu.memory_space<vmem>>) target(%dma_start3A_200 : memref<48x128xf32, #tpu.memory_space<vmem_shared>>) target_semaphore(%run_scoped3A : memref<!tpu.dma_semaphore, #tpu.memory_space<semaphore_mem>>)
      %dma_wait3A_201 = arith.constant 0 : i32
      %dma_wait3A_202 = tpu.memref_slice %arg9[%add3A_24, %dma_wait3A_201] : memref<10128x128xf32, #tpu.memory_space<vmem_shared>> -> memref<48x128xf32, #tpu.memory_space<vmem_shared>>
      %dma_wait3A_203 = arith.constant 0 : i32
      %dma_wait3A_204 = tpu.memref_slice %arg9[%add3A_24, %dma_wait3A_203] : memref<10128x128xf32, #tpu.memory_space<vmem_shared>> -> memref<48x128xf32, #tpu.memory_space<vmem_shared>>
      tpu.wait_dma2 semaphore(%run_scoped3A : memref<!tpu.dma_semaphore, #tpu.memory_space<semaphore_mem>>) src(%arg8 : memref<48x128xf32, #tpu.memory_space<vmem>>) dst(%dma_wait3A_204 : memref<48x128xf32, #tpu.memory_space<vmem_shared>>)
      tpu.yield
    }) : () -> ()
    %add3A_25 = arith.constant 384 : i32
    %add3A_26 = arith.addi %mul3A_8, %add3A_25 : i32
    "tpu.region"() ({
      %run_scoped3A = tpu.sem_alloc : memref<!tpu.dma_semaphore, #tpu.memory_space<semaphore_mem>>
      %dma_start3A_197 = arith.constant 0 : i32
      %dma_start3A_198 = tpu.memref_slice %arg9[%add3A_26, %dma_start3A_197] : memref<10128x128xf32, #tpu.memory_space<vmem_shared>> -> memref<48x128xf32, #tpu.memory_space<vmem_shared>>
      %dma_start3A_199 = arith.constant 0 : i32
      %dma_start3A_200 = tpu.memref_slice %arg9[%add3A_26, %dma_start3A_199] : memref<10128x128xf32, #tpu.memory_space<vmem_shared>> -> memref<48x128xf32, #tpu.memory_space<vmem_shared>>
      tpu.enqueue_dma source(%arg8 : memref<48x128xf32, #tpu.memory_space<vmem>>) target(%dma_start3A_200 : memref<48x128xf32, #tpu.memory_space<vmem_shared>>) target_semaphore(%run_scoped3A : memref<!tpu.dma_semaphore, #tpu.memory_space<semaphore_mem>>)
      %dma_wait3A_201 = arith.constant 0 : i32
      %dma_wait3A_202 = tpu.memref_slice %arg9[%add3A_26, %dma_wait3A_201] : memref<10128x128xf32, #tpu.memory_space<vmem_shared>> -> memref<48x128xf32, #tpu.memory_space<vmem_shared>>
      %dma_wait3A_203 = arith.constant 0 : i32
      %dma_wait3A_204 = tpu.memref_slice %arg9[%add3A_26, %dma_wait3A_203] : memref<10128x128xf32, #tpu.memory_space<vmem_shared>> -> memref<48x128xf32, #tpu.memory_space<vmem_shared>>
      tpu.wait_dma2 semaphore(%run_scoped3A : memref<!tpu.dma_semaphore, #tpu.memory_space<semaphore_mem>>) src(%arg8 : memref<48x128xf32, #tpu.memory_space<vmem>>) dst(%dma_wait3A_204 : memref<48x128xf32, #tpu.memory_space<vmem_shared>>)
      tpu.yield
    }) : () -> ()
    %add3A_27 = arith.constant 432 : i32
    %add3A_28 = arith.addi %mul3A_8, %add3A_27 : i32
    "tpu.region"() ({
      %run_scoped3A = tpu.sem_alloc : memref<!tpu.dma_semaphore, #tpu.memory_space<semaphore_mem>>
      %dma_start3A_197 = arith.constant 0 : i32
      %dma_start3A_198 = tpu.memref_slice %arg9[%add3A_28, %dma_start3A_197] : memref<10128x128xf32, #tpu.memory_space<vmem_shared>> -> memref<48x128xf32, #tpu.memory_space<vmem_shared>>
      %dma_start3A_199 = arith.constant 0 : i32
      %dma_start3A_200 = tpu.memref_slice %arg9[%add3A_28, %dma_start3A_199] : memref<10128x128xf32, #tpu.memory_space<vmem_shared>> -> memref<48x128xf32, #tpu.memory_space<vmem_shared>>
      tpu.enqueue_dma source(%arg8 : memref<48x128xf32, #tpu.memory_space<vmem>>) target(%dma_start3A_200 : memref<48x128xf32, #tpu.memory_space<vmem_shared>>) target_semaphore(%run_scoped3A : memref<!tpu.dma_semaphore, #tpu.memory_space<semaphore_mem>>)
      %dma_wait3A_201 = arith.constant 0 : i32
      %dma_wait3A_202 = tpu.memref_slice %arg9[%add3A_28, %dma_wait3A_201] : memref<10128x128xf32, #tpu.memory_space<vmem_shared>> -> memref<48x128xf32, #tpu.memory_space<vmem_shared>>
      %dma_wait3A_203 = arith.constant 0 : i32
      %dma_wait3A_204 = tpu.memref_slice %arg9[%add3A_28, %dma_wait3A_203] : memref<10128x128xf32, #tpu.memory_space<vmem_shared>> -> memref<48x128xf32, #tpu.memory_space<vmem_shared>>
      tpu.wait_dma2 semaphore(%run_scoped3A : memref<!tpu.dma_semaphore, #tpu.memory_space<semaphore_mem>>) src(%arg8 : memref<48x128xf32, #tpu.memory_space<vmem>>) dst(%dma_wait3A_204 : memref<48x128xf32, #tpu.memory_space<vmem_shared>>)
      tpu.yield
    }) : () -> ()
    %add3A_29 = arith.constant 480 : i32
    %add3A_30 = arith.addi %mul3A_8, %add3A_29 : i32
    "tpu.region"() ({
      %run_scoped3A = tpu.sem_alloc : memref<!tpu.dma_semaphore, #tpu.memory_space<semaphore_mem>>
      %dma_start3A_197 = arith.constant 0 : i32
      %dma_start3A_198 = tpu.memref_slice %arg9[%add3A_30, %dma_start3A_197] : memref<10128x128xf32, #tpu.memory_space<vmem_shared>> -> memref<48x128xf32, #tpu.memory_space<vmem_shared>>
      %dma_start3A_199 = arith.constant 0 : i32
      %dma_start3A_200 = tpu.memref_slice %arg9[%add3A_30, %dma_start3A_199] : memref<10128x128xf32, #tpu.memory_space<vmem_shared>> -> memref<48x128xf32, #tpu.memory_space<vmem_shared>>
      tpu.enqueue_dma source(%arg8 : memref<48x128xf32, #tpu.memory_space<vmem>>) target(%dma_start3A_200 : memref<48x128xf32, #tpu.memory_space<vmem_shared>>) target_semaphore(%run_scoped3A : memref<!tpu.dma_semaphore, #tpu.memory_space<semaphore_mem>>)
      %dma_wait3A_201 = arith.constant 0 : i32
      %dma_wait3A_202 = tpu.memref_slice %arg9[%add3A_30, %dma_wait3A_201] : memref<10128x128xf32, #tpu.memory_space<vmem_shared>> -> memref<48x128xf32, #tpu.memory_space<vmem_shared>>
      %dma_wait3A_203 = arith.constant 0 : i32
      %dma_wait3A_204 = tpu.memref_slice %arg9[%add3A_30, %dma_wait3A_203] : memref<10128x128xf32, #tpu.memory_space<vmem_shared>> -> memref<48x128xf32, #tpu.memory_space<vmem_shared>>
      tpu.wait_dma2 semaphore(%run_scoped3A : memref<!tpu.dma_semaphore, #tpu.memory_space<semaphore_mem>>) src(%arg8 : memref<48x128xf32, #tpu.memory_space<vmem>>) dst(%dma_wait3A_204 : memref<48x128xf32, #tpu.memory_space<vmem_shared>>)
      tpu.yield
    }) : () -> ()
    %add3A_31 = arith.constant 528 : i32
    %add3A_32 = arith.addi %mul3A_8, %add3A_31 : i32
    "tpu.region"() ({
      %run_scoped3A = tpu.sem_alloc : memref<!tpu.dma_semaphore, #tpu.memory_space<semaphore_mem>>
      %dma_start3A_197 = arith.constant 0 : i32
      %dma_start3A_198 = tpu.memref_slice %arg9[%add3A_32, %dma_start3A_197] : memref<10128x128xf32, #tpu.memory_space<vmem_shared>> -> memref<48x128xf32, #tpu.memory_space<vmem_shared>>
      %dma_start3A_199 = arith.constant 0 : i32
      %dma_start3A_200 = tpu.memref_slice %arg9[%add3A_32, %dma_start3A_199] : memref<10128x128xf32, #tpu.memory_space<vmem_shared>> -> memref<48x128xf32, #tpu.memory_space<vmem_shared>>
      tpu.enqueue_dma source(%arg8 : memref<48x128xf32, #tpu.memory_space<vmem>>) target(%dma_start3A_200 : memref<48x128xf32, #tpu.memory_space<vmem_shared>>) target_semaphore(%run_scoped3A : memref<!tpu.dma_semaphore, #tpu.memory_space<semaphore_mem>>)
      %dma_wait3A_201 = arith.constant 0 : i32
      %dma_wait3A_202 = tpu.memref_slice %arg9[%add3A_32, %dma_wait3A_201] : memref<10128x128xf32, #tpu.memory_space<vmem_shared>> -> memref<48x128xf32, #tpu.memory_space<vmem_shared>>
      %dma_wait3A_203 = arith.constant 0 : i32
      %dma_wait3A_204 = tpu.memref_slice %arg9[%add3A_32, %dma_wait3A_203] : memref<10128x128xf32, #tpu.memory_space<vmem_shared>> -> memref<48x128xf32, #tpu.memory_space<vmem_shared>>
      tpu.wait_dma2 semaphore(%run_scoped3A : memref<!tpu.dma_semaphore, #tpu.memory_space<semaphore_mem>>) src(%arg8 : memref<48x128xf32, #tpu.memory_space<vmem>>) dst(%dma_wait3A_204 : memref<48x128xf32, #tpu.memory_space<vmem_shared>>)
      tpu.yield
    }) : () -> ()
    %add3A_33 = arith.constant 576 : i32
    %add3A_34 = arith.addi %mul3A_8, %add3A_33 : i32
    "tpu.region"() ({
      %run_scoped3A = tpu.sem_alloc : memref<!tpu.dma_semaphore, #tpu.memory_space<semaphore_mem>>
      %dma_start3A_197 = arith.constant 0 : i32
      %dma_start3A_198 = tpu.memref_slice %arg9[%add3A_34, %dma_start3A_197] : memref<10128x128xf32, #tpu.memory_space<vmem_shared>> -> memref<48x128xf32, #tpu.memory_space<vmem_shared>>
      %dma_start3A_199 = arith.constant 0 : i32
      %dma_start3A_200 = tpu.memref_slice %arg9[%add3A_34, %dma_start3A_199] : memref<10128x128xf32, #tpu.memory_space<vmem_shared>> -> memref<48x128xf32, #tpu.memory_space<vmem_shared>>
      tpu.enqueue_dma source(%arg8 : memref<48x128xf32, #tpu.memory_space<vmem>>) target(%dma_start3A_200 : memref<48x128xf32, #tpu.memory_space<vmem_shared>>) target_semaphore(%run_scoped3A : memref<!tpu.dma_semaphore, #tpu.memory_space<semaphore_mem>>)
      %dma_wait3A_201 = arith.constant 0 : i32
      %dma_wait3A_202 = tpu.memref_slice %arg9[%add3A_34, %dma_wait3A_201] : memref<10128x128xf32, #tpu.memory_space<vmem_shared>> -> memref<48x128xf32, #tpu.memory_space<vmem_shared>>
      %dma_wait3A_203 = arith.constant 0 : i32
      %dma_wait3A_204 = tpu.memref_slice %arg9[%add3A_34, %dma_wait3A_203] : memref<10128x128xf32, #tpu.memory_space<vmem_shared>> -> memref<48x128xf32, #tpu.memory_space<vmem_shared>>
      tpu.wait_dma2 semaphore(%run_scoped3A : memref<!tpu.dma_semaphore, #tpu.memory_space<semaphore_mem>>) src(%arg8 : memref<48x128xf32, #tpu.memory_space<vmem>>) dst(%dma_wait3A_204 : memref<48x128xf32, #tpu.memory_space<vmem_shared>>)
      tpu.yield
    }) : () -> ()
    %eq3A = arith.constant 15 : i32
    %eq3A_35 = arith.cmpi eq, %arg1, %eq3A : i32
    %convert_element_type3A = arith.extui %eq3A_35 : i1 to i32
    %cond3A = arith.constant 0 : i32
    %cond3A_36 = arith.cmpi ne, %convert_element_type3A, %cond3A : i32
    scf.if %cond3A_36 {
      "tpu.region"() ({
        %run_scoped3A = tpu.sem_alloc : memref<!tpu.dma_semaphore, #tpu.memory_space<semaphore_mem>>
        %dma_start3A_197 = arith.constant 0 : i32
        %dma_start3A_198 = arith.constant 0 : i32
        %dma_start3A_199 = tpu.memref_slice %arg8[%dma_start3A_197, %dma_start3A_198] : memref<48x128xf32, #tpu.memory_space<vmem>> -> memref<16x128xf32, #tpu.memory_space<vmem>>
        %dma_start3A_200 = arith.constant 9984 : i32
        %dma_start3A_201 = arith.constant 0 : i32
        %dma_start3A_202 = tpu.memref_slice %arg9[%dma_start3A_200, %dma_start3A_201] : memref<10128x128xf32, #tpu.memory_space<vmem_shared>> -> memref<16x128xf32, #tpu.memory_space<vmem_shared>>
        %dma_start3A_203 = arith.constant 9984 : i32
        %dma_start3A_204 = arith.constant 0 : i32
        %dma_start3A_205 = tpu.memref_slice %arg9[%dma_start3A_203, %dma_start3A_204] : memref<10128x128xf32, #tpu.memory_space<vmem_shared>> -> memref<16x128xf32, #tpu.memory_space<vmem_shared>>
        %dma_start3A_206 = arith.constant 0 : i32
        %dma_start3A_207 = arith.constant 0 : i32
        %dma_start3A_208 = tpu.memref_slice %arg8[%dma_start3A_206, %dma_start3A_207] : memref<48x128xf32, #tpu.memory_space<vmem>> -> memref<16x128xf32, #tpu.memory_space<vmem>>
        tpu.enqueue_dma source(%dma_start3A_208 : memref<16x128xf32, #tpu.memory_space<vmem>>) target(%dma_start3A_205 : memref<16x128xf32, #tpu.memory_space<vmem_shared>>) target_semaphore(%run_scoped3A : memref<!tpu.dma_semaphore, #tpu.memory_space<semaphore_mem>>)
        %dma_wait3A_209 = arith.constant 0 : i32
        %dma_wait3A_210 = arith.constant 0 : i32
        %dma_wait3A_211 = tpu.memref_slice %arg8[%dma_wait3A_209, %dma_wait3A_210] : memref<48x128xf32, #tpu.memory_space<vmem>> -> memref<16x128xf32, #tpu.memory_space<vmem>>
        %dma_wait3A_212 = arith.constant 9984 : i32
        %dma_wait3A_213 = arith.constant 0 : i32
        %dma_wait3A_214 = tpu.memref_slice %arg9[%dma_wait3A_212, %dma_wait3A_213] : memref<10128x128xf32, #tpu.memory_space<vmem_shared>> -> memref<16x128xf32, #tpu.memory_space<vmem_shared>>
        %dma_wait3A_215 = arith.constant 9984 : i32
        %dma_wait3A_216 = arith.constant 0 : i32
        %dma_wait3A_217 = tpu.memref_slice %arg9[%dma_wait3A_215, %dma_wait3A_216] : memref<10128x128xf32, #tpu.memory_space<vmem_shared>> -> memref<16x128xf32, #tpu.memory_space<vmem_shared>>
        %dma_wait3A_218 = arith.constant 0 : i32
        %dma_wait3A_219 = arith.constant 0 : i32
        %dma_wait3A_220 = tpu.memref_slice %arg8[%dma_wait3A_218, %dma_wait3A_219] : memref<48x128xf32, #tpu.memory_space<vmem>> -> memref<16x128xf32, #tpu.memory_space<vmem>>
        tpu.wait_dma2 semaphore(%run_scoped3A : memref<!tpu.dma_semaphore, #tpu.memory_space<semaphore_mem>>) src(%dma_wait3A_220 : memref<16x128xf32, #tpu.memory_space<vmem>>) dst(%dma_wait3A_217 : memref<16x128xf32, #tpu.memory_space<vmem_shared>>)
        tpu.yield
      }) : () -> ()
    } else {
    }
    %barrier3A = arith.constant 0 : index
    tpu.barrier barrier_id(%barrier3A)
    %scan3A_37 = arith.constant 0 : i32
    %scan3A_38 = arith.constant 0 : i32
    %scan3A_39 = arith.constant 19 : i32
    %scan3A_40 = arith.addi %scan3A_38, %scan3A_39 : i32
    %scan3A_41 = arith.constant 1 : i32
    scf.for %scan3A_197 = %scan3A_38 to %scan3A_40 step %scan3A_41  : i32 {
      %gt3A = arith.constant 0 : i32
      %gt3A_198 = arith.cmpi sgt, %scan3A_197, %gt3A : i32
      %convert_element_type3A_199 = arith.extui %gt3A_198 : i1 to i32
      %cond3A_200 = arith.constant 0 : i32
      %cond3A_201 = arith.cmpi ne, %convert_element_type3A_199, %cond3A_200 : i32
      scf.if %cond3A_201 {
        %dma_wait3A_300 = arith.constant 1 : i32
        %dma_wait3A_301 = arith.constant 0 : i32
        %dma_wait3A_302 = tpu.memref_slice %arg6[%dma_wait3A_300, %dma_wait3A_301] : memref<8x128xi32, #tpu.memory_space<vmem>> -> memref<1x128xi32, #tpu.memory_space<vmem>>
        %dma_wait3A_303 = tpu.memref_squeeze %dma_wait3A_302 : memref<1x128xi32, #tpu.memory_space<vmem>> -> memref<128xi32, #tpu.memory_space<vmem>>
        %dma_wait3A_304 = arith.constant 0 : i32
        %dma_wait3A_305 = arith.constant 0 : i32
        %dma_wait3A_306 = tpu.memref_slice %arg9[%dma_wait3A_304, %dma_wait3A_305] : memref<10128x128xf32, #tpu.memory_space<vmem_shared>> -> memref<10128x128xf32, #tpu.memory_space<vmem_shared>>
        tpu.wait_indirect_dma semaphore(%arg11 : memref<!tpu.dma_semaphore, #tpu.memory_space<semaphore_mem>>) src(%arg7 : memref<128x128xf32, #tpu.memory_space<vmem>>) dst(%dma_wait3A_306 : memref<10128x128xf32, #tpu.memory_space<vmem_shared>>)
        %dma_wait3A_307 = arith.constant 1 : i32
        %dma_wait3A_308 = arith.constant 0 : i32
        %dma_wait3A_309 = tpu.memref_slice %arg6[%dma_wait3A_307, %dma_wait3A_308] : memref<8x128xi32, #tpu.memory_space<vmem>> -> memref<1x128xi32, #tpu.memory_space<vmem>>
        %dma_wait3A_310 = tpu.memref_squeeze %dma_wait3A_309 : memref<1x128xi32, #tpu.memory_space<vmem>> -> memref<128xi32, #tpu.memory_space<vmem>>
        %dma_wait3A_311 = arith.constant 0 : i32
        %dma_wait3A_312 = arith.constant 0 : i32
        %dma_wait3A_313 = tpu.memref_slice %arg9[%dma_wait3A_311, %dma_wait3A_312] : memref<10128x128xf32, #tpu.memory_space<vmem_shared>> -> memref<10128x128xf32, #tpu.memory_space<vmem_shared>>
        tpu.wait_indirect_dma semaphore(%arg14 : memref<!tpu.dma_semaphore, #tpu.memory_space<semaphore_mem>>) src(%arg12 : memref<128x128xf32, #tpu.memory_space<vmem>>) dst(%dma_wait3A_313 : memref<10128x128xf32, #tpu.memory_space<vmem_shared>>)
      } else {
      }
      "tpu.region"() ({
        %run_scoped3A = tpu.sem_alloc : memref<!tpu.dma_semaphore, #tpu.memory_space<semaphore_mem>>
        %dma_start3A_300 = arith.constant 0 : i32
        %dma_start3A_301 = arith.constant 0 : i32
        %dma_start3A_302 = arith.constant 0 : i32
        %dma_start3A_303 = tpu.memref_slice %arg3[%add3A, %dma_start3A_300, %dma_start3A_301, %dma_start3A_302] : memref<32x19x8x128xi32, #tpu.memory_space<hbm>> -> memref<1x19x8x128xi32, #tpu.memory_space<hbm>>
        %dma_start3A_304 = tpu.memref_squeeze %dma_start3A_303 : memref<1x19x8x128xi32, #tpu.memory_space<hbm>> -> memref<19x8x128xi32, #tpu.memory_space<hbm>>
        %dma_start3A_305 = arith.constant 0 : i32
        %dma_start3A_306 = arith.constant 0 : i32
        %dma_start3A_307 = tpu.memref_slice %dma_start3A_304[%scan3A_197, %dma_start3A_305, %dma_start3A_306] : memref<19x8x128xi32, #tpu.memory_space<hbm>> -> memref<1x8x128xi32, #tpu.memory_space<hbm>>
        %dma_start3A_308 = tpu.memref_squeeze %dma_start3A_307 : memref<1x8x128xi32, #tpu.memory_space<hbm>> -> memref<8x128xi32, #tpu.memory_space<hbm>>
        %dma_start3A_309 = arith.constant 0 : i32
        %dma_start3A_310 = arith.constant 0 : i32
        %dma_start3A_311 = arith.constant 0 : i32
        %dma_start3A_312 = tpu.memref_slice %arg3[%add3A, %dma_start3A_309, %dma_start3A_310, %dma_start3A_311] : memref<32x19x8x128xi32, #tpu.memory_space<hbm>> -> memref<1x19x8x128xi32, #tpu.memory_space<hbm>>
        %dma_start3A_313 = tpu.memref_squeeze %dma_start3A_312 : memref<1x19x8x128xi32, #tpu.memory_space<hbm>> -> memref<19x8x128xi32, #tpu.memory_space<hbm>>
        %dma_start3A_314 = arith.constant 0 : i32
        %dma_start3A_315 = arith.constant 0 : i32
        %dma_start3A_316 = tpu.memref_slice %dma_start3A_313[%scan3A_197, %dma_start3A_314, %dma_start3A_315] : memref<19x8x128xi32, #tpu.memory_space<hbm>> -> memref<1x8x128xi32, #tpu.memory_space<hbm>>
        %dma_start3A_317 = tpu.memref_squeeze %dma_start3A_316 : memref<1x8x128xi32, #tpu.memory_space<hbm>> -> memref<8x128xi32, #tpu.memory_space<hbm>>
        tpu.enqueue_dma source(%dma_start3A_317 : memref<8x128xi32, #tpu.memory_space<hbm>>) target(%arg6 : memref<8x128xi32, #tpu.memory_space<vmem>>) target_semaphore(%run_scoped3A : memref<!tpu.dma_semaphore, #tpu.memory_space<semaphore_mem>>)
        %dma_wait3A_318 = arith.constant 0 : i32
        %dma_wait3A_319 = arith.constant 0 : i32
        %dma_wait3A_320 = arith.constant 0 : i32
        %dma_wait3A_321 = tpu.memref_slice %arg3[%add3A, %dma_wait3A_318, %dma_wait3A_319, %dma_wait3A_320] : memref<32x19x8x128xi32, #tpu.memory_space<hbm>> -> memref<1x19x8x128xi32, #tpu.memory_space<hbm>>
        %dma_wait3A_322 = tpu.memref_squeeze %dma_wait3A_321 : memref<1x19x8x128xi32, #tpu.memory_space<hbm>> -> memref<19x8x128xi32, #tpu.memory_space<hbm>>
        %dma_wait3A_323 = arith.constant 0 : i32
        %dma_wait3A_324 = arith.constant 0 : i32
        %dma_wait3A_325 = tpu.memref_slice %dma_wait3A_322[%scan3A_197, %dma_wait3A_323, %dma_wait3A_324] : memref<19x8x128xi32, #tpu.memory_space<hbm>> -> memref<1x8x128xi32, #tpu.memory_space<hbm>>
        %dma_wait3A_326 = tpu.memref_squeeze %dma_wait3A_325 : memref<1x8x128xi32, #tpu.memory_space<hbm>> -> memref<8x128xi32, #tpu.memory_space<hbm>>
        %dma_wait3A_327 = arith.constant 0 : i32
        %dma_wait3A_328 = arith.constant 0 : i32
        %dma_wait3A_329 = arith.constant 0 : i32
        %dma_wait3A_330 = tpu.memref_slice %arg3[%add3A, %dma_wait3A_327, %dma_wait3A_328, %dma_wait3A_329] : memref<32x19x8x128xi32, #tpu.memory_space<hbm>> -> memref<1x19x8x128xi32, #tpu.memory_space<hbm>>
        %dma_wait3A_331 = tpu.memref_squeeze %dma_wait3A_330 : memref<1x19x8x128xi32, #tpu.memory_space<hbm>> -> memref<19x8x128xi32, #tpu.memory_space<hbm>>
        %dma_wait3A_332 = arith.constant 0 : i32
        %dma_wait3A_333 = arith.constant 0 : i32
        %dma_wait3A_334 = tpu.memref_slice %dma_wait3A_331[%scan3A_197, %dma_wait3A_332, %dma_wait3A_333] : memref<19x8x128xi32, #tpu.memory_space<hbm>> -> memref<1x8x128xi32, #tpu.memory_space<hbm>>
        %dma_wait3A_335 = tpu.memref_squeeze %dma_wait3A_334 : memref<1x8x128xi32, #tpu.memory_space<hbm>> -> memref<8x128xi32, #tpu.memory_space<hbm>>
        tpu.wait_dma2 semaphore(%run_scoped3A : memref<!tpu.dma_semaphore, #tpu.memory_space<semaphore_mem>>) src(%dma_wait3A_335 : memref<8x128xi32, #tpu.memory_space<hbm>>) dst(%arg6 : memref<8x128xi32, #tpu.memory_space<vmem>>)
        tpu.yield
      }) : () -> ()
      %dma_start3A_202 = arith.constant 0 : i32
      %dma_start3A_203 = arith.constant 0 : i32
      %dma_start3A_204 = tpu.memref_slice %arg6[%dma_start3A_202, %dma_start3A_203] : memref<8x128xi32, #tpu.memory_space<vmem>> -> memref<1x128xi32, #tpu.memory_space<vmem>>
      %dma_start3A_205 = tpu.memref_squeeze %dma_start3A_204 : memref<1x128xi32, #tpu.memory_space<vmem>> -> memref<128xi32, #tpu.memory_space<vmem>>
      %dma_start3A_206 = arith.constant 0 : i32
      %dma_start3A_207 = arith.constant 0 : i32
      %dma_start3A_208 = tpu.memref_slice %arg2[%dma_start3A_206, %dma_start3A_207] : memref<10000x128xf32, #tpu.memory_space<hbm>> -> memref<10000x128xf32, #tpu.memory_space<hbm>>
      tpu.enqueue_indirect_dma source(%dma_start3A_208 : memref<10000x128xf32, #tpu.memory_space<hbm>>) target(%arg7 : memref<128x128xf32, #tpu.memory_space<vmem>>) offsets(%dma_start3A_205 : memref<128xi32, #tpu.memory_space<vmem>>) semaphore(%arg10 : memref<!tpu.dma_semaphore, #tpu.memory_space<semaphore_mem>>)
      %dma_start3A_209 = arith.constant 2 : i32
      %dma_start3A_210 = arith.constant 0 : i32
      %dma_start3A_211 = tpu.memref_slice %arg6[%dma_start3A_209, %dma_start3A_210] : memref<8x128xi32, #tpu.memory_space<vmem>> -> memref<1x128xi32, #tpu.memory_space<vmem>>
      %dma_start3A_212 = tpu.memref_squeeze %dma_start3A_211 : memref<1x128xi32, #tpu.memory_space<vmem>> -> memref<128xi32, #tpu.memory_space<vmem>>
      %dma_start3A_213 = arith.constant 0 : i32
      %dma_start3A_214 = arith.constant 0 : i32
      %dma_start3A_215 = tpu.memref_slice %arg2[%dma_start3A_213, %dma_start3A_214] : memref<10000x128xf32, #tpu.memory_space<hbm>> -> memref<10000x128xf32, #tpu.memory_space<hbm>>
      tpu.enqueue_indirect_dma source(%dma_start3A_215 : memref<10000x128xf32, #tpu.memory_space<hbm>>) target(%arg12 : memref<128x128xf32, #tpu.memory_space<vmem>>) offsets(%dma_start3A_212 : memref<128xi32, #tpu.memory_space<vmem>>) semaphore(%arg13 : memref<!tpu.dma_semaphore, #tpu.memory_space<semaphore_mem>>)
      %dma_wait3A_216 = arith.constant 0 : i32
      %dma_wait3A_217 = arith.constant 0 : i32
      %dma_wait3A_218 = tpu.memref_slice %arg6[%dma_wait3A_216, %dma_wait3A_217] : memref<8x128xi32, #tpu.memory_space<vmem>> -> memref<1x128xi32, #tpu.memory_space<vmem>>
      %dma_wait3A_219 = tpu.memref_squeeze %dma_wait3A_218 : memref<1x128xi32, #tpu.memory_space<vmem>> -> memref<128xi32, #tpu.memory_space<vmem>>
      %dma_wait3A_220 = arith.constant 0 : i32
      %dma_wait3A_221 = arith.constant 0 : i32
      %dma_wait3A_222 = tpu.memref_slice %arg2[%dma_wait3A_220, %dma_wait3A_221] : memref<10000x128xf32, #tpu.memory_space<hbm>> -> memref<10000x128xf32, #tpu.memory_space<hbm>>
      tpu.wait_indirect_dma semaphore(%arg10 : memref<!tpu.dma_semaphore, #tpu.memory_space<semaphore_mem>>) src(%dma_wait3A_222 : memref<10000x128xf32, #tpu.memory_space<hbm>>) dst(%arg7 : memref<128x128xf32, #tpu.memory_space<vmem>>)
      %dma_start3A_223 = arith.constant 1 : i32
      %dma_start3A_224 = arith.constant 0 : i32
      %dma_start3A_225 = tpu.memref_slice %arg6[%dma_start3A_223, %dma_start3A_224] : memref<8x128xi32, #tpu.memory_space<vmem>> -> memref<1x128xi32, #tpu.memory_space<vmem>>
      %dma_start3A_226 = tpu.memref_squeeze %dma_start3A_225 : memref<1x128xi32, #tpu.memory_space<vmem>> -> memref<128xi32, #tpu.memory_space<vmem>>
      %dma_start3A_227 = arith.constant 0 : i32
      %dma_start3A_228 = arith.constant 0 : i32
      %dma_start3A_229 = tpu.memref_slice %arg9[%dma_start3A_227, %dma_start3A_228] : memref<10128x128xf32, #tpu.memory_space<vmem_shared>> -> memref<10128x128xf32, #tpu.memory_space<vmem_shared>>
      tpu.enqueue_indirect_dma source(%arg7 : memref<128x128xf32, #tpu.memory_space<vmem>>) target(%dma_start3A_229 : memref<10128x128xf32, #tpu.memory_space<vmem_shared>>) offsets(%dma_start3A_226 : memref<128xi32, #tpu.memory_space<vmem>>) semaphore(%arg11 : memref<!tpu.dma_semaphore, #tpu.memory_space<semaphore_mem>>) {add = true}
      %dma_wait3A_230 = arith.constant 0 : i32
      %dma_wait3A_231 = arith.constant 0 : i32
      %dma_wait3A_232 = tpu.memref_slice %arg6[%dma_wait3A_230, %dma_wait3A_231] : memref<8x128xi32, #tpu.memory_space<vmem>> -> memref<1x128xi32, #tpu.memory_space<vmem>>
      %dma_wait3A_233 = tpu.memref_squeeze %dma_wait3A_232 : memref<1x128xi32, #tpu.memory_space<vmem>> -> memref<128xi32, #tpu.memory_space<vmem>>
      %dma_wait3A_234 = arith.constant 0 : i32
      %dma_wait3A_235 = arith.constant 0 : i32
      %dma_wait3A_236 = tpu.memref_slice %arg2[%dma_wait3A_234, %dma_wait3A_235] : memref<10000x128xf32, #tpu.memory_space<hbm>> -> memref<10000x128xf32, #tpu.memory_space<hbm>>
      tpu.wait_indirect_dma semaphore(%arg13 : memref<!tpu.dma_semaphore, #tpu.memory_space<semaphore_mem>>) src(%dma_wait3A_236 : memref<10000x128xf32, #tpu.memory_space<hbm>>) dst(%arg12 : memref<128x128xf32, #tpu.memory_space<vmem>>)
      %dma_start3A_237 = arith.constant 3 : i32
      %dma_start3A_238 = arith.constant 0 : i32
      %dma_start3A_239 = tpu.memref_slice %arg6[%dma_start3A_237, %dma_start3A_238] : memref<8x128xi32, #tpu.memory_space<vmem>> -> memref<1x128xi32, #tpu.memory_space<vmem>>
      %dma_start3A_240 = tpu.memref_squeeze %dma_start3A_239 : memref<1x128xi32, #tpu.memory_space<vmem>> -> memref<128xi32, #tpu.memory_space<vmem>>
      %dma_start3A_241 = arith.constant 0 : i32
      %dma_start3A_242 = arith.constant 0 : i32
      %dma_start3A_243 = tpu.memref_slice %arg9[%dma_start3A_241, %dma_start3A_242] : memref<10128x128xf32, #tpu.memory_space<vmem_shared>> -> memref<10128x128xf32, #tpu.memory_space<vmem_shared>>
      tpu.enqueue_indirect_dma source(%arg12 : memref<128x128xf32, #tpu.memory_space<vmem>>) target(%dma_start3A_243 : memref<10128x128xf32, #tpu.memory_space<vmem_shared>>) offsets(%dma_start3A_240 : memref<128xi32, #tpu.memory_space<vmem>>) semaphore(%arg14 : memref<!tpu.dma_semaphore, #tpu.memory_space<semaphore_mem>>) {add = true}
      %dma_wait3A_244 = arith.constant 1 : i32
      %dma_wait3A_245 = arith.constant 0 : i32
      %dma_wait3A_246 = tpu.memref_slice %arg6[%dma_wait3A_244, %dma_wait3A_245] : memref<8x128xi32, #tpu.memory_space<vmem>> -> memref<1x128xi32, #tpu.memory_space<vmem>>
      %dma_wait3A_247 = tpu.memref_squeeze %dma_wait3A_246 : memref<1x128xi32, #tpu.memory_space<vmem>> -> memref<128xi32, #tpu.memory_space<vmem>>
      %dma_wait3A_248 = arith.constant 0 : i32
      %dma_wait3A_249 = arith.constant 0 : i32
      %dma_wait3A_250 = tpu.memref_slice %arg9[%dma_wait3A_248, %dma_wait3A_249] : memref<10128x128xf32, #tpu.memory_space<vmem_shared>> -> memref<10128x128xf32, #tpu.memory_space<vmem_shared>>
      tpu.wait_indirect_dma semaphore(%arg11 : memref<!tpu.dma_semaphore, #tpu.memory_space<semaphore_mem>>) src(%arg7 : memref<128x128xf32, #tpu.memory_space<vmem>>) dst(%dma_wait3A_250 : memref<10128x128xf32, #tpu.memory_space<vmem_shared>>)
      %dma_start3A_251 = arith.constant 4 : i32
      %dma_start3A_252 = arith.constant 0 : i32
      %dma_start3A_253 = tpu.memref_slice %arg6[%dma_start3A_251, %dma_start3A_252] : memref<8x128xi32, #tpu.memory_space<vmem>> -> memref<1x128xi32, #tpu.memory_space<vmem>>
      %dma_start3A_254 = tpu.memref_squeeze %dma_start3A_253 : memref<1x128xi32, #tpu.memory_space<vmem>> -> memref<128xi32, #tpu.memory_space<vmem>>
      %dma_start3A_255 = arith.constant 0 : i32
      %dma_start3A_256 = arith.constant 0 : i32
      %dma_start3A_257 = tpu.memref_slice %arg2[%dma_start3A_255, %dma_start3A_256] : memref<10000x128xf32, #tpu.memory_space<hbm>> -> memref<10000x128xf32, #tpu.memory_space<hbm>>
      tpu.enqueue_indirect_dma source(%dma_start3A_257 : memref<10000x128xf32, #tpu.memory_space<hbm>>) target(%arg7 : memref<128x128xf32, #tpu.memory_space<vmem>>) offsets(%dma_start3A_254 : memref<128xi32, #tpu.memory_space<vmem>>) semaphore(%arg10 : memref<!tpu.dma_semaphore, #tpu.memory_space<semaphore_mem>>)
      %dma_wait3A_258 = arith.constant 1 : i32
      %dma_wait3A_259 = arith.constant 0 : i32
      %dma_wait3A_260 = tpu.memref_slice %arg6[%dma_wait3A_258, %dma_wait3A_259] : memref<8x128xi32, #tpu.memory_space<vmem>> -> memref<1x128xi32, #tpu.memory_space<vmem>>
      %dma_wait3A_261 = tpu.memref_squeeze %dma_wait3A_260 : memref<1x128xi32, #tpu.memory_space<vmem>> -> memref<128xi32, #tpu.memory_space<vmem>>
      %dma_wait3A_262 = arith.constant 0 : i32
      %dma_wait3A_263 = arith.constant 0 : i32
      %dma_wait3A_264 = tpu.memref_slice %arg9[%dma_wait3A_262, %dma_wait3A_263] : memref<10128x128xf32, #tpu.memory_space<vmem_shared>> -> memref<10128x128xf32, #tpu.memory_space<vmem_shared>>
      tpu.wait_indirect_dma semaphore(%arg14 : memref<!tpu.dma_semaphore, #tpu.memory_space<semaphore_mem>>) src(%arg12 : memref<128x128xf32, #tpu.memory_space<vmem>>) dst(%dma_wait3A_264 : memref<10128x128xf32, #tpu.memory_space<vmem_shared>>)
      %dma_start3A_265 = arith.constant 6 : i32
      %dma_start3A_266 = arith.constant 0 : i32
      %dma_start3A_267 = tpu.memref_slice %arg6[%dma_start3A_265, %dma_start3A_266] : memref<8x128xi32, #tpu.memory_space<vmem>> -> memref<1x128xi32, #tpu.memory_space<vmem>>
      %dma_start3A_268 = tpu.memref_squeeze %dma_start3A_267 : memref<1x128xi32, #tpu.memory_space<vmem>> -> memref<128xi32, #tpu.memory_space<vmem>>
      %dma_start3A_269 = arith.constant 0 : i32
      %dma_start3A_270 = arith.constant 0 : i32
      %dma_start3A_271 = tpu.memref_slice %arg2[%dma_start3A_269, %dma_start3A_270] : memref<10000x128xf32, #tpu.memory_space<hbm>> -> memref<10000x128xf32, #tpu.memory_space<hbm>>
      tpu.enqueue_indirect_dma source(%dma_start3A_271 : memref<10000x128xf32, #tpu.memory_space<hbm>>) target(%arg12 : memref<128x128xf32, #tpu.memory_space<vmem>>) offsets(%dma_start3A_268 : memref<128xi32, #tpu.memory_space<vmem>>) semaphore(%arg13 : memref<!tpu.dma_semaphore, #tpu.memory_space<semaphore_mem>>)
      %dma_wait3A_272 = arith.constant 0 : i32
      %dma_wait3A_273 = arith.constant 0 : i32
      %dma_wait3A_274 = tpu.memref_slice %arg6[%dma_wait3A_272, %dma_wait3A_273] : memref<8x128xi32, #tpu.memory_space<vmem>> -> memref<1x128xi32, #tpu.memory_space<vmem>>
      %dma_wait3A_275 = tpu.memref_squeeze %dma_wait3A_274 : memref<1x128xi32, #tpu.memory_space<vmem>> -> memref<128xi32, #tpu.memory_space<vmem>>
      %dma_wait3A_276 = arith.constant 0 : i32
      %dma_wait3A_277 = arith.constant 0 : i32
      %dma_wait3A_278 = tpu.memref_slice %arg2[%dma_wait3A_276, %dma_wait3A_277] : memref<10000x128xf32, #tpu.memory_space<hbm>> -> memref<10000x128xf32, #tpu.memory_space<hbm>>
      tpu.wait_indirect_dma semaphore(%arg10 : memref<!tpu.dma_semaphore, #tpu.memory_space<semaphore_mem>>) src(%dma_wait3A_278 : memref<10000x128xf32, #tpu.memory_space<hbm>>) dst(%arg7 : memref<128x128xf32, #tpu.memory_space<vmem>>)
      %dma_start3A_279 = arith.constant 5 : i32
      %dma_start3A_280 = arith.constant 0 : i32
      %dma_start3A_281 = tpu.memref_slice %arg6[%dma_start3A_279, %dma_start3A_280] : memref<8x128xi32, #tpu.memory_space<vmem>> -> memref<1x128xi32, #tpu.memory_space<vmem>>
      %dma_start3A_282 = tpu.memref_squeeze %dma_start3A_281 : memref<1x128xi32, #tpu.memory_space<vmem>> -> memref<128xi32, #tpu.memory_space<vmem>>
      %dma_start3A_283 = arith.constant 0 : i32
      %dma_start3A_284 = arith.constant 0 : i32
      %dma_start3A_285 = tpu.memref_slice %arg9[%dma_start3A_283, %dma_start3A_284] : memref<10128x128xf32, #tpu.memory_space<vmem_shared>> -> memref<10128x128xf32, #tpu.memory_space<vmem_shared>>
      tpu.enqueue_indirect_dma source(%arg7 : memref<128x128xf32, #tpu.memory_space<vmem>>) target(%dma_start3A_285 : memref<10128x128xf32, #tpu.memory_space<vmem_shared>>) offsets(%dma_start3A_282 : memref<128xi32, #tpu.memory_space<vmem>>) semaphore(%arg11 : memref<!tpu.dma_semaphore, #tpu.memory_space<semaphore_mem>>) {add = true}
      %dma_wait3A_286 = arith.constant 0 : i32
      %dma_wait3A_287 = arith.constant 0 : i32
      %dma_wait3A_288 = tpu.memref_slice %arg6[%dma_wait3A_286, %dma_wait3A_287] : memref<8x128xi32, #tpu.memory_space<vmem>> -> memref<1x128xi32, #tpu.memory_space<vmem>>
      %dma_wait3A_289 = tpu.memref_squeeze %dma_wait3A_288 : memref<1x128xi32, #tpu.memory_space<vmem>> -> memref<128xi32, #tpu.memory_space<vmem>>
      %dma_wait3A_290 = arith.constant 0 : i32
      %dma_wait3A_291 = arith.constant 0 : i32
      %dma_wait3A_292 = tpu.memref_slice %arg2[%dma_wait3A_290, %dma_wait3A_291] : memref<10000x128xf32, #tpu.memory_space<hbm>> -> memref<10000x128xf32, #tpu.memory_space<hbm>>
      tpu.wait_indirect_dma semaphore(%arg13 : memref<!tpu.dma_semaphore, #tpu.memory_space<semaphore_mem>>) src(%dma_wait3A_292 : memref<10000x128xf32, #tpu.memory_space<hbm>>) dst(%arg12 : memref<128x128xf32, #tpu.memory_space<vmem>>)
      %dma_start3A_293 = arith.constant 7 : i32
      %dma_start3A_294 = arith.constant 0 : i32
      %dma_start3A_295 = tpu.memref_slice %arg6[%dma_start3A_293, %dma_start3A_294] : memref<8x128xi32, #tpu.memory_space<vmem>> -> memref<1x128xi32, #tpu.memory_space<vmem>>
      %dma_start3A_296 = tpu.memref_squeeze %dma_start3A_295 : memref<1x128xi32, #tpu.memory_space<vmem>> -> memref<128xi32, #tpu.memory_space<vmem>>
      %dma_start3A_297 = arith.constant 0 : i32
      %dma_start3A_298 = arith.constant 0 : i32
      %dma_start3A_299 = tpu.memref_slice %arg9[%dma_start3A_297, %dma_start3A_298] : memref<10128x128xf32, #tpu.memory_space<vmem_shared>> -> memref<10128x128xf32, #tpu.memory_space<vmem_shared>>
      tpu.enqueue_indirect_dma source(%arg12 : memref<128x128xf32, #tpu.memory_space<vmem>>) target(%dma_start3A_299 : memref<10128x128xf32, #tpu.memory_space<vmem_shared>>) offsets(%dma_start3A_296 : memref<128xi32, #tpu.memory_space<vmem>>) semaphore(%arg14 : memref<!tpu.dma_semaphore, #tpu.memory_space<semaphore_mem>>) {add = true}
    }
    %scan3A_42 = arith.constant 19 : i32
    %dma_wait3A = arith.constant 1 : i32
    %dma_wait3A_43 = arith.constant 0 : i32
    %dma_wait3A_44 = tpu.memref_slice %arg6[%dma_wait3A, %dma_wait3A_43] : memref<8x128xi32, #tpu.memory_space<vmem>> -> memref<1x128xi32, #tpu.memory_space<vmem>>
    %dma_wait3A_45 = tpu.memref_squeeze %dma_wait3A_44 : memref<1x128xi32, #tpu.memory_space<vmem>> -> memref<128xi32, #tpu.memory_space<vmem>>
    %dma_wait3A_46 = arith.constant 0 : i32
    %dma_wait3A_47 = arith.constant 0 : i32
    %dma_wait3A_48 = tpu.memref_slice %arg9[%dma_wait3A_46, %dma_wait3A_47] : memref<10128x128xf32, #tpu.memory_space<vmem_shared>> -> memref<10128x128xf32, #tpu.memory_space<vmem_shared>>
    tpu.wait_indirect_dma semaphore(%arg11 : memref<!tpu.dma_semaphore, #tpu.memory_space<semaphore_mem>>) src(%arg7 : memref<128x128xf32, #tpu.memory_space<vmem>>) dst(%dma_wait3A_48 : memref<10128x128xf32, #tpu.memory_space<vmem_shared>>)
    %dma_wait3A_49 = arith.constant 1 : i32
    %dma_wait3A_50 = arith.constant 0 : i32
    %dma_wait3A_51 = tpu.memref_slice %arg6[%dma_wait3A_49, %dma_wait3A_50] : memref<8x128xi32, #tpu.memory_space<vmem>> -> memref<1x128xi32, #tpu.memory_space<vmem>>
    %dma_wait3A_52 = tpu.memref_squeeze %dma_wait3A_51 : memref<1x128xi32, #tpu.memory_space<vmem>> -> memref<128xi32, #tpu.memory_space<vmem>>
    %dma_wait3A_53 = arith.constant 0 : i32
    %dma_wait3A_54 = arith.constant 0 : i32
    %dma_wait3A_55 = tpu.memref_slice %arg9[%dma_wait3A_53, %dma_wait3A_54] : memref<10128x128xf32, #tpu.memory_space<vmem_shared>> -> memref<10128x128xf32, #tpu.memory_space<vmem_shared>>
    tpu.wait_indirect_dma semaphore(%arg14 : memref<!tpu.dma_semaphore, #tpu.memory_space<semaphore_mem>>) src(%arg12 : memref<128x128xf32, #tpu.memory_space<vmem>>) dst(%dma_wait3A_55 : memref<10128x128xf32, #tpu.memory_space<vmem_shared>>)
    "tpu.region"() ({
      %run_scoped3A = tpu.sem_alloc : memref<!tpu.dma_semaphore, #tpu.memory_space<semaphore_mem>>
      %dma_start3A_197 = arith.constant 0 : i32
      %dma_start3A_198 = arith.constant 0 : i32
      %dma_start3A_199 = tpu.memref_slice %arg6[%dma_start3A_197, %dma_start3A_198] : memref<8x128xi32, #tpu.memory_space<vmem>> -> memref<6x128xi32, #tpu.memory_space<vmem>>
      %dma_start3A_200 = arith.constant 0 : i32
      %dma_start3A_201 = arith.constant 0 : i32
      %dma_start3A_202 = tpu.memref_slice %arg4[%add3A, %dma_start3A_200, %dma_start3A_201] : memref<32x6x128xi32, #tpu.memory_space<hbm>> -> memref<1x6x128xi32, #tpu.memory_space<hbm>>
      %dma_start3A_203 = tpu.memref_squeeze %dma_start3A_202 : memref<1x6x128xi32, #tpu.memory_space<hbm>> -> memref<6x128xi32, #tpu.memory_space<hbm>>
      %dma_start3A_204 = arith.constant 0 : i32
      %dma_start3A_205 = arith.constant 0 : i32
      %dma_start3A_206 = tpu.memref_slice %arg6[%dma_start3A_204, %dma_start3A_205] : memref<8x128xi32, #tpu.memory_space<vmem>> -> memref<6x128xi32, #tpu.memory_space<vmem>>
      %dma_start3A_207 = arith.constant 0 : i32
      %dma_start3A_208 = arith.constant 0 : i32
      %dma_start3A_209 = tpu.memref_slice %arg4[%add3A, %dma_start3A_207, %dma_start3A_208] : memref<32x6x128xi32, #tpu.memory_space<hbm>> -> memref<1x6x128xi32, #tpu.memory_space<hbm>>
      %dma_start3A_210 = tpu.memref_squeeze %dma_start3A_209 : memref<1x6x128xi32, #tpu.memory_space<hbm>> -> memref<6x128xi32, #tpu.memory_space<hbm>>
      tpu.enqueue_dma source(%dma_start3A_210 : memref<6x128xi32, #tpu.memory_space<hbm>>) target(%dma_start3A_206 : memref<6x128xi32, #tpu.memory_space<vmem>>) target_semaphore(%run_scoped3A : memref<!tpu.dma_semaphore, #tpu.memory_space<semaphore_mem>>)
      %dma_wait3A_211 = arith.constant 0 : i32
      %dma_wait3A_212 = arith.constant 0 : i32
      %dma_wait3A_213 = tpu.memref_slice %arg6[%dma_wait3A_211, %dma_wait3A_212] : memref<8x128xi32, #tpu.memory_space<vmem>> -> memref<6x128xi32, #tpu.memory_space<vmem>>
      %dma_wait3A_214 = arith.constant 0 : i32
      %dma_wait3A_215 = arith.constant 0 : i32
      %dma_wait3A_216 = tpu.memref_slice %arg4[%add3A, %dma_wait3A_214, %dma_wait3A_215] : memref<32x6x128xi32, #tpu.memory_space<hbm>> -> memref<1x6x128xi32, #tpu.memory_space<hbm>>
      %dma_wait3A_217 = tpu.memref_squeeze %dma_wait3A_216 : memref<1x6x128xi32, #tpu.memory_space<hbm>> -> memref<6x128xi32, #tpu.memory_space<hbm>>
      %dma_wait3A_218 = arith.constant 0 : i32
      %dma_wait3A_219 = arith.constant 0 : i32
      %dma_wait3A_220 = tpu.memref_slice %arg6[%dma_wait3A_218, %dma_wait3A_219] : memref<8x128xi32, #tpu.memory_space<vmem>> -> memref<6x128xi32, #tpu.memory_space<vmem>>
      %dma_wait3A_221 = arith.constant 0 : i32
      %dma_wait3A_222 = arith.constant 0 : i32
      %dma_wait3A_223 = tpu.memref_slice %arg4[%add3A, %dma_wait3A_221, %dma_wait3A_222] : memref<32x6x128xi32, #tpu.memory_space<hbm>> -> memref<1x6x128xi32, #tpu.memory_space<hbm>>
      %dma_wait3A_224 = tpu.memref_squeeze %dma_wait3A_223 : memref<1x6x128xi32, #tpu.memory_space<hbm>> -> memref<6x128xi32, #tpu.memory_space<hbm>>
      tpu.wait_dma2 semaphore(%run_scoped3A : memref<!tpu.dma_semaphore, #tpu.memory_space<semaphore_mem>>) src(%dma_wait3A_224 : memref<6x128xi32, #tpu.memory_space<hbm>>) dst(%dma_wait3A_220 : memref<6x128xi32, #tpu.memory_space<vmem>>)
      tpu.yield
    }) : () -> ()
    %dma_start3A = arith.constant 0 : i32
    %dma_start3A_56 = arith.constant 0 : i32
    %dma_start3A_57 = tpu.memref_slice %arg6[%dma_start3A, %dma_start3A_56] : memref<8x128xi32, #tpu.memory_space<vmem>> -> memref<1x128xi32, #tpu.memory_space<vmem>>
    %dma_start3A_58 = tpu.memref_squeeze %dma_start3A_57 : memref<1x128xi32, #tpu.memory_space<vmem>> -> memref<128xi32, #tpu.memory_space<vmem>>
    %dma_start3A_59 = arith.constant 0 : i32
    %dma_start3A_60 = arith.constant 0 : i32
    %dma_start3A_61 = tpu.memref_slice %arg2[%dma_start3A_59, %dma_start3A_60] : memref<10000x128xf32, #tpu.memory_space<hbm>> -> memref<10000x128xf32, #tpu.memory_space<hbm>>
    tpu.enqueue_indirect_dma source(%dma_start3A_61 : memref<10000x128xf32, #tpu.memory_space<hbm>>) target(%arg7 : memref<128x128xf32, #tpu.memory_space<vmem>>) offsets(%dma_start3A_58 : memref<128xi32, #tpu.memory_space<vmem>>) semaphore(%arg10 : memref<!tpu.dma_semaphore, #tpu.memory_space<semaphore_mem>>)
    %dma_start3A_62 = arith.constant 2 : i32
    %dma_start3A_63 = arith.constant 0 : i32
    %dma_start3A_64 = tpu.memref_slice %arg6[%dma_start3A_62, %dma_start3A_63] : memref<8x128xi32, #tpu.memory_space<vmem>> -> memref<1x128xi32, #tpu.memory_space<vmem>>
    %dma_start3A_65 = tpu.memref_squeeze %dma_start3A_64 : memref<1x128xi32, #tpu.memory_space<vmem>> -> memref<128xi32, #tpu.memory_space<vmem>>
    %dma_start3A_66 = arith.constant 0 : i32
    %dma_start3A_67 = arith.constant 0 : i32
    %dma_start3A_68 = tpu.memref_slice %arg2[%dma_start3A_66, %dma_start3A_67] : memref<10000x128xf32, #tpu.memory_space<hbm>> -> memref<10000x128xf32, #tpu.memory_space<hbm>>
    tpu.enqueue_indirect_dma source(%dma_start3A_68 : memref<10000x128xf32, #tpu.memory_space<hbm>>) target(%arg12 : memref<128x128xf32, #tpu.memory_space<vmem>>) offsets(%dma_start3A_65 : memref<128xi32, #tpu.memory_space<vmem>>) semaphore(%arg13 : memref<!tpu.dma_semaphore, #tpu.memory_space<semaphore_mem>>)
    %dma_wait3A_69 = arith.constant 0 : i32
    %dma_wait3A_70 = arith.constant 0 : i32
    %dma_wait3A_71 = tpu.memref_slice %arg6[%dma_wait3A_69, %dma_wait3A_70] : memref<8x128xi32, #tpu.memory_space<vmem>> -> memref<1x128xi32, #tpu.memory_space<vmem>>
    %dma_wait3A_72 = tpu.memref_squeeze %dma_wait3A_71 : memref<1x128xi32, #tpu.memory_space<vmem>> -> memref<128xi32, #tpu.memory_space<vmem>>
    %dma_wait3A_73 = arith.constant 0 : i32
    %dma_wait3A_74 = arith.constant 0 : i32
    %dma_wait3A_75 = tpu.memref_slice %arg2[%dma_wait3A_73, %dma_wait3A_74] : memref<10000x128xf32, #tpu.memory_space<hbm>> -> memref<10000x128xf32, #tpu.memory_space<hbm>>
    tpu.wait_indirect_dma semaphore(%arg10 : memref<!tpu.dma_semaphore, #tpu.memory_space<semaphore_mem>>) src(%dma_wait3A_75 : memref<10000x128xf32, #tpu.memory_space<hbm>>) dst(%arg7 : memref<128x128xf32, #tpu.memory_space<vmem>>)
    %dma_start3A_76 = arith.constant 1 : i32
    %dma_start3A_77 = arith.constant 0 : i32
    %dma_start3A_78 = tpu.memref_slice %arg6[%dma_start3A_76, %dma_start3A_77] : memref<8x128xi32, #tpu.memory_space<vmem>> -> memref<1x128xi32, #tpu.memory_space<vmem>>
    %dma_start3A_79 = tpu.memref_squeeze %dma_start3A_78 : memref<1x128xi32, #tpu.memory_space<vmem>> -> memref<128xi32, #tpu.memory_space<vmem>>
    %dma_start3A_80 = arith.constant 0 : i32
    %dma_start3A_81 = arith.constant 0 : i32
    %dma_start3A_82 = tpu.memref_slice %arg9[%dma_start3A_80, %dma_start3A_81] : memref<10128x128xf32, #tpu.memory_space<vmem_shared>> -> memref<10128x128xf32, #tpu.memory_space<vmem_shared>>
    tpu.enqueue_indirect_dma source(%arg7 : memref<128x128xf32, #tpu.memory_space<vmem>>) target(%dma_start3A_82 : memref<10128x128xf32, #tpu.memory_space<vmem_shared>>) offsets(%dma_start3A_79 : memref<128xi32, #tpu.memory_space<vmem>>) semaphore(%arg11 : memref<!tpu.dma_semaphore, #tpu.memory_space<semaphore_mem>>) {add = true}
    %dma_wait3A_83 = arith.constant 0 : i32
    %dma_wait3A_84 = arith.constant 0 : i32
    %dma_wait3A_85 = tpu.memref_slice %arg6[%dma_wait3A_83, %dma_wait3A_84] : memref<8x128xi32, #tpu.memory_space<vmem>> -> memref<1x128xi32, #tpu.memory_space<vmem>>
    %dma_wait3A_86 = tpu.memref_squeeze %dma_wait3A_85 : memref<1x128xi32, #tpu.memory_space<vmem>> -> memref<128xi32, #tpu.memory_space<vmem>>
    %dma_wait3A_87 = arith.constant 0 : i32
    %dma_wait3A_88 = arith.constant 0 : i32
    %dma_wait3A_89 = tpu.memref_slice %arg2[%dma_wait3A_87, %dma_wait3A_88] : memref<10000x128xf32, #tpu.memory_space<hbm>> -> memref<10000x128xf32, #tpu.memory_space<hbm>>
    tpu.wait_indirect_dma semaphore(%arg13 : memref<!tpu.dma_semaphore, #tpu.memory_space<semaphore_mem>>) src(%dma_wait3A_89 : memref<10000x128xf32, #tpu.memory_space<hbm>>) dst(%arg12 : memref<128x128xf32, #tpu.memory_space<vmem>>)
    %dma_start3A_90 = arith.constant 3 : i32
    %dma_start3A_91 = arith.constant 0 : i32
    %dma_start3A_92 = tpu.memref_slice %arg6[%dma_start3A_90, %dma_start3A_91] : memref<8x128xi32, #tpu.memory_space<vmem>> -> memref<1x128xi32, #tpu.memory_space<vmem>>
    %dma_start3A_93 = tpu.memref_squeeze %dma_start3A_92 : memref<1x128xi32, #tpu.memory_space<vmem>> -> memref<128xi32, #tpu.memory_space<vmem>>
    %dma_start3A_94 = arith.constant 0 : i32
    %dma_start3A_95 = arith.constant 0 : i32
    %dma_start3A_96 = tpu.memref_slice %arg9[%dma_start3A_94, %dma_start3A_95] : memref<10128x128xf32, #tpu.memory_space<vmem_shared>> -> memref<10128x128xf32, #tpu.memory_space<vmem_shared>>
    tpu.enqueue_indirect_dma source(%arg12 : memref<128x128xf32, #tpu.memory_space<vmem>>) target(%dma_start3A_96 : memref<10128x128xf32, #tpu.memory_space<vmem_shared>>) offsets(%dma_start3A_93 : memref<128xi32, #tpu.memory_space<vmem>>) semaphore(%arg14 : memref<!tpu.dma_semaphore, #tpu.memory_space<semaphore_mem>>) {add = true}
    %dma_wait3A_97 = arith.constant 1 : i32
    %dma_wait3A_98 = arith.constant 0 : i32
    %dma_wait3A_99 = tpu.memref_slice %arg6[%dma_wait3A_97, %dma_wait3A_98] : memref<8x128xi32, #tpu.memory_space<vmem>> -> memref<1x128xi32, #tpu.memory_space<vmem>>
    %dma_wait3A_100 = tpu.memref_squeeze %dma_wait3A_99 : memref<1x128xi32, #tpu.memory_space<vmem>> -> memref<128xi32, #tpu.memory_space<vmem>>
    %dma_wait3A_101 = arith.constant 0 : i32
    %dma_wait3A_102 = arith.constant 0 : i32
    %dma_wait3A_103 = tpu.memref_slice %arg9[%dma_wait3A_101, %dma_wait3A_102] : memref<10128x128xf32, #tpu.memory_space<vmem_shared>> -> memref<10128x128xf32, #tpu.memory_space<vmem_shared>>
    tpu.wait_indirect_dma semaphore(%arg11 : memref<!tpu.dma_semaphore, #tpu.memory_space<semaphore_mem>>) src(%arg7 : memref<128x128xf32, #tpu.memory_space<vmem>>) dst(%dma_wait3A_103 : memref<10128x128xf32, #tpu.memory_space<vmem_shared>>)
    %dma_start3A_104 = arith.constant 4 : i32
    %dma_start3A_105 = arith.constant 0 : i32
    %dma_start3A_106 = tpu.memref_slice %arg6[%dma_start3A_104, %dma_start3A_105] : memref<8x128xi32, #tpu.memory_space<vmem>> -> memref<1x128xi32, #tpu.memory_space<vmem>>
    %dma_start3A_107 = tpu.memref_squeeze %dma_start3A_106 : memref<1x128xi32, #tpu.memory_space<vmem>> -> memref<128xi32, #tpu.memory_space<vmem>>
    %dma_start3A_108 = arith.constant 0 : i32
    %dma_start3A_109 = arith.constant 0 : i32
    %dma_start3A_110 = tpu.memref_slice %arg2[%dma_start3A_108, %dma_start3A_109] : memref<10000x128xf32, #tpu.memory_space<hbm>> -> memref<10000x128xf32, #tpu.memory_space<hbm>>
    tpu.enqueue_indirect_dma source(%dma_start3A_110 : memref<10000x128xf32, #tpu.memory_space<hbm>>) target(%arg7 : memref<128x128xf32, #tpu.memory_space<vmem>>) offsets(%dma_start3A_107 : memref<128xi32, #tpu.memory_space<vmem>>) semaphore(%arg10 : memref<!tpu.dma_semaphore, #tpu.memory_space<semaphore_mem>>)
    %dma_wait3A_111 = arith.constant 0 : i32
    %dma_wait3A_112 = arith.constant 0 : i32
    %dma_wait3A_113 = tpu.memref_slice %arg6[%dma_wait3A_111, %dma_wait3A_112] : memref<8x128xi32, #tpu.memory_space<vmem>> -> memref<1x128xi32, #tpu.memory_space<vmem>>
    %dma_wait3A_114 = tpu.memref_squeeze %dma_wait3A_113 : memref<1x128xi32, #tpu.memory_space<vmem>> -> memref<128xi32, #tpu.memory_space<vmem>>
    %dma_wait3A_115 = arith.constant 0 : i32
    %dma_wait3A_116 = arith.constant 0 : i32
    %dma_wait3A_117 = tpu.memref_slice %arg2[%dma_wait3A_115, %dma_wait3A_116] : memref<10000x128xf32, #tpu.memory_space<hbm>> -> memref<10000x128xf32, #tpu.memory_space<hbm>>
    tpu.wait_indirect_dma semaphore(%arg10 : memref<!tpu.dma_semaphore, #tpu.memory_space<semaphore_mem>>) src(%dma_wait3A_117 : memref<10000x128xf32, #tpu.memory_space<hbm>>) dst(%arg7 : memref<128x128xf32, #tpu.memory_space<vmem>>)
    %dma_start3A_118 = arith.constant 5 : i32
    %dma_start3A_119 = arith.constant 0 : i32
    %dma_start3A_120 = tpu.memref_slice %arg6[%dma_start3A_118, %dma_start3A_119] : memref<8x128xi32, #tpu.memory_space<vmem>> -> memref<1x128xi32, #tpu.memory_space<vmem>>
    %dma_start3A_121 = tpu.memref_squeeze %dma_start3A_120 : memref<1x128xi32, #tpu.memory_space<vmem>> -> memref<128xi32, #tpu.memory_space<vmem>>
    %dma_start3A_122 = arith.constant 0 : i32
    %dma_start3A_123 = arith.constant 0 : i32
    %dma_start3A_124 = tpu.memref_slice %arg9[%dma_start3A_122, %dma_start3A_123] : memref<10128x128xf32, #tpu.memory_space<vmem_shared>> -> memref<10128x128xf32, #tpu.memory_space<vmem_shared>>
    tpu.enqueue_indirect_dma source(%arg7 : memref<128x128xf32, #tpu.memory_space<vmem>>) target(%dma_start3A_124 : memref<10128x128xf32, #tpu.memory_space<vmem_shared>>) offsets(%dma_start3A_121 : memref<128xi32, #tpu.memory_space<vmem>>) semaphore(%arg11 : memref<!tpu.dma_semaphore, #tpu.memory_space<semaphore_mem>>) {add = true}
    %dma_wait3A_125 = arith.constant 1 : i32
    %dma_wait3A_126 = arith.constant 0 : i32
    %dma_wait3A_127 = tpu.memref_slice %arg6[%dma_wait3A_125, %dma_wait3A_126] : memref<8x128xi32, #tpu.memory_space<vmem>> -> memref<1x128xi32, #tpu.memory_space<vmem>>
    %dma_wait3A_128 = tpu.memref_squeeze %dma_wait3A_127 : memref<1x128xi32, #tpu.memory_space<vmem>> -> memref<128xi32, #tpu.memory_space<vmem>>
    %dma_wait3A_129 = arith.constant 0 : i32
    %dma_wait3A_130 = arith.constant 0 : i32
    %dma_wait3A_131 = tpu.memref_slice %arg9[%dma_wait3A_129, %dma_wait3A_130] : memref<10128x128xf32, #tpu.memory_space<vmem_shared>> -> memref<10128x128xf32, #tpu.memory_space<vmem_shared>>
    tpu.wait_indirect_dma semaphore(%arg11 : memref<!tpu.dma_semaphore, #tpu.memory_space<semaphore_mem>>) src(%arg7 : memref<128x128xf32, #tpu.memory_space<vmem>>) dst(%dma_wait3A_131 : memref<10128x128xf32, #tpu.memory_space<vmem_shared>>)
    %dma_wait3A_132 = arith.constant 1 : i32
    %dma_wait3A_133 = arith.constant 0 : i32
    %dma_wait3A_134 = tpu.memref_slice %arg6[%dma_wait3A_132, %dma_wait3A_133] : memref<8x128xi32, #tpu.memory_space<vmem>> -> memref<1x128xi32, #tpu.memory_space<vmem>>
    %dma_wait3A_135 = tpu.memref_squeeze %dma_wait3A_134 : memref<1x128xi32, #tpu.memory_space<vmem>> -> memref<128xi32, #tpu.memory_space<vmem>>
    %dma_wait3A_136 = arith.constant 0 : i32
    %dma_wait3A_137 = arith.constant 0 : i32
    %dma_wait3A_138 = tpu.memref_slice %arg9[%dma_wait3A_136, %dma_wait3A_137] : memref<10128x128xf32, #tpu.memory_space<vmem_shared>> -> memref<10128x128xf32, #tpu.memory_space<vmem_shared>>
    tpu.wait_indirect_dma semaphore(%arg14 : memref<!tpu.dma_semaphore, #tpu.memory_space<semaphore_mem>>) src(%arg12 : memref<128x128xf32, #tpu.memory_space<vmem>>) dst(%dma_wait3A_138 : memref<10128x128xf32, #tpu.memory_space<vmem_shared>>)
    %barrier3A_139 = arith.constant 0 : index
    tpu.barrier barrier_id(%barrier3A_139)
    %add3A_140 = arith.constant 0 : i32
    %add3A_141 = arith.addi %mul3A_8, %add3A_140 : i32
    "tpu.region"() ({
      %run_scoped3A = tpu.sem_alloc : memref<!tpu.dma_semaphore, #tpu.memory_space<semaphore_mem>>
      %dma_start3A_197 = arith.constant 0 : i32
      %dma_start3A_198 = tpu.memref_slice %arg9[%add3A_141, %dma_start3A_197] : memref<10128x128xf32, #tpu.memory_space<vmem_shared>> -> memref<48x128xf32, #tpu.memory_space<vmem_shared>>
      %dma_start3A_199 = arith.constant 0 : i32
      %dma_start3A_200 = tpu.memref_slice %arg9[%add3A_141, %dma_start3A_199] : memref<10128x128xf32, #tpu.memory_space<vmem_shared>> -> memref<48x128xf32, #tpu.memory_space<vmem_shared>>
      tpu.enqueue_dma source(%dma_start3A_200 : memref<48x128xf32, #tpu.memory_space<vmem_shared>>) target(%arg8 : memref<48x128xf32, #tpu.memory_space<vmem>>) target_semaphore(%run_scoped3A : memref<!tpu.dma_semaphore, #tpu.memory_space<semaphore_mem>>)
      %dma_wait3A_201 = arith.constant 0 : i32
      %dma_wait3A_202 = tpu.memref_slice %arg9[%add3A_141, %dma_wait3A_201] : memref<10128x128xf32, #tpu.memory_space<vmem_shared>> -> memref<48x128xf32, #tpu.memory_space<vmem_shared>>
      %dma_wait3A_203 = arith.constant 0 : i32
      %dma_wait3A_204 = tpu.memref_slice %arg9[%add3A_141, %dma_wait3A_203] : memref<10128x128xf32, #tpu.memory_space<vmem_shared>> -> memref<48x128xf32, #tpu.memory_space<vmem_shared>>
      tpu.wait_dma2 semaphore(%run_scoped3A : memref<!tpu.dma_semaphore, #tpu.memory_space<semaphore_mem>>) src(%dma_wait3A_204 : memref<48x128xf32, #tpu.memory_space<vmem_shared>>) dst(%arg8 : memref<48x128xf32, #tpu.memory_space<vmem>>)
      tpu.yield
    }) : () -> ()
    %add3A_142 = arith.constant 0 : i32
    %add3A_143 = arith.addi %mul3A_8, %add3A_142 : i32
    "tpu.region"() ({
      %run_scoped3A = tpu.sem_alloc : memref<!tpu.dma_semaphore, #tpu.memory_space<semaphore_mem>>
      %dma_start3A_197 = arith.constant 0 : i32
      %dma_start3A_198 = arith.constant 0 : i32
      %dma_start3A_199 = tpu.memref_slice %arg5[%arg0, %dma_start3A_197, %dma_start3A_198] : memref<2x10000x128xf32, #tpu.memory_space<hbm>> -> memref<1x10000x128xf32, #tpu.memory_space<hbm>>
      %dma_start3A_200 = tpu.memref_squeeze %dma_start3A_199 : memref<1x10000x128xf32, #tpu.memory_space<hbm>> -> memref<10000x128xf32, #tpu.memory_space<hbm>>
      %dma_start3A_201 = arith.constant 0 : i32
      %dma_start3A_202 = tpu.memref_slice %dma_start3A_200[%add3A_143, %dma_start3A_201] : memref<10000x128xf32, #tpu.memory_space<hbm>> -> memref<48x128xf32, #tpu.memory_space<hbm>>
      %dma_start3A_203 = arith.constant 0 : i32
      %dma_start3A_204 = arith.constant 0 : i32
      %dma_start3A_205 = tpu.memref_slice %arg5[%arg0, %dma_start3A_203, %dma_start3A_204] : memref<2x10000x128xf32, #tpu.memory_space<hbm>> -> memref<1x10000x128xf32, #tpu.memory_space<hbm>>
      %dma_start3A_206 = tpu.memref_squeeze %dma_start3A_205 : memref<1x10000x128xf32, #tpu.memory_space<hbm>> -> memref<10000x128xf32, #tpu.memory_space<hbm>>
      %dma_start3A_207 = arith.constant 0 : i32
      %dma_start3A_208 = tpu.memref_slice %dma_start3A_206[%add3A_143, %dma_start3A_207] : memref<10000x128xf32, #tpu.memory_space<hbm>> -> memref<48x128xf32, #tpu.memory_space<hbm>>
      tpu.enqueue_dma source(%arg8 : memref<48x128xf32, #tpu.memory_space<vmem>>) target(%dma_start3A_208 : memref<48x128xf32, #tpu.memory_space<hbm>>) target_semaphore(%run_scoped3A : memref<!tpu.dma_semaphore, #tpu.memory_space<semaphore_mem>>)
      %dma_wait3A_209 = arith.constant 0 : i32
      %dma_wait3A_210 = arith.constant 0 : i32
      %dma_wait3A_211 = tpu.memref_slice %arg5[%arg0, %dma_wait3A_209, %dma_wait3A_210] : memref<2x10000x128xf32, #tpu.memory_space<hbm>> -> memref<1x10000x128xf32, #tpu.memory_space<hbm>>
      %dma_wait3A_212 = tpu.memref_squeeze %dma_wait3A_211 : memref<1x10000x128xf32, #tpu.memory_space<hbm>> -> memref<10000x128xf32, #tpu.memory_space<hbm>>
      %dma_wait3A_213 = arith.constant 0 : i32
      %dma_wait3A_214 = tpu.memref_slice %dma_wait3A_212[%add3A_143, %dma_wait3A_213] : memref<10000x128xf32, #tpu.memory_space<hbm>> -> memref<48x128xf32, #tpu.memory_space<hbm>>
      %dma_wait3A_215 = arith.constant 0 : i32
      %dma_wait3A_216 = arith.constant 0 : i32
      %dma_wait3A_217 = tpu.memref_slice %arg5[%arg0, %dma_wait3A_215, %dma_wait3A_216] : memref<2x10000x128xf32, #tpu.memory_space<hbm>> -> memref<1x10000x128xf32, #tpu.memory_space<hbm>>
      %dma_wait3A_218 = tpu.memref_squeeze %dma_wait3A_217 : memref<1x10000x128xf32, #tpu.memory_space<hbm>> -> memref<10000x128xf32, #tpu.memory_space<hbm>>
      %dma_wait3A_219 = arith.constant 0 : i32
      %dma_wait3A_220 = tpu.memref_slice %dma_wait3A_218[%add3A_143, %dma_wait3A_219] : memref<10000x128xf32, #tpu.memory_space<hbm>> -> memref<48x128xf32, #tpu.memory_space<hbm>>
      tpu.wait_dma2 semaphore(%run_scoped3A : memref<!tpu.dma_semaphore, #tpu.memory_space<semaphore_mem>>) src(%arg8 : memref<48x128xf32, #tpu.memory_space<vmem>>) dst(%dma_wait3A_220 : memref<48x128xf32, #tpu.memory_space<hbm>>)
      tpu.yield
    }) : () -> ()
    %add3A_144 = arith.constant 48 : i32
    %add3A_145 = arith.addi %mul3A_8, %add3A_144 : i32
    "tpu.region"() ({
      %run_scoped3A = tpu.sem_alloc : memref<!tpu.dma_semaphore, #tpu.memory_space<semaphore_mem>>
      %dma_start3A_197 = arith.constant 0 : i32
      %dma_start3A_198 = tpu.memref_slice %arg9[%add3A_145, %dma_start3A_197] : memref<10128x128xf32, #tpu.memory_space<vmem_shared>> -> memref<48x128xf32, #tpu.memory_space<vmem_shared>>
      %dma_start3A_199 = arith.constant 0 : i32
      %dma_start3A_200 = tpu.memref_slice %arg9[%add3A_145, %dma_start3A_199] : memref<10128x128xf32, #tpu.memory_space<vmem_shared>> -> memref<48x128xf32, #tpu.memory_space<vmem_shared>>
      tpu.enqueue_dma source(%dma_start3A_200 : memref<48x128xf32, #tpu.memory_space<vmem_shared>>) target(%arg8 : memref<48x128xf32, #tpu.memory_space<vmem>>) target_semaphore(%run_scoped3A : memref<!tpu.dma_semaphore, #tpu.memory_space<semaphore_mem>>)
      %dma_wait3A_201 = arith.constant 0 : i32
      %dma_wait3A_202 = tpu.memref_slice %arg9[%add3A_145, %dma_wait3A_201] : memref<10128x128xf32, #tpu.memory_space<vmem_shared>> -> memref<48x128xf32, #tpu.memory_space<vmem_shared>>
      %dma_wait3A_203 = arith.constant 0 : i32
      %dma_wait3A_204 = tpu.memref_slice %arg9[%add3A_145, %dma_wait3A_203] : memref<10128x128xf32, #tpu.memory_space<vmem_shared>> -> memref<48x128xf32, #tpu.memory_space<vmem_shared>>
      tpu.wait_dma2 semaphore(%run_scoped3A : memref<!tpu.dma_semaphore, #tpu.memory_space<semaphore_mem>>) src(%dma_wait3A_204 : memref<48x128xf32, #tpu.memory_space<vmem_shared>>) dst(%arg8 : memref<48x128xf32, #tpu.memory_space<vmem>>)
      tpu.yield
    }) : () -> ()
    %add3A_146 = arith.constant 48 : i32
    %add3A_147 = arith.addi %mul3A_8, %add3A_146 : i32
    "tpu.region"() ({
      %run_scoped3A = tpu.sem_alloc : memref<!tpu.dma_semaphore, #tpu.memory_space<semaphore_mem>>
      %dma_start3A_197 = arith.constant 0 : i32
      %dma_start3A_198 = arith.constant 0 : i32
      %dma_start3A_199 = tpu.memref_slice %arg5[%arg0, %dma_start3A_197, %dma_start3A_198] : memref<2x10000x128xf32, #tpu.memory_space<hbm>> -> memref<1x10000x128xf32, #tpu.memory_space<hbm>>
      %dma_start3A_200 = tpu.memref_squeeze %dma_start3A_199 : memref<1x10000x128xf32, #tpu.memory_space<hbm>> -> memref<10000x128xf32, #tpu.memory_space<hbm>>
      %dma_start3A_201 = arith.constant 0 : i32
      %dma_start3A_202 = tpu.memref_slice %dma_start3A_200[%add3A_147, %dma_start3A_201] : memref<10000x128xf32, #tpu.memory_space<hbm>> -> memref<48x128xf32, #tpu.memory_space<hbm>>
      %dma_start3A_203 = arith.constant 0 : i32
      %dma_start3A_204 = arith.constant 0 : i32
      %dma_start3A_205 = tpu.memref_slice %arg5[%arg0, %dma_start3A_203, %dma_start3A_204] : memref<2x10000x128xf32, #tpu.memory_space<hbm>> -> memref<1x10000x128xf32, #tpu.memory_space<hbm>>
      %dma_start3A_206 = tpu.memref_squeeze %dma_start3A_205 : memref<1x10000x128xf32, #tpu.memory_space<hbm>> -> memref<10000x128xf32, #tpu.memory_space<hbm>>
      %dma_start3A_207 = arith.constant 0 : i32
      %dma_start3A_208 = tpu.memref_slice %dma_start3A_206[%add3A_147, %dma_start3A_207] : memref<10000x128xf32, #tpu.memory_space<hbm>> -> memref<48x128xf32, #tpu.memory_space<hbm>>
      tpu.enqueue_dma source(%arg8 : memref<48x128xf32, #tpu.memory_space<vmem>>) target(%dma_start3A_208 : memref<48x128xf32, #tpu.memory_space<hbm>>) target_semaphore(%run_scoped3A : memref<!tpu.dma_semaphore, #tpu.memory_space<semaphore_mem>>)
      %dma_wait3A_209 = arith.constant 0 : i32
      %dma_wait3A_210 = arith.constant 0 : i32
      %dma_wait3A_211 = tpu.memref_slice %arg5[%arg0, %dma_wait3A_209, %dma_wait3A_210] : memref<2x10000x128xf32, #tpu.memory_space<hbm>> -> memref<1x10000x128xf32, #tpu.memory_space<hbm>>
      %dma_wait3A_212 = tpu.memref_squeeze %dma_wait3A_211 : memref<1x10000x128xf32, #tpu.memory_space<hbm>> -> memref<10000x128xf32, #tpu.memory_space<hbm>>
      %dma_wait3A_213 = arith.constant 0 : i32
      %dma_wait3A_214 = tpu.memref_slice %dma_wait3A_212[%add3A_147, %dma_wait3A_213] : memref<10000x128xf32, #tpu.memory_space<hbm>> -> memref<48x128xf32, #tpu.memory_space<hbm>>
      %dma_wait3A_215 = arith.constant 0 : i32
      %dma_wait3A_216 = arith.constant 0 : i32
      %dma_wait3A_217 = tpu.memref_slice %arg5[%arg0, %dma_wait3A_215, %dma_wait3A_216] : memref<2x10000x128xf32, #tpu.memory_space<hbm>> -> memref<1x10000x128xf32, #tpu.memory_space<hbm>>
      %dma_wait3A_218 = tpu.memref_squeeze %dma_wait3A_217 : memref<1x10000x128xf32, #tpu.memory_space<hbm>> -> memref<10000x128xf32, #tpu.memory_space<hbm>>
      %dma_wait3A_219 = arith.constant 0 : i32
      %dma_wait3A_220 = tpu.memref_slice %dma_wait3A_218[%add3A_147, %dma_wait3A_219] : memref<10000x128xf32, #tpu.memory_space<hbm>> -> memref<48x128xf32, #tpu.memory_space<hbm>>
      tpu.wait_dma2 semaphore(%run_scoped3A : memref<!tpu.dma_semaphore, #tpu.memory_space<semaphore_mem>>) src(%arg8 : memref<48x128xf32, #tpu.memory_space<vmem>>) dst(%dma_wait3A_220 : memref<48x128xf32, #tpu.memory_space<hbm>>)
      tpu.yield
    }) : () -> ()
    %add3A_148 = arith.constant 96 : i32
    %add3A_149 = arith.addi %mul3A_8, %add3A_148 : i32
    "tpu.region"() ({
      %run_scoped3A = tpu.sem_alloc : memref<!tpu.dma_semaphore, #tpu.memory_space<semaphore_mem>>
      %dma_start3A_197 = arith.constant 0 : i32
      %dma_start3A_198 = tpu.memref_slice %arg9[%add3A_149, %dma_start3A_197] : memref<10128x128xf32, #tpu.memory_space<vmem_shared>> -> memref<48x128xf32, #tpu.memory_space<vmem_shared>>
      %dma_start3A_199 = arith.constant 0 : i32
      %dma_start3A_200 = tpu.memref_slice %arg9[%add3A_149, %dma_start3A_199] : memref<10128x128xf32, #tpu.memory_space<vmem_shared>> -> memref<48x128xf32, #tpu.memory_space<vmem_shared>>
      tpu.enqueue_dma source(%dma_start3A_200 : memref<48x128xf32, #tpu.memory_space<vmem_shared>>) target(%arg8 : memref<48x128xf32, #tpu.memory_space<vmem>>) target_semaphore(%run_scoped3A : memref<!tpu.dma_semaphore, #tpu.memory_space<semaphore_mem>>)
      %dma_wait3A_201 = arith.constant 0 : i32
      %dma_wait3A_202 = tpu.memref_slice %arg9[%add3A_149, %dma_wait3A_201] : memref<10128x128xf32, #tpu.memory_space<vmem_shared>> -> memref<48x128xf32, #tpu.memory_space<vmem_shared>>
      %dma_wait3A_203 = arith.constant 0 : i32
      %dma_wait3A_204 = tpu.memref_slice %arg9[%add3A_149, %dma_wait3A_203] : memref<10128x128xf32, #tpu.memory_space<vmem_shared>> -> memref<48x128xf32, #tpu.memory_space<vmem_shared>>
      tpu.wait_dma2 semaphore(%run_scoped3A : memref<!tpu.dma_semaphore, #tpu.memory_space<semaphore_mem>>) src(%dma_wait3A_204 : memref<48x128xf32, #tpu.memory_space<vmem_shared>>) dst(%arg8 : memref<48x128xf32, #tpu.memory_space<vmem>>)
      tpu.yield
    }) : () -> ()
    %add3A_150 = arith.constant 96 : i32
    %add3A_151 = arith.addi %mul3A_8, %add3A_150 : i32
    "tpu.region"() ({
      %run_scoped3A = tpu.sem_alloc : memref<!tpu.dma_semaphore, #tpu.memory_space<semaphore_mem>>
      %dma_start3A_197 = arith.constant 0 : i32
      %dma_start3A_198 = arith.constant 0 : i32
      %dma_start3A_199 = tpu.memref_slice %arg5[%arg0, %dma_start3A_197, %dma_start3A_198] : memref<2x10000x128xf32, #tpu.memory_space<hbm>> -> memref<1x10000x128xf32, #tpu.memory_space<hbm>>
      %dma_start3A_200 = tpu.memref_squeeze %dma_start3A_199 : memref<1x10000x128xf32, #tpu.memory_space<hbm>> -> memref<10000x128xf32, #tpu.memory_space<hbm>>
      %dma_start3A_201 = arith.constant 0 : i32
      %dma_start3A_202 = tpu.memref_slice %dma_start3A_200[%add3A_151, %dma_start3A_201] : memref<10000x128xf32, #tpu.memory_space<hbm>> -> memref<48x128xf32, #tpu.memory_space<hbm>>
      %dma_start3A_203 = arith.constant 0 : i32
      %dma_start3A_204 = arith.constant 0 : i32
      %dma_start3A_205 = tpu.memref_slice %arg5[%arg0, %dma_start3A_203, %dma_start3A_204] : memref<2x10000x128xf32, #tpu.memory_space<hbm>> -> memref<1x10000x128xf32, #tpu.memory_space<hbm>>
      %dma_start3A_206 = tpu.memref_squeeze %dma_start3A_205 : memref<1x10000x128xf32, #tpu.memory_space<hbm>> -> memref<10000x128xf32, #tpu.memory_space<hbm>>
      %dma_start3A_207 = arith.constant 0 : i32
      %dma_start3A_208 = tpu.memref_slice %dma_start3A_206[%add3A_151, %dma_start3A_207] : memref<10000x128xf32, #tpu.memory_space<hbm>> -> memref<48x128xf32, #tpu.memory_space<hbm>>
      tpu.enqueue_dma source(%arg8 : memref<48x128xf32, #tpu.memory_space<vmem>>) target(%dma_start3A_208 : memref<48x128xf32, #tpu.memory_space<hbm>>) target_semaphore(%run_scoped3A : memref<!tpu.dma_semaphore, #tpu.memory_space<semaphore_mem>>)
      %dma_wait3A_209 = arith.constant 0 : i32
      %dma_wait3A_210 = arith.constant 0 : i32
      %dma_wait3A_211 = tpu.memref_slice %arg5[%arg0, %dma_wait3A_209, %dma_wait3A_210] : memref<2x10000x128xf32, #tpu.memory_space<hbm>> -> memref<1x10000x128xf32, #tpu.memory_space<hbm>>
      %dma_wait3A_212 = tpu.memref_squeeze %dma_wait3A_211 : memref<1x10000x128xf32, #tpu.memory_space<hbm>> -> memref<10000x128xf32, #tpu.memory_space<hbm>>
      %dma_wait3A_213 = arith.constant 0 : i32
      %dma_wait3A_214 = tpu.memref_slice %dma_wait3A_212[%add3A_151, %dma_wait3A_213] : memref<10000x128xf32, #tpu.memory_space<hbm>> -> memref<48x128xf32, #tpu.memory_space<hbm>>
      %dma_wait3A_215 = arith.constant 0 : i32
      %dma_wait3A_216 = arith.constant 0 : i32
      %dma_wait3A_217 = tpu.memref_slice %arg5[%arg0, %dma_wait3A_215, %dma_wait3A_216] : memref<2x10000x128xf32, #tpu.memory_space<hbm>> -> memref<1x10000x128xf32, #tpu.memory_space<hbm>>
      %dma_wait3A_218 = tpu.memref_squeeze %dma_wait3A_217 : memref<1x10000x128xf32, #tpu.memory_space<hbm>> -> memref<10000x128xf32, #tpu.memory_space<hbm>>
      %dma_wait3A_219 = arith.constant 0 : i32
      %dma_wait3A_220 = tpu.memref_slice %dma_wait3A_218[%add3A_151, %dma_wait3A_219] : memref<10000x128xf32, #tpu.memory_space<hbm>> -> memref<48x128xf32, #tpu.memory_space<hbm>>
      tpu.wait_dma2 semaphore(%run_scoped3A : memref<!tpu.dma_semaphore, #tpu.memory_space<semaphore_mem>>) src(%arg8 : memref<48x128xf32, #tpu.memory_space<vmem>>) dst(%dma_wait3A_220 : memref<48x128xf32, #tpu.memory_space<hbm>>)
      tpu.yield
    }) : () -> ()
    %add3A_152 = arith.constant 144 : i32
    %add3A_153 = arith.addi %mul3A_8, %add3A_152 : i32
    "tpu.region"() ({
      %run_scoped3A = tpu.sem_alloc : memref<!tpu.dma_semaphore, #tpu.memory_space<semaphore_mem>>
      %dma_start3A_197 = arith.constant 0 : i32
      %dma_start3A_198 = tpu.memref_slice %arg9[%add3A_153, %dma_start3A_197] : memref<10128x128xf32, #tpu.memory_space<vmem_shared>> -> memref<48x128xf32, #tpu.memory_space<vmem_shared>>
      %dma_start3A_199 = arith.constant 0 : i32
      %dma_start3A_200 = tpu.memref_slice %arg9[%add3A_153, %dma_start3A_199] : memref<10128x128xf32, #tpu.memory_space<vmem_shared>> -> memref<48x128xf32, #tpu.memory_space<vmem_shared>>
      tpu.enqueue_dma source(%dma_start3A_200 : memref<48x128xf32, #tpu.memory_space<vmem_shared>>) target(%arg8 : memref<48x128xf32, #tpu.memory_space<vmem>>) target_semaphore(%run_scoped3A : memref<!tpu.dma_semaphore, #tpu.memory_space<semaphore_mem>>)
      %dma_wait3A_201 = arith.constant 0 : i32
      %dma_wait3A_202 = tpu.memref_slice %arg9[%add3A_153, %dma_wait3A_201] : memref<10128x128xf32, #tpu.memory_space<vmem_shared>> -> memref<48x128xf32, #tpu.memory_space<vmem_shared>>
      %dma_wait3A_203 = arith.constant 0 : i32
      %dma_wait3A_204 = tpu.memref_slice %arg9[%add3A_153, %dma_wait3A_203] : memref<10128x128xf32, #tpu.memory_space<vmem_shared>> -> memref<48x128xf32, #tpu.memory_space<vmem_shared>>
      tpu.wait_dma2 semaphore(%run_scoped3A : memref<!tpu.dma_semaphore, #tpu.memory_space<semaphore_mem>>) src(%dma_wait3A_204 : memref<48x128xf32, #tpu.memory_space<vmem_shared>>) dst(%arg8 : memref<48x128xf32, #tpu.memory_space<vmem>>)
      tpu.yield
    }) : () -> ()
    %add3A_154 = arith.constant 144 : i32
    %add3A_155 = arith.addi %mul3A_8, %add3A_154 : i32
    "tpu.region"() ({
      %run_scoped3A = tpu.sem_alloc : memref<!tpu.dma_semaphore, #tpu.memory_space<semaphore_mem>>
      %dma_start3A_197 = arith.constant 0 : i32
      %dma_start3A_198 = arith.constant 0 : i32
      %dma_start3A_199 = tpu.memref_slice %arg5[%arg0, %dma_start3A_197, %dma_start3A_198] : memref<2x10000x128xf32, #tpu.memory_space<hbm>> -> memref<1x10000x128xf32, #tpu.memory_space<hbm>>
      %dma_start3A_200 = tpu.memref_squeeze %dma_start3A_199 : memref<1x10000x128xf32, #tpu.memory_space<hbm>> -> memref<10000x128xf32, #tpu.memory_space<hbm>>
      %dma_start3A_201 = arith.constant 0 : i32
      %dma_start3A_202 = tpu.memref_slice %dma_start3A_200[%add3A_155, %dma_start3A_201] : memref<10000x128xf32, #tpu.memory_space<hbm>> -> memref<48x128xf32, #tpu.memory_space<hbm>>
      %dma_start3A_203 = arith.constant 0 : i32
      %dma_start3A_204 = arith.constant 0 : i32
      %dma_start3A_205 = tpu.memref_slice %arg5[%arg0, %dma_start3A_203, %dma_start3A_204] : memref<2x10000x128xf32, #tpu.memory_space<hbm>> -> memref<1x10000x128xf32, #tpu.memory_space<hbm>>
      %dma_start3A_206 = tpu.memref_squeeze %dma_start3A_205 : memref<1x10000x128xf32, #tpu.memory_space<hbm>> -> memref<10000x128xf32, #tpu.memory_space<hbm>>
      %dma_start3A_207 = arith.constant 0 : i32
      %dma_start3A_208 = tpu.memref_slice %dma_start3A_206[%add3A_155, %dma_start3A_207] : memref<10000x128xf32, #tpu.memory_space<hbm>> -> memref<48x128xf32, #tpu.memory_space<hbm>>
      tpu.enqueue_dma source(%arg8 : memref<48x128xf32, #tpu.memory_space<vmem>>) target(%dma_start3A_208 : memref<48x128xf32, #tpu.memory_space<hbm>>) target_semaphore(%run_scoped3A : memref<!tpu.dma_semaphore, #tpu.memory_space<semaphore_mem>>)
      %dma_wait3A_209 = arith.constant 0 : i32
      %dma_wait3A_210 = arith.constant 0 : i32
      %dma_wait3A_211 = tpu.memref_slice %arg5[%arg0, %dma_wait3A_209, %dma_wait3A_210] : memref<2x10000x128xf32, #tpu.memory_space<hbm>> -> memref<1x10000x128xf32, #tpu.memory_space<hbm>>
      %dma_wait3A_212 = tpu.memref_squeeze %dma_wait3A_211 : memref<1x10000x128xf32, #tpu.memory_space<hbm>> -> memref<10000x128xf32, #tpu.memory_space<hbm>>
      %dma_wait3A_213 = arith.constant 0 : i32
      %dma_wait3A_214 = tpu.memref_slice %dma_wait3A_212[%add3A_155, %dma_wait3A_213] : memref<10000x128xf32, #tpu.memory_space<hbm>> -> memref<48x128xf32, #tpu.memory_space<hbm>>
      %dma_wait3A_215 = arith.constant 0 : i32
      %dma_wait3A_216 = arith.constant 0 : i32
      %dma_wait3A_217 = tpu.memref_slice %arg5[%arg0, %dma_wait3A_215, %dma_wait3A_216] : memref<2x10000x128xf32, #tpu.memory_space<hbm>> -> memref<1x10000x128xf32, #tpu.memory_space<hbm>>
      %dma_wait3A_218 = tpu.memref_squeeze %dma_wait3A_217 : memref<1x10000x128xf32, #tpu.memory_space<hbm>> -> memref<10000x128xf32, #tpu.memory_space<hbm>>
      %dma_wait3A_219 = arith.constant 0 : i32
      %dma_wait3A_220 = tpu.memref_slice %dma_wait3A_218[%add3A_155, %dma_wait3A_219] : memref<10000x128xf32, #tpu.memory_space<hbm>> -> memref<48x128xf32, #tpu.memory_space<hbm>>
      tpu.wait_dma2 semaphore(%run_scoped3A : memref<!tpu.dma_semaphore, #tpu.memory_space<semaphore_mem>>) src(%arg8 : memref<48x128xf32, #tpu.memory_space<vmem>>) dst(%dma_wait3A_220 : memref<48x128xf32, #tpu.memory_space<hbm>>)
      tpu.yield
    }) : () -> ()
    %add3A_156 = arith.constant 192 : i32
    %add3A_157 = arith.addi %mul3A_8, %add3A_156 : i32
    "tpu.region"() ({
      %run_scoped3A = tpu.sem_alloc : memref<!tpu.dma_semaphore, #tpu.memory_space<semaphore_mem>>
      %dma_start3A_197 = arith.constant 0 : i32
      %dma_start3A_198 = tpu.memref_slice %arg9[%add3A_157, %dma_start3A_197] : memref<10128x128xf32, #tpu.memory_space<vmem_shared>> -> memref<48x128xf32, #tpu.memory_space<vmem_shared>>
      %dma_start3A_199 = arith.constant 0 : i32
      %dma_start3A_200 = tpu.memref_slice %arg9[%add3A_157, %dma_start3A_199] : memref<10128x128xf32, #tpu.memory_space<vmem_shared>> -> memref<48x128xf32, #tpu.memory_space<vmem_shared>>
      tpu.enqueue_dma source(%dma_start3A_200 : memref<48x128xf32, #tpu.memory_space<vmem_shared>>) target(%arg8 : memref<48x128xf32, #tpu.memory_space<vmem>>) target_semaphore(%run_scoped3A : memref<!tpu.dma_semaphore, #tpu.memory_space<semaphore_mem>>)
      %dma_wait3A_201 = arith.constant 0 : i32
      %dma_wait3A_202 = tpu.memref_slice %arg9[%add3A_157, %dma_wait3A_201] : memref<10128x128xf32, #tpu.memory_space<vmem_shared>> -> memref<48x128xf32, #tpu.memory_space<vmem_shared>>
      %dma_wait3A_203 = arith.constant 0 : i32
      %dma_wait3A_204 = tpu.memref_slice %arg9[%add3A_157, %dma_wait3A_203] : memref<10128x128xf32, #tpu.memory_space<vmem_shared>> -> memref<48x128xf32, #tpu.memory_space<vmem_shared>>
      tpu.wait_dma2 semaphore(%run_scoped3A : memref<!tpu.dma_semaphore, #tpu.memory_space<semaphore_mem>>) src(%dma_wait3A_204 : memref<48x128xf32, #tpu.memory_space<vmem_shared>>) dst(%arg8 : memref<48x128xf32, #tpu.memory_space<vmem>>)
      tpu.yield
    }) : () -> ()
    %add3A_158 = arith.constant 192 : i32
    %add3A_159 = arith.addi %mul3A_8, %add3A_158 : i32
    "tpu.region"() ({
      %run_scoped3A = tpu.sem_alloc : memref<!tpu.dma_semaphore, #tpu.memory_space<semaphore_mem>>
      %dma_start3A_197 = arith.constant 0 : i32
      %dma_start3A_198 = arith.constant 0 : i32
      %dma_start3A_199 = tpu.memref_slice %arg5[%arg0, %dma_start3A_197, %dma_start3A_198] : memref<2x10000x128xf32, #tpu.memory_space<hbm>> -> memref<1x10000x128xf32, #tpu.memory_space<hbm>>
      %dma_start3A_200 = tpu.memref_squeeze %dma_start3A_199 : memref<1x10000x128xf32, #tpu.memory_space<hbm>> -> memref<10000x128xf32, #tpu.memory_space<hbm>>
      %dma_start3A_201 = arith.constant 0 : i32
      %dma_start3A_202 = tpu.memref_slice %dma_start3A_200[%add3A_159, %dma_start3A_201] : memref<10000x128xf32, #tpu.memory_space<hbm>> -> memref<48x128xf32, #tpu.memory_space<hbm>>
      %dma_start3A_203 = arith.constant 0 : i32
      %dma_start3A_204 = arith.constant 0 : i32
      %dma_start3A_205 = tpu.memref_slice %arg5[%arg0, %dma_start3A_203, %dma_start3A_204] : memref<2x10000x128xf32, #tpu.memory_space<hbm>> -> memref<1x10000x128xf32, #tpu.memory_space<hbm>>
      %dma_start3A_206 = tpu.memref_squeeze %dma_start3A_205 : memref<1x10000x128xf32, #tpu.memory_space<hbm>> -> memref<10000x128xf32, #tpu.memory_space<hbm>>
      %dma_start3A_207 = arith.constant 0 : i32
      %dma_start3A_208 = tpu.memref_slice %dma_start3A_206[%add3A_159, %dma_start3A_207] : memref<10000x128xf32, #tpu.memory_space<hbm>> -> memref<48x128xf32, #tpu.memory_space<hbm>>
      tpu.enqueue_dma source(%arg8 : memref<48x128xf32, #tpu.memory_space<vmem>>) target(%dma_start3A_208 : memref<48x128xf32, #tpu.memory_space<hbm>>) target_semaphore(%run_scoped3A : memref<!tpu.dma_semaphore, #tpu.memory_space<semaphore_mem>>)
      %dma_wait3A_209 = arith.constant 0 : i32
      %dma_wait3A_210 = arith.constant 0 : i32
      %dma_wait3A_211 = tpu.memref_slice %arg5[%arg0, %dma_wait3A_209, %dma_wait3A_210] : memref<2x10000x128xf32, #tpu.memory_space<hbm>> -> memref<1x10000x128xf32, #tpu.memory_space<hbm>>
      %dma_wait3A_212 = tpu.memref_squeeze %dma_wait3A_211 : memref<1x10000x128xf32, #tpu.memory_space<hbm>> -> memref<10000x128xf32, #tpu.memory_space<hbm>>
      %dma_wait3A_213 = arith.constant 0 : i32
      %dma_wait3A_214 = tpu.memref_slice %dma_wait3A_212[%add3A_159, %dma_wait3A_213] : memref<10000x128xf32, #tpu.memory_space<hbm>> -> memref<48x128xf32, #tpu.memory_space<hbm>>
      %dma_wait3A_215 = arith.constant 0 : i32
      %dma_wait3A_216 = arith.constant 0 : i32
      %dma_wait3A_217 = tpu.memref_slice %arg5[%arg0, %dma_wait3A_215, %dma_wait3A_216] : memref<2x10000x128xf32, #tpu.memory_space<hbm>> -> memref<1x10000x128xf32, #tpu.memory_space<hbm>>
      %dma_wait3A_218 = tpu.memref_squeeze %dma_wait3A_217 : memref<1x10000x128xf32, #tpu.memory_space<hbm>> -> memref<10000x128xf32, #tpu.memory_space<hbm>>
      %dma_wait3A_219 = arith.constant 0 : i32
      %dma_wait3A_220 = tpu.memref_slice %dma_wait3A_218[%add3A_159, %dma_wait3A_219] : memref<10000x128xf32, #tpu.memory_space<hbm>> -> memref<48x128xf32, #tpu.memory_space<hbm>>
      tpu.wait_dma2 semaphore(%run_scoped3A : memref<!tpu.dma_semaphore, #tpu.memory_space<semaphore_mem>>) src(%arg8 : memref<48x128xf32, #tpu.memory_space<vmem>>) dst(%dma_wait3A_220 : memref<48x128xf32, #tpu.memory_space<hbm>>)
      tpu.yield
    }) : () -> ()
    %add3A_160 = arith.constant 240 : i32
    %add3A_161 = arith.addi %mul3A_8, %add3A_160 : i32
    "tpu.region"() ({
      %run_scoped3A = tpu.sem_alloc : memref<!tpu.dma_semaphore, #tpu.memory_space<semaphore_mem>>
      %dma_start3A_197 = arith.constant 0 : i32
      %dma_start3A_198 = tpu.memref_slice %arg9[%add3A_161, %dma_start3A_197] : memref<10128x128xf32, #tpu.memory_space<vmem_shared>> -> memref<48x128xf32, #tpu.memory_space<vmem_shared>>
      %dma_start3A_199 = arith.constant 0 : i32
      %dma_start3A_200 = tpu.memref_slice %arg9[%add3A_161, %dma_start3A_199] : memref<10128x128xf32, #tpu.memory_space<vmem_shared>> -> memref<48x128xf32, #tpu.memory_space<vmem_shared>>
      tpu.enqueue_dma source(%dma_start3A_200 : memref<48x128xf32, #tpu.memory_space<vmem_shared>>) target(%arg8 : memref<48x128xf32, #tpu.memory_space<vmem>>) target_semaphore(%run_scoped3A : memref<!tpu.dma_semaphore, #tpu.memory_space<semaphore_mem>>)
      %dma_wait3A_201 = arith.constant 0 : i32
      %dma_wait3A_202 = tpu.memref_slice %arg9[%add3A_161, %dma_wait3A_201] : memref<10128x128xf32, #tpu.memory_space<vmem_shared>> -> memref<48x128xf32, #tpu.memory_space<vmem_shared>>
      %dma_wait3A_203 = arith.constant 0 : i32
      %dma_wait3A_204 = tpu.memref_slice %arg9[%add3A_161, %dma_wait3A_203] : memref<10128x128xf32, #tpu.memory_space<vmem_shared>> -> memref<48x128xf32, #tpu.memory_space<vmem_shared>>
      tpu.wait_dma2 semaphore(%run_scoped3A : memref<!tpu.dma_semaphore, #tpu.memory_space<semaphore_mem>>) src(%dma_wait3A_204 : memref<48x128xf32, #tpu.memory_space<vmem_shared>>) dst(%arg8 : memref<48x128xf32, #tpu.memory_space<vmem>>)
      tpu.yield
    }) : () -> ()
    %add3A_162 = arith.constant 240 : i32
    %add3A_163 = arith.addi %mul3A_8, %add3A_162 : i32
    "tpu.region"() ({
      %run_scoped3A = tpu.sem_alloc : memref<!tpu.dma_semaphore, #tpu.memory_space<semaphore_mem>>
      %dma_start3A_197 = arith.constant 0 : i32
      %dma_start3A_198 = arith.constant 0 : i32
      %dma_start3A_199 = tpu.memref_slice %arg5[%arg0, %dma_start3A_197, %dma_start3A_198] : memref<2x10000x128xf32, #tpu.memory_space<hbm>> -> memref<1x10000x128xf32, #tpu.memory_space<hbm>>
      %dma_start3A_200 = tpu.memref_squeeze %dma_start3A_199 : memref<1x10000x128xf32, #tpu.memory_space<hbm>> -> memref<10000x128xf32, #tpu.memory_space<hbm>>
      %dma_start3A_201 = arith.constant 0 : i32
      %dma_start3A_202 = tpu.memref_slice %dma_start3A_200[%add3A_163, %dma_start3A_201] : memref<10000x128xf32, #tpu.memory_space<hbm>> -> memref<48x128xf32, #tpu.memory_space<hbm>>
      %dma_start3A_203 = arith.constant 0 : i32
      %dma_start3A_204 = arith.constant 0 : i32
      %dma_start3A_205 = tpu.memref_slice %arg5[%arg0, %dma_start3A_203, %dma_start3A_204] : memref<2x10000x128xf32, #tpu.memory_space<hbm>> -> memref<1x10000x128xf32, #tpu.memory_space<hbm>>
      %dma_start3A_206 = tpu.memref_squeeze %dma_start3A_205 : memref<1x10000x128xf32, #tpu.memory_space<hbm>> -> memref<10000x128xf32, #tpu.memory_space<hbm>>
      %dma_start3A_207 = arith.constant 0 : i32
      %dma_start3A_208 = tpu.memref_slice %dma_start3A_206[%add3A_163, %dma_start3A_207] : memref<10000x128xf32, #tpu.memory_space<hbm>> -> memref<48x128xf32, #tpu.memory_space<hbm>>
      tpu.enqueue_dma source(%arg8 : memref<48x128xf32, #tpu.memory_space<vmem>>) target(%dma_start3A_208 : memref<48x128xf32, #tpu.memory_space<hbm>>) target_semaphore(%run_scoped3A : memref<!tpu.dma_semaphore, #tpu.memory_space<semaphore_mem>>)
      %dma_wait3A_209 = arith.constant 0 : i32
      %dma_wait3A_210 = arith.constant 0 : i32
      %dma_wait3A_211 = tpu.memref_slice %arg5[%arg0, %dma_wait3A_209, %dma_wait3A_210] : memref<2x10000x128xf32, #tpu.memory_space<hbm>> -> memref<1x10000x128xf32, #tpu.memory_space<hbm>>
      %dma_wait3A_212 = tpu.memref_squeeze %dma_wait3A_211 : memref<1x10000x128xf32, #tpu.memory_space<hbm>> -> memref<10000x128xf32, #tpu.memory_space<hbm>>
      %dma_wait3A_213 = arith.constant 0 : i32
      %dma_wait3A_214 = tpu.memref_slice %dma_wait3A_212[%add3A_163, %dma_wait3A_213] : memref<10000x128xf32, #tpu.memory_space<hbm>> -> memref<48x128xf32, #tpu.memory_space<hbm>>
      %dma_wait3A_215 = arith.constant 0 : i32
      %dma_wait3A_216 = arith.constant 0 : i32
      %dma_wait3A_217 = tpu.memref_slice %arg5[%arg0, %dma_wait3A_215, %dma_wait3A_216] : memref<2x10000x128xf32, #tpu.memory_space<hbm>> -> memref<1x10000x128xf32, #tpu.memory_space<hbm>>
      %dma_wait3A_218 = tpu.memref_squeeze %dma_wait3A_217 : memref<1x10000x128xf32, #tpu.memory_space<hbm>> -> memref<10000x128xf32, #tpu.memory_space<hbm>>
      %dma_wait3A_219 = arith.constant 0 : i32
      %dma_wait3A_220 = tpu.memref_slice %dma_wait3A_218[%add3A_163, %dma_wait3A_219] : memref<10000x128xf32, #tpu.memory_space<hbm>> -> memref<48x128xf32, #tpu.memory_space<hbm>>
      tpu.wait_dma2 semaphore(%run_scoped3A : memref<!tpu.dma_semaphore, #tpu.memory_space<semaphore_mem>>) src(%arg8 : memref<48x128xf32, #tpu.memory_space<vmem>>) dst(%dma_wait3A_220 : memref<48x128xf32, #tpu.memory_space<hbm>>)
      tpu.yield
    }) : () -> ()
    %add3A_164 = arith.constant 288 : i32
    %add3A_165 = arith.addi %mul3A_8, %add3A_164 : i32
    "tpu.region"() ({
      %run_scoped3A = tpu.sem_alloc : memref<!tpu.dma_semaphore, #tpu.memory_space<semaphore_mem>>
      %dma_start3A_197 = arith.constant 0 : i32
      %dma_start3A_198 = tpu.memref_slice %arg9[%add3A_165, %dma_start3A_197] : memref<10128x128xf32, #tpu.memory_space<vmem_shared>> -> memref<48x128xf32, #tpu.memory_space<vmem_shared>>
      %dma_start3A_199 = arith.constant 0 : i32
      %dma_start3A_200 = tpu.memref_slice %arg9[%add3A_165, %dma_start3A_199] : memref<10128x128xf32, #tpu.memory_space<vmem_shared>> -> memref<48x128xf32, #tpu.memory_space<vmem_shared>>
      tpu.enqueue_dma source(%dma_start3A_200 : memref<48x128xf32, #tpu.memory_space<vmem_shared>>) target(%arg8 : memref<48x128xf32, #tpu.memory_space<vmem>>) target_semaphore(%run_scoped3A : memref<!tpu.dma_semaphore, #tpu.memory_space<semaphore_mem>>)
      %dma_wait3A_201 = arith.constant 0 : i32
      %dma_wait3A_202 = tpu.memref_slice %arg9[%add3A_165, %dma_wait3A_201] : memref<10128x128xf32, #tpu.memory_space<vmem_shared>> -> memref<48x128xf32, #tpu.memory_space<vmem_shared>>
      %dma_wait3A_203 = arith.constant 0 : i32
      %dma_wait3A_204 = tpu.memref_slice %arg9[%add3A_165, %dma_wait3A_203] : memref<10128x128xf32, #tpu.memory_space<vmem_shared>> -> memref<48x128xf32, #tpu.memory_space<vmem_shared>>
      tpu.wait_dma2 semaphore(%run_scoped3A : memref<!tpu.dma_semaphore, #tpu.memory_space<semaphore_mem>>) src(%dma_wait3A_204 : memref<48x128xf32, #tpu.memory_space<vmem_shared>>) dst(%arg8 : memref<48x128xf32, #tpu.memory_space<vmem>>)
      tpu.yield
    }) : () -> ()
    %add3A_166 = arith.constant 288 : i32
    %add3A_167 = arith.addi %mul3A_8, %add3A_166 : i32
    "tpu.region"() ({
      %run_scoped3A = tpu.sem_alloc : memref<!tpu.dma_semaphore, #tpu.memory_space<semaphore_mem>>
      %dma_start3A_197 = arith.constant 0 : i32
      %dma_start3A_198 = arith.constant 0 : i32
      %dma_start3A_199 = tpu.memref_slice %arg5[%arg0, %dma_start3A_197, %dma_start3A_198] : memref<2x10000x128xf32, #tpu.memory_space<hbm>> -> memref<1x10000x128xf32, #tpu.memory_space<hbm>>
      %dma_start3A_200 = tpu.memref_squeeze %dma_start3A_199 : memref<1x10000x128xf32, #tpu.memory_space<hbm>> -> memref<10000x128xf32, #tpu.memory_space<hbm>>
      %dma_start3A_201 = arith.constant 0 : i32
      %dma_start3A_202 = tpu.memref_slice %dma_start3A_200[%add3A_167, %dma_start3A_201] : memref<10000x128xf32, #tpu.memory_space<hbm>> -> memref<48x128xf32, #tpu.memory_space<hbm>>
      %dma_start3A_203 = arith.constant 0 : i32
      %dma_start3A_204 = arith.constant 0 : i32
      %dma_start3A_205 = tpu.memref_slice %arg5[%arg0, %dma_start3A_203, %dma_start3A_204] : memref<2x10000x128xf32, #tpu.memory_space<hbm>> -> memref<1x10000x128xf32, #tpu.memory_space<hbm>>
      %dma_start3A_206 = tpu.memref_squeeze %dma_start3A_205 : memref<1x10000x128xf32, #tpu.memory_space<hbm>> -> memref<10000x128xf32, #tpu.memory_space<hbm>>
      %dma_start3A_207 = arith.constant 0 : i32
      %dma_start3A_208 = tpu.memref_slice %dma_start3A_206[%add3A_167, %dma_start3A_207] : memref<10000x128xf32, #tpu.memory_space<hbm>> -> memref<48x128xf32, #tpu.memory_space<hbm>>
      tpu.enqueue_dma source(%arg8 : memref<48x128xf32, #tpu.memory_space<vmem>>) target(%dma_start3A_208 : memref<48x128xf32, #tpu.memory_space<hbm>>) target_semaphore(%run_scoped3A : memref<!tpu.dma_semaphore, #tpu.memory_space<semaphore_mem>>)
      %dma_wait3A_209 = arith.constant 0 : i32
      %dma_wait3A_210 = arith.constant 0 : i32
      %dma_wait3A_211 = tpu.memref_slice %arg5[%arg0, %dma_wait3A_209, %dma_wait3A_210] : memref<2x10000x128xf32, #tpu.memory_space<hbm>> -> memref<1x10000x128xf32, #tpu.memory_space<hbm>>
      %dma_wait3A_212 = tpu.memref_squeeze %dma_wait3A_211 : memref<1x10000x128xf32, #tpu.memory_space<hbm>> -> memref<10000x128xf32, #tpu.memory_space<hbm>>
      %dma_wait3A_213 = arith.constant 0 : i32
      %dma_wait3A_214 = tpu.memref_slice %dma_wait3A_212[%add3A_167, %dma_wait3A_213] : memref<10000x128xf32, #tpu.memory_space<hbm>> -> memref<48x128xf32, #tpu.memory_space<hbm>>
      %dma_wait3A_215 = arith.constant 0 : i32
      %dma_wait3A_216 = arith.constant 0 : i32
      %dma_wait3A_217 = tpu.memref_slice %arg5[%arg0, %dma_wait3A_215, %dma_wait3A_216] : memref<2x10000x128xf32, #tpu.memory_space<hbm>> -> memref<1x10000x128xf32, #tpu.memory_space<hbm>>
      %dma_wait3A_218 = tpu.memref_squeeze %dma_wait3A_217 : memref<1x10000x128xf32, #tpu.memory_space<hbm>> -> memref<10000x128xf32, #tpu.memory_space<hbm>>
      %dma_wait3A_219 = arith.constant 0 : i32
      %dma_wait3A_220 = tpu.memref_slice %dma_wait3A_218[%add3A_167, %dma_wait3A_219] : memref<10000x128xf32, #tpu.memory_space<hbm>> -> memref<48x128xf32, #tpu.memory_space<hbm>>
      tpu.wait_dma2 semaphore(%run_scoped3A : memref<!tpu.dma_semaphore, #tpu.memory_space<semaphore_mem>>) src(%arg8 : memref<48x128xf32, #tpu.memory_space<vmem>>) dst(%dma_wait3A_220 : memref<48x128xf32, #tpu.memory_space<hbm>>)
      tpu.yield
    }) : () -> ()
    %add3A_168 = arith.constant 336 : i32
    %add3A_169 = arith.addi %mul3A_8, %add3A_168 : i32
    "tpu.region"() ({
      %run_scoped3A = tpu.sem_alloc : memref<!tpu.dma_semaphore, #tpu.memory_space<semaphore_mem>>
      %dma_start3A_197 = arith.constant 0 : i32
      %dma_start3A_198 = tpu.memref_slice %arg9[%add3A_169, %dma_start3A_197] : memref<10128x128xf32, #tpu.memory_space<vmem_shared>> -> memref<48x128xf32, #tpu.memory_space<vmem_shared>>
      %dma_start3A_199 = arith.constant 0 : i32
      %dma_start3A_200 = tpu.memref_slice %arg9[%add3A_169, %dma_start3A_199] : memref<10128x128xf32, #tpu.memory_space<vmem_shared>> -> memref<48x128xf32, #tpu.memory_space<vmem_shared>>
      tpu.enqueue_dma source(%dma_start3A_200 : memref<48x128xf32, #tpu.memory_space<vmem_shared>>) target(%arg8 : memref<48x128xf32, #tpu.memory_space<vmem>>) target_semaphore(%run_scoped3A : memref<!tpu.dma_semaphore, #tpu.memory_space<semaphore_mem>>)
      %dma_wait3A_201 = arith.constant 0 : i32
      %dma_wait3A_202 = tpu.memref_slice %arg9[%add3A_169, %dma_wait3A_201] : memref<10128x128xf32, #tpu.memory_space<vmem_shared>> -> memref<48x128xf32, #tpu.memory_space<vmem_shared>>
      %dma_wait3A_203 = arith.constant 0 : i32
      %dma_wait3A_204 = tpu.memref_slice %arg9[%add3A_169, %dma_wait3A_203] : memref<10128x128xf32, #tpu.memory_space<vmem_shared>> -> memref<48x128xf32, #tpu.memory_space<vmem_shared>>
      tpu.wait_dma2 semaphore(%run_scoped3A : memref<!tpu.dma_semaphore, #tpu.memory_space<semaphore_mem>>) src(%dma_wait3A_204 : memref<48x128xf32, #tpu.memory_space<vmem_shared>>) dst(%arg8 : memref<48x128xf32, #tpu.memory_space<vmem>>)
      tpu.yield
    }) : () -> ()
    %add3A_170 = arith.constant 336 : i32
    %add3A_171 = arith.addi %mul3A_8, %add3A_170 : i32
    "tpu.region"() ({
      %run_scoped3A = tpu.sem_alloc : memref<!tpu.dma_semaphore, #tpu.memory_space<semaphore_mem>>
      %dma_start3A_197 = arith.constant 0 : i32
      %dma_start3A_198 = arith.constant 0 : i32
      %dma_start3A_199 = tpu.memref_slice %arg5[%arg0, %dma_start3A_197, %dma_start3A_198] : memref<2x10000x128xf32, #tpu.memory_space<hbm>> -> memref<1x10000x128xf32, #tpu.memory_space<hbm>>
      %dma_start3A_200 = tpu.memref_squeeze %dma_start3A_199 : memref<1x10000x128xf32, #tpu.memory_space<hbm>> -> memref<10000x128xf32, #tpu.memory_space<hbm>>
      %dma_start3A_201 = arith.constant 0 : i32
      %dma_start3A_202 = tpu.memref_slice %dma_start3A_200[%add3A_171, %dma_start3A_201] : memref<10000x128xf32, #tpu.memory_space<hbm>> -> memref<48x128xf32, #tpu.memory_space<hbm>>
      %dma_start3A_203 = arith.constant 0 : i32
      %dma_start3A_204 = arith.constant 0 : i32
      %dma_start3A_205 = tpu.memref_slice %arg5[%arg0, %dma_start3A_203, %dma_start3A_204] : memref<2x10000x128xf32, #tpu.memory_space<hbm>> -> memref<1x10000x128xf32, #tpu.memory_space<hbm>>
      %dma_start3A_206 = tpu.memref_squeeze %dma_start3A_205 : memref<1x10000x128xf32, #tpu.memory_space<hbm>> -> memref<10000x128xf32, #tpu.memory_space<hbm>>
      %dma_start3A_207 = arith.constant 0 : i32
      %dma_start3A_208 = tpu.memref_slice %dma_start3A_206[%add3A_171, %dma_start3A_207] : memref<10000x128xf32, #tpu.memory_space<hbm>> -> memref<48x128xf32, #tpu.memory_space<hbm>>
      tpu.enqueue_dma source(%arg8 : memref<48x128xf32, #tpu.memory_space<vmem>>) target(%dma_start3A_208 : memref<48x128xf32, #tpu.memory_space<hbm>>) target_semaphore(%run_scoped3A : memref<!tpu.dma_semaphore, #tpu.memory_space<semaphore_mem>>)
      %dma_wait3A_209 = arith.constant 0 : i32
      %dma_wait3A_210 = arith.constant 0 : i32
      %dma_wait3A_211 = tpu.memref_slice %arg5[%arg0, %dma_wait3A_209, %dma_wait3A_210] : memref<2x10000x128xf32, #tpu.memory_space<hbm>> -> memref<1x10000x128xf32, #tpu.memory_space<hbm>>
      %dma_wait3A_212 = tpu.memref_squeeze %dma_wait3A_211 : memref<1x10000x128xf32, #tpu.memory_space<hbm>> -> memref<10000x128xf32, #tpu.memory_space<hbm>>
      %dma_wait3A_213 = arith.constant 0 : i32
      %dma_wait3A_214 = tpu.memref_slice %dma_wait3A_212[%add3A_171, %dma_wait3A_213] : memref<10000x128xf32, #tpu.memory_space<hbm>> -> memref<48x128xf32, #tpu.memory_space<hbm>>
      %dma_wait3A_215 = arith.constant 0 : i32
      %dma_wait3A_216 = arith.constant 0 : i32
      %dma_wait3A_217 = tpu.memref_slice %arg5[%arg0, %dma_wait3A_215, %dma_wait3A_216] : memref<2x10000x128xf32, #tpu.memory_space<hbm>> -> memref<1x10000x128xf32, #tpu.memory_space<hbm>>
      %dma_wait3A_218 = tpu.memref_squeeze %dma_wait3A_217 : memref<1x10000x128xf32, #tpu.memory_space<hbm>> -> memref<10000x128xf32, #tpu.memory_space<hbm>>
      %dma_wait3A_219 = arith.constant 0 : i32
      %dma_wait3A_220 = tpu.memref_slice %dma_wait3A_218[%add3A_171, %dma_wait3A_219] : memref<10000x128xf32, #tpu.memory_space<hbm>> -> memref<48x128xf32, #tpu.memory_space<hbm>>
      tpu.wait_dma2 semaphore(%run_scoped3A : memref<!tpu.dma_semaphore, #tpu.memory_space<semaphore_mem>>) src(%arg8 : memref<48x128xf32, #tpu.memory_space<vmem>>) dst(%dma_wait3A_220 : memref<48x128xf32, #tpu.memory_space<hbm>>)
      tpu.yield
    }) : () -> ()
    %add3A_172 = arith.constant 384 : i32
    %add3A_173 = arith.addi %mul3A_8, %add3A_172 : i32
    "tpu.region"() ({
      %run_scoped3A = tpu.sem_alloc : memref<!tpu.dma_semaphore, #tpu.memory_space<semaphore_mem>>
      %dma_start3A_197 = arith.constant 0 : i32
      %dma_start3A_198 = tpu.memref_slice %arg9[%add3A_173, %dma_start3A_197] : memref<10128x128xf32, #tpu.memory_space<vmem_shared>> -> memref<48x128xf32, #tpu.memory_space<vmem_shared>>
      %dma_start3A_199 = arith.constant 0 : i32
      %dma_start3A_200 = tpu.memref_slice %arg9[%add3A_173, %dma_start3A_199] : memref<10128x128xf32, #tpu.memory_space<vmem_shared>> -> memref<48x128xf32, #tpu.memory_space<vmem_shared>>
      tpu.enqueue_dma source(%dma_start3A_200 : memref<48x128xf32, #tpu.memory_space<vmem_shared>>) target(%arg8 : memref<48x128xf32, #tpu.memory_space<vmem>>) target_semaphore(%run_scoped3A : memref<!tpu.dma_semaphore, #tpu.memory_space<semaphore_mem>>)
      %dma_wait3A_201 = arith.constant 0 : i32
      %dma_wait3A_202 = tpu.memref_slice %arg9[%add3A_173, %dma_wait3A_201] : memref<10128x128xf32, #tpu.memory_space<vmem_shared>> -> memref<48x128xf32, #tpu.memory_space<vmem_shared>>
      %dma_wait3A_203 = arith.constant 0 : i32
      %dma_wait3A_204 = tpu.memref_slice %arg9[%add3A_173, %dma_wait3A_203] : memref<10128x128xf32, #tpu.memory_space<vmem_shared>> -> memref<48x128xf32, #tpu.memory_space<vmem_shared>>
      tpu.wait_dma2 semaphore(%run_scoped3A : memref<!tpu.dma_semaphore, #tpu.memory_space<semaphore_mem>>) src(%dma_wait3A_204 : memref<48x128xf32, #tpu.memory_space<vmem_shared>>) dst(%arg8 : memref<48x128xf32, #tpu.memory_space<vmem>>)
      tpu.yield
    }) : () -> ()
    %add3A_174 = arith.constant 384 : i32
    %add3A_175 = arith.addi %mul3A_8, %add3A_174 : i32
    "tpu.region"() ({
      %run_scoped3A = tpu.sem_alloc : memref<!tpu.dma_semaphore, #tpu.memory_space<semaphore_mem>>
      %dma_start3A_197 = arith.constant 0 : i32
      %dma_start3A_198 = arith.constant 0 : i32
      %dma_start3A_199 = tpu.memref_slice %arg5[%arg0, %dma_start3A_197, %dma_start3A_198] : memref<2x10000x128xf32, #tpu.memory_space<hbm>> -> memref<1x10000x128xf32, #tpu.memory_space<hbm>>
      %dma_start3A_200 = tpu.memref_squeeze %dma_start3A_199 : memref<1x10000x128xf32, #tpu.memory_space<hbm>> -> memref<10000x128xf32, #tpu.memory_space<hbm>>
      %dma_start3A_201 = arith.constant 0 : i32
      %dma_start3A_202 = tpu.memref_slice %dma_start3A_200[%add3A_175, %dma_start3A_201] : memref<10000x128xf32, #tpu.memory_space<hbm>> -> memref<48x128xf32, #tpu.memory_space<hbm>>
      %dma_start3A_203 = arith.constant 0 : i32
      %dma_start3A_204 = arith.constant 0 : i32
      %dma_start3A_205 = tpu.memref_slice %arg5[%arg0, %dma_start3A_203, %dma_start3A_204] : memref<2x10000x128xf32, #tpu.memory_space<hbm>> -> memref<1x10000x128xf32, #tpu.memory_space<hbm>>
      %dma_start3A_206 = tpu.memref_squeeze %dma_start3A_205 : memref<1x10000x128xf32, #tpu.memory_space<hbm>> -> memref<10000x128xf32, #tpu.memory_space<hbm>>
      %dma_start3A_207 = arith.constant 0 : i32
      %dma_start3A_208 = tpu.memref_slice %dma_start3A_206[%add3A_175, %dma_start3A_207] : memref<10000x128xf32, #tpu.memory_space<hbm>> -> memref<48x128xf32, #tpu.memory_space<hbm>>
      tpu.enqueue_dma source(%arg8 : memref<48x128xf32, #tpu.memory_space<vmem>>) target(%dma_start3A_208 : memref<48x128xf32, #tpu.memory_space<hbm>>) target_semaphore(%run_scoped3A : memref<!tpu.dma_semaphore, #tpu.memory_space<semaphore_mem>>)
      %dma_wait3A_209 = arith.constant 0 : i32
      %dma_wait3A_210 = arith.constant 0 : i32
      %dma_wait3A_211 = tpu.memref_slice %arg5[%arg0, %dma_wait3A_209, %dma_wait3A_210] : memref<2x10000x128xf32, #tpu.memory_space<hbm>> -> memref<1x10000x128xf32, #tpu.memory_space<hbm>>
      %dma_wait3A_212 = tpu.memref_squeeze %dma_wait3A_211 : memref<1x10000x128xf32, #tpu.memory_space<hbm>> -> memref<10000x128xf32, #tpu.memory_space<hbm>>
      %dma_wait3A_213 = arith.constant 0 : i32
      %dma_wait3A_214 = tpu.memref_slice %dma_wait3A_212[%add3A_175, %dma_wait3A_213] : memref<10000x128xf32, #tpu.memory_space<hbm>> -> memref<48x128xf32, #tpu.memory_space<hbm>>
      %dma_wait3A_215 = arith.constant 0 : i32
      %dma_wait3A_216 = arith.constant 0 : i32
      %dma_wait3A_217 = tpu.memref_slice %arg5[%arg0, %dma_wait3A_215, %dma_wait3A_216] : memref<2x10000x128xf32, #tpu.memory_space<hbm>> -> memref<1x10000x128xf32, #tpu.memory_space<hbm>>
      %dma_wait3A_218 = tpu.memref_squeeze %dma_wait3A_217 : memref<1x10000x128xf32, #tpu.memory_space<hbm>> -> memref<10000x128xf32, #tpu.memory_space<hbm>>
      %dma_wait3A_219 = arith.constant 0 : i32
      %dma_wait3A_220 = tpu.memref_slice %dma_wait3A_218[%add3A_175, %dma_wait3A_219] : memref<10000x128xf32, #tpu.memory_space<hbm>> -> memref<48x128xf32, #tpu.memory_space<hbm>>
      tpu.wait_dma2 semaphore(%run_scoped3A : memref<!tpu.dma_semaphore, #tpu.memory_space<semaphore_mem>>) src(%arg8 : memref<48x128xf32, #tpu.memory_space<vmem>>) dst(%dma_wait3A_220 : memref<48x128xf32, #tpu.memory_space<hbm>>)
      tpu.yield
    }) : () -> ()
    %add3A_176 = arith.constant 432 : i32
    %add3A_177 = arith.addi %mul3A_8, %add3A_176 : i32
    "tpu.region"() ({
      %run_scoped3A = tpu.sem_alloc : memref<!tpu.dma_semaphore, #tpu.memory_space<semaphore_mem>>
      %dma_start3A_197 = arith.constant 0 : i32
      %dma_start3A_198 = tpu.memref_slice %arg9[%add3A_177, %dma_start3A_197] : memref<10128x128xf32, #tpu.memory_space<vmem_shared>> -> memref<48x128xf32, #tpu.memory_space<vmem_shared>>
      %dma_start3A_199 = arith.constant 0 : i32
      %dma_start3A_200 = tpu.memref_slice %arg9[%add3A_177, %dma_start3A_199] : memref<10128x128xf32, #tpu.memory_space<vmem_shared>> -> memref<48x128xf32, #tpu.memory_space<vmem_shared>>
      tpu.enqueue_dma source(%dma_start3A_200 : memref<48x128xf32, #tpu.memory_space<vmem_shared>>) target(%arg8 : memref<48x128xf32, #tpu.memory_space<vmem>>) target_semaphore(%run_scoped3A : memref<!tpu.dma_semaphore, #tpu.memory_space<semaphore_mem>>)
      %dma_wait3A_201 = arith.constant 0 : i32
      %dma_wait3A_202 = tpu.memref_slice %arg9[%add3A_177, %dma_wait3A_201] : memref<10128x128xf32, #tpu.memory_space<vmem_shared>> -> memref<48x128xf32, #tpu.memory_space<vmem_shared>>
      %dma_wait3A_203 = arith.constant 0 : i32
      %dma_wait3A_204 = tpu.memref_slice %arg9[%add3A_177, %dma_wait3A_203] : memref<10128x128xf32, #tpu.memory_space<vmem_shared>> -> memref<48x128xf32, #tpu.memory_space<vmem_shared>>
      tpu.wait_dma2 semaphore(%run_scoped3A : memref<!tpu.dma_semaphore, #tpu.memory_space<semaphore_mem>>) src(%dma_wait3A_204 : memref<48x128xf32, #tpu.memory_space<vmem_shared>>) dst(%arg8 : memref<48x128xf32, #tpu.memory_space<vmem>>)
      tpu.yield
    }) : () -> ()
    %add3A_178 = arith.constant 432 : i32
    %add3A_179 = arith.addi %mul3A_8, %add3A_178 : i32
    "tpu.region"() ({
      %run_scoped3A = tpu.sem_alloc : memref<!tpu.dma_semaphore, #tpu.memory_space<semaphore_mem>>
      %dma_start3A_197 = arith.constant 0 : i32
      %dma_start3A_198 = arith.constant 0 : i32
      %dma_start3A_199 = tpu.memref_slice %arg5[%arg0, %dma_start3A_197, %dma_start3A_198] : memref<2x10000x128xf32, #tpu.memory_space<hbm>> -> memref<1x10000x128xf32, #tpu.memory_space<hbm>>
      %dma_start3A_200 = tpu.memref_squeeze %dma_start3A_199 : memref<1x10000x128xf32, #tpu.memory_space<hbm>> -> memref<10000x128xf32, #tpu.memory_space<hbm>>
      %dma_start3A_201 = arith.constant 0 : i32
      %dma_start3A_202 = tpu.memref_slice %dma_start3A_200[%add3A_179, %dma_start3A_201] : memref<10000x128xf32, #tpu.memory_space<hbm>> -> memref<48x128xf32, #tpu.memory_space<hbm>>
      %dma_start3A_203 = arith.constant 0 : i32
      %dma_start3A_204 = arith.constant 0 : i32
      %dma_start3A_205 = tpu.memref_slice %arg5[%arg0, %dma_start3A_203, %dma_start3A_204] : memref<2x10000x128xf32, #tpu.memory_space<hbm>> -> memref<1x10000x128xf32, #tpu.memory_space<hbm>>
      %dma_start3A_206 = tpu.memref_squeeze %dma_start3A_205 : memref<1x10000x128xf32, #tpu.memory_space<hbm>> -> memref<10000x128xf32, #tpu.memory_space<hbm>>
      %dma_start3A_207 = arith.constant 0 : i32
      %dma_start3A_208 = tpu.memref_slice %dma_start3A_206[%add3A_179, %dma_start3A_207] : memref<10000x128xf32, #tpu.memory_space<hbm>> -> memref<48x128xf32, #tpu.memory_space<hbm>>
      tpu.enqueue_dma source(%arg8 : memref<48x128xf32, #tpu.memory_space<vmem>>) target(%dma_start3A_208 : memref<48x128xf32, #tpu.memory_space<hbm>>) target_semaphore(%run_scoped3A : memref<!tpu.dma_semaphore, #tpu.memory_space<semaphore_mem>>)
      %dma_wait3A_209 = arith.constant 0 : i32
      %dma_wait3A_210 = arith.constant 0 : i32
      %dma_wait3A_211 = tpu.memref_slice %arg5[%arg0, %dma_wait3A_209, %dma_wait3A_210] : memref<2x10000x128xf32, #tpu.memory_space<hbm>> -> memref<1x10000x128xf32, #tpu.memory_space<hbm>>
      %dma_wait3A_212 = tpu.memref_squeeze %dma_wait3A_211 : memref<1x10000x128xf32, #tpu.memory_space<hbm>> -> memref<10000x128xf32, #tpu.memory_space<hbm>>
      %dma_wait3A_213 = arith.constant 0 : i32
      %dma_wait3A_214 = tpu.memref_slice %dma_wait3A_212[%add3A_179, %dma_wait3A_213] : memref<10000x128xf32, #tpu.memory_space<hbm>> -> memref<48x128xf32, #tpu.memory_space<hbm>>
      %dma_wait3A_215 = arith.constant 0 : i32
      %dma_wait3A_216 = arith.constant 0 : i32
      %dma_wait3A_217 = tpu.memref_slice %arg5[%arg0, %dma_wait3A_215, %dma_wait3A_216] : memref<2x10000x128xf32, #tpu.memory_space<hbm>> -> memref<1x10000x128xf32, #tpu.memory_space<hbm>>
      %dma_wait3A_218 = tpu.memref_squeeze %dma_wait3A_217 : memref<1x10000x128xf32, #tpu.memory_space<hbm>> -> memref<10000x128xf32, #tpu.memory_space<hbm>>
      %dma_wait3A_219 = arith.constant 0 : i32
      %dma_wait3A_220 = tpu.memref_slice %dma_wait3A_218[%add3A_179, %dma_wait3A_219] : memref<10000x128xf32, #tpu.memory_space<hbm>> -> memref<48x128xf32, #tpu.memory_space<hbm>>
      tpu.wait_dma2 semaphore(%run_scoped3A : memref<!tpu.dma_semaphore, #tpu.memory_space<semaphore_mem>>) src(%arg8 : memref<48x128xf32, #tpu.memory_space<vmem>>) dst(%dma_wait3A_220 : memref<48x128xf32, #tpu.memory_space<hbm>>)
      tpu.yield
    }) : () -> ()
    %add3A_180 = arith.constant 480 : i32
    %add3A_181 = arith.addi %mul3A_8, %add3A_180 : i32
    "tpu.region"() ({
      %run_scoped3A = tpu.sem_alloc : memref<!tpu.dma_semaphore, #tpu.memory_space<semaphore_mem>>
      %dma_start3A_197 = arith.constant 0 : i32
      %dma_start3A_198 = tpu.memref_slice %arg9[%add3A_181, %dma_start3A_197] : memref<10128x128xf32, #tpu.memory_space<vmem_shared>> -> memref<48x128xf32, #tpu.memory_space<vmem_shared>>
      %dma_start3A_199 = arith.constant 0 : i32
      %dma_start3A_200 = tpu.memref_slice %arg9[%add3A_181, %dma_start3A_199] : memref<10128x128xf32, #tpu.memory_space<vmem_shared>> -> memref<48x128xf32, #tpu.memory_space<vmem_shared>>
      tpu.enqueue_dma source(%dma_start3A_200 : memref<48x128xf32, #tpu.memory_space<vmem_shared>>) target(%arg8 : memref<48x128xf32, #tpu.memory_space<vmem>>) target_semaphore(%run_scoped3A : memref<!tpu.dma_semaphore, #tpu.memory_space<semaphore_mem>>)
      %dma_wait3A_201 = arith.constant 0 : i32
      %dma_wait3A_202 = tpu.memref_slice %arg9[%add3A_181, %dma_wait3A_201] : memref<10128x128xf32, #tpu.memory_space<vmem_shared>> -> memref<48x128xf32, #tpu.memory_space<vmem_shared>>
      %dma_wait3A_203 = arith.constant 0 : i32
      %dma_wait3A_204 = tpu.memref_slice %arg9[%add3A_181, %dma_wait3A_203] : memref<10128x128xf32, #tpu.memory_space<vmem_shared>> -> memref<48x128xf32, #tpu.memory_space<vmem_shared>>
      tpu.wait_dma2 semaphore(%run_scoped3A : memref<!tpu.dma_semaphore, #tpu.memory_space<semaphore_mem>>) src(%dma_wait3A_204 : memref<48x128xf32, #tpu.memory_space<vmem_shared>>) dst(%arg8 : memref<48x128xf32, #tpu.memory_space<vmem>>)
      tpu.yield
    }) : () -> ()
    %add3A_182 = arith.constant 480 : i32
    %add3A_183 = arith.addi %mul3A_8, %add3A_182 : i32
    "tpu.region"() ({
      %run_scoped3A = tpu.sem_alloc : memref<!tpu.dma_semaphore, #tpu.memory_space<semaphore_mem>>
      %dma_start3A_197 = arith.constant 0 : i32
      %dma_start3A_198 = arith.constant 0 : i32
      %dma_start3A_199 = tpu.memref_slice %arg5[%arg0, %dma_start3A_197, %dma_start3A_198] : memref<2x10000x128xf32, #tpu.memory_space<hbm>> -> memref<1x10000x128xf32, #tpu.memory_space<hbm>>
      %dma_start3A_200 = tpu.memref_squeeze %dma_start3A_199 : memref<1x10000x128xf32, #tpu.memory_space<hbm>> -> memref<10000x128xf32, #tpu.memory_space<hbm>>
      %dma_start3A_201 = arith.constant 0 : i32
      %dma_start3A_202 = tpu.memref_slice %dma_start3A_200[%add3A_183, %dma_start3A_201] : memref<10000x128xf32, #tpu.memory_space<hbm>> -> memref<48x128xf32, #tpu.memory_space<hbm>>
      %dma_start3A_203 = arith.constant 0 : i32
      %dma_start3A_204 = arith.constant 0 : i32
      %dma_start3A_205 = tpu.memref_slice %arg5[%arg0, %dma_start3A_203, %dma_start3A_204] : memref<2x10000x128xf32, #tpu.memory_space<hbm>> -> memref<1x10000x128xf32, #tpu.memory_space<hbm>>
      %dma_start3A_206 = tpu.memref_squeeze %dma_start3A_205 : memref<1x10000x128xf32, #tpu.memory_space<hbm>> -> memref<10000x128xf32, #tpu.memory_space<hbm>>
      %dma_start3A_207 = arith.constant 0 : i32
      %dma_start3A_208 = tpu.memref_slice %dma_start3A_206[%add3A_183, %dma_start3A_207] : memref<10000x128xf32, #tpu.memory_space<hbm>> -> memref<48x128xf32, #tpu.memory_space<hbm>>
      tpu.enqueue_dma source(%arg8 : memref<48x128xf32, #tpu.memory_space<vmem>>) target(%dma_start3A_208 : memref<48x128xf32, #tpu.memory_space<hbm>>) target_semaphore(%run_scoped3A : memref<!tpu.dma_semaphore, #tpu.memory_space<semaphore_mem>>)
      %dma_wait3A_209 = arith.constant 0 : i32
      %dma_wait3A_210 = arith.constant 0 : i32
      %dma_wait3A_211 = tpu.memref_slice %arg5[%arg0, %dma_wait3A_209, %dma_wait3A_210] : memref<2x10000x128xf32, #tpu.memory_space<hbm>> -> memref<1x10000x128xf32, #tpu.memory_space<hbm>>
      %dma_wait3A_212 = tpu.memref_squeeze %dma_wait3A_211 : memref<1x10000x128xf32, #tpu.memory_space<hbm>> -> memref<10000x128xf32, #tpu.memory_space<hbm>>
      %dma_wait3A_213 = arith.constant 0 : i32
      %dma_wait3A_214 = tpu.memref_slice %dma_wait3A_212[%add3A_183, %dma_wait3A_213] : memref<10000x128xf32, #tpu.memory_space<hbm>> -> memref<48x128xf32, #tpu.memory_space<hbm>>
      %dma_wait3A_215 = arith.constant 0 : i32
      %dma_wait3A_216 = arith.constant 0 : i32
      %dma_wait3A_217 = tpu.memref_slice %arg5[%arg0, %dma_wait3A_215, %dma_wait3A_216] : memref<2x10000x128xf32, #tpu.memory_space<hbm>> -> memref<1x10000x128xf32, #tpu.memory_space<hbm>>
      %dma_wait3A_218 = tpu.memref_squeeze %dma_wait3A_217 : memref<1x10000x128xf32, #tpu.memory_space<hbm>> -> memref<10000x128xf32, #tpu.memory_space<hbm>>
      %dma_wait3A_219 = arith.constant 0 : i32
      %dma_wait3A_220 = tpu.memref_slice %dma_wait3A_218[%add3A_183, %dma_wait3A_219] : memref<10000x128xf32, #tpu.memory_space<hbm>> -> memref<48x128xf32, #tpu.memory_space<hbm>>
      tpu.wait_dma2 semaphore(%run_scoped3A : memref<!tpu.dma_semaphore, #tpu.memory_space<semaphore_mem>>) src(%arg8 : memref<48x128xf32, #tpu.memory_space<vmem>>) dst(%dma_wait3A_220 : memref<48x128xf32, #tpu.memory_space<hbm>>)
      tpu.yield
    }) : () -> ()
    %add3A_184 = arith.constant 528 : i32
    %add3A_185 = arith.addi %mul3A_8, %add3A_184 : i32
    "tpu.region"() ({
      %run_scoped3A = tpu.sem_alloc : memref<!tpu.dma_semaphore, #tpu.memory_space<semaphore_mem>>
      %dma_start3A_197 = arith.constant 0 : i32
      %dma_start3A_198 = tpu.memref_slice %arg9[%add3A_185, %dma_start3A_197] : memref<10128x128xf32, #tpu.memory_space<vmem_shared>> -> memref<48x128xf32, #tpu.memory_space<vmem_shared>>
      %dma_start3A_199 = arith.constant 0 : i32
      %dma_start3A_200 = tpu.memref_slice %arg9[%add3A_185, %dma_start3A_199] : memref<10128x128xf32, #tpu.memory_space<vmem_shared>> -> memref<48x128xf32, #tpu.memory_space<vmem_shared>>
      tpu.enqueue_dma source(%dma_start3A_200 : memref<48x128xf32, #tpu.memory_space<vmem_shared>>) target(%arg8 : memref<48x128xf32, #tpu.memory_space<vmem>>) target_semaphore(%run_scoped3A : memref<!tpu.dma_semaphore, #tpu.memory_space<semaphore_mem>>)
      %dma_wait3A_201 = arith.constant 0 : i32
      %dma_wait3A_202 = tpu.memref_slice %arg9[%add3A_185, %dma_wait3A_201] : memref<10128x128xf32, #tpu.memory_space<vmem_shared>> -> memref<48x128xf32, #tpu.memory_space<vmem_shared>>
      %dma_wait3A_203 = arith.constant 0 : i32
      %dma_wait3A_204 = tpu.memref_slice %arg9[%add3A_185, %dma_wait3A_203] : memref<10128x128xf32, #tpu.memory_space<vmem_shared>> -> memref<48x128xf32, #tpu.memory_space<vmem_shared>>
      tpu.wait_dma2 semaphore(%run_scoped3A : memref<!tpu.dma_semaphore, #tpu.memory_space<semaphore_mem>>) src(%dma_wait3A_204 : memref<48x128xf32, #tpu.memory_space<vmem_shared>>) dst(%arg8 : memref<48x128xf32, #tpu.memory_space<vmem>>)
      tpu.yield
    }) : () -> ()
    %add3A_186 = arith.constant 528 : i32
    %add3A_187 = arith.addi %mul3A_8, %add3A_186 : i32
    "tpu.region"() ({
      %run_scoped3A = tpu.sem_alloc : memref<!tpu.dma_semaphore, #tpu.memory_space<semaphore_mem>>
      %dma_start3A_197 = arith.constant 0 : i32
      %dma_start3A_198 = arith.constant 0 : i32
      %dma_start3A_199 = tpu.memref_slice %arg5[%arg0, %dma_start3A_197, %dma_start3A_198] : memref<2x10000x128xf32, #tpu.memory_space<hbm>> -> memref<1x10000x128xf32, #tpu.memory_space<hbm>>
      %dma_start3A_200 = tpu.memref_squeeze %dma_start3A_199 : memref<1x10000x128xf32, #tpu.memory_space<hbm>> -> memref<10000x128xf32, #tpu.memory_space<hbm>>
      %dma_start3A_201 = arith.constant 0 : i32
      %dma_start3A_202 = tpu.memref_slice %dma_start3A_200[%add3A_187, %dma_start3A_201] : memref<10000x128xf32, #tpu.memory_space<hbm>> -> memref<48x128xf32, #tpu.memory_space<hbm>>
      %dma_start3A_203 = arith.constant 0 : i32
      %dma_start3A_204 = arith.constant 0 : i32
      %dma_start3A_205 = tpu.memref_slice %arg5[%arg0, %dma_start3A_203, %dma_start3A_204] : memref<2x10000x128xf32, #tpu.memory_space<hbm>> -> memref<1x10000x128xf32, #tpu.memory_space<hbm>>
      %dma_start3A_206 = tpu.memref_squeeze %dma_start3A_205 : memref<1x10000x128xf32, #tpu.memory_space<hbm>> -> memref<10000x128xf32, #tpu.memory_space<hbm>>
      %dma_start3A_207 = arith.constant 0 : i32
      %dma_start3A_208 = tpu.memref_slice %dma_start3A_206[%add3A_187, %dma_start3A_207] : memref<10000x128xf32, #tpu.memory_space<hbm>> -> memref<48x128xf32, #tpu.memory_space<hbm>>
      tpu.enqueue_dma source(%arg8 : memref<48x128xf32, #tpu.memory_space<vmem>>) target(%dma_start3A_208 : memref<48x128xf32, #tpu.memory_space<hbm>>) target_semaphore(%run_scoped3A : memref<!tpu.dma_semaphore, #tpu.memory_space<semaphore_mem>>)
      %dma_wait3A_209 = arith.constant 0 : i32
      %dma_wait3A_210 = arith.constant 0 : i32
      %dma_wait3A_211 = tpu.memref_slice %arg5[%arg0, %dma_wait3A_209, %dma_wait3A_210] : memref<2x10000x128xf32, #tpu.memory_space<hbm>> -> memref<1x10000x128xf32, #tpu.memory_space<hbm>>
      %dma_wait3A_212 = tpu.memref_squeeze %dma_wait3A_211 : memref<1x10000x128xf32, #tpu.memory_space<hbm>> -> memref<10000x128xf32, #tpu.memory_space<hbm>>
      %dma_wait3A_213 = arith.constant 0 : i32
      %dma_wait3A_214 = tpu.memref_slice %dma_wait3A_212[%add3A_187, %dma_wait3A_213] : memref<10000x128xf32, #tpu.memory_space<hbm>> -> memref<48x128xf32, #tpu.memory_space<hbm>>
      %dma_wait3A_215 = arith.constant 0 : i32
      %dma_wait3A_216 = arith.constant 0 : i32
      %dma_wait3A_217 = tpu.memref_slice %arg5[%arg0, %dma_wait3A_215, %dma_wait3A_216] : memref<2x10000x128xf32, #tpu.memory_space<hbm>> -> memref<1x10000x128xf32, #tpu.memory_space<hbm>>
      %dma_wait3A_218 = tpu.memref_squeeze %dma_wait3A_217 : memref<1x10000x128xf32, #tpu.memory_space<hbm>> -> memref<10000x128xf32, #tpu.memory_space<hbm>>
      %dma_wait3A_219 = arith.constant 0 : i32
      %dma_wait3A_220 = tpu.memref_slice %dma_wait3A_218[%add3A_187, %dma_wait3A_219] : memref<10000x128xf32, #tpu.memory_space<hbm>> -> memref<48x128xf32, #tpu.memory_space<hbm>>
      tpu.wait_dma2 semaphore(%run_scoped3A : memref<!tpu.dma_semaphore, #tpu.memory_space<semaphore_mem>>) src(%arg8 : memref<48x128xf32, #tpu.memory_space<vmem>>) dst(%dma_wait3A_220 : memref<48x128xf32, #tpu.memory_space<hbm>>)
      tpu.yield
    }) : () -> ()
    %add3A_188 = arith.constant 576 : i32
    %add3A_189 = arith.addi %mul3A_8, %add3A_188 : i32
    "tpu.region"() ({
      %run_scoped3A = tpu.sem_alloc : memref<!tpu.dma_semaphore, #tpu.memory_space<semaphore_mem>>
      %dma_start3A_197 = arith.constant 0 : i32
      %dma_start3A_198 = tpu.memref_slice %arg9[%add3A_189, %dma_start3A_197] : memref<10128x128xf32, #tpu.memory_space<vmem_shared>> -> memref<48x128xf32, #tpu.memory_space<vmem_shared>>
      %dma_start3A_199 = arith.constant 0 : i32
      %dma_start3A_200 = tpu.memref_slice %arg9[%add3A_189, %dma_start3A_199] : memref<10128x128xf32, #tpu.memory_space<vmem_shared>> -> memref<48x128xf32, #tpu.memory_space<vmem_shared>>
      tpu.enqueue_dma source(%dma_start3A_200 : memref<48x128xf32, #tpu.memory_space<vmem_shared>>) target(%arg8 : memref<48x128xf32, #tpu.memory_space<vmem>>) target_semaphore(%run_scoped3A : memref<!tpu.dma_semaphore, #tpu.memory_space<semaphore_mem>>)
      %dma_wait3A_201 = arith.constant 0 : i32
      %dma_wait3A_202 = tpu.memref_slice %arg9[%add3A_189, %dma_wait3A_201] : memref<10128x128xf32, #tpu.memory_space<vmem_shared>> -> memref<48x128xf32, #tpu.memory_space<vmem_shared>>
      %dma_wait3A_203 = arith.constant 0 : i32
      %dma_wait3A_204 = tpu.memref_slice %arg9[%add3A_189, %dma_wait3A_203] : memref<10128x128xf32, #tpu.memory_space<vmem_shared>> -> memref<48x128xf32, #tpu.memory_space<vmem_shared>>
      tpu.wait_dma2 semaphore(%run_scoped3A : memref<!tpu.dma_semaphore, #tpu.memory_space<semaphore_mem>>) src(%dma_wait3A_204 : memref<48x128xf32, #tpu.memory_space<vmem_shared>>) dst(%arg8 : memref<48x128xf32, #tpu.memory_space<vmem>>)
      tpu.yield
    }) : () -> ()
    %add3A_190 = arith.constant 576 : i32
    %add3A_191 = arith.addi %mul3A_8, %add3A_190 : i32
    "tpu.region"() ({
      %run_scoped3A = tpu.sem_alloc : memref<!tpu.dma_semaphore, #tpu.memory_space<semaphore_mem>>
      %dma_start3A_197 = arith.constant 0 : i32
      %dma_start3A_198 = arith.constant 0 : i32
      %dma_start3A_199 = tpu.memref_slice %arg5[%arg0, %dma_start3A_197, %dma_start3A_198] : memref<2x10000x128xf32, #tpu.memory_space<hbm>> -> memref<1x10000x128xf32, #tpu.memory_space<hbm>>
      %dma_start3A_200 = tpu.memref_squeeze %dma_start3A_199 : memref<1x10000x128xf32, #tpu.memory_space<hbm>> -> memref<10000x128xf32, #tpu.memory_space<hbm>>
      %dma_start3A_201 = arith.constant 0 : i32
      %dma_start3A_202 = tpu.memref_slice %dma_start3A_200[%add3A_191, %dma_start3A_201] : memref<10000x128xf32, #tpu.memory_space<hbm>> -> memref<48x128xf32, #tpu.memory_space<hbm>>
      %dma_start3A_203 = arith.constant 0 : i32
      %dma_start3A_204 = arith.constant 0 : i32
      %dma_start3A_205 = tpu.memref_slice %arg5[%arg0, %dma_start3A_203, %dma_start3A_204] : memref<2x10000x128xf32, #tpu.memory_space<hbm>> -> memref<1x10000x128xf32, #tpu.memory_space<hbm>>
      %dma_start3A_206 = tpu.memref_squeeze %dma_start3A_205 : memref<1x10000x128xf32, #tpu.memory_space<hbm>> -> memref<10000x128xf32, #tpu.memory_space<hbm>>
      %dma_start3A_207 = arith.constant 0 : i32
      %dma_start3A_208 = tpu.memref_slice %dma_start3A_206[%add3A_191, %dma_start3A_207] : memref<10000x128xf32, #tpu.memory_space<hbm>> -> memref<48x128xf32, #tpu.memory_space<hbm>>
      tpu.enqueue_dma source(%arg8 : memref<48x128xf32, #tpu.memory_space<vmem>>) target(%dma_start3A_208 : memref<48x128xf32, #tpu.memory_space<hbm>>) target_semaphore(%run_scoped3A : memref<!tpu.dma_semaphore, #tpu.memory_space<semaphore_mem>>)
      %dma_wait3A_209 = arith.constant 0 : i32
      %dma_wait3A_210 = arith.constant 0 : i32
      %dma_wait3A_211 = tpu.memref_slice %arg5[%arg0, %dma_wait3A_209, %dma_wait3A_210] : memref<2x10000x128xf32, #tpu.memory_space<hbm>> -> memref<1x10000x128xf32, #tpu.memory_space<hbm>>
      %dma_wait3A_212 = tpu.memref_squeeze %dma_wait3A_211 : memref<1x10000x128xf32, #tpu.memory_space<hbm>> -> memref<10000x128xf32, #tpu.memory_space<hbm>>
      %dma_wait3A_213 = arith.constant 0 : i32
      %dma_wait3A_214 = tpu.memref_slice %dma_wait3A_212[%add3A_191, %dma_wait3A_213] : memref<10000x128xf32, #tpu.memory_space<hbm>> -> memref<48x128xf32, #tpu.memory_space<hbm>>
      %dma_wait3A_215 = arith.constant 0 : i32
      %dma_wait3A_216 = arith.constant 0 : i32
      %dma_wait3A_217 = tpu.memref_slice %arg5[%arg0, %dma_wait3A_215, %dma_wait3A_216] : memref<2x10000x128xf32, #tpu.memory_space<hbm>> -> memref<1x10000x128xf32, #tpu.memory_space<hbm>>
      %dma_wait3A_218 = tpu.memref_squeeze %dma_wait3A_217 : memref<1x10000x128xf32, #tpu.memory_space<hbm>> -> memref<10000x128xf32, #tpu.memory_space<hbm>>
      %dma_wait3A_219 = arith.constant 0 : i32
      %dma_wait3A_220 = tpu.memref_slice %dma_wait3A_218[%add3A_191, %dma_wait3A_219] : memref<10000x128xf32, #tpu.memory_space<hbm>> -> memref<48x128xf32, #tpu.memory_space<hbm>>
      tpu.wait_dma2 semaphore(%run_scoped3A : memref<!tpu.dma_semaphore, #tpu.memory_space<semaphore_mem>>) src(%arg8 : memref<48x128xf32, #tpu.memory_space<vmem>>) dst(%dma_wait3A_220 : memref<48x128xf32, #tpu.memory_space<hbm>>)
      tpu.yield
    }) : () -> ()
    %eq3A_192 = arith.constant 15 : i32
    %eq3A_193 = arith.cmpi eq, %arg1, %eq3A_192 : i32
    %convert_element_type3A_194 = arith.extui %eq3A_193 : i1 to i32
    %cond3A_195 = arith.constant 0 : i32
    %cond3A_196 = arith.cmpi ne, %convert_element_type3A_194, %cond3A_195 : i32
    scf.if %cond3A_196 {
      "tpu.region"() ({
        %run_scoped3A = tpu.sem_alloc : memref<!tpu.dma_semaphore, #tpu.memory_space<semaphore_mem>>
        %dma_start3A_197 = arith.constant 0 : i32
        %dma_start3A_198 = arith.constant 0 : i32
        %dma_start3A_199 = tpu.memref_slice %arg7[%dma_start3A_197, %dma_start3A_198] : memref<128x128xf32, #tpu.memory_space<vmem>> -> memref<16x128xf32, #tpu.memory_space<vmem>>
        %dma_start3A_200 = arith.constant 9984 : i32
        %dma_start3A_201 = arith.constant 0 : i32
        %dma_start3A_202 = tpu.memref_slice %arg9[%dma_start3A_200, %dma_start3A_201] : memref<10128x128xf32, #tpu.memory_space<vmem_shared>> -> memref<16x128xf32, #tpu.memory_space<vmem_shared>>
        %dma_start3A_203 = arith.constant 0 : i32
        %dma_start3A_204 = arith.constant 0 : i32
        %dma_start3A_205 = tpu.memref_slice %arg7[%dma_start3A_203, %dma_start3A_204] : memref<128x128xf32, #tpu.memory_space<vmem>> -> memref<16x128xf32, #tpu.memory_space<vmem>>
        %dma_start3A_206 = arith.constant 9984 : i32
        %dma_start3A_207 = arith.constant 0 : i32
        %dma_start3A_208 = tpu.memref_slice %arg9[%dma_start3A_206, %dma_start3A_207] : memref<10128x128xf32, #tpu.memory_space<vmem_shared>> -> memref<16x128xf32, #tpu.memory_space<vmem_shared>>
        tpu.enqueue_dma source(%dma_start3A_208 : memref<16x128xf32, #tpu.memory_space<vmem_shared>>) target(%dma_start3A_205 : memref<16x128xf32, #tpu.memory_space<vmem>>) target_semaphore(%run_scoped3A : memref<!tpu.dma_semaphore, #tpu.memory_space<semaphore_mem>>)
        %dma_wait3A_209 = arith.constant 0 : i32
        %dma_wait3A_210 = arith.constant 0 : i32
        %dma_wait3A_211 = tpu.memref_slice %arg7[%dma_wait3A_209, %dma_wait3A_210] : memref<128x128xf32, #tpu.memory_space<vmem>> -> memref<16x128xf32, #tpu.memory_space<vmem>>
        %dma_wait3A_212 = arith.constant 9984 : i32
        %dma_wait3A_213 = arith.constant 0 : i32
        %dma_wait3A_214 = tpu.memref_slice %arg9[%dma_wait3A_212, %dma_wait3A_213] : memref<10128x128xf32, #tpu.memory_space<vmem_shared>> -> memref<16x128xf32, #tpu.memory_space<vmem_shared>>
        %dma_wait3A_215 = arith.constant 0 : i32
        %dma_wait3A_216 = arith.constant 0 : i32
        %dma_wait3A_217 = tpu.memref_slice %arg7[%dma_wait3A_215, %dma_wait3A_216] : memref<128x128xf32, #tpu.memory_space<vmem>> -> memref<16x128xf32, #tpu.memory_space<vmem>>
        %dma_wait3A_218 = arith.constant 9984 : i32
        %dma_wait3A_219 = arith.constant 0 : i32
        %dma_wait3A_220 = tpu.memref_slice %arg9[%dma_wait3A_218, %dma_wait3A_219] : memref<10128x128xf32, #tpu.memory_space<vmem_shared>> -> memref<16x128xf32, #tpu.memory_space<vmem_shared>>
        tpu.wait_dma2 semaphore(%run_scoped3A : memref<!tpu.dma_semaphore, #tpu.memory_space<semaphore_mem>>) src(%dma_wait3A_220 : memref<16x128xf32, #tpu.memory_space<vmem_shared>>) dst(%dma_wait3A_217 : memref<16x128xf32, #tpu.memory_space<vmem>>)
        tpu.yield
      }) : () -> ()
      "tpu.region"() ({
        %run_scoped3A = tpu.sem_alloc : memref<!tpu.dma_semaphore, #tpu.memory_space<semaphore_mem>>
        %dma_start3A_197 = arith.constant 0 : i32
        %dma_start3A_198 = arith.constant 0 : i32
        %dma_start3A_199 = tpu.memref_slice %arg7[%dma_start3A_197, %dma_start3A_198] : memref<128x128xf32, #tpu.memory_space<vmem>> -> memref<16x128xf32, #tpu.memory_space<vmem>>
        %dma_start3A_200 = arith.constant 0 : i32
        %dma_start3A_201 = arith.constant 0 : i32
        %dma_start3A_202 = tpu.memref_slice %arg5[%arg0, %dma_start3A_200, %dma_start3A_201] : memref<2x10000x128xf32, #tpu.memory_space<hbm>> -> memref<1x10000x128xf32, #tpu.memory_space<hbm>>
        %dma_start3A_203 = tpu.memref_squeeze %dma_start3A_202 : memref<1x10000x128xf32, #tpu.memory_space<hbm>> -> memref<10000x128xf32, #tpu.memory_space<hbm>>
        %dma_start3A_204 = arith.constant 9984 : i32
        %dma_start3A_205 = arith.constant 0 : i32
        %dma_start3A_206 = tpu.memref_slice %dma_start3A_203[%dma_start3A_204, %dma_start3A_205] : memref<10000x128xf32, #tpu.memory_space<hbm>> -> memref<16x128xf32, #tpu.memory_space<hbm>>
        %dma_start3A_207 = arith.constant 0 : i32
        %dma_start3A_208 = arith.constant 0 : i32
        %dma_start3A_209 = tpu.memref_slice %arg5[%arg0, %dma_start3A_207, %dma_start3A_208] : memref<2x10000x128xf32, #tpu.memory_space<hbm>> -> memref<1x10000x128xf32, #tpu.memory_space<hbm>>
        %dma_start3A_210 = tpu.memref_squeeze %dma_start3A_209 : memref<1x10000x128xf32, #tpu.memory_space<hbm>> -> memref<10000x128xf32, #tpu.memory_space<hbm>>
        %dma_start3A_211 = arith.constant 9984 : i32
        %dma_start3A_212 = arith.constant 0 : i32
        %dma_start3A_213 = tpu.memref_slice %dma_start3A_210[%dma_start3A_211, %dma_start3A_212] : memref<10000x128xf32, #tpu.memory_space<hbm>> -> memref<16x128xf32, #tpu.memory_space<hbm>>
        %dma_start3A_214 = arith.constant 0 : i32
        %dma_start3A_215 = arith.constant 0 : i32
        %dma_start3A_216 = tpu.memref_slice %arg7[%dma_start3A_214, %dma_start3A_215] : memref<128x128xf32, #tpu.memory_space<vmem>> -> memref<16x128xf32, #tpu.memory_space<vmem>>
        tpu.enqueue_dma source(%dma_start3A_216 : memref<16x128xf32, #tpu.memory_space<vmem>>) target(%dma_start3A_213 : memref<16x128xf32, #tpu.memory_space<hbm>>) target_semaphore(%run_scoped3A : memref<!tpu.dma_semaphore, #tpu.memory_space<semaphore_mem>>)
        %dma_wait3A_217 = arith.constant 0 : i32
        %dma_wait3A_218 = arith.constant 0 : i32
        %dma_wait3A_219 = tpu.memref_slice %arg7[%dma_wait3A_217, %dma_wait3A_218] : memref<128x128xf32, #tpu.memory_space<vmem>> -> memref<16x128xf32, #tpu.memory_space<vmem>>
        %dma_wait3A_220 = arith.constant 0 : i32
        %dma_wait3A_221 = arith.constant 0 : i32
        %dma_wait3A_222 = tpu.memref_slice %arg5[%arg0, %dma_wait3A_220, %dma_wait3A_221] : memref<2x10000x128xf32, #tpu.memory_space<hbm>> -> memref<1x10000x128xf32, #tpu.memory_space<hbm>>
        %dma_wait3A_223 = tpu.memref_squeeze %dma_wait3A_222 : memref<1x10000x128xf32, #tpu.memory_space<hbm>> -> memref<10000x128xf32, #tpu.memory_space<hbm>>
        %dma_wait3A_224 = arith.constant 9984 : i32
        %dma_wait3A_225 = arith.constant 0 : i32
        %dma_wait3A_226 = tpu.memref_slice %dma_wait3A_223[%dma_wait3A_224, %dma_wait3A_225] : memref<10000x128xf32, #tpu.memory_space<hbm>> -> memref<16x128xf32, #tpu.memory_space<hbm>>
        %dma_wait3A_227 = arith.constant 0 : i32
        %dma_wait3A_228 = arith.constant 0 : i32
        %dma_wait3A_229 = tpu.memref_slice %arg5[%arg0, %dma_wait3A_227, %dma_wait3A_228] : memref<2x10000x128xf32, #tpu.memory_space<hbm>> -> memref<1x10000x128xf32, #tpu.memory_space<hbm>>
        %dma_wait3A_230 = tpu.memref_squeeze %dma_wait3A_229 : memref<1x10000x128xf32, #tpu.memory_space<hbm>> -> memref<10000x128xf32, #tpu.memory_space<hbm>>
        %dma_wait3A_231 = arith.constant 9984 : i32
        %dma_wait3A_232 = arith.constant 0 : i32
        %dma_wait3A_233 = tpu.memref_slice %dma_wait3A_230[%dma_wait3A_231, %dma_wait3A_232] : memref<10000x128xf32, #tpu.memory_space<hbm>> -> memref<16x128xf32, #tpu.memory_space<hbm>>
        %dma_wait3A_234 = arith.constant 0 : i32
        %dma_wait3A_235 = arith.constant 0 : i32
        %dma_wait3A_236 = tpu.memref_slice %arg7[%dma_wait3A_234, %dma_wait3A_235] : memref<128x128xf32, #tpu.memory_space<vmem>> -> memref<16x128xf32, #tpu.memory_space<vmem>>
        tpu.wait_dma2 semaphore(%run_scoped3A : memref<!tpu.dma_semaphore, #tpu.memory_space<semaphore_mem>>) src(%dma_wait3A_236 : memref<16x128xf32, #tpu.memory_space<vmem>>) dst(%dma_wait3A_233 : memref<16x128xf32, #tpu.memory_space<hbm>>)
        tpu.yield
      }) : () -> ()
    } else {
    }
    return
  }
}

module attributes {stable_mosaic.version = 14 : i64} {
  func.func @_mlp_body(%arg0: i32, %arg1: memref<1000x128xf32, #tpu.memory_space<vmem>>, %arg2: memref<2x1000x128xf32, #tpu.memory_space<vmem>>, %arg3: memref<128x128xf32, #tpu.memory_space<vmem>>, %arg4: memref<1x128xf32, #tpu.memory_space<vmem>>, %arg5: memref<128x128xf32, #tpu.memory_space<vmem>>, %arg6: memref<1x128xf32, #tpu.memory_space<vmem>>, %arg7: memref<1000x128xf32, #tpu.memory_space<vmem>>) attributes {dimension_semantics = [#tpu.dimension_semantics<arbitrary>], iteration_bounds = array<i64: 10>, scalar_prefetch = 0 : i64, scratch_operands = 0 : i64, tpu.core_type = #tpu.core_type<tc>, window_params = [{transform_indices = @transform_0, window_bounds = array<i64: 1000, 128>}, {transform_indices = @transform_1, window_bounds = array<i64: 2, 1000, 128>}, {pipeline_mode = #tpu.pipeline_mode<synchronous>, transform_indices = @transform_2, window_bounds = array<i64: 128, 128>}, {pipeline_mode = #tpu.pipeline_mode<synchronous>, transform_indices = @transform_3, window_bounds = array<i64: 1, 128>}, {pipeline_mode = #tpu.pipeline_mode<synchronous>, transform_indices = @transform_4, window_bounds = array<i64: 128, 128>}, {pipeline_mode = #tpu.pipeline_mode<synchronous>, transform_indices = @transform_5, window_bounds = array<i64: 1, 128>}, {transform_indices = @transform_6, window_bounds = array<i64: 1000, 128>}]} {
    %get3A = arith.constant 0 : index
    %get3A_0 = arith.constant 0 : index
    %get3A_1 = vector.load %arg1[%get3A, %get3A_0] : memref<1000x128xf32, #tpu.memory_space<vmem>>, vector<1000x128xf32>
    %get3A_2 = arith.constant 0 : index
    %get3A_3 = arith.constant 0 : index
    %get3A_4 = arith.constant 0 : index
    %get3A_5 = vector.load %arg2[%get3A_2, %get3A_3, %get3A_4] : memref<2x1000x128xf32, #tpu.memory_space<vmem>>, vector<1x1000x128xf32>
    %get3A_6 = vector.shape_cast %get3A_5 : vector<1x1000x128xf32> to vector<1000x128xf32>
    %add3A = arith.addf %get3A_1, %get3A_6 : vector<1000x128xf32>
    %get3A_7 = arith.constant 1 : index
    %get3A_8 = arith.constant 0 : index
    %get3A_9 = arith.constant 0 : index
    %get3A_10 = vector.load %arg2[%get3A_7, %get3A_8, %get3A_9] : memref<2x1000x128xf32, #tpu.memory_space<vmem>>, vector<1x1000x128xf32>
    %get3A_11 = vector.shape_cast %get3A_10 : vector<1x1000x128xf32> to vector<1000x128xf32>
    %add3A_12 = arith.addf %add3A, %get3A_11 : vector<1000x128xf32>
    %get3A_13 = arith.constant 0 : index
    %get3A_14 = arith.constant 0 : index
    %get3A_15 = vector.load %arg3[%get3A_13, %get3A_14] : memref<128x128xf32, #tpu.memory_space<vmem>>, vector<128x128xf32>
    %dot_general3A = arith.constant dense<0.000000e+00> : vector<1000x128xf32>
    %dot_general3A_16 = tpu.matmul %add3A_12, %get3A_15, %dot_general3A {dimension_numbers = #tpu.dot_dimension_numbers<[1], [0], [0], [1], [0, 0, 1, 1], [], []>, transpose_lhs_hint = false} : vector<1000x128xf32>, vector<128x128xf32>, vector<1000x128xf32> -> vector<1000x128xf32>
    %get3A_17 = arith.constant 0 : index
    %get3A_18 = arith.constant 0 : index
    %get3A_19 = vector.load %arg4[%get3A_17, %get3A_18] : memref<1x128xf32, #tpu.memory_space<vmem>>, vector<1x128xf32>
    %add3A_20 = vector.broadcast %get3A_19 : vector<1x128xf32> to vector<1000x128xf32>
    %add3A_21 = arith.addf %dot_general3A_16, %add3A_20 : vector<1000x128xf32>
    %max3A = arith.constant 0.000000e+00 : f32
    %max3A_22 = vector.broadcast %max3A : f32 to vector<1000x128xf32>
    %max3A_23 = arith.maximumf %add3A_21, %max3A_22 : vector<1000x128xf32>
    %get3A_24 = arith.constant 0 : index
    %get3A_25 = arith.constant 0 : index
    %get3A_26 = vector.load %arg5[%get3A_24, %get3A_25] : memref<128x128xf32, #tpu.memory_space<vmem>>, vector<128x128xf32>
    %dot_general3A_27 = arith.constant dense<0.000000e+00> : vector<1000x128xf32>
    %dot_general3A_28 = tpu.matmul %max3A_23, %get3A_26, %dot_general3A_27 {dimension_numbers = #tpu.dot_dimension_numbers<[1], [0], [0], [1], [0, 0, 1, 1], [], []>, transpose_lhs_hint = false} : vector<1000x128xf32>, vector<128x128xf32>, vector<1000x128xf32> -> vector<1000x128xf32>
    %get3A_29 = arith.constant 0 : index
    %get3A_30 = arith.constant 0 : index
    %get3A_31 = vector.load %arg6[%get3A_29, %get3A_30] : memref<1x128xf32, #tpu.memory_space<vmem>>, vector<1x128xf32>
    %add3A_32 = vector.broadcast %get3A_31 : vector<1x128xf32> to vector<1000x128xf32>
    %add3A_33 = arith.addf %dot_general3A_28, %add3A_32 : vector<1000x128xf32>
    %max3A_34 = arith.constant 0.000000e+00 : f32
    %max3A_35 = vector.broadcast %max3A_34 : f32 to vector<1000x128xf32>
    %max3A_36 = arith.maximumf %add3A_33, %max3A_35 : vector<1000x128xf32>
    %swap3A = arith.constant 0 : index
    %swap3A_37 = arith.constant 0 : index
    %swap3A_38 = vector.load %arg7[%swap3A, %swap3A_37] : memref<1000x128xf32, #tpu.memory_space<vmem>>, vector<1000x128xf32>
    tpu.vector_store %arg7[%swap3A, %swap3A_37], %max3A_36 {strides = array<i32>} : memref<1000x128xf32, #tpu.memory_space<vmem>>, vector<1000x128xf32>,
    return
  }
  func.func @transform_0(%arg0: i32) -> (i32, i32) {
    %c0_i32 = arith.constant 0 : i32
    %c0_i32_0 = arith.constant 0 : i32
    return %arg0, %c0_i32 : i32, i32
  }
  func.func @transform_1(%arg0: i32) -> (i32, i32, i32) {
    %c0_i32 = arith.constant 0 : i32
    %c0_i32_0 = arith.constant 0 : i32
    %c0_i32_1 = arith.constant 0 : i32
    return %c0_i32, %arg0, %c0_i32_0 : i32, i32, i32
  }
  func.func @transform_2(%arg0: i32) -> (i32, i32) {
    %c0_i32 = arith.constant 0 : i32
    %c0_i32_0 = arith.constant 0 : i32
    %c0_i32_1 = arith.constant 0 : i32
    return %c0_i32, %c0_i32_0 : i32, i32
  }
  func.func @transform_3(%arg0: i32) -> (i32, i32) {
    %c0_i32 = arith.constant 0 : i32
    %c0_i32_0 = arith.constant 0 : i32
    %c0_i32_1 = arith.constant 0 : i32
    return %c0_i32, %c0_i32_0 : i32, i32
  }
  func.func @transform_4(%arg0: i32) -> (i32, i32) {
    %c0_i32 = arith.constant 0 : i32
    %c0_i32_0 = arith.constant 0 : i32
    %c0_i32_1 = arith.constant 0 : i32
    return %c0_i32, %c0_i32_0 : i32, i32
  }
  func.func @transform_5(%arg0: i32) -> (i32, i32) {
    %c0_i32 = arith.constant 0 : i32
    %c0_i32_0 = arith.constant 0 : i32
    %c0_i32_1 = arith.constant 0 : i32
    return %c0_i32, %c0_i32_0 : i32, i32
  }
  func.func @transform_6(%arg0: i32) -> (i32, i32) {
    %c0_i32 = arith.constant 0 : i32
    %c0_i32_0 = arith.constant 0 : i32
    return %arg0, %c0_i32 : i32, i32
  }
}

module attributes {stable_mosaic.version = 14 : i64} {
  func.func @_mlp_body(%arg0: i32, %arg1: memref<1000x128xf32, #tpu.memory_space<vmem>>, %arg2: memref<2x1000x128xf32, #tpu.memory_space<vmem>>, %arg3: memref<128x128xf32, #tpu.memory_space<vmem>>, %arg4: memref<1x128xf32, #tpu.memory_space<vmem>>, %arg5: memref<128x128xf32, #tpu.memory_space<vmem>>, %arg6: memref<1x128xf32, #tpu.memory_space<vmem>>, %arg7: memref<1000x128xf32, #tpu.memory_space<vmem>>) attributes {dimension_semantics = [#tpu.dimension_semantics<arbitrary>], iteration_bounds = array<i64: 10>, scalar_prefetch = 0 : i64, scratch_operands = 0 : i64, tpu.core_type = #tpu.core_type<tc>, window_params = [{transform_indices = @transform_0, window_bounds = array<i64: 1000, 128>}, {transform_indices = @transform_1, window_bounds = array<i64: 2, 1000, 128>}, {pipeline_mode = #tpu.pipeline_mode<synchronous>, transform_indices = @transform_2, window_bounds = array<i64: 128, 128>}, {pipeline_mode = #tpu.pipeline_mode<synchronous>, transform_indices = @transform_3, window_bounds = array<i64: 1, 128>}, {pipeline_mode = #tpu.pipeline_mode<synchronous>, transform_indices = @transform_4, window_bounds = array<i64: 128, 128>}, {pipeline_mode = #tpu.pipeline_mode<synchronous>, transform_indices = @transform_5, window_bounds = array<i64: 1, 128>}, {transform_indices = @transform_6, window_bounds = array<i64: 1000, 128>}]} {
    %get3A = arith.constant 0 : index
    %get3A_0 = arith.constant 0 : index
    %get3A_1 = vector.load %arg1[%get3A, %get3A_0] : memref<1000x128xf32, #tpu.memory_space<vmem>>, vector<1000x128xf32>
    %get3A_2 = arith.constant 0 : index
    %get3A_3 = arith.constant 0 : index
    %get3A_4 = arith.constant 0 : index
    %get3A_5 = vector.load %arg2[%get3A_2, %get3A_3, %get3A_4] : memref<2x1000x128xf32, #tpu.memory_space<vmem>>, vector<1x1000x128xf32>
    %get3A_6 = vector.shape_cast %get3A_5 : vector<1x1000x128xf32> to vector<1000x128xf32>
    %add3A = arith.addf %get3A_1, %get3A_6 : vector<1000x128xf32>
    %get3A_7 = arith.constant 1 : index
    %get3A_8 = arith.constant 0 : index
    %get3A_9 = arith.constant 0 : index
    %get3A_10 = vector.load %arg2[%get3A_7, %get3A_8, %get3A_9] : memref<2x1000x128xf32, #tpu.memory_space<vmem>>, vector<1x1000x128xf32>
    %get3A_11 = vector.shape_cast %get3A_10 : vector<1x1000x128xf32> to vector<1000x128xf32>
    %add3A_12 = arith.addf %add3A, %get3A_11 : vector<1000x128xf32>
    %get3A_13 = arith.constant 0 : index
    %get3A_14 = arith.constant 0 : index
    %get3A_15 = vector.load %arg3[%get3A_13, %get3A_14] : memref<128x128xf32, #tpu.memory_space<vmem>>, vector<128x128xf32>
    %dot_general3A = arith.constant dense<0.000000e+00> : vector<1000x128xf32>
    %dot_general3A_16 = tpu.matmul %add3A_12, %get3A_15, %dot_general3A {dimension_numbers = #tpu.dot_dimension_numbers<[1], [0], [0], [1], [0, 0, 1, 1], [], []>, transpose_lhs_hint = false} : vector<1000x128xf32>, vector<128x128xf32>, vector<1000x128xf32> -> vector<1000x128xf32>
    %get3A_17 = arith.constant 0 : index
    %get3A_18 = arith.constant 0 : index
    %get3A_19 = vector.load %arg4[%get3A_17, %get3A_18] : memref<1x128xf32, #tpu.memory_space<vmem>>, vector<1x128xf32>
    %add3A_20 = vector.broadcast %get3A_19 : vector<1x128xf32> to vector<1000x128xf32>
    %add3A_21 = arith.addf %dot_general3A_16, %add3A_20 : vector<1000x128xf32>
    %max3A = arith.constant 0.000000e+00 : f32
    %max3A_22 = vector.broadcast %max3A : f32 to vector<1000x128xf32>
    %max3A_23 = arith.maximumf %add3A_21, %max3A_22 : vector<1000x128xf32>
    %get3A_24 = arith.constant 0 : index
    %get3A_25 = arith.constant 0 : index
    %get3A_26 = vector.load %arg5[%get3A_24, %get3A_25] : memref<128x128xf32, #tpu.memory_space<vmem>>, vector<128x128xf32>
    %dot_general3A_27 = arith.constant dense<0.000000e+00> : vector<1000x128xf32>
    %dot_general3A_28 = tpu.matmul %max3A_23, %get3A_26, %dot_general3A_27 {dimension_numbers = #tpu.dot_dimension_numbers<[1], [0], [0], [1], [0, 0, 1, 1], [], []>, transpose_lhs_hint = false} : vector<1000x128xf32>, vector<128x128xf32>, vector<1000x128xf32> -> vector<1000x128xf32>
    %get3A_29 = arith.constant 0 : index
    %get3A_30 = arith.constant 0 : index
    %get3A_31 = vector.load %arg6[%get3A_29, %get3A_30] : memref<1x128xf32, #tpu.memory_space<vmem>>, vector<1x128xf32>
    %add3A_32 = vector.broadcast %get3A_31 : vector<1x128xf32> to vector<1000x128xf32>
    %add3A_33 = arith.addf %dot_general3A_28, %add3A_32 : vector<1000x128xf32>
    %swap3A = arith.constant 0 : index
    %swap3A_34 = arith.constant 0 : index
    %swap3A_35 = vector.load %arg7[%swap3A, %swap3A_34] : memref<1000x128xf32, #tpu.memory_space<vmem>>, vector<1000x128xf32>
    tpu.vector_store %arg7[%swap3A, %swap3A_34], %add3A_33 {strides = array<i32>} : memref<1000x128xf32, #tpu.memory_space<vmem>>, vector<1000x128xf32>,
    return
  }
  func.func @transform_0(%arg0: i32) -> (i32, i32) {
    %c0_i32 = arith.constant 0 : i32
    %c0_i32_0 = arith.constant 0 : i32
    return %arg0, %c0_i32 : i32, i32
  }
  func.func @transform_1(%arg0: i32) -> (i32, i32, i32) {
    %c0_i32 = arith.constant 0 : i32
    %c0_i32_0 = arith.constant 0 : i32
    %c0_i32_1 = arith.constant 0 : i32
    return %c0_i32, %arg0, %c0_i32_0 : i32, i32, i32
  }
  func.func @transform_2(%arg0: i32) -> (i32, i32) {
    %c0_i32 = arith.constant 0 : i32
    %c0_i32_0 = arith.constant 0 : i32
    %c0_i32_1 = arith.constant 0 : i32
    return %c0_i32, %c0_i32_0 : i32, i32
  }
  func.func @transform_3(%arg0: i32) -> (i32, i32) {
    %c0_i32 = arith.constant 0 : i32
    %c0_i32_0 = arith.constant 0 : i32
    %c0_i32_1 = arith.constant 0 : i32
    return %c0_i32, %c0_i32_0 : i32, i32
  }
  func.func @transform_4(%arg0: i32) -> (i32, i32) {
    %c0_i32 = arith.constant 0 : i32
    %c0_i32_0 = arith.constant 0 : i32
    %c0_i32_1 = arith.constant 0 : i32
    return %c0_i32, %c0_i32_0 : i32, i32
  }
  func.func @transform_5(%arg0: i32) -> (i32, i32) {
    %c0_i32 = arith.constant 0 : i32
    %c0_i32_0 = arith.constant 0 : i32
    %c0_i32_1 = arith.constant 0 : i32
    return %c0_i32, %c0_i32_0 : i32, i32
  }
  func.func @transform_6(%arg0: i32) -> (i32, i32) {
    %c0_i32 = arith.constant 0 : i32
    %c0_i32_0 = arith.constant 0 : i32
    return %arg0, %c0_i32 : i32, i32
  }
}

</mosaic_0001>

<sc_bundles>
// kernel: kernel.6.cloned.1.call-start
scs
__scs_entry_jumppad:
0x0: {  	(pc) =	sbr.rel $0x88, $3  }
0x1: {  	(tag) =	ssettag $0x0;
	lr =	simm.s32 $0x1  }
0x2: {  	[smem:$0x3F97] =	sst lr;
	_ =	strace $0xD0000000  }
0x3: {  	_ = 	snop  }
0x4: {  	_ = 	snop  }
0x5: {  	_ = 	snop  }
0x6: {  	_ = 	snop  }
0x7: {  	_ = 	snop  }
__scs_overlays_trampoline_lowered:
0x8: {  	[smem:$0x3FA6] =	sst s0  }
0x9: {  	[smem:$0x3FA7] =	sst s1  }
0xa: {  	[smem:$0x3FA8] =	sst s2  }
0xb: {  	[smem:$0x3FA9] =	sst s3  }
0xc: {  	[smem:$0x3FAA] =	sst s4  }
0xd: {  	[smem:$0x3FAB] =	sst s5  }
0xe: {  	[smem:$0x3FAC] =	sst s6  }
0xf: {  	[smem:$0x3FAD] =	sst s7  }
0x10: {  	[smem:$0x3FAE] =	sst s8  }
0x11: {  	[smem:$0x3FAF] =	sst s9;
	s0 =	simm.s32 @!p0 $0x0  }
0x12: {  	s1 =	sld [smem:$0x3F95];
	s0 =	simm.s32 @p0 $0x1  }
0x13: {  	[smem:$0x3FB0] =	sst s0;
	s0 =	simm.s32 @!p1 $0x0  }
0x14: {  	s2 =	sld [smem:$0x3F94];
	s0 =	simm.s32 @p1 $0x1  }
0x15: {  	[smem:$0x3FB1] =	sst s0;
	s0 =	simm.s32 @!p2 $0x0  }
0x16: {  	s3 =	sld [smem:$0x3FDB];
	s0 =	simm.s32 @p2 $0x1  }
0x17: {  	s4 =	simm.s32 $0x1BF5;
	[smem:$0x3FB3] =	sst s0  }
0x18: {  	s0 =	sld [smem:$0x3F96];
	_ =	swait.ge [sflag:s4], $0x0  }
0x19: {  	s7 =	sld [smem:$0x3F97]  }
0x1a: {  	s8 =	sadd.s32 $0xFFFFE003, lr  }
0x1b: {  	s9 =	sadd.s32 $0xFFFFFEF7, lr;
	s5 =	simm.s32 $0xFFFFFFFF;
	p2 =	slt.u32 s8, $0xFFFFF086  }
0x1c: {  	p1 =	slt.u32 s9, $0xF7A;
	s5 =	simm.s32 @!p2 $0x0  }
0x1d: {  	s5 =	simm.s32 @p1 $0x1;
	p0 =	seq.s32 s7, s2  }
0x1e: {  	s7 =	smul.u32 @!p0 $0xF7A, s2;
	p2 =	seq.s32 @!p0 s5, $0x0  }
0x1f: {  	s9 =	smul.u32 $0xF7A, s1;
	s8 =	simm.s32 @!p0 $0x1BF5;
	p2 =	por !p2, p0  }
0x20: {  	[sflag:s8] =	ssyncset.s32 @!p0 $0xFFFFF086;
	s6 =	sadd.s32 @!p0 s3, s7;
	s7 =	simm.s32 @!p0 $0x108  }
0x21: {  	s3 =	sadd.s32 s3, s9;
	s6 =	sadd.s32 @!p0 $0x88, s6;
	s7 =	simm.s32 @p2 $0x1082  }
0x22: {  	[simem:s7], [sflag:s8] =	dma.local @!p0 [hbm:s6], $0xF7A  }
0x23: {  	s9 =	sor.u32 $0xD0000000, s2;
	s6 =	simm.s32 $0x108;
	_ =	swait.ge @!p0 [sflag:s8], $0x0  }
0x24: {  	s3 =	sadd.s32 $0x88, s3;
	s6 =	simm.s32 @!p1 $0x1082;
	[sflag:s4] =	ssyncset.s32 $0xFFFFF086  }
0x25: {  	[simem:s6], [sflag:s4] =	dma.local [hbm:s3], $0xF7A  }
0x26: {  	[smem:$0x3F97] =	sst s1;
	(tag) =	ssettag s2;
	_ =	strace s9  }
0x27: {  	s1 =	sld [smem:$0x3FA7]  }
0x28: {  	s2 =	sld [smem:$0x3FA8]  }
0x29: {  	s4 =	sld [smem:$0x3FAA]  }
0x2a: {  	p0 =	seq.s32 s5, $0x0;
	s5 =	sld [smem:$0x3FAB]  }
0x2b: {  	s6 =	sld [smem:$0x3FAC]  }
0x2c: {  	s7 =	sld [smem:$0x3FAD]  }
0x2d: {  	s3 =	simm.s32 $0x108;
	s8 =	sld [smem:$0x3FAE]  }
0x2e: {  	s3 =	simm.s32 @!p0 $0x1082;
	s9 =	sld [smem:$0x3FAF]  }
0x2f: {  	lr =	sadd.s32 s0, s3;
	s0 =	sld [smem:$0x3FA6]  }
0x30: {  	s3 =	sld [smem:$0x3FA9]  }
0x31: {  	[smem:$0x3FB2] =	sst s10  }
0x32: {  	s10 =	sld [smem:$0x3FB0];
	_ =	sdelay $0x3  }
0x33: {  	p0 =	seq.s32 s10, $0x1;
	s10 =	sld [smem:$0x3FB2];
	_ =	sdelay $0x3  }
0x34: {  	[smem:$0x3FB2] =	sst s10  }
0x35: {  	s10 =	sld [smem:$0x3FB1];
	_ =	sdelay $0x3  }
0x36: {  	p1 =	seq.s32 s10, $0x1;
	s10 =	sld [smem:$0x3FB2];
	_ =	sdelay $0x3  }
0x37: {  	[smem:$0x3FB2] =	sst s10  }
0x38: {  	s10 =	sld [smem:$0x3FB3]  }
0x39: {  	_ = 	snop;
	(pc) =	sbr.ind lr, $3  }
0x3a: {  	_ = 	snop  }
0x3b: {  	_ = 	snop  }
0x3c: {  	p2 =	seq.s32 s10, $0x1;
	s10 =	sld [smem:$0x3FB2]  }
0x3d: {  	_ =	shalt  }
0x3e: {  	_ =	shalt  }
0x3f: {  	_ =	shalt  }
0x40: {  	_ =	shalt  }
0x41: {  	_ =	shalt  }
0x42: {  	_ =	shalt  }
0x43: {  	_ =	shalt  }
0x44: {  	_ =	shalt  }
0x45: {  	_ =	shalt  }
0x46: {  	_ =	shalt  }
0x47: {  	_ =	shalt  }
0x48: {  	_ =	shalt  }
0x49: {  	_ =	shalt  }
0x4a: {  	_ =	shalt  }
0x4b: {  	_ =	shalt  }
0x4c: {  	_ =	shalt  }
0x4d: {  	_ =	shalt  }
0x4e: {  	_ =	shalt  }
0x4f: {  	_ =	shalt  }
0x50: {  	_ =	shalt  }
0x51: {  	_ =	shalt  }
0x52: {  	_ =	shalt  }
0x53: {  	_ =	shalt  }
0x54: {  	_ =	shalt  }
0x55: {  	_ =	shalt  }
0x56: {  	_ =	shalt  }
0x57: {  	_ =	shalt  }
0x58: {  	_ =	shalt  }
0x59: {  	_ =	shalt  }
0x5a: {  	_ =	shalt  }
0x5b: {  	_ =	shalt  }
0x5c: {  	_ =	shalt  }
0x5d: {  	_ =	shalt  }
0x5e: {  	_ =	shalt  }
0x5f: {  	_ =	shalt  }
0x60: {  	_ =	shalt  }
0x61: {  	_ =	shalt  }
0x62: {  	_ =	shalt  }
0x63: {  	_ =	shalt  }
0x64: {  	_ =	shalt  }
0x65: {  	_ =	shalt  }
0x66: {  	_ =	shalt  }
0x67: {  	_ =	shalt  }
0x68: {  	_ =	shalt  }
0x69: {  	_ =	shalt  }
0x6a: {  	_ =	shalt  }
0x6b: {  	_ =	shalt  }
0x6c: {  	_ =	shalt  }
0x6d: {  	_ =	shalt  }
0x6e: {  	_ =	shalt  }
0x6f: {  	_ =	shalt  }
0x70: {  	_ =	shalt  }
0x71: {  	_ =	shalt  }
0x72: {  	_ =	shalt  }
0x73: {  	_ =	shalt  }
0x74: {  	_ =	shalt  }
0x75: {  	_ =	shalt  }
0x76: {  	_ =	shalt  }
0x77: {  	_ =	shalt  }
0x78: {  	_ =	shalt  }
0x79: {  	_ =	shalt  }
0x7a: {  	_ =	shalt  }
0x7b: {  	_ =	shalt  }
0x7c: {  	_ =	shalt  }
0x7d: {  	_ =	shalt  }
0x7e: {  	_ =	shalt  }
0x7f: {  	_ =	shalt  }
0x80: {  	_ =	shalt  }
0x81: {  	_ =	shalt  }
0x82: {  	_ =	shalt  }
0x83: {  	_ =	shalt  }
0x84: {  	_ =	shalt  }
0x85: {  	_ =	shalt  }
0x86: {  	_ =	shalt  }
0x87: {  	_ =	shalt  }
.Lfunc_end0:
.L_simem_size_0:
called_computation_lowered:
.L_overlay_start_0:
0x88: {  	s2 =	sld [smem:$0x3FD9]  }
0x89: {  	s3 =	sld [smem:$0x3FFE];
	_ =	sdelay $0x1  }
0x8a: {  	s1 =	srdreg.scid  }
0x8b: {  	s0 =	sand.u32 $0x1, s1  }
0x8c: {  	s17 =	sshll.u32 s0, $0xA;
	s2 =	sadd.s32 s3, s2  }
0x8d: {  	s2 =	sadd.s32 s2, s17  }
0x8e: {  	[smem:$0x3FBE] =	sst s2  }
0x8f: {  	_ = 	snop  }
0x90: {  	s2 =	sld [smem:$0x3FC9];
	(tm) =	ssettm $0x1  }
0x91: {  	s18 =	sld [smem:$0x3FFB];
	_ =	sdelay $0x3  }
0x92: {  	_ =	strace s18  }
0x93: {  	s3 =	sld [smem:$0x3FFC];
	_ =	sdelay $0x3  }
0x94: {  	_ =	strace s3  }
0x95: {  	s3 =	sld [smem:$0x3FFD];
	_ =	sdelay $0x3  }
0x96: {  	_ =	strace s3  }
0x97: {  	_ =	strace $0x8FFFFFFF  }
0x98: {  	s19 =	sld [smem:$0x3FDB];
	_ =	sdelay $0x1  }
0x99: {  	s4 =	simm.s32 $_scs_section_size  }
0x9a: {  	s5 =	simm.s32 $_size__tile_overlayer_lowered;
	s6 =	simm.s32 $_tile_overlayer_lowered  }
0x9b: {  	s22 =	simm.s32 $0x1BFF;
	s21 =	sshll.u32 s6, $0x1;
	s3 =	sadd.s32 s4, s19  }
0x9c: {  	s7 =	simm.s32 $0x0;
	s20 =	sshll.u32 s5, $0x1;
	s5 =	sadd.s32 s21, s3  }
0x9d: {  	[timem:s7], [sflag:s22] =	dma.local [hbm:s5], s20  }
0x9e: {  	_ =	swait.ge [sflag:s22], s20  }
0x9f: {  	s4 =	ssub.s32 $0x0, s20;
	[sflag:s22] =	ssyncset.done $0x0  }
0xa0: {  	[sflag:s22] =	ssyncadd.s32 s4;
	_ =	sdelay $0x1  }
0xa1: {  	s23 =	simm.s32 $0x1B8B  }
0xa2: {  	_ =	swait.ge [sflag:s23], $0x1  }
0xa3: {  	[sflag:s23] =	ssyncset.done $0x0  }
0xa4: {  	s25 =	simm.s32 $0x1B8E;
	s24 =	sld [smem:$0x3FFE];
	[sflag:s23] =	ssyncadd.s32 $0xFFFFFFFF  }
0xa5: {  	s26 =	simm.s32 $execute0_lowered;
	[smem:$0x3FD2] =	sst s25  }
0xa6: {  	s5 =	sshll.u32 s26, $0x1;
	_ =	strace $0x80000046;
	[dreg:$0x1] =	wrdreg $0xFFFFFFFF  }
0xa7: {  	s28 =	simm.s32 $_size_execute0_lowered;
	s3 =	sadd.s32 s3, s5;
	[dreg:$0x0] =	wrdreg $0x0  }
0xa8: {  	s5 =	sshll.u32 s28, $0x1;
	[dreg:$0x2] =	wrdreg s3  }
0xa9: {  	[dreg:$0x3] =	wrdreg s5  }
0xaa: {  	[dreg:$0x4] =	wrdreg $0xC0  }
0xab: {  	_ =	task [dreg:s7], $0x5FFFF  }
0xac: {  	[dreg:$0x1] =	wrdreg $0xFFFFFFFF  }
0xad: {  	[dreg:$0x0] =	wrdreg $0x60  }
0xae: {  	[dreg:$0x2] =	wrdreg s2  }
0xaf: {  	[dreg:$0x3] =	wrdreg s24  }
0xb0: {  	[dreg:$0x4] =	wrdreg $0x5C000  }
0xb1: {  	[dreg:$0x5] =	wrdreg $0x9  }
0xb2: {  	_ =	task.clear_ibuf [dreg:s7], $0x6FFFF;
	_ =	strace $0x90000046  }
0xb3: {  	s29 =	simm.s32 $0x9;
	_ =	strace $0x80000048  }
0xb4: {  	_ =	swait.ge [sflag:s29], $0x1  }
0xb5: {  	[sflag:s29] =	ssyncadd.s32 $0xFFFFFFFF  }
0xb6: {  	_ =	strace $0x90000048  }
0xb7: {  	_ =	sfence  }
0xb8: {  	s30 =	sld [smem:$0x0];
	_ =	sdelay $0x2  }
0xb9: {  	s31 =	sshll.u32 s1, $0xD;
	s1 =	sshrl.u32 s1, $0x2  }
0xba: {  	s3 =	sand.u32 $0x4000, s31;
	s1 =	sadd.s32 s1, s30  }
0xbb: {  	s0 =	sor.u32 s3, s0;
	s1 =	sshll.u32 s1, $0x11  }
0xbc: {  	s0 =	sor.u32 s1, s0  }
0xbd: {  	s0 =	sadd.s32 $0x8F2B, s0  }
0xbe: {  	[sflag:s0] =	ssyncadd.remote.s32 $0x1  }
0xbf: {  	_ =	sfence.sel $0xFFFF  }
0xc0: {  	[dreg:$0x0] =	wrdreg $0xFFFFFFFF;
	(pc) =	sbr.abs _section_cstart, $3  }
0xc1: {  	[dreg:$0x1] =	wrdreg $0xFFFFFFFF  }
0xc2: {  	_ =	task.clear_ibuf [dreg:s7], $0x2FFFF;
	_ =	strace $0x9FFFFFFF  }
0xc3: {  	(tm) =	ssettm $0x7FFFFFFF  }
tec
execute0_lowered:
.L_overlay_start_1:
0x0: {  	(tag) =	ssettag $0x1  }
0x1: {  	s1 =	rddreg [dreg:$0x0]  }
0x2: {  	s0 =	rddreg [dreg:$0x1];
	s2 =	srdreg.scid  }
0x3: {  	s29 =	stileid.u32;
	s3 =	rddreg [dreg:$0x2]  }
0x4: {  	s4 =	simm.s32 $0x0;
	s30 =	simm.s32 $0x3;
	s31 =	simm.s32 $0x180  }
0x5: {  	s2 =	sand.u32 $0x1, s2;
	s5 =	sshll.u32 s29, $0x1;
	s7 =	smul.u32 $0x4E000, s29  }
0x6: {  	[smem:$0x7FF] =	sst s4;
	s15 =	smul.u32 $0x270, s29;
	p0 =	sne.s32 s29, $0xF  }
0x7: {  	s5 =	sor.u32 s2, s5;
	_ =	strace $0x80000047;
	s8 =	smul.u32 $0x27100, s2  }
0x8: {  	s2 =	ssub.s32 $0x2, s2;
	s6 =	smul.u32 $0x980, s5;
	s5 =	sshll.u32 s5, $0x7  }
0x9: {  	s9 =	sshrl.u32 s2, $0x1;
	s7 =	sshrl.u32 s7, $0x2;
	s19 =	sadd.s32 $0xC0, s15  }
0xa: {  	s20 =	sadd.s32 $0xF0, s15;
	s21 =	sadd.s32 $0x120, s15;
	s28 =	sadd.s32 $0x240, s15  }
0xb: {  	s5 =	sadd.s32 s5, s0;
	s2 =	ssub.s32 s2, s9;
	s7 =	sadd.s32 s7, s3  }
0xc: {  	s9 =	sadd.s32 $0x90, s15;
	s18 =	sshll.u32 s19, $0x7;
	s22 =	sshll.u32 s20, $0x7  }
0xd: {  	s23 =	sshll.u32 s21, $0x7;
	s6 =	sadd.s32 s6, s0;
	s0 =	sadd.s32 s8, s0  }
0xe: {  	[dreg:$0x4] =	wrdreg s7;
	s7 =	sadd.s32 $0x30, s15;
	s8 =	sadd.s32 $0x60, s15  }
0xf: {  	s12 =	sshll.u32 s9, $0x7;
	s24 =	sadd.s32 s22, s3;
	s25 =	sadd.s32 s23, s3  }
0x10: {  	s22 =	sadd.s32 $0x150, s15;
	s23 =	sadd.s32 $0x180, s15;
	s5 =	sadd.s32 $0x2000, s5  }
0x11: {  	s2 =	smax.u32 s2, $0x1;
	s10 =	sshll.u32 s7, $0x7;
	[dreg:$0x9] =	wrdreg s24  }
0x12: {  	s11 =	sshll.u32 s8, $0x7;
	s17 =	sadd.s32 s12, s3;
	[dreg:$0xa] =	wrdreg s25  }
0x13: {  	s24 =	sadd.s32 $0x1B0, s15;
	s26 =	sshll.u32 s22, $0x7;
	s13 =	sshll.u32 s23, $0x7  }
0x14: {  	s25 =	sadd.s32 $0x1E0, s15;
	[dreg:$0xb] =	wrdreg s5;
	s5 =	sshll.u32 s8, $0x4  }
0x15: {  	s8 =	sshll.u32 s20, $0x4;
	s20 =	sshll.u32 s23, $0x4;
	[dreg:$0xd] =	wrdreg s2  }
0x16: {  	s2 =	simm.s32 $0x2;
	s10 =	sadd.s32 s10, s3;
	s16 =	sadd.s32 s11, s3  }
0x17: {  	[dreg:$0x7] =	wrdreg s17;
	s14 =	sshll.u32 s24, $0x7;
	s12 =	sadd.s32 s26, s3  }
0x18: {  	s13 =	sadd.s32 s13, s3;
	s26 =	sadd.s32 $0x210, s15;
	s17 =	sshll.u32 s28, $0x7  }
0x19: {  	s11 =	smul.u32 $0x2700, s29;
	s29 =	simm.s32 $0x1;
	[dreg:$0x5] =	wrdreg s10  }
0x1a: {  	[dreg:$0x6] =	wrdreg s16;
	s10 =	sadd.s32 s18, s3;
	s14 =	sadd.s32 s14, s3  }
0x1b: {  	s16 =	sshll.u32 s26, $0x7;
	[dreg:$0x8] =	wrdreg s10;
	s10 =	sshll.u32 s25, $0x7  }
0x1c: {  	s23 =	sshll.u32 s26, $0x4;
	s15 =	sadd.s32 s10, s3;
	s10 =	sadd.s32 $0x16000, s0  }
0x1d: {  	s0 =	sshll.u32 s7, $0x4;
	s26 =	sadd.s32 s11, s10;
	[dreg:$0xc] =	wrdreg s10  }
0x1e: {  	s18 =	sadd.s32 $0x3000, s6;
	s0 =	sadd.s32 s0, s10;
	[dreg:$0xe] =	wrdreg s26  }
0x1f: {  	s6 =	sshll.u32 s9, $0x4;
	s5 =	sadd.s32 s5, s10;
	[dreg:$0xf] =	wrdreg s0  }
0x20: {  	s7 =	sshll.u32 s19, $0x4;
	s6 =	sadd.s32 s6, s10;
	[dreg:$0x10] =	wrdreg s5  }
0x21: {  	s17 =	sadd.s32 s17, s3;
	s7 =	sadd.s32 s7, s10;
	[dreg:$0x11] =	wrdreg s6  }
0x22: {  	s9 =	sshll.u32 s21, $0x4;
	s8 =	sadd.s32 s8, s10;
	[dreg:$0x12] =	wrdreg s7  }
0x23: {  	s19 =	sshll.u32 s22, $0x4;
	s11 =	sadd.s32 s9, s10;
	[dreg:$0x13] =	wrdreg s8  }
0x24: {  	s21 =	sshll.u32 s24, $0x4;
	s19 =	sadd.s32 s19, s10;
	[dreg:$0x14] =	wrdreg s11  }
0x25: {  	s16 =	sadd.s32 s16, s3;
	s20 =	sadd.s32 s20, s10;
	[dreg:$0x15] =	wrdreg s19  }
0x26: {  	s22 =	sshll.u32 s25, $0x4;
	s21 =	sadd.s32 s21, s10;
	[dreg:$0x16] =	wrdreg s20  }
0x27: {  	s25 =	sshll.u32 s28, $0x4;
	s22 =	sadd.s32 s22, s10;
	[dreg:$0x17] =	wrdreg s21  }
0x28: {  	s28 =	simm.s32 $0x19880;
	s24 =	sadd.s32 s23, s10;
	[dreg:$0x18] =	wrdreg s22  }
0x29: {  	s23 =	simm.s32 $0x4400;
	[dreg:$0x19] =	wrdreg s24;
	s26 =	sadd.s32 s25, s10  }
0x2a: {  	s22 =	sadd.s32 $0x138000, s3;
	s24 =	simm.s32 $0x5;
	s25 =	simm.s32 $0x400  }
0x2b: {  	s0 =	simm.s32 $0x200;
	s19 =	simm.s32 $0x4;
	s21 =	simm.s32 $0x300  }
0x2c: {  	s20 =	simm.s32 $0x280;
	s5 =	simm.s32 $0x380;
	s6 =	simm.s32 $0x80  }
0x2d: {  	v0 =	vimm.f32 $0.0e+00;
	s7 =	simm.s32 $0x0;
	[dreg:$0x1a] =	wrdreg s26;
	s26 =	simm.s32 $0x100  }
.LBB2_1:
0x2e: {  	s8 =	simm.s32 $0x0;
	s9 =	simm.s32 $0x200  }
.LBB2_2:
0x2f: {  	p1 =	sne.s32 s9, $0x5E00;
	[tilespmem:s8+$0x4470] =	vst v0  }
0x30: {  	[tilespmem:s8+$0x4400] =	vst v0  }
0x31: {  	[tilespmem:s8+$0x4410] =	vst v0  }
.Ltmp0:
0x32: {  	[tilespmem:s8+$0x4420] =	vst v0;
	(pc) =	sbr.rel @p1 .LBB2_2-.Ltmp0, $4  }
0x33: {  	[tilespmem:s8+$0x4430] =	vst v0  }
0x34: {  	[tilespmem:s8+$0x4440] =	vst v0  }
0x35: {  	[tilespmem:s8+$0x4450] =	vst v0  }
0x36: {  	[tilespmem:s8+$0x4460] =	vst v0;
	s8 =	sshra.s32 s9, $0x2;
	s9 =	sadd.s32 $0x200, s9  }
0x37: {  	[tilespmem:s8+$0x4470] =	vst v0  }
0x38: {  	[tilespmem:s8+$0x4400] =	vst v0  }
0x39: {  	[tilespmem:s8+$0x4410] =	vst v0  }
0x3a: {  	[tilespmem:s8+$0x4420] =	vst v0  }
0x3b: {  	[tilespmem:s8+$0x4430] =	vst v0  }
0x3c: {  	[tilespmem:s8+$0x4440] =	vst v0  }
0x3d: {  	[tilespmem:s8+$0x4450] =	vst v0  }
0x3e: {  	[tilespmem:s8+$0x4460] =	vst v0;
	s9 =	rddreg [dreg:$0x4]  }
0x3f: {  	[spmem:s9] =	stream.linear.scatter [tilespmem:s23], [sflag:$0x5], $0x1800, $0x38;
	[tilespmem:$0x1D880] =	vst v63  }
0x40: {  	_ =	swait.ge [sflag:s24], $0x1800  }
0x41: {  	[sflag:s24] =	ssyncset.done $0x0  }
0x42: {  	s10 =	rddreg [dreg:$0x5];
	[sflag:s24] =	ssyncadd.s32 $0xFFFFE800  }
0x43: {  	[spmem:s10] =	stream.linear.scatter [tilespmem:s23], [sflag:$0x5], $0x1800, $0x38;
	[tilespmem:$0x1D880] =	vst v63  }
0x44: {  	_ =	swait.ge [sflag:s24], $0x1800  }
0x45: {  	[sflag:s24] =	ssyncset.done $0x0  }
0x46: {  	s11 =	rddreg [dreg:$0x6];
	[sflag:s24] =	ssyncadd.s32 $0xFFFFE800  }
0x47: {  	[spmem:s11] =	stream.linear.scatter [tilespmem:s23], [sflag:$0x5], $0x1800, $0x38;
	[tilespmem:$0x1D880] =	vst v63  }
0x48: {  	_ =	swait.ge [sflag:s24], $0x1800  }
0x49: {  	[sflag:s24] =	ssyncset.done $0x0  }
0x4a: {  	s9 =	rddreg [dreg:$0x7];
	[sflag:s24] =	ssyncadd.s32 $0xFFFFE800  }
0x4b: {  	[spmem:s9] =	stream.linear.scatter [tilespmem:s23], [sflag:$0x5], $0x1800, $0x38;
	[tilespmem:$0x1D880] =	vst v63  }
0x4c: {  	_ =	swait.ge [sflag:s24], $0x1800  }
0x4d: {  	[sflag:s24] =	ssyncset.done $0x0  }
0x4e: {  	s10 =	rddreg [dreg:$0x8];
	[sflag:s24] =	ssyncadd.s32 $0xFFFFE800  }
0x4f: {  	[spmem:s10] =	stream.linear.scatter [tilespmem:s23], [sflag:$0x5], $0x1800, $0x38;
	[tilespmem:$0x1D880] =	vst v63  }
0x50: {  	_ =	swait.ge [sflag:s24], $0x1800  }
0x51: {  	[sflag:s24] =	ssyncset.done $0x0  }
0x52: {  	s11 =	rddreg [dreg:$0x9];
	[sflag:s24] =	ssyncadd.s32 $0xFFFFE800  }
0x53: {  	[spmem:s11] =	stream.linear.scatter [tilespmem:s23], [sflag:$0x5], $0x1800, $0x38;
	[tilespmem:$0x1D880] =	vst v63  }
0x54: {  	_ =	swait.ge [sflag:s24], $0x1800  }
0x55: {  	[sflag:s24] =	ssyncset.done $0x0  }
0x56: {  	s9 =	rddreg [dreg:$0xa];
	[sflag:s24] =	ssyncadd.s32 $0xFFFFE800  }
0x57: {  	[spmem:s9] =	stream.linear.scatter [tilespmem:s23], [sflag:$0x5], $0x1800, $0x38;
	[tilespmem:$0x1D880] =	vst v63  }
0x58: {  	_ =	swait.ge [sflag:s24], $0x1800  }
0x59: {  	[sflag:s24] =	ssyncset.done $0x0  }
0x5a: {  	[sflag:s24] =	ssyncadd.s32 $0xFFFFE800  }
0x5b: {  	[spmem:s12] =	stream.linear.scatter [tilespmem:s23], [sflag:$0x5], $0x1800, $0x38;
	[tilespmem:$0x1D880] =	vst v63  }
0x5c: {  	_ =	swait.ge [sflag:s24], $0x1800  }
0x5d: {  	[sflag:s24] =	ssyncset.done $0x0  }
0x5e: {  	[sflag:s24] =	ssyncadd.s32 $0xFFFFE800  }
0x5f: {  	[spmem:s13] =	stream.linear.scatter [tilespmem:s23], [sflag:$0x5], $0x1800, $0x38;
	[tilespmem:$0x1D880] =	vst v63  }
0x60: {  	_ =	swait.ge [sflag:s24], $0x1800  }
0x61: {  	[sflag:s24] =	ssyncset.done $0x0  }
0x62: {  	[sflag:s24] =	ssyncadd.s32 $0xFFFFE800  }
0x63: {  	[spmem:s14] =	stream.linear.scatter [tilespmem:s23], [sflag:$0x5], $0x1800, $0x38;
	[tilespmem:$0x1D880] =	vst v63  }
0x64: {  	_ =	swait.ge [sflag:s24], $0x1800  }
0x65: {  	[sflag:s24] =	ssyncset.done $0x0  }
0x66: {  	[sflag:s24] =	ssyncadd.s32 $0xFFFFE800  }
0x67: {  	[spmem:s15] =	stream.linear.scatter [tilespmem:s23], [sflag:$0x5], $0x1800, $0x38;
	[tilespmem:$0x1D880] =	vst v63  }
0x68: {  	_ =	swait.ge [sflag:s24], $0x1800  }
0x69: {  	[sflag:s24] =	ssyncset.done $0x0  }
0x6a: {  	[sflag:s24] =	ssyncadd.s32 $0xFFFFE800  }
0x6b: {  	[spmem:s16] =	stream.linear.scatter [tilespmem:s23], [sflag:$0x5], $0x1800, $0x38;
	[tilespmem:$0x1D880] =	vst v63  }
0x6c: {  	_ =	swait.ge [sflag:s24], $0x1800  }
0x6d: {  	[sflag:s24] =	ssyncset.done $0x0  }
0x6e: {  	[sflag:s24] =	ssyncadd.s32 $0xFFFFE800  }
0x6f: {  	[spmem:s17] =	stream.linear.scatter [tilespmem:s23], [sflag:$0x5], $0x1800, $0x38;
	[tilespmem:$0x1D880] =	vst v63  }
0x70: {  	_ =	swait.ge [sflag:s24], $0x1800  }
0x71: {  	[sflag:s24] =	ssyncset.done $0x0  }
0x72: {  	s8 =	simm.s32 @!p0 $0x4400;
	[sflag:s24] =	ssyncadd.s32 $0xFFFFE800  }
0x73: {  	[spmem:s22] =	stream.linear.scatter @!p0 [tilespmem:s8], [sflag:$0x5], $0x800, $0x38;
	[tilespmem:$0x1D880] =	vst v63  }
0x74: {  	s8 =	simm.s32 @!p0 $0x5  }
0x75: {  	_ =	swait.ge @!p0 [sflag:s8], $0x800  }
0x76: {  	[sflag:s8] =	ssyncset.done @!p0 $0x0  }
0x77: {  	[sflag:s8] =	ssyncadd.s32 @!p0 $0xFFFFF800  }
0x78: {  	[bflag:$0x0] =	sbarrier.arrive $0xFFFF  }
0x79: {  	[tilespmem:s4], [sflag:$0x5] =	stream.linear.gather [hbm4b:s18+s4], $0x400, $0x38;
	[tilespmem:$0x1D880] =	vst v63  }
0x7a: {  	_ =	swait.ge [sflag:s24], $0x400  }
0x7b: {  	[sflag:s24] =	ssyncset.done $0x0  }
0x7c: {  	s10 =	simm.s32 $0x80;
	[sflag:s24] =	ssyncadd.s32 $0xFFFFFC00  }
0x7d: {  	[tilespmem:s25], [sflag:$0x1] =	stream.indirect.gather [hbm4b:s1+s10], $0x80, s4, s10, $0xb8;
	[tilespmem:$0x1D880] =	vst v63  }
0x7e: {  	_ = 	snop  }
0x7f: {  	[tilespmem:s28], [sflag:$0x3] =	stream.indirect.gather [hbm4b:s1+s10], $0x80, s26, s10, $0xb8;
	[tilespmem:$0x1D880] =	vst v63  }
0x80: {  	_ =	swait.ge [sflag:s29], $0x4000  }
0x81: {  	[sflag:s29] =	ssyncset.done $0x0  }
0x82: {  	[sflag:s29] =	ssyncadd.s32 $0xFFFFC000  }
0x83: {  	[spmem:s3] =	stream.indirect.scatter.add.f32 [tilespmem:s25], [sflag:$0x2], $0x80, s10, s10, $0xb8;
	[tilespmem:$0x1D880] =	vst v63  }
0x84: {  	_ =	swait.ge [sflag:s30], $0x4000  }
0x85: {  	[sflag:s30] =	ssyncset.done $0x0  }
0x86: {  	[sflag:s30] =	ssyncadd.s32 $0xFFFFC000  }
0x87: {  	[spmem:s3] =	stream.indirect.scatter.add.f32 [tilespmem:s28], [sflag:$0x4], $0x80, s31, s10, $0xb8;
	[tilespmem:$0x1D880] =	vst v63  }
0x88: {  	_ =	swait.ge [sflag:s2], $0x4000  }
0x89: {  	[sflag:s2] =	ssyncset.done $0x0  }
0x8a: {  	[sflag:s2] =	ssyncadd.s32 $0xFFFFC000  }
0x8b: {  	[tilespmem:s25], [sflag:$0x1] =	stream.indirect.gather [hbm4b:s1+s10], $0x80, s0, s10, $0xb8;
	[tilespmem:$0x1D880] =	vst v63  }
0x8c: {  	_ =	swait.ge [sflag:s19], $0x4000  }
0x8d: {  	[sflag:s19] =	ssyncset.done $0x0  }
0x8e: {  	[sflag:s19] =	ssyncadd.s32 $0xFFFFC000  }
0x8f: {  	[tilespmem:s28], [sflag:$0x3] =	stream.indirect.gather [hbm4b:s1+s10], $0x80, s21, s10, $0xb8;
	[tilespmem:$0x1D880] =	vst v63  }
0x90: {  	_ =	swait.ge [sflag:s29], $0x4000  }
0x91: {  	[sflag:s29] =	ssyncset.done $0x0  }
0x92: {  	[sflag:s29] =	ssyncadd.s32 $0xFFFFC000  }
0x93: {  	[spmem:s3] =	stream.indirect.scatter.add.f32 [tilespmem:s25], [sflag:$0x2], $0x80, s20, s10, $0xb8;
	[tilespmem:$0x1D880] =	vst v63  }
0x94: {  	_ =	swait.ge [sflag:s30], $0x4000  }
0x95: {  	[sflag:s30] =	ssyncset.done $0x0  }
0x96: {  	[sflag:s30] =	ssyncadd.s32 $0xFFFFC000  }
0x97: {  	[spmem:s3] =	stream.indirect.scatter.add.f32 [tilespmem:s28], [sflag:$0x4], $0x80, s5, s10, $0xb8;
	[tilespmem:$0x1D880] =	vst v63  }
0x98: {  	_ =	swait.ge [sflag:s2], $0x4000  }
0x99: {  	[sflag:s2] =	ssyncset.done $0x0  }
0x9a: {  	[sflag:s2] =	ssyncadd.s32 $0xFFFFC000  }
0x9b: {  	_ =	swait.ge [sflag:s19], $0x4000  }
0x9c: {  	[sflag:s19] =	ssyncset.done $0x0  }
0x9d: {  	s11 =	sadd.s32 $0x80, s18;
	[sflag:s19] =	ssyncadd.s32 $0xFFFFC000  }
0x9e: {  	[tilespmem:s4], [sflag:$0x5] =	stream.linear.gather [hbm4b:s11+s4], $0x400, $0x38;
	[tilespmem:$0x1D880] =	vst v63  }
0x9f: {  	_ =	swait.ge [sflag:s24], $0x400  }
0xa0: {  	[sflag:s24] =	ssyncset.done $0x0  }
0xa1: {  	[sflag:s24] =	ssyncadd.s32 $0xFFFFFC00  }
0xa2: {  	[tilespmem:s25], [sflag:$0x1] =	stream.indirect.gather [hbm4b:s1+s6], $0x80, s4, s6, $0xb8;
	[tilespmem:$0x1D880] =	vst v63  }
0xa3: {  	_ = 	snop  }
0xa4: {  	[tilespmem:s28], [sflag:$0x3] =	stream.indirect.gather [hbm4b:s1+s6], $0x80, s26, s6, $0xb8;
	[tilespmem:$0x1D880] =	vst v63  }
0xa5: {  	_ =	swait.ge [sflag:s29], $0x4000  }
0xa6: {  	[sflag:s29] =	ssyncset.done $0x0  }
0xa7: {  	[sflag:s29] =	ssyncadd.s32 $0xFFFFC000  }
0xa8: {  	[spmem:s3] =	stream.indirect.scatter.add.f32 [tilespmem:s25], [sflag:$0x2], $0x80, s6, s6, $0xb8;
	[tilespmem:$0x1D880] =	vst v63  }
0xa9: {  	_ =	swait.ge [sflag:s30], $0x4000  }
0xaa: {  	[sflag:s30] =	ssyncset.done $0x0  }
0xab: {  	[sflag:s30] =	ssyncadd.s32 $0xFFFFC000  }
0xac: {  	[spmem:s3] =	stream.indirect.scatter.add.f32 [tilespmem:s28], [sflag:$0x4], $0x80, s31, s6, $0xb8;
	[tilespmem:$0x1D880] =	vst v63  }
0xad: {  	_ =	swait.ge [sflag:s2], $0x4000  }
0xae: {  	[sflag:s2] =	ssyncset.done $0x0  }
0xaf: {  	[sflag:s2] =	ssyncadd.s32 $0xFFFFC000  }
0xb0: {  	[tilespmem:s25], [sflag:$0x1] =	stream.indirect.gather [hbm4b:s1+s6], $0x80, s0, s6, $0xb8;
	[tilespmem:$0x1D880] =	vst v63  }
0xb1: {  	_ =	swait.ge [sflag:s19], $0x4000  }
0xb2: {  	[sflag:s19] =	ssyncset.done $0x0  }
0xb3: {  	[sflag:s19] =	ssyncadd.s32 $0xFFFFC000  }
0xb4: {  	[tilespmem:s28], [sflag:$0x3] =	stream.indirect.gather [hbm4b:s1+s6], $0x80, s21, s6, $0xb8;
	[tilespmem:$0x1D880] =	vst v63  }
0xb5: {  	_ =	swait.ge [sflag:s29], $0x4000  }
0xb6: {  	[sflag:s29] =	ssyncset.done $0x0  }
0xb7: {  	[sflag:s29] =	ssyncadd.s32 $0xFFFFC000  }
0xb8: {  	[spmem:s3] =	stream.indirect.scatter.add.f32 [tilespmem:s25], [sflag:$0x2], $0x80, s20, s6, $0xb8;
	[tilespmem:$0x1D880] =	vst v63  }
0xb9: {  	_ =	swait.ge [sflag:s30], $0x4000  }
0xba: {  	[sflag:s30] =	ssyncset.done $0x0  }
0xbb: {  	s8 =	simm.s32 $0x100;
	[sflag:s30] =	ssyncadd.s32 $0xFFFFC000  }
.LBB2_4:
0xbc: {  	[spmem:s3] =	stream.indirect.scatter.add.f32 [tilespmem:s28], [sflag:$0x4], $0x80, s5, s6, $0xb8;
	[tilespmem:$0x1D880] =	vst v63  }
0xbd: {  	s9 =	smov.u32 s8  }
0xbe: {  	p1 =	sne.s32 s8, $0x900;
	s8 =	sadd.s32 $0x80, s8;
	_ =	swait.ge [sflag:s2], $0x4000  }
0xbf: {  	[sflag:s2] =	ssyncset.done $0x0  }
0xc0: {  	[sflag:s2] =	ssyncadd.s32 $0xFFFFC000  }
0xc1: {  	_ =	swait.ge [sflag:s19], $0x4000  }
0xc2: {  	[sflag:s19] =	ssyncset.done $0x0  }
0xc3: {  	s9 =	sadd.s32 s9, s18;
	[sflag:s19] =	ssyncadd.s32 $0xFFFFC000  }
0xc4: {  	[tilespmem:s4], [sflag:$0x5] =	stream.linear.gather [hbm4b:s9+s4], $0x400, $0x38;
	[tilespmem:$0x1D880] =	vst v63  }
0xc5: {  	_ =	swait.ge [sflag:s24], $0x400  }
0xc6: {  	[sflag:s24] =	ssyncset.done $0x0  }
0xc7: {  	[sflag:s24] =	ssyncadd.s32 $0xFFFFFC00  }
0xc8: {  	[tilespmem:s25], [sflag:$0x1] =	stream.indirect.gather [hbm4b:s1+s6], $0x80, s4, s6, $0xb8;
	[tilespmem:$0x1D880] =	vst v63  }
0xc9: {  	_ = 	snop  }
0xca: {  	[tilespmem:s28], [sflag:$0x3] =	stream.indirect.gather [hbm4b:s1+s6], $0x80, s26, s6, $0xb8;
	[tilespmem:$0x1D880] =	vst v63  }
0xcb: {  	_ =	swait.ge [sflag:s29], $0x4000  }
0xcc: {  	[sflag:s29] =	ssyncset.done $0x0  }
0xcd: {  	[sflag:s29] =	ssyncadd.s32 $0xFFFFC000  }
0xce: {  	[spmem:s3] =	stream.indirect.scatter.add.f32 [tilespmem:s25], [sflag:$0x2], $0x80, s6, s6, $0xb8;
	[tilespmem:$0x1D880] =	vst v63  }
0xcf: {  	_ =	swait.ge [sflag:s30], $0x4000  }
0xd0: {  	[sflag:s30] =	ssyncset.done $0x0  }
0xd1: {  	[sflag:s30] =	ssyncadd.s32 $0xFFFFC000  }
0xd2: {  	[spmem:s3] =	stream.indirect.scatter.add.f32 [tilespmem:s28], [sflag:$0x4], $0x80, s31, s6, $0xb8;
	[tilespmem:$0x1D880] =	vst v63  }
0xd3: {  	_ =	swait.ge [sflag:s2], $0x4000  }
0xd4: {  	[sflag:s2] =	ssyncset.done $0x0  }
0xd5: {  	[sflag:s2] =	ssyncadd.s32 $0xFFFFC000  }
0xd6: {  	[tilespmem:s25], [sflag:$0x1] =	stream.indirect.gather [hbm4b:s1+s6], $0x80, s0, s6, $0xb8;
	[tilespmem:$0x1D880] =	vst v63  }
0xd7: {  	_ =	swait.ge [sflag:s19], $0x4000  }
0xd8: {  	[sflag:s19] =	ssyncset.done $0x0  }
0xd9: {  	[sflag:s19] =	ssyncadd.s32 $0xFFFFC000  }
0xda: {  	[tilespmem:s28], [sflag:$0x3] =	stream.indirect.gather [hbm4b:s1+s6], $0x80, s21, s6, $0xb8;
	[tilespmem:$0x1D880] =	vst v63  }
0xdb: {  	_ =	swait.ge [sflag:s29], $0x4000  }
0xdc: {  	[sflag:s29] =	ssyncset.done $0x0  }
.Ltmp1:
0xdd: {  	[sflag:s29] =	ssyncadd.s32 $0xFFFFC000;
	(pc) =	sbr.rel @p1 .LBB2_4-.Ltmp1, $4  }
0xde: {  	[spmem:s3] =	stream.indirect.scatter.add.f32 [tilespmem:s25], [sflag:$0x2], $0x80, s20, s6, $0xb8;
	[tilespmem:$0x1D880] =	vst v63  }
0xdf: {  	_ =	swait.ge [sflag:s30], $0x4000  }
0xe0: {  	[sflag:s30] =	ssyncset.done $0x0  }
0xe1: {  	[sflag:s30] =	ssyncadd.s32 $0xFFFFC000  }
0xe2: {  	[spmem:s3] =	stream.indirect.scatter.add.f32 [tilespmem:s28], [sflag:$0x4], $0x80, s5, s6, $0xb8;
	[tilespmem:$0x1D880] =	vst v63  }
0xe3: {  	_ =	swait.ge [sflag:s2], $0x4000  }
0xe4: {  	[sflag:s2] =	ssyncset.done $0x0  }
0xe5: {  	[sflag:s2] =	ssyncadd.s32 $0xFFFFC000  }
0xe6: {  	_ =	swait.ge [sflag:s19], $0x4000  }
0xe7: {  	[sflag:s19] =	ssyncset.done $0x0  }
0xe8: {  	s8 =	rddreg [dreg:$0xb];
	[sflag:s19] =	ssyncadd.s32 $0xFFFFC000  }
0xe9: {  	[tilespmem:s4], [sflag:$0x5] =	stream.linear.gather [hbm4b:s8+s4], $0x300, $0x38;
	[tilespmem:$0x1D880] =	vst v63  }
0xea: {  	_ =	swait.ge [sflag:s24], $0x300  }
0xeb: {  	[sflag:s24] =	ssyncset.done $0x0  }
0xec: {  	[sflag:s24] =	ssyncadd.s32 $0xFFFFFD00  }
0xed: {  	[tilespmem:s25], [sflag:$0x1] =	stream.indirect.gather [hbm4b:s1+s6], $0x80, s4, s6, $0xb8;
	[tilespmem:$0x1D880] =	vst v63  }
0xee: {  	_ = 	snop  }
0xef: {  	[tilespmem:s28], [sflag:$0x3] =	stream.indirect.gather [hbm4b:s1+s6], $0x80, s26, s6, $0xb8;
	[tilespmem:$0x1D880] =	vst v63  }
0xf0: {  	_ =	swait.ge [sflag:s29], $0x4000  }
0xf1: {  	[sflag:s29] =	ssyncset.done $0x0  }
0xf2: {  	[sflag:s29] =	ssyncadd.s32 $0xFFFFC000  }
0xf3: {  	[spmem:s3] =	stream.indirect.scatter.add.f32 [tilespmem:s25], [sflag:$0x2], $0x80, s6, s6, $0xb8;
	[tilespmem:$0x1D880] =	vst v63  }
0xf4: {  	_ =	swait.ge [sflag:s30], $0x4000  }
0xf5: {  	[sflag:s30] =	ssyncset.done $0x0  }
0xf6: {  	[sflag:s30] =	ssyncadd.s32 $0xFFFFC000  }
0xf7: {  	[spmem:s3] =	stream.indirect.scatter.add.f32 [tilespmem:s28], [sflag:$0x4], $0x80, s31, s6, $0xb8;
	[tilespmem:$0x1D880] =	vst v63  }
0xf8: {  	_ =	swait.ge [sflag:s2], $0x4000  }
0xf9: {  	[sflag:s2] =	ssyncset.done $0x0  }
0xfa: {  	[sflag:s2] =	ssyncadd.s32 $0xFFFFC000  }
0xfb: {  	[tilespmem:s25], [sflag:$0x1] =	stream.indirect.gather [hbm4b:s1+s6], $0x80, s0, s6, $0xb8;
	[tilespmem:$0x1D880] =	vst v63  }
0xfc: {  	_ =	swait.ge [sflag:s29], $0x4000  }
0xfd: {  	[sflag:s29] =	ssyncset.done $0x0  }
0xfe: {  	[sflag:s29] =	ssyncadd.s32 $0xFFFFC000  }
0xff: {  	[spmem:s3] =	stream.indirect.scatter.add.f32 [tilespmem:s25], [sflag:$0x2], $0x80, s20, s6, $0xb8;
	[tilespmem:$0x1D880] =	vst v63  }
0x100: {  	_ =	swait.ge [sflag:s2], $0x4000  }
0x101: {  	[sflag:s2] =	ssyncset.done $0x0  }
0x102: {  	[sflag:s2] =	ssyncadd.s32 $0xFFFFC000  }
0x103: {  	_ =	swait.ge [sflag:s19], $0x4000  }
0x104: {  	[sflag:s19] =	ssyncset.done $0x0  }
0x105: {  	[sflag:s19] =	ssyncadd.s32 $0xFFFFC000  }
0x106: {  	[bflag:$0x0] =	sbarrier.arrive $0xFFFF  }
0x107: {  	s9 =	rddreg [dreg:$0x4]  }
0x108: {  	[tilespmem:s23], [sflag:$0x5] =	stream.linear.gather [spmem:s9], $0x1800, $0x38;
	[tilespmem:$0x1D880] =	vst v63  }
0x109: {  	_ =	swait.ge [sflag:s24], $0x1800  }
0x10a: {  	[sflag:s24] =	ssyncset.done $0x0  }
0x10b: {  	s10 =	rddreg [dreg:$0xe];
	[sflag:s24] =	ssyncadd.s32 $0xFFFFE800  }
0x10c: {  	[hbm4b:s10+s4] =	stream.linear.scatter [tilespmem:s23], [sflag:$0x5], $0x1800, $0x38;
	[tilespmem:$0x1D880] =	vst v63  }
0x10d: {  	_ =	swait.ge [sflag:s24], $0x1800  }
0x10e: {  	[sflag:s24] =	ssyncset.done $0x0  }
0x10f: {  	s11 =	rddreg [dreg:$0x5];
	[sflag:s24] =	ssyncadd.s32 $0xFFFFE800  }
0x110: {  	[tilespmem:s23], [sflag:$0x5] =	stream.linear.gather [spmem:s11], $0x1800, $0x38;
	[tilespmem:$0x1D880] =	vst v63  }
0x111: {  	_ =	swait.ge [sflag:s24], $0x1800  }
0x112: {  	[sflag:s24] =	ssyncset.done $0x0  }
0x113: {  	s9 =	rddreg [dreg:$0xf];
	[sflag:s24] =	ssyncadd.s32 $0xFFFFE800  }
0x114: {  	[hbm4b:s9+s4] =	stream.linear.scatter [tilespmem:s23], [sflag:$0x5], $0x1800, $0x38;
	[tilespmem:$0x1D880] =	vst v63  }
0x115: {  	_ =	swait.ge [sflag:s24], $0x1800  }
0x116: {  	[sflag:s24] =	ssyncset.done $0x0  }
0x117: {  	s10 =	rddreg [dreg:$0x6];
	[sflag:s24] =	ssyncadd.s32 $0xFFFFE800  }
0x118: {  	[tilespmem:s23], [sflag:$0x5] =	stream.linear.gather [spmem:s10], $0x1800, $0x38;
	[tilespmem:$0x1D880] =	vst v63  }
0x119: {  	_ =	swait.ge [sflag:s24], $0x1800  }
0x11a: {  	[sflag:s24] =	ssyncset.done $0x0  }
0x11b: {  	s11 =	rddreg [dreg:$0x10];
	[sflag:s24] =	ssyncadd.s32 $0xFFFFE800  }
0x11c: {  	[hbm4b:s11+s4] =	stream.linear.scatter [tilespmem:s23], [sflag:$0x5], $0x1800, $0x38;
	[tilespmem:$0x1D880] =	vst v63  }
0x11d: {  	_ =	swait.ge [sflag:s24], $0x1800  }
0x11e: {  	[sflag:s24] =	ssyncset.done $0x0  }
0x11f: {  	s9 =	rddreg [dreg:$0x7];
	[sflag:s24] =	ssyncadd.s32 $0xFFFFE800  }
0x120: {  	[tilespmem:s23], [sflag:$0x5] =	stream.linear.gather [spmem:s9], $0x1800, $0x38;
	[tilespmem:$0x1D880] =	vst v63  }
0x121: {  	_ =	swait.ge [sflag:s24], $0x1800  }
0x122: {  	[sflag:s24] =	ssyncset.done $0x0  }
0x123: {  	s10 =	rddreg [dreg:$0x11];
	[sflag:s24] =	ssyncadd.s32 $0xFFFFE800  }
0x124: {  	[hbm4b:s10+s4] =	stream.linear.scatter [tilespmem:s23], [sflag:$0x5], $0x1800, $0x38;
	[tilespmem:$0x1D880] =	vst v63  }
0x125: {  	_ =	swait.ge [sflag:s24], $0x1800  }
0x126: {  	[sflag:s24] =	ssyncset.done $0x0  }
0x127: {  	s11 =	rddreg [dreg:$0x8];
	[sflag:s24] =	ssyncadd.s32 $0xFFFFE800  }
0x128: {  	[tilespmem:s23], [sflag:$0x5] =	stream.linear.gather [spmem:s11], $0x1800, $0x38;
	[tilespmem:$0x1D880] =	vst v63  }
0x129: {  	_ =	swait.ge [sflag:s24], $0x1800  }
0x12a: {  	[sflag:s24] =	ssyncset.done $0x0  }
0x12b: {  	s9 =	rddreg [dreg:$0x12];
	[sflag:s24] =	ssyncadd.s32 $0xFFFFE800  }
0x12c: {  	[hbm4b:s9+s4] =	stream.linear.scatter [tilespmem:s23], [sflag:$0x5], $0x1800, $0x38;
	[tilespmem:$0x1D880] =	vst v63  }
0x12d: {  	_ =	swait.ge [sflag:s24], $0x1800  }
0x12e: {  	[sflag:s24] =	ssyncset.done $0x0  }
0x12f: {  	s10 =	rddreg [dreg:$0x9];
	[sflag:s24] =	ssyncadd.s32 $0xFFFFE800  }
0x130: {  	[tilespmem:s23], [sflag:$0x5] =	stream.linear.gather [spmem:s10], $0x1800, $0x38;
	[tilespmem:$0x1D880] =	vst v63  }
0x131: {  	_ =	swait.ge [sflag:s24], $0x1800  }
0x132: {  	[sflag:s24] =	ssyncset.done $0x0  }
0x133: {  	s11 =	rddreg [dreg:$0x13];
	[sflag:s24] =	ssyncadd.s32 $0xFFFFE800  }
0x134: {  	[hbm4b:s11+s4] =	stream.linear.scatter [tilespmem:s23], [sflag:$0x5], $0x1800, $0x38;
	[tilespmem:$0x1D880] =	vst v63  }
0x135: {  	_ =	swait.ge [sflag:s24], $0x1800  }
0x136: {  	[sflag:s24] =	ssyncset.done $0x0  }
0x137: {  	s9 =	rddreg [dreg:$0xa];
	[sflag:s24] =	ssyncadd.s32 $0xFFFFE800  }
0x138: {  	[tilespmem:s23], [sflag:$0x5] =	stream.linear.gather [spmem:s9], $0x1800, $0x38;
	[tilespmem:$0x1D880] =	vst v63  }
0x139: {  	_ =	swait.ge [sflag:s24], $0x1800  }
0x13a: {  	[sflag:s24] =	ssyncset.done $0x0  }
0x13b: {  	s10 =	rddreg [dreg:$0x14];
	[sflag:s24] =	ssyncadd.s32 $0xFFFFE800  }
0x13c: {  	[hbm4b:s10+s4] =	stream.linear.scatter [tilespmem:s23], [sflag:$0x5], $0x1800, $0x38;
	[tilespmem:$0x1D880] =	vst v63  }
0x13d: {  	_ =	swait.ge [sflag:s24], $0x1800  }
0x13e: {  	[sflag:s24] =	ssyncset.done $0x0  }
0x13f: {  	[sflag:s24] =	ssyncadd.s32 $0xFFFFE800  }
0x140: {  	[tilespmem:s23], [sflag:$0x5] =	stream.linear.gather [spmem:s12], $0x1800, $0x38;
	[tilespmem:$0x1D880] =	vst v63  }
0x141: {  	_ =	swait.ge [sflag:s24], $0x1800  }
0x142: {  	[sflag:s24] =	ssyncset.done $0x0  }
0x143: {  	s11 =	rddreg [dreg:$0x15];
	[sflag:s24] =	ssyncadd.s32 $0xFFFFE800  }
0x144: {  	[hbm4b:s11+s4] =	stream.linear.scatter [tilespmem:s23], [sflag:$0x5], $0x1800, $0x38;
	[tilespmem:$0x1D880] =	vst v63  }
0x145: {  	_ =	swait.ge [sflag:s24], $0x1800  }
0x146: {  	[sflag:s24] =	ssyncset.done $0x0  }
0x147: {  	[sflag:s24] =	ssyncadd.s32 $0xFFFFE800  }
0x148: {  	[tilespmem:s23], [sflag:$0x5] =	stream.linear.gather [spmem:s13], $0x1800, $0x38;
	[tilespmem:$0x1D880] =	vst v63  }
0x149: {  	_ =	swait.ge [sflag:s24], $0x1800  }
0x14a: {  	[sflag:s24] =	ssyncset.done $0x0  }
0x14b: {  	s9 =	rddreg [dreg:$0x16];
	[sflag:s24] =	ssyncadd.s32 $0xFFFFE800  }
0x14c: {  	[hbm4b:s9+s4] =	stream.linear.scatter [tilespmem:s23], [sflag:$0x5], $0x1800, $0x38;
	[tilespmem:$0x1D880] =	vst v63  }
0x14d: {  	_ =	swait.ge [sflag:s24], $0x1800  }
0x14e: {  	[sflag:s24] =	ssyncset.done $0x0  }
0x14f: {  	[sflag:s24] =	ssyncadd.s32 $0xFFFFE800  }
0x150: {  	[tilespmem:s23], [sflag:$0x5] =	stream.linear.gather [spmem:s14], $0x1800, $0x38;
	[tilespmem:$0x1D880] =	vst v63  }
0x151: {  	_ =	swait.ge [sflag:s24], $0x1800  }
0x152: {  	[sflag:s24] =	ssyncset.done $0x0  }
0x153: {  	s10 =	rddreg [dreg:$0x17];
	[sflag:s24] =	ssyncadd.s32 $0xFFFFE800  }
0x154: {  	[hbm4b:s10+s4] =	stream.linear.scatter [tilespmem:s23], [sflag:$0x5], $0x1800, $0x38;
	[tilespmem:$0x1D880] =	vst v63  }
0x155: {  	_ =	swait.ge [sflag:s24], $0x1800  }
0x156: {  	[sflag:s24] =	ssyncset.done $0x0  }
0x157: {  	[sflag:s24] =	ssyncadd.s32 $0xFFFFE800  }
0x158: {  	[tilespmem:s23], [sflag:$0x5] =	stream.linear.gather [spmem:s15], $0x1800, $0x38;
	[tilespmem:$0x1D880] =	vst v63  }
0x159: {  	_ =	swait.ge [sflag:s24], $0x1800  }
0x15a: {  	[sflag:s24] =	ssyncset.done $0x0  }
0x15b: {  	s11 =	rddreg [dreg:$0x18];
	[sflag:s24] =	ssyncadd.s32 $0xFFFFE800  }
0x15c: {  	[hbm4b:s11+s4] =	stream.linear.scatter [tilespmem:s23], [sflag:$0x5], $0x1800, $0x38;
	[tilespmem:$0x1D880] =	vst v63  }
0x15d: {  	_ =	swait.ge [sflag:s24], $0x1800  }
0x15e: {  	[sflag:s24] =	ssyncset.done $0x0  }
0x15f: {  	[sflag:s24] =	ssyncadd.s32 $0xFFFFE800  }
0x160: {  	[tilespmem:s23], [sflag:$0x5] =	stream.linear.gather [spmem:s16], $0x1800, $0x38;
	[tilespmem:$0x1D880] =	vst v63  }
0x161: {  	_ =	swait.ge [sflag:s24], $0x1800  }
0x162: {  	[sflag:s24] =	ssyncset.done $0x0  }
0x163: {  	s9 =	rddreg [dreg:$0x19];
	[sflag:s24] =	ssyncadd.s32 $0xFFFFE800  }
0x164: {  	[hbm4b:s9+s4] =	stream.linear.scatter [tilespmem:s23], [sflag:$0x5], $0x1800, $0x38;
	[tilespmem:$0x1D880] =	vst v63  }
0x165: {  	_ =	swait.ge [sflag:s24], $0x1800  }
0x166: {  	[sflag:s24] =	ssyncset.done $0x0  }
0x167: {  	[sflag:s24] =	ssyncadd.s32 $0xFFFFE800  }
0x168: {  	[tilespmem:s23], [sflag:$0x5] =	stream.linear.gather [spmem:s17], $0x1800, $0x38;
	[tilespmem:$0x1D880] =	vst v63  }
0x169: {  	_ =	swait.ge [sflag:s24], $0x1800  }
0x16a: {  	[sflag:s24] =	ssyncset.done $0x0  }
0x16b: {  	s10 =	rddreg [dreg:$0x1a];
	[sflag:s24] =	ssyncadd.s32 $0xFFFFE800  }
0x16c: {  	[hbm4b:s10+s4] =	stream.linear.scatter [tilespmem:s23], [sflag:$0x5], $0x1800, $0x38;
	[tilespmem:$0x1D880] =	vst v63  }
0x16d: {  	_ =	swait.ge [sflag:s24], $0x1800  }
0x16e: {  	[sflag:s24] =	ssyncset.done $0x0  }
0x16f: {  	s8 =	simm.s32 @!p0 $0x400;
	s9 =	simm.s32 @!p0 $0x5;
	[sflag:s24] =	ssyncadd.s32 $0xFFFFE800  }
0x170: {  	[tilespmem:s8], [sflag:$0x5] =	stream.linear.gather @!p0 [spmem:s22], $0x800, $0x38;
	[tilespmem:$0x1D880] =	vst v63  }
0x171: {  	_ =	swait.ge @!p0 [sflag:s9], $0x800  }
0x172: {  	[sflag:s9] =	ssyncset.done @!p0 $0x0;
	s10 =	rddreg [dreg:$0xc]  }
0x173: {  	s11 =	simm.s32 @!p0 $0x0;
	[sflag:s9] =	ssyncadd.s32 @!p0 $0xFFFFF800;
	s10 =	sadd.s32 @!p0 $0x27000, s10  }
0x174: {  	[hbm4b:s10+s11] =	stream.linear.scatter @!p0 [tilespmem:s8], [sflag:$0x5], $0x800, $0x38;
	[tilespmem:$0x1D880] =	vst v63  }
0x175: {  	_ =	swait.ge @!p0 [sflag:s9], $0x800  }
0x176: {  	s7 =	sadd.s32 $0x1, s7;
	s11 =	rddreg [dreg:$0xd]  }
0x177: {  	p1 =	sne.s32 s7, s11  }
.Ltmp2:
0x178: {  	_ = 	snop;
	(pc) =	sbr.rel @p1 .LBB2_1-.Ltmp2, $3  }
0x179: {  	_ =	sdelay $0x1  }
0x17a: {  	[sflag:s9] =	ssyncset.done @!p0 $0x0  }
0x17b: {  	[sflag:s9] =	ssyncadd.s32 @!p0 $0xFFFFF800  }
0x17c: {  	_ =	sfence.sel $0x180000  }
0x17d: {  	[bflag:$0x0] =	sbarrier.arrive $0xFFFF  }
0x17e: {  	_ =	strace $0x90000047  }
0x17f: {  	s0 =	stileid.u32;
	[bflag:$0x2] =	sbarrier.arrive $0xFFFF  }
0x180: {  	p0 =	sne.s32 s0, $0x0;
	s0 =	rddreg [dreg:$0x3]  }
0x181: {  	s0 =	sadd.s32 @!p0 $0x100000, s0  }
0x182: {  	[sflag:s0] =	ssyncadd.tile.s32 @!p0 $0x1;
	_ =	shalt  }
.Lfunc_end2:
_tile_overlayer_lowered:
.L_overlay_start_2:
0x183: {  	(tag) =	ssettag $0x2  }
0x184: {  	s0 =	rddreg [dreg:$0x0];
	s2 =	stileid.u32  }
0x185: {  	s1 =	rddreg [dreg:$0x1];
	p0 =	sne.s32 s2, $0x0  }
0x186: {  	s3 =	rddreg [dreg:$0x2];
	[bflag:$0x3] =	sbarrier.arrive $0xFFFF;
	s2 =	simm.s32 @!p0 $0x1C05  }
0x187: {  	[timem:s3], [sflag:s2] =	dma.local @!p0 [hbm:s0], s1  }
0x188: {  	s0 =	simm.s32 @!p0 $0x5  }
0x189: {  	_ =	swait.ge @!p0 [sflag:s0], s1  }
0x18a: {  	s1 =	ssub.s32 @!p0 $0x0, s1;
	[sflag:s0] =	ssyncset.done @!p0 $0x0  }
0x18b: {  	[sflag:s0] =	ssyncadd.s32 @!p0 s1  }
0x18c: {  	[bflag:$0x3] =	sbarrier.arrive $0xFFFF  }
0x18d: {  	_ =	shalt  }

// kernel: kernel.9.cloned.1.call-start
scs
__scs_entry_jumppad:
0x0: {  	(pc) =	sbr.rel $0x88, $3  }
0x1: {  	(tag) =	ssettag $0x0;
	lr =	simm.s32 $0x1  }
0x2: {  	[smem:$0x3F97] =	sst lr;
	_ =	strace $0xD0000000  }
0x3: {  	_ = 	snop  }
0x4: {  	_ = 	snop  }
0x5: {  	_ = 	snop  }
0x6: {  	_ = 	snop  }
0x7: {  	_ = 	snop  }
__scs_overlays_trampoline_lowered:
0x8: {  	[smem:$0x3FA6] =	sst s0  }
0x9: {  	[smem:$0x3FA7] =	sst s1  }
0xa: {  	[smem:$0x3FA8] =	sst s2  }
0xb: {  	[smem:$0x3FA9] =	sst s3  }
0xc: {  	[smem:$0x3FAA] =	sst s4  }
0xd: {  	[smem:$0x3FAB] =	sst s5  }
0xe: {  	[smem:$0x3FAC] =	sst s6  }
0xf: {  	[smem:$0x3FAD] =	sst s7  }
0x10: {  	[smem:$0x3FAE] =	sst s8  }
0x11: {  	[smem:$0x3FAF] =	sst s9;
	s0 =	simm.s32 @!p0 $0x0  }
0x12: {  	s1 =	sld [smem:$0x3F95];
	s0 =	simm.s32 @p0 $0x1  }
0x13: {  	[smem:$0x3FB0] =	sst s0;
	s0 =	simm.s32 @!p1 $0x0  }
0x14: {  	s2 =	sld [smem:$0x3F94];
	s0 =	simm.s32 @p1 $0x1  }
0x15: {  	[smem:$0x3FB1] =	sst s0;
	s0 =	simm.s32 @!p2 $0x0  }
0x16: {  	s3 =	sld [smem:$0x3FDB];
	s0 =	simm.s32 @p2 $0x1  }
0x17: {  	s4 =	simm.s32 $0x1BF5;
	[smem:$0x3FB3] =	sst s0  }
0x18: {  	s0 =	sld [smem:$0x3F96];
	_ =	swait.ge [sflag:s4], $0x0  }
0x19: {  	s7 =	sld [smem:$0x3F97]  }
0x1a: {  	s8 =	sadd.s32 $0xFFFFE003, lr  }
0x1b: {  	s9 =	sadd.s32 $0xFFFFFEF7, lr;
	s5 =	simm.s32 $0xFFFFFFFF;
	p2 =	slt.u32 s8, $0xFFFFF086  }
0x1c: {  	p1 =	slt.u32 s9, $0xF7A;
	s5 =	simm.s32 @!p2 $0x0  }
0x1d: {  	s5 =	simm.s32 @p1 $0x1;
	p0 =	seq.s32 s7, s2  }
0x1e: {  	s7 =	smul.u32 @!p0 $0xF7A, s2;
	p2 =	seq.s32 @!p0 s5, $0x0  }
0x1f: {  	s9 =	smul.u32 $0xF7A, s1;
	s8 =	simm.s32 @!p0 $0x1BF5;
	p2 =	por !p2, p0  }
0x20: {  	[sflag:s8] =	ssyncset.s32 @!p0 $0xFFFFF086;
	s6 =	sadd.s32 @!p0 s3, s7;
	s7 =	simm.s32 @!p0 $0x108  }
0x21: {  	s3 =	sadd.s32 s3, s9;
	s6 =	sadd.s32 @!p0 $0x88, s6;
	s7 =	simm.s32 @p2 $0x1082  }
0x22: {  	[simem:s7], [sflag:s8] =	dma.local @!p0 [hbm:s6], $0xF7A  }
0x23: {  	s9 =	sor.u32 $0xD0000000, s2;
	s6 =	simm.s32 $0x108;
	_ =	swait.ge @!p0 [sflag:s8], $0x0  }
0x24: {  	s3 =	sadd.s32 $0x88, s3;
	s6 =	simm.s32 @!p1 $0x1082;
	[sflag:s4] =	ssyncset.s32 $0xFFFFF086  }
0x25: {  	[simem:s6], [sflag:s4] =	dma.local [hbm:s3], $0xF7A  }
0x26: {  	[smem:$0x3F97] =	sst s1;
	(tag) =	ssettag s2;
	_ =	strace s9  }
0x27: {  	s1 =	sld [smem:$0x3FA7]  }
0x28: {  	s2 =	sld [smem:$0x3FA8]  }
0x29: {  	s4 =	sld [smem:$0x3FAA]  }
0x2a: {  	p0 =	seq.s32 s5, $0x0;
	s5 =	sld [smem:$0x3FAB]  }
0x2b: {  	s6 =	sld [smem:$0x3FAC]  }
0x2c: {  	s7 =	sld [smem:$0x3FAD]  }
0x2d: {  	s3 =	simm.s32 $0x108;
	s8 =	sld [smem:$0x3FAE]  }
0x2e: {  	s3 =	simm.s32 @!p0 $0x1082;
	s9 =	sld [smem:$0x3FAF]  }
0x2f: {  	lr =	sadd.s32 s0, s3;
	s0 =	sld [smem:$0x3FA6]  }
0x30: {  	s3 =	sld [smem:$0x3FA9]  }
0x31: {  	[smem:$0x3FB2] =	sst s10  }
0x32: {  	s10 =	sld [smem:$0x3FB0];
	_ =	sdelay $0x3  }
0x33: {  	p0 =	seq.s32 s10, $0x1;
	s10 =	sld [smem:$0x3FB2];
	_ =	sdelay $0x3  }
0x34: {  	[smem:$0x3FB2] =	sst s10  }
0x35: {  	s10 =	sld [smem:$0x3FB1];
	_ =	sdelay $0x3  }
0x36: {  	p1 =	seq.s32 s10, $0x1;
	s10 =	sld [smem:$0x3FB2];
	_ =	sdelay $0x3  }
0x37: {  	[smem:$0x3FB2] =	sst s10  }
0x38: {  	s10 =	sld [smem:$0x3FB3]  }
0x39: {  	_ = 	snop;
	(pc) =	sbr.ind lr, $3  }
0x3a: {  	_ = 	snop  }
0x3b: {  	_ = 	snop  }
0x3c: {  	p2 =	seq.s32 s10, $0x1;
	s10 =	sld [smem:$0x3FB2]  }
0x3d: {  	_ =	shalt  }
0x3e: {  	_ =	shalt  }
0x3f: {  	_ =	shalt  }
0x40: {  	_ =	shalt  }
0x41: {  	_ =	shalt  }
0x42: {  	_ =	shalt  }
0x43: {  	_ =	shalt  }
0x44: {  	_ =	shalt  }
0x45: {  	_ =	shalt  }
0x46: {  	_ =	shalt  }
0x47: {  	_ =	shalt  }
0x48: {  	_ =	shalt  }
0x49: {  	_ =	shalt  }
0x4a: {  	_ =	shalt  }
0x4b: {  	_ =	shalt  }
0x4c: {  	_ =	shalt  }
0x4d: {  	_ =	shalt  }
0x4e: {  	_ =	shalt  }
0x4f: {  	_ =	shalt  }
0x50: {  	_ =	shalt  }
0x51: {  	_ =	shalt  }
0x52: {  	_ =	shalt  }
0x53: {  	_ =	shalt  }
0x54: {  	_ =	shalt  }
0x55: {  	_ =	shalt  }
0x56: {  	_ =	shalt  }
0x57: {  	_ =	shalt  }
0x58: {  	_ =	shalt  }
0x59: {  	_ =	shalt  }
0x5a: {  	_ =	shalt  }
0x5b: {  	_ =	shalt  }
0x5c: {  	_ =	shalt  }
0x5d: {  	_ =	shalt  }
0x5e: {  	_ =	shalt  }
0x5f: {  	_ =	shalt  }
0x60: {  	_ =	shalt  }
0x61: {  	_ =	shalt  }
0x62: {  	_ =	shalt  }
0x63: {  	_ =	shalt  }
0x64: {  	_ =	shalt  }
0x65: {  	_ =	shalt  }
0x66: {  	_ =	shalt  }
0x67: {  	_ =	shalt  }
0x68: {  	_ =	shalt  }
0x69: {  	_ =	shalt  }
0x6a: {  	_ =	shalt  }
0x6b: {  	_ =	shalt  }
0x6c: {  	_ =	shalt  }
0x6d: {  	_ =	shalt  }
0x6e: {  	_ =	shalt  }
0x6f: {  	_ =	shalt  }
0x70: {  	_ =	shalt  }
0x71: {  	_ =	shalt  }
0x72: {  	_ =	shalt  }
0x73: {  	_ =	shalt  }
0x74: {  	_ =	shalt  }
0x75: {  	_ =	shalt  }
0x76: {  	_ =	shalt  }
0x77: {  	_ =	shalt  }
0x78: {  	_ =	shalt  }
0x79: {  	_ =	shalt  }
0x7a: {  	_ =	shalt  }
0x7b: {  	_ =	shalt  }
0x7c: {  	_ =	shalt  }
0x7d: {  	_ =	shalt  }
0x7e: {  	_ =	shalt  }
0x7f: {  	_ =	shalt  }
0x80: {  	_ =	shalt  }
0x81: {  	_ =	shalt  }
0x82: {  	_ =	shalt  }
0x83: {  	_ =	shalt  }
0x84: {  	_ =	shalt  }
0x85: {  	_ =	shalt  }
0x86: {  	_ =	shalt  }
0x87: {  	_ =	shalt  }
.Lfunc_end0:
.L_simem_size_0:
called_computation.1_lowered:
.L_overlay_start_0:
0x88: {  	s2 =	sld [smem:$0x3FD9]  }
0x89: {  	s3 =	sld [smem:$0x3FFE];
	_ =	sdelay $0x1  }
0x8a: {  	s1 =	srdreg.scid  }
0x8b: {  	s0 =	sand.u32 $0x1, s1  }
0x8c: {  	s17 =	sshll.u32 s0, $0xA;
	s2 =	sadd.s32 s3, s2  }
0x8d: {  	s2 =	sadd.s32 s2, s17  }
0x8e: {  	[smem:$0x3FBE] =	sst s2  }
0x8f: {  	_ = 	snop  }
0x90: {  	s2 =	sld [smem:$0x3FD0];
	(tm) =	ssettm $0x1  }
0x91: {  	s18 =	sld [smem:$0x3FFB];
	_ =	sdelay $0x3  }
0x92: {  	_ =	strace s18  }
0x93: {  	s3 =	sld [smem:$0x3FFC];
	_ =	sdelay $0x3  }
0x94: {  	_ =	strace s3  }
0x95: {  	s3 =	sld [smem:$0x3FFD];
	_ =	sdelay $0x3  }
0x96: {  	_ =	strace s3  }
0x97: {  	_ =	strace $0x8FFFFFFF  }
0x98: {  	s19 =	sld [smem:$0x3FDB];
	_ =	sdelay $0x1  }
0x99: {  	s4 =	simm.s32 $_scs_section_size  }
0x9a: {  	s5 =	simm.s32 $_size__tile_overlayer_lowered;
	s6 =	simm.s32 $_tile_overlayer_lowered  }
0x9b: {  	s22 =	simm.s32 $0x1BFF;
	s21 =	sshll.u32 s6, $0x1;
	s3 =	sadd.s32 s4, s19  }
0x9c: {  	s7 =	simm.s32 $0x0;
	s20 =	sshll.u32 s5, $0x1;
	s5 =	sadd.s32 s21, s3  }
0x9d: {  	[timem:s7], [sflag:s22] =	dma.local [hbm:s5], s20  }
0x9e: {  	_ =	swait.ge [sflag:s22], s20  }
0x9f: {  	s4 =	ssub.s32 $0x0, s20;
	[sflag:s22] =	ssyncset.done $0x0  }
0xa0: {  	[sflag:s22] =	ssyncadd.s32 s4;
	_ =	sdelay $0x1  }
0xa1: {  	s23 =	simm.s32 $0x1B8B  }
0xa2: {  	_ =	swait.ge [sflag:s23], $0x1  }
0xa3: {  	[sflag:s23] =	ssyncset.done $0x0  }
0xa4: {  	s25 =	simm.s32 $0x1B8E;
	s24 =	sld [smem:$0x3FFE];
	[sflag:s23] =	ssyncadd.s32 $0xFFFFFFFF  }
0xa5: {  	s26 =	simm.s32 $execute0_lowered;
	[smem:$0x3FD2] =	sst s25  }
0xa6: {  	s5 =	sshll.u32 s26, $0x1;
	_ =	strace $0x80000049;
	[dreg:$0x1] =	wrdreg $0xFFFFFFFF  }
0xa7: {  	s28 =	simm.s32 $_size_execute0_lowered;
	s3 =	sadd.s32 s3, s5;
	[dreg:$0x0] =	wrdreg $0x0  }
0xa8: {  	s5 =	sshll.u32 s28, $0x1;
	[dreg:$0x2] =	wrdreg s3  }
0xa9: {  	[dreg:$0x3] =	wrdreg s5  }
0xaa: {  	[dreg:$0x4] =	wrdreg $0xC0  }
0xab: {  	_ =	task [dreg:s7], $0x5FFFF  }
0xac: {  	[dreg:$0x1] =	wrdreg $0xFFFFFFFF  }
0xad: {  	[dreg:$0x0] =	wrdreg $0x60  }
0xae: {  	[dreg:$0x2] =	wrdreg s2  }
0xaf: {  	[dreg:$0x3] =	wrdreg s24  }
0xb0: {  	[dreg:$0x4] =	wrdreg $0x5C000  }
0xb1: {  	[dreg:$0x5] =	wrdreg $0x9  }
0xb2: {  	_ =	task.clear_ibuf [dreg:s7], $0x6FFFF;
	_ =	strace $0x90000049  }
0xb3: {  	s29 =	simm.s32 $0x9;
	_ =	strace $0x8000004B  }
0xb4: {  	_ =	swait.ge [sflag:s29], $0x1  }
0xb5: {  	[sflag:s29] =	ssyncadd.s32 $0xFFFFFFFF  }
0xb6: {  	_ =	strace $0x9000004B  }
0xb7: {  	_ =	sfence  }
0xb8: {  	s30 =	sld [smem:$0x0];
	_ =	sdelay $0x2  }
0xb9: {  	s31 =	sshll.u32 s1, $0xD;
	s1 =	sshrl.u32 s1, $0x2  }
0xba: {  	s3 =	sand.u32 $0x4000, s31;
	s1 =	sadd.s32 s1, s30  }
0xbb: {  	s0 =	sor.u32 s3, s0;
	s1 =	sshll.u32 s1, $0x11  }
0xbc: {  	s0 =	sor.u32 s1, s0  }
0xbd: {  	s0 =	sadd.s32 $0x8F2B, s0  }
0xbe: {  	[sflag:s0] =	ssyncadd.remote.s32 $0x1  }
0xbf: {  	_ =	sfence.sel $0xFFFF  }
0xc0: {  	[dreg:$0x0] =	wrdreg $0xFFFFFFFF;
	(pc) =	sbr.abs _section_cstart, $3  }
0xc1: {  	[dreg:$0x1] =	wrdreg $0xFFFFFFFF  }
0xc2: {  	_ =	task.clear_ibuf [dreg:s7], $0x2FFFF;
	_ =	strace $0x9FFFFFFF  }
0xc3: {  	(tm) =	ssettm $0x7FFFFFFF  }
tec
execute0_lowered:
.L_overlay_start_1:
0x0: {  	(tag) =	ssettag $0x1  }
0x1: {  	s1 =	rddreg [dreg:$0x0]  }
0x2: {  	s0 =	rddreg [dreg:$0x1];
	s2 =	srdreg.scid  }
0x3: {  	s29 =	stileid.u32;
	s3 =	rddreg [dreg:$0x2]  }
0x4: {  	s4 =	simm.s32 $0x0;
	s30 =	simm.s32 $0x3;
	s31 =	simm.s32 $0x180  }
0x5: {  	s2 =	sand.u32 $0x1, s2;
	s5 =	sshll.u32 s29, $0x1;
	s7 =	smul.u32 $0x4E000, s29  }
0x6: {  	[smem:$0x7FF] =	sst s4;
	s15 =	smul.u32 $0x270, s29;
	p0 =	sne.s32 s29, $0xF  }
0x7: {  	s5 =	sor.u32 s2, s5;
	_ =	strace $0x8000004A;
	s8 =	smul.u32 $0x27100, s2  }
0x8: {  	s2 =	ssub.s32 $0x2, s2;
	s6 =	smul.u32 $0x980, s5;
	s5 =	sshll.u32 s5, $0x7  }
0x9: {  	s9 =	sshrl.u32 s2, $0x1;
	s7 =	sshrl.u32 s7, $0x2;
	s19 =	sadd.s32 $0xC0, s15  }
0xa: {  	s20 =	sadd.s32 $0xF0, s15;
	s21 =	sadd.s32 $0x120, s15;
	s28 =	sadd.s32 $0x240, s15  }
0xb: {  	s5 =	sadd.s32 s5, s0;
	s2 =	ssub.s32 s2, s9;
	s7 =	sadd.s32 s7, s3  }
0xc: {  	s9 =	sadd.s32 $0x90, s15;
	s18 =	sshll.u32 s19, $0x7;
	s22 =	sshll.u32 s20, $0x7  }
0xd: {  	s23 =	sshll.u32 s21, $0x7;
	s6 =	sadd.s32 s6, s0;
	s0 =	sadd.s32 s8, s0  }
0xe: {  	[dreg:$0x4] =	wrdreg s7;
	s7 =	sadd.s32 $0x30, s15;
	s8 =	sadd.s32 $0x60, s15  }
0xf: {  	s12 =	sshll.u32 s9, $0x7;
	s24 =	sadd.s32 s22, s3;
	s25 =	sadd.s32 s23, s3  }
0x10: {  	s22 =	sadd.s32 $0x150, s15;
	s23 =	sadd.s32 $0x180, s15;
	s5 =	sadd.s32 $0x2000, s5  }
0x11: {  	s2 =	smax.u32 s2, $0x1;
	s10 =	sshll.u32 s7, $0x7;
	[dreg:$0x9] =	wrdreg s24  }
0x12: {  	s11 =	sshll.u32 s8, $0x7;
	s17 =	sadd.s32 s12, s3;
	[dreg:$0xa] =	wrdreg s25  }
0x13: {  	s24 =	sadd.s32 $0x1B0, s15;
	s26 =	sshll.u32 s22, $0x7;
	s13 =	sshll.u32 s23, $0x7  }
0x14: {  	s25 =	sadd.s32 $0x1E0, s15;
	[dreg:$0xb] =	wrdreg s5;
	s5 =	sshll.u32 s8, $0x4  }
0x15: {  	s8 =	sshll.u32 s20, $0x4;
	s20 =	sshll.u32 s23, $0x4;
	[dreg:$0xd] =	wrdreg s2  }
0x16: {  	s2 =	simm.s32 $0x2;
	s10 =	sadd.s32 s10, s3;
	s16 =	sadd.s32 s11, s3  }
0x17: {  	[dreg:$0x7] =	wrdreg s17;
	s14 =	sshll.u32 s24, $0x7;
	s12 =	sadd.s32 s26, s3  }
0x18: {  	s13 =	sadd.s32 s13, s3;
	s26 =	sadd.s32 $0x210, s15;
	s17 =	sshll.u32 s28, $0x7  }
0x19: {  	s11 =	smul.u32 $0x2700, s29;
	s29 =	simm.s32 $0x1;
	[dreg:$0x5] =	wrdreg s10  }
0x1a: {  	[dreg:$0x6] =	wrdreg s16;
	s10 =	sadd.s32 s18, s3;
	s14 =	sadd.s32 s14, s3  }
0x1b: {  	s16 =	sshll.u32 s26, $0x7;
	[dreg:$0x8] =	wrdreg s10;
	s10 =	sshll.u32 s25, $0x7  }
0x1c: {  	s23 =	sshll.u32 s26, $0x4;
	s15 =	sadd.s32 s10, s3;
	s10 =	sadd.s32 $0x16000, s0  }
0x1d: {  	s0 =	sshll.u32 s7, $0x4;
	s26 =	sadd.s32 s11, s10;
	[dreg:$0xc] =	wrdreg s10  }
0x1e: {  	s18 =	sadd.s32 $0x3000, s6;
	s0 =	sadd.s32 s0, s10;
	[dreg:$0xe] =	wrdreg s26  }
0x1f: {  	s6 =	sshll.u32 s9, $0x4;
	s5 =	sadd.s32 s5, s10;
	[dreg:$0xf] =	wrdreg s0  }
0x20: {  	s7 =	sshll.u32 s19, $0x4;
	s6 =	sadd.s32 s6, s10;
	[dreg:$0x10] =	wrdreg s5  }
0x21: {  	s17 =	sadd.s32 s17, s3;
	s7 =	sadd.s32 s7, s10;
	[dreg:$0x11] =	wrdreg s6  }
0x22: {  	s9 =	sshll.u32 s21, $0x4;
	s8 =	sadd.s32 s8, s10;
	[dreg:$0x12] =	wrdreg s7  }
0x23: {  	s19 =	sshll.u32 s22, $0x4;
	s11 =	sadd.s32 s9, s10;
	[dreg:$0x13] =	wrdreg s8  }
0x24: {  	s21 =	sshll.u32 s24, $0x4;
	s19 =	sadd.s32 s19, s10;
	[dreg:$0x14] =	wrdreg s11  }
0x25: {  	s16 =	sadd.s32 s16, s3;
	s20 =	sadd.s32 s20, s10;
	[dreg:$0x15] =	wrdreg s19  }
0x26: {  	s22 =	sshll.u32 s25, $0x4;
	s21 =	sadd.s32 s21, s10;
	[dreg:$0x16] =	wrdreg s20  }
0x27: {  	s25 =	sshll.u32 s28, $0x4;
	s22 =	sadd.s32 s22, s10;
	[dreg:$0x17] =	wrdreg s21  }
0x28: {  	s28 =	simm.s32 $0x19880;
	s24 =	sadd.s32 s23, s10;
	[dreg:$0x18] =	wrdreg s22  }
0x29: {  	s23 =	simm.s32 $0x4400;
	[dreg:$0x19] =	wrdreg s24;
	s26 =	sadd.s32 s25, s10  }
0x2a: {  	s22 =	sadd.s32 $0x138000, s3;
	s24 =	simm.s32 $0x5;
	s25 =	simm.s32 $0x400  }
0x2b: {  	s0 =	simm.s32 $0x200;
	s19 =	simm.s32 $0x4;
	s21 =	simm.s32 $0x300  }
0x2c: {  	s20 =	simm.s32 $0x280;
	s5 =	simm.s32 $0x380;
	s6 =	simm.s32 $0x80  }
0x2d: {  	v0 =	vimm.f32 $0.0e+00;
	s7 =	simm.s32 $0x0;
	[dreg:$0x1a] =	wrdreg s26;
	s26 =	simm.s32 $0x100  }
.LBB2_1:
0x2e: {  	s8 =	simm.s32 $0x0;
	s9 =	simm.s32 $0x200  }
.LBB2_2:
0x2f: {  	p1 =	sne.s32 s9, $0x5E00;
	[tilespmem:s8+$0x4470] =	vst v0  }
0x30: {  	[tilespmem:s8+$0x4400] =	vst v0  }
0x31: {  	[tilespmem:s8+$0x4410] =	vst v0  }
.Ltmp0:
0x32: {  	[tilespmem:s8+$0x4420] =	vst v0;
	(pc) =	sbr.rel @p1 .LBB2_2-.Ltmp0, $4  }
0x33: {  	[tilespmem:s8+$0x4430] =	vst v0  }
0x34: {  	[tilespmem:s8+$0x4440] =	vst v0  }
0x35: {  	[tilespmem:s8+$0x4450] =	vst v0  }
0x36: {  	[tilespmem:s8+$0x4460] =	vst v0;
	s8 =	sshra.s32 s9, $0x2;
	s9 =	sadd.s32 $0x200, s9  }
0x37: {  	[tilespmem:s8+$0x4470] =	vst v0  }
0x38: {  	[tilespmem:s8+$0x4400] =	vst v0  }
0x39: {  	[tilespmem:s8+$0x4410] =	vst v0  }
0x3a: {  	[tilespmem:s8+$0x4420] =	vst v0  }
0x3b: {  	[tilespmem:s8+$0x4430] =	vst v0  }
0x3c: {  	[tilespmem:s8+$0x4440] =	vst v0  }
0x3d: {  	[tilespmem:s8+$0x4450] =	vst v0  }
0x3e: {  	[tilespmem:s8+$0x4460] =	vst v0;
	s9 =	rddreg [dreg:$0x4]  }
0x3f: {  	[spmem:s9] =	stream.linear.scatter [tilespmem:s23], [sflag:$0x5], $0x1800, $0x38;
	[tilespmem:$0x1D880] =	vst v63  }
0x40: {  	_ =	swait.ge [sflag:s24], $0x1800  }
0x41: {  	[sflag:s24] =	ssyncset.done $0x0  }
0x42: {  	s10 =	rddreg [dreg:$0x5];
	[sflag:s24] =	ssyncadd.s32 $0xFFFFE800  }
0x43: {  	[spmem:s10] =	stream.linear.scatter [tilespmem:s23], [sflag:$0x5], $0x1800, $0x38;
	[tilespmem:$0x1D880] =	vst v63  }
0x44: {  	_ =	swait.ge [sflag:s24], $0x1800  }
0x45: {  	[sflag:s24] =	ssyncset.done $0x0  }
0x46: {  	s11 =	rddreg [dreg:$0x6];
	[sflag:s24] =	ssyncadd.s32 $0xFFFFE800  }
0x47: {  	[spmem:s11] =	stream.linear.scatter [tilespmem:s23], [sflag:$0x5], $0x1800, $0x38;
	[tilespmem:$0x1D880] =	vst v63  }
0x48: {  	_ =	swait.ge [sflag:s24], $0x1800  }
0x49: {  	[sflag:s24] =	ssyncset.done $0x0  }
0x4a: {  	s9 =	rddreg [dreg:$0x7];
	[sflag:s24] =	ssyncadd.s32 $0xFFFFE800  }
0x4b: {  	[spmem:s9] =	stream.linear.scatter [tilespmem:s23], [sflag:$0x5], $0x1800, $0x38;
	[tilespmem:$0x1D880] =	vst v63  }
0x4c: {  	_ =	swait.ge [sflag:s24], $0x1800  }
0x4d: {  	[sflag:s24] =	ssyncset.done $0x0  }
0x4e: {  	s10 =	rddreg [dreg:$0x8];
	[sflag:s24] =	ssyncadd.s32 $0xFFFFE800  }
0x4f: {  	[spmem:s10] =	stream.linear.scatter [tilespmem:s23], [sflag:$0x5], $0x1800, $0x38;
	[tilespmem:$0x1D880] =	vst v63  }
0x50: {  	_ =	swait.ge [sflag:s24], $0x1800  }
0x51: {  	[sflag:s24] =	ssyncset.done $0x0  }
0x52: {  	s11 =	rddreg [dreg:$0x9];
	[sflag:s24] =	ssyncadd.s32 $0xFFFFE800  }
0x53: {  	[spmem:s11] =	stream.linear.scatter [tilespmem:s23], [sflag:$0x5], $0x1800, $0x38;
	[tilespmem:$0x1D880] =	vst v63  }
0x54: {  	_ =	swait.ge [sflag:s24], $0x1800  }
0x55: {  	[sflag:s24] =	ssyncset.done $0x0  }
0x56: {  	s9 =	rddreg [dreg:$0xa];
	[sflag:s24] =	ssyncadd.s32 $0xFFFFE800  }
0x57: {  	[spmem:s9] =	stream.linear.scatter [tilespmem:s23], [sflag:$0x5], $0x1800, $0x38;
	[tilespmem:$0x1D880] =	vst v63  }
0x58: {  	_ =	swait.ge [sflag:s24], $0x1800  }
0x59: {  	[sflag:s24] =	ssyncset.done $0x0  }
0x5a: {  	[sflag:s24] =	ssyncadd.s32 $0xFFFFE800  }
0x5b: {  	[spmem:s12] =	stream.linear.scatter [tilespmem:s23], [sflag:$0x5], $0x1800, $0x38;
	[tilespmem:$0x1D880] =	vst v63  }
0x5c: {  	_ =	swait.ge [sflag:s24], $0x1800  }
0x5d: {  	[sflag:s24] =	ssyncset.done $0x0  }
0x5e: {  	[sflag:s24] =	ssyncadd.s32 $0xFFFFE800  }
0x5f: {  	[spmem:s13] =	stream.linear.scatter [tilespmem:s23], [sflag:$0x5], $0x1800, $0x38;
	[tilespmem:$0x1D880] =	vst v63  }
0x60: {  	_ =	swait.ge [sflag:s24], $0x1800  }
0x61: {  	[sflag:s24] =	ssyncset.done $0x0  }
0x62: {  	[sflag:s24] =	ssyncadd.s32 $0xFFFFE800  }
0x63: {  	[spmem:s14] =	stream.linear.scatter [tilespmem:s23], [sflag:$0x5], $0x1800, $0x38;
	[tilespmem:$0x1D880] =	vst v63  }
0x64: {  	_ =	swait.ge [sflag:s24], $0x1800  }
0x65: {  	[sflag:s24] =	ssyncset.done $0x0  }
0x66: {  	[sflag:s24] =	ssyncadd.s32 $0xFFFFE800  }
0x67: {  	[spmem:s15] =	stream.linear.scatter [tilespmem:s23], [sflag:$0x5], $0x1800, $0x38;
	[tilespmem:$0x1D880] =	vst v63  }
0x68: {  	_ =	swait.ge [sflag:s24], $0x1800  }
0x69: {  	[sflag:s24] =	ssyncset.done $0x0  }
0x6a: {  	[sflag:s24] =	ssyncadd.s32 $0xFFFFE800  }
0x6b: {  	[spmem:s16] =	stream.linear.scatter [tilespmem:s23], [sflag:$0x5], $0x1800, $0x38;
	[tilespmem:$0x1D880] =	vst v63  }
0x6c: {  	_ =	swait.ge [sflag:s24], $0x1800  }
0x6d: {  	[sflag:s24] =	ssyncset.done $0x0  }
0x6e: {  	[sflag:s24] =	ssyncadd.s32 $0xFFFFE800  }
0x6f: {  	[spmem:s17] =	stream.linear.scatter [tilespmem:s23], [sflag:$0x5], $0x1800, $0x38;
	[tilespmem:$0x1D880] =	vst v63  }
0x70: {  	_ =	swait.ge [sflag:s24], $0x1800  }
0x71: {  	[sflag:s24] =	ssyncset.done $0x0  }
0x72: {  	s8 =	simm.s32 @!p0 $0x4400;
	[sflag:s24] =	ssyncadd.s32 $0xFFFFE800  }
0x73: {  	[spmem:s22] =	stream.linear.scatter @!p0 [tilespmem:s8], [sflag:$0x5], $0x800, $0x38;
	[tilespmem:$0x1D880] =	vst v63  }
0x74: {  	s8 =	simm.s32 @!p0 $0x5  }
0x75: {  	_ =	swait.ge @!p0 [sflag:s8], $0x800  }
0x76: {  	[sflag:s8] =	ssyncset.done @!p0 $0x0  }
0x77: {  	[sflag:s8] =	ssyncadd.s32 @!p0 $0xFFFFF800  }
0x78: {  	[bflag:$0x0] =	sbarrier.arrive $0xFFFF  }
0x79: {  	[tilespmem:s4], [sflag:$0x5] =	stream.linear.gather [hbm4b:s18+s4], $0x400, $0x38;
	[tilespmem:$0x1D880] =	vst v63  }
0x7a: {  	_ =	swait.ge [sflag:s24], $0x400  }
0x7b: {  	[sflag:s24] =	ssyncset.done $0x0  }
0x7c: {  	s10 =	simm.s32 $0x80;
	[sflag:s24] =	ssyncadd.s32 $0xFFFFFC00  }
0x7d: {  	[tilespmem:s25], [sflag:$0x1] =	stream.indirect.gather [hbm4b:s1+s10], $0x80, s4, s10, $0xb8;
	[tilespmem:$0x1D880] =	vst v63  }
0x7e: {  	_ = 	snop  }
0x7f: {  	[tilespmem:s28], [sflag:$0x3] =	stream.indirect.gather [hbm4b:s1+s10], $0x80, s26, s10, $0xb8;
	[tilespmem:$0x1D880] =	vst v63  }
0x80: {  	_ =	swait.ge [sflag:s29], $0x4000  }
0x81: {  	[sflag:s29] =	ssyncset.done $0x0  }
0x82: {  	[sflag:s29] =	ssyncadd.s32 $0xFFFFC000  }
0x83: {  	[spmem:s3] =	stream.indirect.scatter.add.f32 [tilespmem:s25], [sflag:$0x2], $0x80, s10, s10, $0xb8;
	[tilespmem:$0x1D880] =	vst v63  }
0x84: {  	_ =	swait.ge [sflag:s30], $0x4000  }
0x85: {  	[sflag:s30] =	ssyncset.done $0x0  }
0x86: {  	[sflag:s30] =	ssyncadd.s32 $0xFFFFC000  }
0x87: {  	[spmem:s3] =	stream.indirect.scatter.add.f32 [tilespmem:s28], [sflag:$0x4], $0x80, s31, s10, $0xb8;
	[tilespmem:$0x1D880] =	vst v63  }
0x88: {  	_ =	swait.ge [sflag:s2], $0x4000  }
0x89: {  	[sflag:s2] =	ssyncset.done $0x0  }
0x8a: {  	[sflag:s2] =	ssyncadd.s32 $0xFFFFC000  }
0x8b: {  	[tilespmem:s25], [sflag:$0x1] =	stream.indirect.gather [hbm4b:s1+s10], $0x80, s0, s10, $0xb8;
	[tilespmem:$0x1D880] =	vst v63  }
0x8c: {  	_ =	swait.ge [sflag:s19], $0x4000  }
0x8d: {  	[sflag:s19] =	ssyncset.done $0x0  }
0x8e: {  	[sflag:s19] =	ssyncadd.s32 $0xFFFFC000  }
0x8f: {  	[tilespmem:s28], [sflag:$0x3] =	stream.indirect.gather [hbm4b:s1+s10], $0x80, s21, s10, $0xb8;
	[tilespmem:$0x1D880] =	vst v63  }
0x90: {  	_ =	swait.ge [sflag:s29], $0x4000  }
0x91: {  	[sflag:s29] =	ssyncset.done $0x0  }
0x92: {  	[sflag:s29] =	ssyncadd.s32 $0xFFFFC000  }
0x93: {  	[spmem:s3] =	stream.indirect.scatter.add.f32 [tilespmem:s25], [sflag:$0x2], $0x80, s20, s10, $0xb8;
	[tilespmem:$0x1D880] =	vst v63  }
0x94: {  	_ =	swait.ge [sflag:s30], $0x4000  }
0x95: {  	[sflag:s30] =	ssyncset.done $0x0  }
0x96: {  	[sflag:s30] =	ssyncadd.s32 $0xFFFFC000  }
0x97: {  	[spmem:s3] =	stream.indirect.scatter.add.f32 [tilespmem:s28], [sflag:$0x4], $0x80, s5, s10, $0xb8;
	[tilespmem:$0x1D880] =	vst v63  }
0x98: {  	_ =	swait.ge [sflag:s2], $0x4000  }
0x99: {  	[sflag:s2] =	ssyncset.done $0x0  }
0x9a: {  	[sflag:s2] =	ssyncadd.s32 $0xFFFFC000  }
0x9b: {  	_ =	swait.ge [sflag:s19], $0x4000  }
0x9c: {  	[sflag:s19] =	ssyncset.done $0x0  }
0x9d: {  	s11 =	sadd.s32 $0x80, s18;
	[sflag:s19] =	ssyncadd.s32 $0xFFFFC000  }
0x9e: {  	[tilespmem:s4], [sflag:$0x5] =	stream.linear.gather [hbm4b:s11+s4], $0x400, $0x38;
	[tilespmem:$0x1D880] =	vst v63  }
0x9f: {  	_ =	swait.ge [sflag:s24], $0x400  }
0xa0: {  	[sflag:s24] =	ssyncset.done $0x0  }
0xa1: {  	[sflag:s24] =	ssyncadd.s32 $0xFFFFFC00  }
0xa2: {  	[tilespmem:s25], [sflag:$0x1] =	stream.indirect.gather [hbm4b:s1+s6], $0x80, s4, s6, $0xb8;
	[tilespmem:$0x1D880] =	vst v63  }
0xa3: {  	_ = 	snop  }
0xa4: {  	[tilespmem:s28], [sflag:$0x3] =	stream.indirect.gather [hbm4b:s1+s6], $0x80, s26, s6, $0xb8;
	[tilespmem:$0x1D880] =	vst v63  }
0xa5: {  	_ =	swait.ge [sflag:s29], $0x4000  }
0xa6: {  	[sflag:s29] =	ssyncset.done $0x0  }
0xa7: {  	[sflag:s29] =	ssyncadd.s32 $0xFFFFC000  }
0xa8: {  	[spmem:s3] =	stream.indirect.scatter.add.f32 [tilespmem:s25], [sflag:$0x2], $0x80, s6, s6, $0xb8;
	[tilespmem:$0x1D880] =	vst v63  }
0xa9: {  	_ =	swait.ge [sflag:s30], $0x4000  }
0xaa: {  	[sflag:s30] =	ssyncset.done $0x0  }
0xab: {  	[sflag:s30] =	ssyncadd.s32 $0xFFFFC000  }
0xac: {  	[spmem:s3] =	stream.indirect.scatter.add.f32 [tilespmem:s28], [sflag:$0x4], $0x80, s31, s6, $0xb8;
	[tilespmem:$0x1D880] =	vst v63  }
0xad: {  	_ =	swait.ge [sflag:s2], $0x4000  }
0xae: {  	[sflag:s2] =	ssyncset.done $0x0  }
0xaf: {  	[sflag:s2] =	ssyncadd.s32 $0xFFFFC000  }
0xb0: {  	[tilespmem:s25], [sflag:$0x1] =	stream.indirect.gather [hbm4b:s1+s6], $0x80, s0, s6, $0xb8;
	[tilespmem:$0x1D880] =	vst v63  }
0xb1: {  	_ =	swait.ge [sflag:s19], $0x4000  }
0xb2: {  	[sflag:s19] =	ssyncset.done $0x0  }
0xb3: {  	[sflag:s19] =	ssyncadd.s32 $0xFFFFC000  }
0xb4: {  	[tilespmem:s28], [sflag:$0x3] =	stream.indirect.gather [hbm4b:s1+s6], $0x80, s21, s6, $0xb8;
	[tilespmem:$0x1D880] =	vst v63  }
0xb5: {  	_ =	swait.ge [sflag:s29], $0x4000  }
0xb6: {  	[sflag:s29] =	ssyncset.done $0x0  }
0xb7: {  	[sflag:s29] =	ssyncadd.s32 $0xFFFFC000  }
0xb8: {  	[spmem:s3] =	stream.indirect.scatter.add.f32 [tilespmem:s25], [sflag:$0x2], $0x80, s20, s6, $0xb8;
	[tilespmem:$0x1D880] =	vst v63  }
0xb9: {  	_ =	swait.ge [sflag:s30], $0x4000  }
0xba: {  	[sflag:s30] =	ssyncset.done $0x0  }
0xbb: {  	s8 =	simm.s32 $0x100;
	[sflag:s30] =	ssyncadd.s32 $0xFFFFC000  }
.LBB2_4:
0xbc: {  	[spmem:s3] =	stream.indirect.scatter.add.f32 [tilespmem:s28], [sflag:$0x4], $0x80, s5, s6, $0xb8;
	[tilespmem:$0x1D880] =	vst v63  }
0xbd: {  	s9 =	smov.u32 s8  }
0xbe: {  	p1 =	sne.s32 s8, $0x900;
	s8 =	sadd.s32 $0x80, s8;
	_ =	swait.ge [sflag:s2], $0x4000  }
0xbf: {  	[sflag:s2] =	ssyncset.done $0x0  }
0xc0: {  	[sflag:s2] =	ssyncadd.s32 $0xFFFFC000  }
0xc1: {  	_ =	swait.ge [sflag:s19], $0x4000  }
0xc2: {  	[sflag:s19] =	ssyncset.done $0x0  }
0xc3: {  	s9 =	sadd.s32 s9, s18;
	[sflag:s19] =	ssyncadd.s32 $0xFFFFC000  }
0xc4: {  	[tilespmem:s4], [sflag:$0x5] =	stream.linear.gather [hbm4b:s9+s4], $0x400, $0x38;
	[tilespmem:$0x1D880] =	vst v63  }
0xc5: {  	_ =	swait.ge [sflag:s24], $0x400  }
0xc6: {  	[sflag:s24] =	ssyncset.done $0x0  }
0xc7: {  	[sflag:s24] =	ssyncadd.s32 $0xFFFFFC00  }
0xc8: {  	[tilespmem:s25], [sflag:$0x1] =	stream.indirect.gather [hbm4b:s1+s6], $0x80, s4, s6, $0xb8;
	[tilespmem:$0x1D880] =	vst v63  }
0xc9: {  	_ = 	snop  }
0xca: {  	[tilespmem:s28], [sflag:$0x3] =	stream.indirect.gather [hbm4b:s1+s6], $0x80, s26, s6, $0xb8;
	[tilespmem:$0x1D880] =	vst v63  }
0xcb: {  	_ =	swait.ge [sflag:s29], $0x4000  }
0xcc: {  	[sflag:s29] =	ssyncset.done $0x0  }
0xcd: {  	[sflag:s29] =	ssyncadd.s32 $0xFFFFC000  }
0xce: {  	[spmem:s3] =	stream.indirect.scatter.add.f32 [tilespmem:s25], [sflag:$0x2], $0x80, s6, s6, $0xb8;
	[tilespmem:$0x1D880] =	vst v63  }
0xcf: {  	_ =	swait.ge [sflag:s30], $0x4000  }
0xd0: {  	[sflag:s30] =	ssyncset.done $0x0  }
0xd1: {  	[sflag:s30] =	ssyncadd.s32 $0xFFFFC000  }
0xd2: {  	[spmem:s3] =	stream.indirect.scatter.add.f32 [tilespmem:s28], [sflag:$0x4], $0x80, s31, s6, $0xb8;
	[tilespmem:$0x1D880] =	vst v63  }
0xd3: {  	_ =	swait.ge [sflag:s2], $0x4000  }
0xd4: {  	[sflag:s2] =	ssyncset.done $0x0  }
0xd5: {  	[sflag:s2] =	ssyncadd.s32 $0xFFFFC000  }
0xd6: {  	[tilespmem:s25], [sflag:$0x1] =	stream.indirect.gather [hbm4b:s1+s6], $0x80, s0, s6, $0xb8;
	[tilespmem:$0x1D880] =	vst v63  }
0xd7: {  	_ =	swait.ge [sflag:s19], $0x4000  }
0xd8: {  	[sflag:s19] =	ssyncset.done $0x0  }
0xd9: {  	[sflag:s19] =	ssyncadd.s32 $0xFFFFC000  }
0xda: {  	[tilespmem:s28], [sflag:$0x3] =	stream.indirect.gather [hbm4b:s1+s6], $0x80, s21, s6, $0xb8;
	[tilespmem:$0x1D880] =	vst v63  }
0xdb: {  	_ =	swait.ge [sflag:s29], $0x4000  }
0xdc: {  	[sflag:s29] =	ssyncset.done $0x0  }
.Ltmp1:
0xdd: {  	[sflag:s29] =	ssyncadd.s32 $0xFFFFC000;
	(pc) =	sbr.rel @p1 .LBB2_4-.Ltmp1, $4  }
0xde: {  	[spmem:s3] =	stream.indirect.scatter.add.f32 [tilespmem:s25], [sflag:$0x2], $0x80, s20, s6, $0xb8;
	[tilespmem:$0x1D880] =	vst v63  }
0xdf: {  	_ =	swait.ge [sflag:s30], $0x4000  }
0xe0: {  	[sflag:s30] =	ssyncset.done $0x0  }
0xe1: {  	[sflag:s30] =	ssyncadd.s32 $0xFFFFC000  }
0xe2: {  	[spmem:s3] =	stream.indirect.scatter.add.f32 [tilespmem:s28], [sflag:$0x4], $0x80, s5, s6, $0xb8;
	[tilespmem:$0x1D880] =	vst v63  }
0xe3: {  	_ =	swait.ge [sflag:s2], $0x4000  }
0xe4: {  	[sflag:s2] =	ssyncset.done $0x0  }
0xe5: {  	[sflag:s2] =	ssyncadd.s32 $0xFFFFC000  }
0xe6: {  	_ =	swait.ge [sflag:s19], $0x4000  }
0xe7: {  	[sflag:s19] =	ssyncset.done $0x0  }
0xe8: {  	s8 =	rddreg [dreg:$0xb];
	[sflag:s19] =	ssyncadd.s32 $0xFFFFC000  }
0xe9: {  	[tilespmem:s4], [sflag:$0x5] =	stream.linear.gather [hbm4b:s8+s4], $0x300, $0x38;
	[tilespmem:$0x1D880] =	vst v63  }
0xea: {  	_ =	swait.ge [sflag:s24], $0x300  }
0xeb: {  	[sflag:s24] =	ssyncset.done $0x0  }
0xec: {  	[sflag:s24] =	ssyncadd.s32 $0xFFFFFD00  }
0xed: {  	[tilespmem:s25], [sflag:$0x1] =	stream.indirect.gather [hbm4b:s1+s6], $0x80, s4, s6, $0xb8;
	[tilespmem:$0x1D880] =	vst v63  }
0xee: {  	_ = 	snop  }
0xef: {  	[tilespmem:s28], [sflag:$0x3] =	stream.indirect.gather [hbm4b:s1+s6], $0x80, s26, s6, $0xb8;
	[tilespmem:$0x1D880] =	vst v63  }
0xf0: {  	_ =	swait.ge [sflag:s29], $0x4000  }
0xf1: {  	[sflag:s29] =	ssyncset.done $0x0  }
0xf2: {  	[sflag:s29] =	ssyncadd.s32 $0xFFFFC000  }
0xf3: {  	[spmem:s3] =	stream.indirect.scatter.add.f32 [tilespmem:s25], [sflag:$0x2], $0x80, s6, s6, $0xb8;
	[tilespmem:$0x1D880] =	vst v63  }
0xf4: {  	_ =	swait.ge [sflag:s30], $0x4000  }
0xf5: {  	[sflag:s30] =	ssyncset.done $0x0  }
0xf6: {  	[sflag:s30] =	ssyncadd.s32 $0xFFFFC000  }
0xf7: {  	[spmem:s3] =	stream.indirect.scatter.add.f32 [tilespmem:s28], [sflag:$0x4], $0x80, s31, s6, $0xb8;
	[tilespmem:$0x1D880] =	vst v63  }
0xf8: {  	_ =	swait.ge [sflag:s2], $0x4000  }
0xf9: {  	[sflag:s2] =	ssyncset.done $0x0  }
0xfa: {  	[sflag:s2] =	ssyncadd.s32 $0xFFFFC000  }
0xfb: {  	[tilespmem:s25], [sflag:$0x1] =	stream.indirect.gather [hbm4b:s1+s6], $0x80, s0, s6, $0xb8;
	[tilespmem:$0x1D880] =	vst v63  }
0xfc: {  	_ =	swait.ge [sflag:s29], $0x4000  }
0xfd: {  	[sflag:s29] =	ssyncset.done $0x0  }
0xfe: {  	[sflag:s29] =	ssyncadd.s32 $0xFFFFC000  }
0xff: {  	[spmem:s3] =	stream.indirect.scatter.add.f32 [tilespmem:s25], [sflag:$0x2], $0x80, s20, s6, $0xb8;
	[tilespmem:$0x1D880] =	vst v63  }
0x100: {  	_ =	swait.ge [sflag:s2], $0x4000  }
0x101: {  	[sflag:s2] =	ssyncset.done $0x0  }
0x102: {  	[sflag:s2] =	ssyncadd.s32 $0xFFFFC000  }
0x103: {  	_ =	swait.ge [sflag:s19], $0x4000  }
0x104: {  	[sflag:s19] =	ssyncset.done $0x0  }
0x105: {  	[sflag:s19] =	ssyncadd.s32 $0xFFFFC000  }
0x106: {  	[bflag:$0x0] =	sbarrier.arrive $0xFFFF  }
0x107: {  	s9 =	rddreg [dreg:$0x4]  }
0x108: {  	[tilespmem:s23], [sflag:$0x5] =	stream.linear.gather [spmem:s9], $0x1800, $0x38;
	[tilespmem:$0x1D880] =	vst v63  }
0x109: {  	_ =	swait.ge [sflag:s24], $0x1800  }
0x10a: {  	[sflag:s24] =	ssyncset.done $0x0  }
0x10b: {  	s10 =	rddreg [dreg:$0xe];
	[sflag:s24] =	ssyncadd.s32 $0xFFFFE800  }
0x10c: {  	[hbm4b:s10+s4] =	stream.linear.scatter [tilespmem:s23], [sflag:$0x5], $0x1800, $0x38;
	[tilespmem:$0x1D880] =	vst v63  }
0x10d: {  	_ =	swait.ge [sflag:s24], $0x1800  }
0x10e: {  	[sflag:s24] =	ssyncset.done $0x0  }
0x10f: {  	s11 =	rddreg [dreg:$0x5];
	[sflag:s24] =	ssyncadd.s32 $0xFFFFE800  }
0x110: {  	[tilespmem:s23], [sflag:$0x5] =	stream.linear.gather [spmem:s11], $0x1800, $0x38;
	[tilespmem:$0x1D880] =	vst v63  }
0x111: {  	_ =	swait.ge [sflag:s24], $0x1800  }
0x112: {  	[sflag:s24] =	ssyncset.done $0x0  }
0x113: {  	s9 =	rddreg [dreg:$0xf];
	[sflag:s24] =	ssyncadd.s32 $0xFFFFE800  }
0x114: {  	[hbm4b:s9+s4] =	stream.linear.scatter [tilespmem:s23], [sflag:$0x5], $0x1800, $0x38;
	[tilespmem:$0x1D880] =	vst v63  }
0x115: {  	_ =	swait.ge [sflag:s24], $0x1800  }
0x116: {  	[sflag:s24] =	ssyncset.done $0x0  }
0x117: {  	s10 =	rddreg [dreg:$0x6];
	[sflag:s24] =	ssyncadd.s32 $0xFFFFE800  }
0x118: {  	[tilespmem:s23], [sflag:$0x5] =	stream.linear.gather [spmem:s10], $0x1800, $0x38;
	[tilespmem:$0x1D880] =	vst v63  }
0x119: {  	_ =	swait.ge [sflag:s24], $0x1800  }
0x11a: {  	[sflag:s24] =	ssyncset.done $0x0  }
0x11b: {  	s11 =	rddreg [dreg:$0x10];
	[sflag:s24] =	ssyncadd.s32 $0xFFFFE800  }
0x11c: {  	[hbm4b:s11+s4] =	stream.linear.scatter [tilespmem:s23], [sflag:$0x5], $0x1800, $0x38;
	[tilespmem:$0x1D880] =	vst v63  }
0x11d: {  	_ =	swait.ge [sflag:s24], $0x1800  }
0x11e: {  	[sflag:s24] =	ssyncset.done $0x0  }
0x11f: {  	s9 =	rddreg [dreg:$0x7];
	[sflag:s24] =	ssyncadd.s32 $0xFFFFE800  }
0x120: {  	[tilespmem:s23], [sflag:$0x5] =	stream.linear.gather [spmem:s9], $0x1800, $0x38;
	[tilespmem:$0x1D880] =	vst v63  }
0x121: {  	_ =	swait.ge [sflag:s24], $0x1800  }
0x122: {  	[sflag:s24] =	ssyncset.done $0x0  }
0x123: {  	s10 =	rddreg [dreg:$0x11];
	[sflag:s24] =	ssyncadd.s32 $0xFFFFE800  }
0x124: {  	[hbm4b:s10+s4] =	stream.linear.scatter [tilespmem:s23], [sflag:$0x5], $0x1800, $0x38;
	[tilespmem:$0x1D880] =	vst v63  }
0x125: {  	_ =	swait.ge [sflag:s24], $0x1800  }
0x126: {  	[sflag:s24] =	ssyncset.done $0x0  }
0x127: {  	s11 =	rddreg [dreg:$0x8];
	[sflag:s24] =	ssyncadd.s32 $0xFFFFE800  }
0x128: {  	[tilespmem:s23], [sflag:$0x5] =	stream.linear.gather [spmem:s11], $0x1800, $0x38;
	[tilespmem:$0x1D880] =	vst v63  }
0x129: {  	_ =	swait.ge [sflag:s24], $0x1800  }
0x12a: {  	[sflag:s24] =	ssyncset.done $0x0  }
0x12b: {  	s9 =	rddreg [dreg:$0x12];
	[sflag:s24] =	ssyncadd.s32 $0xFFFFE800  }
0x12c: {  	[hbm4b:s9+s4] =	stream.linear.scatter [tilespmem:s23], [sflag:$0x5], $0x1800, $0x38;
	[tilespmem:$0x1D880] =	vst v63  }
0x12d: {  	_ =	swait.ge [sflag:s24], $0x1800  }
0x12e: {  	[sflag:s24] =	ssyncset.done $0x0  }
0x12f: {  	s10 =	rddreg [dreg:$0x9];
	[sflag:s24] =	ssyncadd.s32 $0xFFFFE800  }
0x130: {  	[tilespmem:s23], [sflag:$0x5] =	stream.linear.gather [spmem:s10], $0x1800, $0x38;
	[tilespmem:$0x1D880] =	vst v63  }
0x131: {  	_ =	swait.ge [sflag:s24], $0x1800  }
0x132: {  	[sflag:s24] =	ssyncset.done $0x0  }
0x133: {  	s11 =	rddreg [dreg:$0x13];
	[sflag:s24] =	ssyncadd.s32 $0xFFFFE800  }
0x134: {  	[hbm4b:s11+s4] =	stream.linear.scatter [tilespmem:s23], [sflag:$0x5], $0x1800, $0x38;
	[tilespmem:$0x1D880] =	vst v63  }
0x135: {  	_ =	swait.ge [sflag:s24], $0x1800  }
0x136: {  	[sflag:s24] =	ssyncset.done $0x0  }
0x137: {  	s9 =	rddreg [dreg:$0xa];
	[sflag:s24] =	ssyncadd.s32 $0xFFFFE800  }
0x138: {  	[tilespmem:s23], [sflag:$0x5] =	stream.linear.gather [spmem:s9], $0x1800, $0x38;
	[tilespmem:$0x1D880] =	vst v63  }
0x139: {  	_ =	swait.ge [sflag:s24], $0x1800  }
0x13a: {  	[sflag:s24] =	ssyncset.done $0x0  }
0x13b: {  	s10 =	rddreg [dreg:$0x14];
	[sflag:s24] =	ssyncadd.s32 $0xFFFFE800  }
0x13c: {  	[hbm4b:s10+s4] =	stream.linear.scatter [tilespmem:s23], [sflag:$0x5], $0x1800, $0x38;
	[tilespmem:$0x1D880] =	vst v63  }
0x13d: {  	_ =	swait.ge [sflag:s24], $0x1800  }
0x13e: {  	[sflag:s24] =	ssyncset.done $0x0  }
0x13f: {  	[sflag:s24] =	ssyncadd.s32 $0xFFFFE800  }
0x140: {  	[tilespmem:s23], [sflag:$0x5] =	stream.linear.gather [spmem:s12], $0x1800, $0x38;
	[tilespmem:$0x1D880] =	vst v63  }
0x141: {  	_ =	swait.ge [sflag:s24], $0x1800  }
0x142: {  	[sflag:s24] =	ssyncset.done $0x0  }
0x143: {  	s11 =	rddreg [dreg:$0x15];
	[sflag:s24] =	ssyncadd.s32 $0xFFFFE800  }
0x144: {  	[hbm4b:s11+s4] =	stream.linear.scatter [tilespmem:s23], [sflag:$0x5], $0x1800, $0x38;
	[tilespmem:$0x1D880] =	vst v63  }
0x145: {  	_ =	swait.ge [sflag:s24], $0x1800  }
0x146: {  	[sflag:s24] =	ssyncset.done $0x0  }
0x147: {  	[sflag:s24] =	ssyncadd.s32 $0xFFFFE800  }
0x148: {  	[tilespmem:s23], [sflag:$0x5] =	stream.linear.gather [spmem:s13], $0x1800, $0x38;
	[tilespmem:$0x1D880] =	vst v63  }
0x149: {  	_ =	swait.ge [sflag:s24], $0x1800  }
0x14a: {  	[sflag:s24] =	ssyncset.done $0x0  }
0x14b: {  	s9 =	rddreg [dreg:$0x16];
	[sflag:s24] =	ssyncadd.s32 $0xFFFFE800  }
0x14c: {  	[hbm4b:s9+s4] =	stream.linear.scatter [tilespmem:s23], [sflag:$0x5], $0x1800, $0x38;
	[tilespmem:$0x1D880] =	vst v63  }
0x14d: {  	_ =	swait.ge [sflag:s24], $0x1800  }
0x14e: {  	[sflag:s24] =	ssyncset.done $0x0  }
0x14f: {  	[sflag:s24] =	ssyncadd.s32 $0xFFFFE800  }
0x150: {  	[tilespmem:s23], [sflag:$0x5] =	stream.linear.gather [spmem:s14], $0x1800, $0x38;
	[tilespmem:$0x1D880] =	vst v63  }
0x151: {  	_ =	swait.ge [sflag:s24], $0x1800  }
0x152: {  	[sflag:s24] =	ssyncset.done $0x0  }
0x153: {  	s10 =	rddreg [dreg:$0x17];
	[sflag:s24] =	ssyncadd.s32 $0xFFFFE800  }
0x154: {  	[hbm4b:s10+s4] =	stream.linear.scatter [tilespmem:s23], [sflag:$0x5], $0x1800, $0x38;
	[tilespmem:$0x1D880] =	vst v63  }
0x155: {  	_ =	swait.ge [sflag:s24], $0x1800  }
0x156: {  	[sflag:s24] =	ssyncset.done $0x0  }
0x157: {  	[sflag:s24] =	ssyncadd.s32 $0xFFFFE800  }
0x158: {  	[tilespmem:s23], [sflag:$0x5] =	stream.linear.gather [spmem:s15], $0x1800, $0x38;
	[tilespmem:$0x1D880] =	vst v63  }
0x159: {  	_ =	swait.ge [sflag:s24], $0x1800  }
0x15a: {  	[sflag:s24] =	ssyncset.done $0x0  }
0x15b: {  	s11 =	rddreg [dreg:$0x18];
	[sflag:s24] =	ssyncadd.s32 $0xFFFFE800  }
0x15c: {  	[hbm4b:s11+s4] =	stream.linear.scatter [tilespmem:s23], [sflag:$0x5], $0x1800, $0x38;
	[tilespmem:$0x1D880] =	vst v63  }
0x15d: {  	_ =	swait.ge [sflag:s24], $0x1800  }
0x15e: {  	[sflag:s24] =	ssyncset.done $0x0  }
0x15f: {  	[sflag:s24] =	ssyncadd.s32 $0xFFFFE800  }
0x160: {  	[tilespmem:s23], [sflag:$0x5] =	stream.linear.gather [spmem:s16], $0x1800, $0x38;
	[tilespmem:$0x1D880] =	vst v63  }
0x161: {  	_ =	swait.ge [sflag:s24], $0x1800  }
0x162: {  	[sflag:s24] =	ssyncset.done $0x0  }
0x163: {  	s9 =	rddreg [dreg:$0x19];
	[sflag:s24] =	ssyncadd.s32 $0xFFFFE800  }
0x164: {  	[hbm4b:s9+s4] =	stream.linear.scatter [tilespmem:s23], [sflag:$0x5], $0x1800, $0x38;
	[tilespmem:$0x1D880] =	vst v63  }
0x165: {  	_ =	swait.ge [sflag:s24], $0x1800  }
0x166: {  	[sflag:s24] =	ssyncset.done $0x0  }
0x167: {  	[sflag:s24] =	ssyncadd.s32 $0xFFFFE800  }
0x168: {  	[tilespmem:s23], [sflag:$0x5] =	stream.linear.gather [spmem:s17], $0x1800, $0x38;
	[tilespmem:$0x1D880] =	vst v63  }
0x169: {  	_ =	swait.ge [sflag:s24], $0x1800  }
0x16a: {  	[sflag:s24] =	ssyncset.done $0x0  }
0x16b: {  	s10 =	rddreg [dreg:$0x1a];
	[sflag:s24] =	ssyncadd.s32 $0xFFFFE800  }
0x16c: {  	[hbm4b:s10+s4] =	stream.linear.scatter [tilespmem:s23], [sflag:$0x5], $0x1800, $0x38;
	[tilespmem:$0x1D880] =	vst v63  }
0x16d: {  	_ =	swait.ge [sflag:s24], $0x1800  }
0x16e: {  	[sflag:s24] =	ssyncset.done $0x0  }
0x16f: {  	s8 =	simm.s32 @!p0 $0x400;
	s9 =	simm.s32 @!p0 $0x5;
	[sflag:s24] =	ssyncadd.s32 $0xFFFFE800  }
0x170: {  	[tilespmem:s8], [sflag:$0x5] =	stream.linear.gather @!p0 [spmem:s22], $0x800, $0x38;
	[tilespmem:$0x1D880] =	vst v63  }
0x171: {  	_ =	swait.ge @!p0 [sflag:s9], $0x800  }
0x172: {  	[sflag:s9] =	ssyncset.done @!p0 $0x0;
	s10 =	rddreg [dreg:$0xc]  }
0x173: {  	s11 =	simm.s32 @!p0 $0x0;
	[sflag:s9] =	ssyncadd.s32 @!p0 $0xFFFFF800;
	s10 =	sadd.s32 @!p0 $0x27000, s10  }
0x174: {  	[hbm4b:s10+s11] =	stream.linear.scatter @!p0 [tilespmem:s8], [sflag:$0x5], $0x800, $0x38;
	[tilespmem:$0x1D880] =	vst v63  }
0x175: {  	_ =	swait.ge @!p0 [sflag:s9], $0x800  }
0x176: {  	s7 =	sadd.s32 $0x1, s7;
	s11 =	rddreg [dreg:$0xd]  }
0x177: {  	p1 =	sne.s32 s7, s11  }
.Ltmp2:
0x178: {  	_ = 	snop;
	(pc) =	sbr.rel @p1 .LBB2_1-.Ltmp2, $3  }
0x179: {  	_ =	sdelay $0x1  }
0x17a: {  	[sflag:s9] =	ssyncset.done @!p0 $0x0  }
0x17b: {  	[sflag:s9] =	ssyncadd.s32 @!p0 $0xFFFFF800  }
0x17c: {  	_ =	sfence.sel $0x180000  }
0x17d: {  	[bflag:$0x0] =	sbarrier.arrive $0xFFFF  }
0x17e: {  	_ =	strace $0x9000004A  }
0x17f: {  	s0 =	stileid.u32;
	[bflag:$0x2] =	sbarrier.arrive $0xFFFF  }
0x180: {  	p0 =	sne.s32 s0, $0x0;
	s0 =	rddreg [dreg:$0x3]  }
0x181: {  	s0 =	sadd.s32 @!p0 $0x100000, s0  }
0x182: {  	[sflag:s0] =	ssyncadd.tile.s32 @!p0 $0x1;
	_ =	shalt  }
.Lfunc_end2:
_tile_overlayer_lowered:
.L_overlay_start_2:
0x183: {  	(tag) =	ssettag $0x2  }
0x184: {  	s0 =	rddreg [dreg:$0x0];
	s2 =	stileid.u32  }
0x185: {  	s1 =	rddreg [dreg:$0x1];
	p0 =	sne.s32 s2, $0x0  }
0x186: {  	s3 =	rddreg [dreg:$0x2];
	[bflag:$0x3] =	sbarrier.arrive $0xFFFF;
	s2 =	simm.s32 @!p0 $0x1C05  }
0x187: {  	[timem:s3], [sflag:s2] =	dma.local @!p0 [hbm:s0], s1  }
0x188: {  	s0 =	simm.s32 @!p0 $0x5  }
0x189: {  	_ =	swait.ge @!p0 [sflag:s0], s1  }
0x18a: {  	s1 =	ssub.s32 @!p0 $0x0, s1;
	[sflag:s0] =	ssyncset.done @!p0 $0x0  }
0x18b: {  	[sflag:s0] =	ssyncadd.s32 @!p0 s1  }
0x18c: {  	[bflag:$0x3] =	sbarrier.arrive $0xFFFF  }
0x18d: {  	_ =	shalt  }

</sc_bundles>
